<compile_context>
chip_gen: v7x
topology: tpu7x:2x2x1
jax: 0.10.2.dev20260603
libtpu: 0.0.44.dev20260713+nightly
codegen_flags: <defaults>
</compile_context>

<pallas_src>
import jax
import jax.numpy as jnp
from jax.experimental import pallas as pl
from jax.experimental.pallas import tpu as pltpu

N = 320000
C = 128
L = 20000
I = 2000
H = 64

LB = 1000


def _locals_mlp_kernel(cat_ref, w3_ref, b3_ref, w4_ref, b4_ref, w5_ref, b5_ref,
                       tf_ref, feat_ref):
    x = cat_ref[...]
    h = jnp.maximum(x @ w3_ref[...] + b3_ref[...], 0.0)
    f = jnp.maximum(h @ w4_ref[...] + b4_ref[...], 0.0)
    feat_ref[...] = f
    tf_ref[...] = f @ w5_ref[...] + b5_ref[...]


def _locals_stage(cat, W3, b3, W4, b4, W5, b5):
    grid = (L // LB,)
    return pl.pallas_call(
        _locals_mlp_kernel,
        grid=grid,
        in_specs=[
            pl.BlockSpec((LB, cat.shape[1]), lambda i: (i, 0)),
            pl.BlockSpec(W3.shape, lambda i: (0, 0)),
            pl.BlockSpec(b3.shape, lambda i: (0,)),
            pl.BlockSpec(W4.shape, lambda i: (0, 0)),
            pl.BlockSpec(b4.shape, lambda i: (0,)),
            pl.BlockSpec(W5.shape, lambda i: (0, 0)),
            pl.BlockSpec(b5.shape, lambda i: (0,)),
        ],
        out_specs=[
            pl.BlockSpec((LB, 7), lambda i: (i, 0)),
            pl.BlockSpec((LB, C), lambda i: (i, 0)),
        ],
        out_shape=[
            jax.ShapeDtypeStruct((L, 7), jnp.float32),
            jax.ShapeDtypeStruct((L, C), jnp.float32),
        ],
    )(cat, W3, b3, W4, b4, W5, b5)


def kernel(fg_xyz, fg_feat, locals2fg, inst2locals, indices_locals_max_sweep,
           W1, b1, W2, b2, W3, b3, W4, b4, W5, b5):
    ones = jnp.ones((fg_xyz.shape[0], 1), dtype=fg_xyz.dtype)
    counts = jax.ops.segment_sum(ones, locals2fg, num_segments=L)
    locals_centroid = jax.ops.segment_sum(fg_xyz, locals2fg, num_segments=L) / jnp.maximum(counts, 1.0)
    centered_fg = fg_xyz - locals_centroid[locals2fg]

    h = jax.nn.relu(centered_fg @ W1 + b1)
    shape_enc = jax.nn.relu(h @ W2 + b2)

    def smax(x, ids, num_segments):
        m = jax.ops.segment_max(x, ids, num_segments=num_segments)
        return jnp.where(jnp.isneginf(m), 0.0, m)

    locals_shape_encoding = smax(shape_enc, locals2fg, L)
    locals_feat = smax(fg_feat, locals2fg, L) + locals_shape_encoding
    globals_feat = smax(locals_feat, inst2locals, I)
    globals_target_local_center = locals_centroid[indices_locals_max_sweep]
    cat = jnp.concatenate([
        locals_feat,
        globals_feat[inst2locals],
        locals_centroid,
        globals_target_local_center[inst2locals],
    ], axis=1)
    locals_tf, locals_feat_out = _locals_stage(cat, W3, b3, W4, b4, W5, b5)
    return (locals_tf, locals_feat_out)

# --- scband reference (transcript-rebuilt; emitter-appended) ---
"""Pipeline reference for scband-hunter-jr-56779467653777 (READ-ONLY COPY).

The authoritative reference and input builder live on the scoring server;
editing this copy changes nothing except your own understanding.
"""

import jax, jax.numpy as jnp
import numpy as np

N = 320000
C = 128
L = 20000
I = 2000
H = 64


def _mlp2(x, W1, b1, W2, b2):
    # non-head MLP: Linear -> ReLU -> Linear -> ReLU
    h = jax.nn.relu(x @ W1 + b1)
    return jax.nn.relu(h @ W2 + b2)


def _smax(x, ids, num_segments):
    m = jax.ops.segment_max(x, ids, num_segments=num_segments)
    # empty segments produce -inf; replace with 0 (torch_scatter-style safe fill)
    return jnp.where(jnp.isneginf(m), 0.0, m)


def setup_inputs(seed: int = 0) -> dict:
    key = jax.random.key(seed)
    ks = jax.random.split(key, 16)
    scale = 0.05
    fg_xyz = jax.random.normal(ks[0], (N, 3), dtype=jnp.float32)
    fg_feat = jax.random.normal(ks[1], (N, C), dtype=jnp.float32)
    locals2fg = jnp.sort(jax.random.randint(ks[2], (N,), 0, L)).astype(jnp.int32)
    inst2locals = jnp.sort(jax.random.randint(ks[3], (L,), 0, I)).astype(jnp.int32)
    indices_locals_max_sweep = jax.random.randint(ks[4], (I,), 0, L).astype(jnp.int32)
    # points_shape_encoder: 3 -> H -> C
    W1 = jax.random.normal(ks[5], (3, H), dtype=jnp.float32) * scale
    b1 = jnp.zeros((H,), dtype=jnp.float32)
    W2 = jax.random.normal(ks[6], (H, C), dtype=jnp.float32) * scale
    b2 = jnp.zeros((C,), dtype=jnp.float32)
    # local_feat_encoder: 2C + 3 + 3 -> H -> C
    W3 = jax.random.normal(ks[7], (2 * C + 6, H), dtype=jnp.float32) * scale
    b3 = jnp.zeros((H,), dtype=jnp.float32)
    W4 = jax.random.normal(ks[8], (H, C), dtype=jnp.float32) * scale
    b4 = jnp.zeros((C,), dtype=jnp.float32)
    # local_tf_decoder: C -> 7 (single linear, hidden_channels=[])
    W5 = jax.random.normal(ks[9], (C, 7), dtype=jnp.float32) * scale
    b5 = jnp.zeros((7,), dtype=jnp.float32)
    return {
        'fg_xyz': fg_xyz, 'fg_feat': fg_feat,
        'locals2fg': locals2fg, 'inst2locals': inst2locals,
        'indices_locals_max_sweep': indices_locals_max_sweep,
        'W1': W1, 'b1': b1, 'W2': W2, 'b2': b2,
        'W3': W3, 'b3': b3, 'W4': W4, 'b4': b4,
        'W5': W5, 'b5': b5,
    }


def reference(fg_xyz, fg_feat, locals2fg, inst2locals, indices_locals_max_sweep,
              W1, b1, W2, b2, W3, b3, W4, b4, W5, b5):
    # scatter_mean over locals
    ones = jnp.ones((fg_xyz.shape[0], 1), dtype=fg_xyz.dtype)
    counts = jax.ops.segment_sum(ones, locals2fg, num_segments=L)
    locals_centroid = jax.ops.segment_sum(fg_xyz, locals2fg, num_segments=L) / jnp.maximum(counts, 1.0)
    centered_fg = fg_xyz - locals_centroid[locals2fg]
    # scatter_max of encoded shapes
    shape_enc = _mlp2(centered_fg, W1, b1, W2, b2)
    locals_shape_encoding = _smax(shape_enc, locals2fg, L)
    locals_feat = _smax(fg_feat, locals2fg, L) + locals_shape_encoding
    globals_feat = _smax(locals_feat, inst2locals, I)
    globals_target_local_center = locals_centroid[indices_locals_max_sweep]
    locals_feat_cat = jnp.concatenate([
        locals_feat,
        globals_feat[inst2locals],
        locals_centroid,
        globals_target_local_center[inst2locals],
    ], axis=1)
    locals_feat_out = _mlp2(locals_feat_cat, W3, b3, W4, b4)
    locals_tf = locals_feat_out @ W5 + b5
    return (locals_tf, locals_feat_out)

if __name__ == "__main__":
    import jax
    _d = setup_inputs()
    print(jax.jit(kernel)(*tuple(_d.values())))

</pallas_src>

<mosaic_0001>
module attributes {stable_mosaic.version = 14 : i64} {
  func.func @_locals_mlp_kernel(%arg0: i32, %arg1: memref<1000x262xf32, #tpu.memory_space<vmem>>, %arg2: memref<262x64xf32, #tpu.memory_space<vmem>>, %arg3: memref<64xf32, #tpu.memory_space<vmem>>, %arg4: memref<64x128xf32, #tpu.memory_space<vmem>>, %arg5: memref<128xf32, #tpu.memory_space<vmem>>, %arg6: memref<128x7xf32, #tpu.memory_space<vmem>>, %arg7: memref<7xf32, #tpu.memory_space<vmem>>, %arg8: memref<1000x7xf32, #tpu.memory_space<vmem>>, %arg9: memref<1000x128xf32, #tpu.memory_space<vmem>>) attributes {dimension_semantics = [#tpu.dimension_semantics<arbitrary>], iteration_bounds = array<i64: 20>, scalar_prefetch = 0 : i64, scratch_operands = 0 : i64, tpu.core_type = #tpu.core_type<tc>, window_params = [{transform_indices = @transform_0, window_bounds = array<i64: 1000, 262>}, {pipeline_mode = #tpu.pipeline_mode<synchronous>, transform_indices = @transform_1, window_bounds = array<i64: 262, 64>}, {pipeline_mode = #tpu.pipeline_mode<synchronous>, transform_indices = @transform_2, window_bounds = array<i64: 64>}, {pipeline_mode = #tpu.pipeline_mode<synchronous>, transform_indices = @transform_3, window_bounds = array<i64: 64, 128>}, {pipeline_mode = #tpu.pipeline_mode<synchronous>, transform_indices = @transform_4, window_bounds = array<i64: 128>}, {pipeline_mode = #tpu.pipeline_mode<synchronous>, transform_indices = @transform_5, window_bounds = array<i64: 128, 7>}, {pipeline_mode = #tpu.pipeline_mode<synchronous>, transform_indices = @transform_6, window_bounds = array<i64: 7>}, {transform_indices = @transform_7, window_bounds = array<i64: 1000, 7>}, {transform_indices = @transform_8, window_bounds = array<i64: 1000, 128>}]} {
    %get3A = arith.constant 0 : index
    %get3A_0 = arith.constant 0 : index
    %get3A_1 = vector.load %arg1[%get3A, %get3A_0] : memref<1000x262xf32, #tpu.memory_space<vmem>>, vector<1000x262xf32>
    %get3A_2 = arith.constant 0 : index
    %get3A_3 = arith.constant 0 : index
    %get3A_4 = vector.load %arg2[%get3A_2, %get3A_3] : memref<262x64xf32, #tpu.memory_space<vmem>>, vector<262x64xf32>
    %dot_general3A = arith.constant dense<0.000000e+00> : vector<1000x64xf32>
    %dot_general3A_5 = tpu.matmul %get3A_1, %get3A_4, %dot_general3A {dimension_numbers = #tpu.dot_dimension_numbers<[1], [0], [0], [1], [0, 0, 1, 1], [], []>, transpose_lhs_hint = false} : vector<1000x262xf32>, vector<262x64xf32>, vector<1000x64xf32> -> vector<1000x64xf32>
    %get3A_6 = arith.constant 0 : index
    %get3A_7 = vector.load %arg3[%get3A_6] : memref<64xf32, #tpu.memory_space<vmem>>, vector<64xf32>
    %broadcast_in_dim3A = vector.shape_cast %get3A_7 : vector<64xf32> to vector<1x64xf32>
    %add3A = vector.broadcast %broadcast_in_dim3A : vector<1x64xf32> to vector<1000x64xf32>
    %add3A_8 = arith.addf %dot_general3A_5, %add3A : vector<1000x64xf32>
    %max3A = arith.constant 0.000000e+00 : f32
    %max3A_9 = vector.broadcast %max3A : f32 to vector<1000x64xf32>
    %max3A_10 = arith.maximumf %add3A_8, %max3A_9 : vector<1000x64xf32>
    %get3A_11 = arith.constant 0 : index
    %get3A_12 = arith.constant 0 : index
    %get3A_13 = vector.load %arg4[%get3A_11, %get3A_12] : memref<64x128xf32, #tpu.memory_space<vmem>>, vector<64x128xf32>
    %dot_general3A_14 = arith.constant dense<0.000000e+00> : vector<1000x128xf32>
    %dot_general3A_15 = tpu.matmul %max3A_10, %get3A_13, %dot_general3A_14 {dimension_numbers = #tpu.dot_dimension_numbers<[1], [0], [0], [1], [0, 0, 1, 1], [], []>, transpose_lhs_hint = false} : vector<1000x64xf32>, vector<64x128xf32>, vector<1000x128xf32> -> vector<1000x128xf32>
    %get3A_16 = arith.constant 0 : index
    %get3A_17 = vector.load %arg5[%get3A_16] : memref<128xf32, #tpu.memory_space<vmem>>, vector<128xf32>
    %broadcast_in_dim3A_18 = vector.shape_cast %get3A_17 : vector<128xf32> to vector<1x128xf32>
    %add3A_19 = vector.broadcast %broadcast_in_dim3A_18 : vector<1x128xf32> to vector<1000x128xf32>
    %add3A_20 = arith.addf %dot_general3A_15, %add3A_19 : vector<1000x128xf32>
    %max3A_21 = arith.constant 0.000000e+00 : f32
    %max3A_22 = vector.broadcast %max3A_21 : f32 to vector<1000x128xf32>
    %max3A_23 = arith.maximumf %add3A_20, %max3A_22 : vector<1000x128xf32>
    %swap3A = arith.constant 0 : index
    %swap3A_24 = arith.constant 0 : index
    %swap3A_25 = vector.load %arg9[%swap3A, %swap3A_24] : memref<1000x128xf32, #tpu.memory_space<vmem>>, vector<1000x128xf32>
    tpu.vector_store %arg9[%swap3A, %swap3A_24], %max3A_23 {strides = array<i32>} : memref<1000x128xf32, #tpu.memory_space<vmem>>, vector<1000x128xf32>,
    %get3A_26 = arith.constant 0 : index
    %get3A_27 = arith.constant 0 : index
    %get3A_28 = vector.load %arg6[%get3A_26, %get3A_27] : memref<128x7xf32, #tpu.memory_space<vmem>>, vector<128x7xf32>
    %dot_general3A_29 = arith.constant dense<0.000000e+00> : vector<1000x7xf32>
    %dot_general3A_30 = tpu.matmul %max3A_23, %get3A_28, %dot_general3A_29 {dimension_numbers = #tpu.dot_dimension_numbers<[1], [0], [0], [1], [0, 0, 1, 1], [], []>, transpose_lhs_hint = false} : vector<1000x128xf32>, vector<128x7xf32>, vector<1000x7xf32> -> vector<1000x7xf32>
    %get3A_31 = arith.constant 0 : index
    %get3A_32 = vector.load %arg7[%get3A_31] : memref<7xf32, #tpu.memory_space<vmem>>, vector<7xf32>
    %broadcast_in_dim3A_33 = vector.shape_cast %get3A_32 : vector<7xf32> to vector<1x7xf32>
    %add3A_34 = vector.broadcast %broadcast_in_dim3A_33 : vector<1x7xf32> to vector<1000x7xf32>
    %add3A_35 = arith.addf %dot_general3A_30, %add3A_34 : vector<1000x7xf32>
    %swap3A_36 = arith.constant 0 : index
    %swap3A_37 = arith.constant 0 : index
    %swap3A_38 = vector.load %arg8[%swap3A_36, %swap3A_37] : memref<1000x7xf32, #tpu.memory_space<vmem>>, vector<1000x7xf32>
    tpu.vector_store %arg8[%swap3A_36, %swap3A_37], %add3A_35 {strides = array<i32>} : memref<1000x7xf32, #tpu.memory_space<vmem>>, vector<1000x7xf32>,
    return
  }
  func.func @transform_0(%arg0: i32) -> (i32, i32) {
    %c0_i32 = arith.constant 0 : i32
    %c0_i32_0 = arith.constant 0 : i32
    return %arg0, %c0_i32 : i32, i32
  }
  func.func @transform_1(%arg0: i32) -> (i32, i32) {
    %c0_i32 = arith.constant 0 : i32
    %c0_i32_0 = arith.constant 0 : i32
    %c0_i32_1 = arith.constant 0 : i32
    return %c0_i32, %c0_i32_0 : i32, i32
  }
  func.func @transform_2(%arg0: i32) -> i32 {
    %c0_i32 = arith.constant 0 : i32
    %c0_i32_0 = arith.constant 0 : i32
    return %c0_i32 : i32
  }
  func.func @transform_3(%arg0: i32) -> (i32, i32) {
    %c0_i32 = arith.constant 0 : i32
    %c0_i32_0 = arith.constant 0 : i32
    %c0_i32_1 = arith.constant 0 : i32
    return %c0_i32, %c0_i32_0 : i32, i32
  }
  func.func @transform_4(%arg0: i32) -> i32 {
    %c0_i32 = arith.constant 0 : i32
    %c0_i32_0 = arith.constant 0 : i32
    return %c0_i32 : i32
  }
  func.func @transform_5(%arg0: i32) -> (i32, i32) {
    %c0_i32 = arith.constant 0 : i32
    %c0_i32_0 = arith.constant 0 : i32
    %c0_i32_1 = arith.constant 0 : i32
    return %c0_i32, %c0_i32_0 : i32, i32
  }
  func.func @transform_6(%arg0: i32) -> i32 {
    %c0_i32 = arith.constant 0 : i32
    %c0_i32_0 = arith.constant 0 : i32
    return %c0_i32 : i32
  }
  func.func @transform_7(%arg0: i32) -> (i32, i32) {
    %c0_i32 = arith.constant 0 : i32
    %c0_i32_0 = arith.constant 0 : i32
    return %arg0, %c0_i32 : i32, i32
  }
  func.func @transform_8(%arg0: i32) -> (i32, i32) {
    %c0_i32 = arith.constant 0 : i32
    %c0_i32_0 = arith.constant 0 : i32
    return %arg0, %c0_i32 : i32, i32
  }
}

</mosaic_0001>

<sc_bundles>
// kernel: gather_offload_async_start
scs
__scs_entry_jumppad:
0x0: {  	(pc) =	sbr.rel $0x88, $3  }
0x1: {  	(tag) =	ssettag $0x0;
	lr =	simm.s32 $0x1  }
0x2: {  	[smem:$0x3F92] =	sst lr;
	_ =	strace $0xD0000000  }
0x3: {  	_ = 	snop  }
0x4: {  	_ = 	snop  }
0x5: {  	_ = 	snop  }
0x6: {  	_ = 	snop  }
0x7: {  	_ = 	snop  }
__scs_overlays_trampoline_lowered:
0x8: {  	[smem:$0x3FA1] =	sst s0  }
0x9: {  	[smem:$0x3FA2] =	sst s1  }
0xa: {  	[smem:$0x3FA3] =	sst s2  }
0xb: {  	[smem:$0x3FA4] =	sst s3  }
0xc: {  	[smem:$0x3FA5] =	sst s4  }
0xd: {  	[smem:$0x3FA6] =	sst s5  }
0xe: {  	[smem:$0x3FA7] =	sst s6  }
0xf: {  	[smem:$0x3FA8] =	sst s7  }
0x10: {  	[smem:$0x3FA9] =	sst s8  }
0x11: {  	[smem:$0x3FAA] =	sst s9;
	s0 =	simm.s32 @!p0 $0x0  }
0x12: {  	s1 =	sld [smem:$0x3F90];
	s0 =	simm.s32 @p0 $0x1  }
0x13: {  	[smem:$0x3FAB] =	sst s0;
	s0 =	simm.s32 @!p1 $0x0  }
0x14: {  	s2 =	sld [smem:$0x3F8F];
	s0 =	simm.s32 @p1 $0x1  }
0x15: {  	[smem:$0x3FAC] =	sst s0;
	s0 =	simm.s32 @!p2 $0x0  }
0x16: {  	s3 =	sld [smem:$0x3FDB];
	s0 =	simm.s32 @p2 $0x1  }
0x17: {  	s4 =	simm.s32 $0x1BF5;
	[smem:$0x3FAE] =	sst s0  }
0x18: {  	s0 =	sld [smem:$0x3F91];
	_ =	swait.ge [sflag:s4], $0x0  }
0x19: {  	s7 =	sld [smem:$0x3F92]  }
0x1a: {  	s8 =	sadd.s32 $0xFFFFE003, lr  }
0x1b: {  	s9 =	sadd.s32 $0xFFFFFEF7, lr;
	s5 =	simm.s32 $0xFFFFFFFF;
	p2 =	slt.u32 s8, $0xFFFFF086  }
0x1c: {  	p1 =	slt.u32 s9, $0xF7A;
	s5 =	simm.s32 @!p2 $0x0  }
0x1d: {  	s5 =	simm.s32 @p1 $0x1;
	p0 =	seq.s32 s7, s2  }
0x1e: {  	s7 =	smul.u32 @!p0 $0xF7A, s2;
	p2 =	seq.s32 @!p0 s5, $0x0  }
0x1f: {  	s9 =	smul.u32 $0xF7A, s1;
	s8 =	simm.s32 @!p0 $0x1BF5;
	p2 =	por !p2, p0  }
0x20: {  	[sflag:s8] =	ssyncset.s32 @!p0 $0xFFFFF086;
	s6 =	sadd.s32 @!p0 s3, s7;
	s7 =	simm.s32 @!p0 $0x108  }
0x21: {  	s3 =	sadd.s32 s3, s9;
	s6 =	sadd.s32 @!p0 $0x88, s6;
	s7 =	simm.s32 @p2 $0x1082  }
0x22: {  	[simem:s7], [sflag:s8] =	dma.local @!p0 [hbm:s6], $0xF7A  }
0x23: {  	s9 =	sor.u32 $0xD0000000, s2;
	s6 =	simm.s32 $0x108;
	_ =	swait.ge @!p0 [sflag:s8], $0x0  }
0x24: {  	s3 =	sadd.s32 $0x88, s3;
	s6 =	simm.s32 @!p1 $0x1082;
	[sflag:s4] =	ssyncset.s32 $0xFFFFF086  }
0x25: {  	[simem:s6], [sflag:s4] =	dma.local [hbm:s3], $0xF7A  }
0x26: {  	[smem:$0x3F92] =	sst s1;
	(tag) =	ssettag s2;
	_ =	strace s9  }
0x27: {  	s1 =	sld [smem:$0x3FA2]  }
0x28: {  	s2 =	sld [smem:$0x3FA3]  }
0x29: {  	s4 =	sld [smem:$0x3FA5]  }
0x2a: {  	p0 =	seq.s32 s5, $0x0;
	s5 =	sld [smem:$0x3FA6]  }
0x2b: {  	s6 =	sld [smem:$0x3FA7]  }
0x2c: {  	s7 =	sld [smem:$0x3FA8]  }
0x2d: {  	s3 =	simm.s32 $0x108;
	s8 =	sld [smem:$0x3FA9]  }
0x2e: {  	s3 =	simm.s32 @!p0 $0x1082;
	s9 =	sld [smem:$0x3FAA]  }
0x2f: {  	lr =	sadd.s32 s0, s3;
	s0 =	sld [smem:$0x3FA1]  }
0x30: {  	s3 =	sld [smem:$0x3FA4]  }
0x31: {  	[smem:$0x3FAD] =	sst s10  }
0x32: {  	s10 =	sld [smem:$0x3FAB];
	_ =	sdelay $0x3  }
0x33: {  	p0 =	seq.s32 s10, $0x1;
	s10 =	sld [smem:$0x3FAD];
	_ =	sdelay $0x3  }
0x34: {  	[smem:$0x3FAD] =	sst s10  }
0x35: {  	s10 =	sld [smem:$0x3FAC];
	_ =	sdelay $0x3  }
0x36: {  	p1 =	seq.s32 s10, $0x1;
	s10 =	sld [smem:$0x3FAD];
	_ =	sdelay $0x3  }
0x37: {  	[smem:$0x3FAD] =	sst s10  }
0x38: {  	s10 =	sld [smem:$0x3FAE]  }
0x39: {  	_ = 	snop;
	(pc) =	sbr.ind lr, $3  }
0x3a: {  	_ = 	snop  }
0x3b: {  	_ = 	snop  }
0x3c: {  	p2 =	seq.s32 s10, $0x1;
	s10 =	sld [smem:$0x3FAD]  }
0x3d: {  	_ =	shalt  }
0x3e: {  	_ =	shalt  }
0x3f: {  	_ =	shalt  }
0x40: {  	_ =	shalt  }
0x41: {  	_ =	shalt  }
0x42: {  	_ =	shalt  }
0x43: {  	_ =	shalt  }
0x44: {  	_ =	shalt  }
0x45: {  	_ =	shalt  }
0x46: {  	_ =	shalt  }
0x47: {  	_ =	shalt  }
0x48: {  	_ =	shalt  }
0x49: {  	_ =	shalt  }
0x4a: {  	_ =	shalt  }
0x4b: {  	_ =	shalt  }
0x4c: {  	_ =	shalt  }
0x4d: {  	_ =	shalt  }
0x4e: {  	_ =	shalt  }
0x4f: {  	_ =	shalt  }
0x50: {  	_ =	shalt  }
0x51: {  	_ =	shalt  }
0x52: {  	_ =	shalt  }
0x53: {  	_ =	shalt  }
0x54: {  	_ =	shalt  }
0x55: {  	_ =	shalt  }
0x56: {  	_ =	shalt  }
0x57: {  	_ =	shalt  }
0x58: {  	_ =	shalt  }
0x59: {  	_ =	shalt  }
0x5a: {  	_ =	shalt  }
0x5b: {  	_ =	shalt  }
0x5c: {  	_ =	shalt  }
0x5d: {  	_ =	shalt  }
0x5e: {  	_ =	shalt  }
0x5f: {  	_ =	shalt  }
0x60: {  	_ =	shalt  }
0x61: {  	_ =	shalt  }
0x62: {  	_ =	shalt  }
0x63: {  	_ =	shalt  }
0x64: {  	_ =	shalt  }
0x65: {  	_ =	shalt  }
0x66: {  	_ =	shalt  }
0x67: {  	_ =	shalt  }
0x68: {  	_ =	shalt  }
0x69: {  	_ =	shalt  }
0x6a: {  	_ =	shalt  }
0x6b: {  	_ =	shalt  }
0x6c: {  	_ =	shalt  }
0x6d: {  	_ =	shalt  }
0x6e: {  	_ =	shalt  }
0x6f: {  	_ =	shalt  }
0x70: {  	_ =	shalt  }
0x71: {  	_ =	shalt  }
0x72: {  	_ =	shalt  }
0x73: {  	_ =	shalt  }
0x74: {  	_ =	shalt  }
0x75: {  	_ =	shalt  }
0x76: {  	_ =	shalt  }
0x77: {  	_ =	shalt  }
0x78: {  	_ =	shalt  }
0x79: {  	_ =	shalt  }
0x7a: {  	_ =	shalt  }
0x7b: {  	_ =	shalt  }
0x7c: {  	_ =	shalt  }
0x7d: {  	_ =	shalt  }
0x7e: {  	_ =	shalt  }
0x7f: {  	_ =	shalt  }
0x80: {  	_ =	shalt  }
0x81: {  	_ =	shalt  }
0x82: {  	_ =	shalt  }
0x83: {  	_ =	shalt  }
0x84: {  	_ =	shalt  }
0x85: {  	_ =	shalt  }
0x86: {  	_ =	shalt  }
0x87: {  	_ =	shalt  }
.Lfunc_end0:
.L_simem_size_0:
called_computation.5_lowered:
.L_overlay_start_0:
0x88: {  	s0 =	sld [smem:$0x3FD9]  }
0x89: {  	s1 =	sld [smem:$0x3FFE];
	_ =	sdelay $0x3  }
0x8a: {  	s0 =	sadd.s32 s1, s0  }
0x8b: {  	[smem:$0x3FB9] =	sst s0  }
0x8c: {  	_ = 	snop  }
0x8d: {  	s0 =	sld [smem:$0x3FD0];
	_ =	sdelay $0x2  }
0x8e: {  	s13 =	simm.s32 $0xE;
	s2 =	simm.s32 $0x10  }
0x8f: {  	[smem:s2], [sflag:s13] =	dma.local [hbm:s0], $0x1  }
0x90: {  	_ =	swait.eq [sflag:s13], $0x1  }
0x91: {  	[sflag:s13] =	ssyncset.done $0x0  }
0x92: {  	[sflag:s13] =	ssyncadd.s32 $0xFFFFFFFF  }
0x93: {  	s14 =	sld [smem:$0x11];
	(tm) =	ssettm $0x1  }
0x94: {  	s15 =	sld [smem:$0x3FFB];
	_ =	sdelay $0x3  }
0x95: {  	_ =	strace s15  }
0x96: {  	s1 =	sld [smem:$0x3FFC];
	_ =	sdelay $0x3  }
0x97: {  	_ =	strace s1  }
0x98: {  	s1 =	sld [smem:$0x3FFD];
	_ =	sdelay $0x3  }
0x99: {  	_ =	strace s1  }
0x9a: {  	_ =	strace $0x8FFFFFFF  }
0x9b: {  	s16 =	sld [smem:$0x3FDB];
	_ =	sdelay $0x1  }
0x9c: {  	s17 =	simm.s32 $_scs_section_size  }
0x9d: {  	s3 =	simm.s32 $_size__tile_overlayer_lowered;
	s4 =	simm.s32 $_tile_overlayer_lowered  }
0x9e: {  	s20 =	simm.s32 $0x1BFF;
	s19 =	sshll.u32 s4, $0x1;
	s1 =	sadd.s32 s17, s16  }
0x9f: {  	s5 =	simm.s32 $0x0;
	s18 =	sshll.u32 s3, $0x1;
	s3 =	sadd.s32 s19, s1  }
0xa0: {  	[timem:s5], [sflag:s20] =	dma.local [hbm:s3], s18  }
0xa1: {  	_ =	swait.ge [sflag:s20], s18  }
0xa2: {  	s2 =	ssub.s32 $0x0, s18;
	[sflag:s20] =	ssyncset.done $0x0  }
0xa3: {  	[sflag:s20] =	ssyncadd.s32 s2;
	_ =	sdelay $0x1  }
0xa4: {  	s21 =	simm.s32 $0x1B8B  }
0xa5: {  	_ =	swait.ge [sflag:s21], $0x1  }
0xa6: {  	[sflag:s21] =	ssyncset.done $0x0  }
0xa7: {  	s23 =	simm.s32 $0x1B8E;
	s22 =	sld [smem:$0x3FFE];
	[sflag:s21] =	ssyncadd.s32 $0xFFFFFFFF  }
0xa8: {  	s24 =	simm.s32 $execute0_lowered;
	[smem:$0x3FD2] =	sst s23  }
0xa9: {  	s3 =	sshll.u32 s24, $0x1;
	_ =	strace $0x80000058;
	[dreg:$0x1] =	wrdreg $0xFFFFFFFF  }
0xaa: {  	s25 =	simm.s32 $_size_execute0_lowered;
	s1 =	sadd.s32 s1, s3;
	[dreg:$0x0] =	wrdreg $0x0  }
0xab: {  	s3 =	sshll.u32 s25, $0x1;
	[dreg:$0x2] =	wrdreg s1  }
0xac: {  	[dreg:$0x3] =	wrdreg s3  }
0xad: {  	[dreg:$0x4] =	wrdreg $0xC0  }
0xae: {  	_ =	task [dreg:s5], $0x5FFFF  }
0xaf: {  	[dreg:$0x1] =	wrdreg $0xFFFFFFFF  }
0xb0: {  	[dreg:$0x0] =	wrdreg $0x60  }
0xb1: {  	[dreg:$0x2] =	wrdreg s14  }
0xb2: {  	[dreg:$0x3] =	wrdreg s22  }
0xb3: {  	[dreg:$0x4] =	wrdreg $0xB  }
0xb4: {  	_ =	task.clear_ibuf [dreg:s5], $0x5FFFF;
	_ =	strace $0x90000058  }
0xb5: {  	s26 =	simm.s32 $0xB;
	_ =	strace $0x8000005A  }
0xb6: {  	_ =	swait.ge [sflag:s26], $0x1  }
0xb7: {  	[sflag:s26] =	ssyncadd.s32 $0xFFFFFFFF  }
0xb8: {  	_ =	strace $0x9000005A  }
0xb9: {  	_ =	sfence  }
0xba: {  	s28 =	sld [smem:$0x0];
	_ =	sdelay $0x1  }
0xbb: {  	s29 =	srdreg.scid  }
0xbc: {  	s30 =	sshll.u32 s29, $0xD;
	s31 =	sshrl.u32 s29, $0x2  }
0xbd: {  	s2 =	sand.u32 $0x4000, s30;
	s1 =	sand.u32 $0x1, s29;
	s0 =	sadd.s32 s31, s28  }
0xbe: {  	s1 =	sor.u32 s2, s1;
	s0 =	sshll.u32 s0, $0x11  }
0xbf: {  	s0 =	sor.u32 s0, s1  }
0xc0: {  	s0 =	sadd.s32 $0x8F2B, s0  }
0xc1: {  	[sflag:s0] =	ssyncadd.remote.s32 $0x1  }
0xc2: {  	_ =	sfence.sel $0xFFFF  }
0xc3: {  	[dreg:$0x0] =	wrdreg $0xFFFFFFFF;
	(pc) =	sbr.abs _section_cstart, $3  }
0xc4: {  	[dreg:$0x1] =	wrdreg $0xFFFFFFFF  }
0xc5: {  	_ =	task.clear_ibuf [dreg:s5], $0x2FFFF;
	_ =	strace $0x9FFFFFFF  }
0xc6: {  	(tm) =	ssettm $0x7FFFFFFF  }
0xc7: {  	_ =	shalt  }
tec
execute0_lowered:
.L_overlay_start_1:
0x0: {  	(tag) =	ssettag $0x1  }
0x1: {  	s0 =	stileid.u32  }
0x2: {  	s1 =	smin.u32 s0, $0x9  }
0x3: {  	s1 =	sadd.s32 s0, s1  }
0x4: {  	s2 =	simm.s32 $0xA0;
	p0 =	slt.u32 s0, $0x9;
	s1 =	smul.u32 $0x50, s1  }
0x5: {  	s2 =	simm.s32 @!p0 $0x50  }
0x6: {  	s2 =	sadd.s32 s2, s1  }
0x7: {  	s3 =	smin.u32 s2, $0x7D0  }
0x8: {  	s7 =	ssub.s32 s3, s1  }
0x9: {  	p0 =	sgt.s32 s7, $0x0  }
0xa: {  	s7 =	simm.s32 @!p0 $0x0  }
0xb: {  	s4 =	rddreg [dreg:$0x0];
	s31 =	smul.u32 $0xCCCD, s7  }
0xc: {  	s9 =	rddreg [dreg:$0x1];
	s6 =	simm.s32 $0x1  }
0xd: {  	s11 =	simm.s32 $0x3;
	s13 =	simm.s32 $0x0;
	s8 =	sshrl.u32 s31, $0x16  }
0xe: {  	s12 =	simm.s32 $0x0;
	s5 =	sadd.s32 $0x4F7600, s9;
	s10 =	smul.u32 $0x50, s8  }
.Ltmp0:
0xf: {  	s9 =	sadd.s32 $0x4F7800, s9;
	s2 =	rddreg [dreg:$0x2];
	(pc) =	sbr.rel .LBB2_1-.Ltmp0, $4  }
0x10: {  	_ =	strace $0x80000059;
	p0 =	sne.s32 s7, s10;
	s10 =	simm.s32 $0x1  }
0x11: {  	[sflag:s6] =	ssyncpa.u1 $0x0;
	s7 =	simm.s32 $0x2;
	s10 =	simm.s32 @!p0 $0x0  }
0x12: {  	[sflag:s7] =	ssyncpa.u1 $0x0;
	p0 =	por $0x0, $0x0;
	s8 =	sadd.s32 s8, s10  }
0x13: {  	vm0 =	vmmov $0xff;
	vm1 =	vcmask $0x3F20;
	[sflag:s11] =	ssyncpa.u1 $0x0;
	s11 =	smov.u32 s1;
	s10 =	sadd.s32 $0x1, s8  }
.LBB2_6:
0x14: {  	[hbm:s17] =	stream.linear.scatter [tilespmem:s14], [sflag:$0x3], $0x400, $0x38;
	[tilespmem:$0x50A0] =	vst v63  }
.LBB2_7:
0x15: {  	s13 =	sadd.s32 $0x50, s11  }
0x16: {  	s15 =	smov.u32 s1;
	p2 =	slt.s32 s13, s3  }
0x17: {  	s15 =	smov.u32 @p2 s13;
	p2 =	sne.s32 s12, s10  }
.Ltmp1:
0x18: {  	p1 =	slt.u32 s12, $0x2;
	(pc) =	sbr.rel @!p2 .LBB2_8-.Ltmp1, $4  }
0x19: {  	s14 =	simm.s32 @!p1 $0x3  }
0x1a: {  	s16 =	sadd.s32 $0x1, s12;
	_ =	swait.ge @!p1 [sflag:s14], $0x2800  }
0x1b: {  	p0 =	por !p0, !p0;
	s13 =	smov.u32 s11;
	[sflag:s14] =	ssyncset.done @!p1 $0x0  }
0x1c: {  	s12 =	smov.u32 s16;
	s11 =	smov.u32 s15;
	[sflag:s14] =	ssyncadd.s32 @!p1 $0xFFFFD800  }
.LBB2_1:
0x1d: {  	p1 =	sge.u32 s12, s8  }
0x1e: {  	s14 =	sxor.u32 @!p1 $0xFFFFFFFF, s12  }
0x1f: {  	s14 =	sand.u32 @!p1 $0x1, s14  }
0x20: {  	s14 =	smul.u32 @!p1 $0x140, s14  }
0x21: {  	s31 =	sadd.s32 $0xFFFFFFFF, s12;
	s15 =	sshrl.u32 @!p1 s11, $0x3  }
0x22: {  	s16 =	sand.u32 @!p1 $0x7, s11;
	s15 =	sadd.s32 @!p1 s5, s15;
	s14 =	sshrl.u32 @!p1 s14, $0x2  }
0x23: {  	[tilespmem:s14], [sflag:$0x2] =	stream.linear.gather @!p1 [hbm4b:s15+s16], $0x50, $0x38;
	[tilespmem:$0x50A0] =	vst v63  }
0x24: {  	p1 =	sge.u32 s31, s8  }
.Ltmp2:
0x25: {  	_ = 	snop;
	(pc) =	sbr.rel @p1 .LBB2_7-.Ltmp2, $1  }
0x26: {  	_ =	sdelay $0x3  }
0x27: {  	s14 =	simm.s32 $0x1  }
0x28: {  	s14 =	simm.s32 @!p0 $0x0  }
0x29: {  	s15 =	smul.u32 $0x140, s14  }
0x2a: {  	_ =	swait.ge [sflag:s7], $0x50  }
0x2b: {  	[sflag:s7] =	ssyncset.done $0x0;
	s16 =	sshrl.u32 s15, $0x2  }
0x2c: {  	[sflag:s7] =	ssyncadd.s32 $0xFFFFFFB0;
	s15 =	sadd.s32 $0x0, s16  }
0x2d: {  	v0 =	vld.msk [tilespmem:s15+$0x0 ss:$0x1], $0xffff;
	_ =	sdelay $0x4  }
0x2e: {  	vm2 =	vgt.s32 v0, $0x0  }
0x2f: {  	v0 =	vnsel vm2, $0x0, v0  }
0x30: {  	v0 =	vmin.u32 v0, $0x4E1F  }
0x31: {  	v0 =	vshll.u32 v0, $0x4  }
0x32: {  	s14 =	smul.u32 $0xA000, s14;
	_ =	sdelay $0x1  }
0x33: {  	s14 =	sshrl.u32 s14, $0x2  }
0x34: {  	s14 =	sor.u32 $0xA0, s14  }
0x35: {  	[tilespmem:s14], [sflag:$0x1] =	stream.indirect_vreg.gather [hbm:s4], $0x80, v0, vm0, $0x38;
	[tilespmem:$0x50A0] =	vst v63  }
0x36: {  	s17 =	sadd.s32 $0x10, s16;
	s15 =	sadd.s32 $0x400, s14  }
0x37: {  	[tilespmem:s15], [sflag:$0x1] =	stream.indirect_vreg.gather [hbm:s4], $0x80, v0, vm1, $0x38;
	[tilespmem:$0x50A0] =	vst v63  }
0x38: {  	s18 =	simm.s32 $0x80;
	v0 =	vld.msk [tilespmem:s17+$0x0 ss:$0x1], $0xffff;
	s17 =	smov.u32 s14  }
.LBB2_3:
0x39: {  	p1 =	sne.s32 s18, $0x100;
	_ =	sdelay $0x4  }
0x3a: {  	vm2 =	vgt.s32 v0, $0x0  }
0x3b: {  	v0 =	vnsel vm2, $0x0, v0  }
0x3c: {  	v0 =	vmin.u32 v0, $0x4E1F  }
0x3d: {  	v0 =	vshll.u32 v0, $0x4;
	_ =	sdelay $0x3  }
.Ltmp3:
0x3e: {  	s19 =	sshra.s32 s18, $0x2;
	s17 =	sadd.s32 $0x800, s17;
	(pc) =	sbr.rel @p1 .LBB2_3-.Ltmp3, $4  }
0x3f: {  	[tilespmem:s17], [sflag:$0x1] =	stream.indirect_vreg.gather [hbm:s4], $0x80, v0, vm0, $0x38;
	[tilespmem:$0x50A0] =	vst v63  }
0x40: {  	s19 =	sadd.s32 s19, s16;
	s20 =	sadd.s32 $0x400, s17  }
0x41: {  	[tilespmem:s20], [sflag:$0x1] =	stream.indirect_vreg.gather [hbm:s4], $0x80, v0, vm1, $0x38;
	[tilespmem:$0x50A0] =	vst v63  }
0x42: {  	s18 =	sadd.s32 $0x40, s18;
	v0 =	vld.msk [tilespmem:s19+$0x0 ss:$0x1], $0xffff  }
0x43: {  	_ =	sdelay $0x3  }
0x44: {  	vm2 =	vgt.s32 v0, $0x0  }
0x45: {  	v0 =	vnsel vm2, $0x0, v0  }
0x46: {  	v0 =	vmin.u32 v0, $0x4E1F  }
0x47: {  	v0 =	vshll.u32 v0, $0x4;
	_ =	sdelay $0x3  }
0x48: {  	s16 =	sadd.s32 $0x800, s17  }
0x49: {  	[tilespmem:s16], [sflag:$0x1] =	stream.indirect_vreg.gather [hbm:s4], $0x80, v0, vm0, $0x38;
	[tilespmem:$0x50A0] =	vst v63  }
0x4a: {  	s16 =	sadd.s32 $0x400, s16  }
0x4b: {  	[tilespmem:s16], [sflag:$0x1] =	stream.indirect_vreg.gather [hbm:s4], $0x80, v0, vm1, $0x38;
	[tilespmem:$0x50A0] =	vst v63  }
0x4c: {  	s13 =	sshll.u32 s13, $0x4;
	_ =	swait.ge [sflag:s6], $0x2800  }
0x4d: {  	s13 =	sadd.s32 s13, s9;
	[sflag:s6] =	ssyncset.done $0x0  }
0x4e: {  	s17 =	sadd.s32 $0x0, s13;
	s16 =	simm.s32 $0x80;
	[sflag:s6] =	ssyncadd.s32 $0xFFFFD800  }
.LBB2_5:
0x4f: {  	[hbm:s17] =	stream.linear.scatter [tilespmem:s14], [sflag:$0x3], $0x400, $0x38;
	[tilespmem:$0x50A0] =	vst v63  }
0x50: {  	s17 =	smov.u32 s16;
	s14 =	smov.u32 s15;
	p1 =	sne.s32 s16, $0x480  }
.Ltmp4:
0x51: {  	s16 =	sadd.s32 $0x80, s16;
	(pc) =	sbr.rel @p1 .LBB2_5-.Ltmp4, $2  }
0x52: {  	_ =	sdelay $0x2  }
0x53: {  	s15 =	sadd.s32 $0x400, s15;
	s17 =	sadd.s32 s17, s13  }
.Ltmp5:
0x54: {  	_ = 	snop;
	(pc) =	sbr.rel .LBB2_6-.Ltmp5, $1  }
0x55: {  	_ =	sdelay $0x3  }
.LBB2_8:
0x56: {  	_ =	sfence.sel $0x180000  }
0x57: {  	s1 =	simm.s32 $0x2;
	[bflag:$0x0] =	sbarrier.arrive $0xFFFF  }
0x58: {  	s30 =	simm.s32 $0x3;
	[sflag:s1] =	ssyncpa.u1 $0x1  }
0x59: {  	s31 =	simm.s32 $0x1;
	[sflag:s30] =	ssyncpa.u1 $0x1  }
0x5a: {  	[sflag:s31] =	ssyncpa.u1 $0x1  }
0x5b: {  	p0 =	sne.s32 s0, $0x0;
	_ =	strace $0x90000059  }
0x5c: {  	s0 =	sadd.s32 @!p0 $0x100000, s2;
	[bflag:$0x2] =	sbarrier.arrive $0xFFFF  }
0x5d: {  	[sflag:s0] =	ssyncadd.tile.s32 @!p0 $0x1;
	_ =	shalt  }
.Lfunc_end2:
_tile_overlayer_lowered:
.L_overlay_start_2:
0x5e: {  	(tag) =	ssettag $0x2  }
0x5f: {  	s0 =	rddreg [dreg:$0x0];
	s2 =	stileid.u32  }
0x60: {  	s1 =	rddreg [dreg:$0x1];
	p0 =	sne.s32 s2, $0x0  }
0x61: {  	s3 =	rddreg [dreg:$0x2];
	[bflag:$0x3] =	sbarrier.arrive $0xFFFF;
	s2 =	simm.s32 @!p0 $0x1C01  }
0x62: {  	[timem:s3], [sflag:s2] =	dma.local @!p0 [hbm:s0], s1  }
0x63: {  	s0 =	simm.s32 @!p0 $0x1  }
0x64: {  	_ =	swait.ge @!p0 [sflag:s0], s1  }
0x65: {  	s1 =	ssub.s32 @!p0 $0x0, s1;
	[sflag:s0] =	ssyncset.done @!p0 $0x0  }
0x66: {  	[sflag:s0] =	ssyncadd.s32 @!p0 s1  }
0x67: {  	[bflag:$0x3] =	sbarrier.arrive $0xFFFF  }
0x68: {  	_ =	shalt  }

// kernel: scatter_offload_async_start.1
scs
__scs_entry_jumppad:
0x0: {  	(pc) =	sbr.rel $0x88, $3  }
0x1: {  	(tag) =	ssettag $0x0;
	lr =	simm.s32 $0x1  }
0x2: {  	[smem:$0x3F92] =	sst lr;
	_ =	strace $0xD0000000  }
0x3: {  	_ = 	snop  }
0x4: {  	_ = 	snop  }
0x5: {  	_ = 	snop  }
0x6: {  	_ = 	snop  }
0x7: {  	_ = 	snop  }
__scs_overlays_trampoline_lowered:
0x8: {  	[smem:$0x3FA1] =	sst s0  }
0x9: {  	[smem:$0x3FA2] =	sst s1  }
0xa: {  	[smem:$0x3FA3] =	sst s2  }
0xb: {  	[smem:$0x3FA4] =	sst s3  }
0xc: {  	[smem:$0x3FA5] =	sst s4  }
0xd: {  	[smem:$0x3FA6] =	sst s5  }
0xe: {  	[smem:$0x3FA7] =	sst s6  }
0xf: {  	[smem:$0x3FA8] =	sst s7  }
0x10: {  	[smem:$0x3FA9] =	sst s8  }
0x11: {  	[smem:$0x3FAA] =	sst s9;
	s0 =	simm.s32 @!p0 $0x0  }
0x12: {  	s1 =	sld [smem:$0x3F90];
	s0 =	simm.s32 @p0 $0x1  }
0x13: {  	[smem:$0x3FAB] =	sst s0;
	s0 =	simm.s32 @!p1 $0x0  }
0x14: {  	s2 =	sld [smem:$0x3F8F];
	s0 =	simm.s32 @p1 $0x1  }
0x15: {  	[smem:$0x3FAC] =	sst s0;
	s0 =	simm.s32 @!p2 $0x0  }
0x16: {  	s3 =	sld [smem:$0x3FDB];
	s0 =	simm.s32 @p2 $0x1  }
0x17: {  	s4 =	simm.s32 $0x1BF5;
	[smem:$0x3FAE] =	sst s0  }
0x18: {  	s0 =	sld [smem:$0x3F91];
	_ =	swait.ge [sflag:s4], $0x0  }
0x19: {  	s7 =	sld [smem:$0x3F92]  }
0x1a: {  	s8 =	sadd.s32 $0xFFFFE003, lr  }
0x1b: {  	s9 =	sadd.s32 $0xFFFFFEF7, lr;
	s5 =	simm.s32 $0xFFFFFFFF;
	p2 =	slt.u32 s8, $0xFFFFF086  }
0x1c: {  	p1 =	slt.u32 s9, $0xF7A;
	s5 =	simm.s32 @!p2 $0x0  }
0x1d: {  	s5 =	simm.s32 @p1 $0x1;
	p0 =	seq.s32 s7, s2  }
0x1e: {  	s7 =	smul.u32 @!p0 $0xF7A, s2;
	p2 =	seq.s32 @!p0 s5, $0x0  }
0x1f: {  	s9 =	smul.u32 $0xF7A, s1;
	s8 =	simm.s32 @!p0 $0x1BF5;
	p2 =	por !p2, p0  }
0x20: {  	[sflag:s8] =	ssyncset.s32 @!p0 $0xFFFFF086;
	s6 =	sadd.s32 @!p0 s3, s7;
	s7 =	simm.s32 @!p0 $0x108  }
0x21: {  	s3 =	sadd.s32 s3, s9;
	s6 =	sadd.s32 @!p0 $0x88, s6;
	s7 =	simm.s32 @p2 $0x1082  }
0x22: {  	[simem:s7], [sflag:s8] =	dma.local @!p0 [hbm:s6], $0xF7A  }
0x23: {  	s9 =	sor.u32 $0xD0000000, s2;
	s6 =	simm.s32 $0x108;
	_ =	swait.ge @!p0 [sflag:s8], $0x0  }
0x24: {  	s3 =	sadd.s32 $0x88, s3;
	s6 =	simm.s32 @!p1 $0x1082;
	[sflag:s4] =	ssyncset.s32 $0xFFFFF086  }
0x25: {  	[simem:s6], [sflag:s4] =	dma.local [hbm:s3], $0xF7A  }
0x26: {  	[smem:$0x3F92] =	sst s1;
	(tag) =	ssettag s2;
	_ =	strace s9  }
0x27: {  	s1 =	sld [smem:$0x3FA2]  }
0x28: {  	s2 =	sld [smem:$0x3FA3]  }
0x29: {  	s4 =	sld [smem:$0x3FA5]  }
0x2a: {  	p0 =	seq.s32 s5, $0x0;
	s5 =	sld [smem:$0x3FA6]  }
0x2b: {  	s6 =	sld [smem:$0x3FA7]  }
0x2c: {  	s7 =	sld [smem:$0x3FA8]  }
0x2d: {  	s3 =	simm.s32 $0x108;
	s8 =	sld [smem:$0x3FA9]  }
0x2e: {  	s3 =	simm.s32 @!p0 $0x1082;
	s9 =	sld [smem:$0x3FAA]  }
0x2f: {  	lr =	sadd.s32 s0, s3;
	s0 =	sld [smem:$0x3FA1]  }
0x30: {  	s3 =	sld [smem:$0x3FA4]  }
0x31: {  	[smem:$0x3FAD] =	sst s10  }
0x32: {  	s10 =	sld [smem:$0x3FAB];
	_ =	sdelay $0x3  }
0x33: {  	p0 =	seq.s32 s10, $0x1;
	s10 =	sld [smem:$0x3FAD];
	_ =	sdelay $0x3  }
0x34: {  	[smem:$0x3FAD] =	sst s10  }
0x35: {  	s10 =	sld [smem:$0x3FAC];
	_ =	sdelay $0x3  }
0x36: {  	p1 =	seq.s32 s10, $0x1;
	s10 =	sld [smem:$0x3FAD];
	_ =	sdelay $0x3  }
0x37: {  	[smem:$0x3FAD] =	sst s10  }
0x38: {  	s10 =	sld [smem:$0x3FAE]  }
0x39: {  	_ = 	snop;
	(pc) =	sbr.ind lr, $3  }
0x3a: {  	_ = 	snop  }
0x3b: {  	_ = 	snop  }
0x3c: {  	p2 =	seq.s32 s10, $0x1;
	s10 =	sld [smem:$0x3FAD]  }
0x3d: {  	_ =	shalt  }
0x3e: {  	_ =	shalt  }
0x3f: {  	_ =	shalt  }
0x40: {  	_ =	shalt  }
0x41: {  	_ =	shalt  }
0x42: {  	_ =	shalt  }
0x43: {  	_ =	shalt  }
0x44: {  	_ =	shalt  }
0x45: {  	_ =	shalt  }
0x46: {  	_ =	shalt  }
0x47: {  	_ =	shalt  }
0x48: {  	_ =	shalt  }
0x49: {  	_ =	shalt  }
0x4a: {  	_ =	shalt  }
0x4b: {  	_ =	shalt  }
0x4c: {  	_ =	shalt  }
0x4d: {  	_ =	shalt  }
0x4e: {  	_ =	shalt  }
0x4f: {  	_ =	shalt  }
0x50: {  	_ =	shalt  }
0x51: {  	_ =	shalt  }
0x52: {  	_ =	shalt  }
0x53: {  	_ =	shalt  }
0x54: {  	_ =	shalt  }
0x55: {  	_ =	shalt  }
0x56: {  	_ =	shalt  }
0x57: {  	_ =	shalt  }
0x58: {  	_ =	shalt  }
0x59: {  	_ =	shalt  }
0x5a: {  	_ =	shalt  }
0x5b: {  	_ =	shalt  }
0x5c: {  	_ =	shalt  }
0x5d: {  	_ =	shalt  }
0x5e: {  	_ =	shalt  }
0x5f: {  	_ =	shalt  }
0x60: {  	_ =	shalt  }
0x61: {  	_ =	shalt  }
0x62: {  	_ =	shalt  }
0x63: {  	_ =	shalt  }
0x64: {  	_ =	shalt  }
0x65: {  	_ =	shalt  }
0x66: {  	_ =	shalt  }
0x67: {  	_ =	shalt  }
0x68: {  	_ =	shalt  }
0x69: {  	_ =	shalt  }
0x6a: {  	_ =	shalt  }
0x6b: {  	_ =	shalt  }
0x6c: {  	_ =	shalt  }
0x6d: {  	_ =	shalt  }
0x6e: {  	_ =	shalt  }
0x6f: {  	_ =	shalt  }
0x70: {  	_ =	shalt  }
0x71: {  	_ =	shalt  }
0x72: {  	_ =	shalt  }
0x73: {  	_ =	shalt  }
0x74: {  	_ =	shalt  }
0x75: {  	_ =	shalt  }
0x76: {  	_ =	shalt  }
0x77: {  	_ =	shalt  }
0x78: {  	_ =	shalt  }
0x79: {  	_ =	shalt  }
0x7a: {  	_ =	shalt  }
0x7b: {  	_ =	shalt  }
0x7c: {  	_ =	shalt  }
0x7d: {  	_ =	shalt  }
0x7e: {  	_ =	shalt  }
0x7f: {  	_ =	shalt  }
0x80: {  	_ =	shalt  }
0x81: {  	_ =	shalt  }
0x82: {  	_ =	shalt  }
0x83: {  	_ =	shalt  }
0x84: {  	_ =	shalt  }
0x85: {  	_ =	shalt  }
0x86: {  	_ =	shalt  }
0x87: {  	_ =	shalt  }
.Lfunc_end0:
.L_simem_size_0:
called_computation.1_lowered:
.L_overlay_start_0:
0x88: {  	s2 =	sld [smem:$0x3FD9]  }
0x89: {  	s3 =	sld [smem:$0x3FFE];
	_ =	sdelay $0x1  }
0x8a: {  	s1 =	srdreg.scid  }
0x8b: {  	s0 =	sand.u32 $0x1, s1  }
0x8c: {  	s15 =	sshll.u32 s0, $0xA;
	s2 =	sadd.s32 s3, s2  }
0x8d: {  	s2 =	sadd.s32 s2, s15  }
0x8e: {  	[smem:$0x3FB9] =	sst s2  }
0x8f: {  	_ = 	snop  }
0x90: {  	s2 =	sld [smem:$0x3FD0];
	_ =	sdelay $0x2  }
0x91: {  	s16 =	simm.s32 $0xE;
	s4 =	simm.s32 $0x10  }
0x92: {  	[smem:s4], [sflag:s16] =	dma.local [hbm:s2], $0x1  }
0x93: {  	_ =	swait.eq [sflag:s16], $0x1  }
0x94: {  	[sflag:s16] =	ssyncset.done $0x0  }
0x95: {  	[sflag:s16] =	ssyncadd.s32 $0xFFFFFFFF  }
0x96: {  	s17 =	sld [smem:$0x11];
	(tm) =	ssettm $0x1  }
0x97: {  	s18 =	sld [smem:$0x3FFB];
	_ =	sdelay $0x3  }
0x98: {  	_ =	strace s18  }
0x99: {  	s2 =	sld [smem:$0x3FFC];
	_ =	sdelay $0x3  }
0x9a: {  	_ =	strace s2  }
0x9b: {  	s2 =	sld [smem:$0x3FFD];
	_ =	sdelay $0x3  }
0x9c: {  	_ =	strace s2  }
0x9d: {  	_ =	strace $0x8FFFFFFF  }
0x9e: {  	s19 =	sld [smem:$0x3FDB];
	_ =	sdelay $0x1  }
0x9f: {  	s20 =	simm.s32 $_scs_section_size  }
0xa0: {  	s5 =	simm.s32 $_size__tile_overlayer_lowered;
	s6 =	simm.s32 $_tile_overlayer_lowered  }
0xa1: {  	s7 =	simm.s32 $0x1BFF;
	s21 =	sshll.u32 s6, $0x1;
	s4 =	sadd.s32 s20, s19  }
0xa2: {  	s22 =	simm.s32 $0x0;
	s5 =	sshll.u32 s5, $0x1;
	s6 =	sadd.s32 s21, s4  }
0xa3: {  	[timem:s22], [sflag:s7] =	dma.local [hbm:s6], s5  }
0xa4: {  	_ =	swait.ge [sflag:s7], s5  }
0xa5: {  	s5 =	ssub.s32 $0x0, s5;
	[sflag:s7] =	ssyncset.done $0x0  }
0xa6: {  	[sflag:s7] =	ssyncadd.s32 s5;
	_ =	sdelay $0x1  }
0xa7: {  	s23 =	simm.s32 $0x1B8B  }
0xa8: {  	_ =	swait.ge [sflag:s23], $0x1  }
0xa9: {  	[sflag:s23] =	ssyncset.done $0x0  }
0xaa: {  	[sflag:s23] =	ssyncadd.s32 $0xFFFFFFFF  }
0xab: {  	s5 =	sld [smem:$0x0]  }
0xac: {  	s6 =	sand.u32 $0xFFFFFFFE, s1  }
0xad: {  	p0 =	sne.s32 s1, s6  }
0xae: {  	s6 =	sshll.u32 @p0 s6, $0xE  }
0xaf: {  	s6 =	sadd.s32 @p0 $0x11B8D, s6;
	s7 =	sshll.u32 @p0 s5, $0x11  }
0xb0: {  	s6 =	sor.u32 @p0 s7, s6  }
0xb1: {  	[sflag:s6] =	ssyncadd.remote.s32 @p0 $0x1;
	_ =	sdelay $0x1  }
0xb2: {  	s6 =	simm.s32 @p0 $0x1B8D  }
0xb3: {  	_ =	swait.eq @p0 [sflag:s6], $0x1  }
0xb4: {  	[sflag:s6] =	ssyncadd.s32 @p0 $0xFFFFFFFF  }
0xb5: {  	s7 =	sshll.u32 @!p0 s1, $0xE  }
0xb6: {  	s7 =	sor.u32 @!p0 $0x4000, s7;
	s6 =	simm.s32 @!p0 $0x1B8D  }
0xb7: {  	s8 =	sshll.u32 @!p0 s5, $0x11;
	s7 =	sadd.s32 @!p0 $0x11B8D, s7;
	_ =	swait.eq @!p0 [sflag:s6], $0x1  }
0xb8: {  	[sflag:s6] =	ssyncadd.s32 @!p0 $0xFFFFFFFF;
	s6 =	sor.u32 @!p0 s8, s7  }
0xb9: {  	s25 =	simm.s32 $0x1B8E;
	s24 =	sld [smem:$0x3FFE];
	[sflag:s6] =	ssyncadd.remote.s32 @!p0 $0x1  }
0xba: {  	s26 =	simm.s32 $execute0_lowered;
	[smem:$0x3FD2] =	sst s25  }
0xbb: {  	s7 =	sshll.u32 s26, $0x1;
	_ =	strace $0x80000049;
	[dreg:$0x1] =	wrdreg $0xFFFFFFFF  }
0xbc: {  	s28 =	simm.s32 $_size_execute0_lowered;
	s4 =	sadd.s32 s4, s7;
	[dreg:$0x0] =	wrdreg $0x0  }
0xbd: {  	s7 =	sshll.u32 s28, $0x1;
	[dreg:$0x2] =	wrdreg s4  }
0xbe: {  	[dreg:$0x3] =	wrdreg s7  }
0xbf: {  	[dreg:$0x4] =	wrdreg $0xC0  }
0xc0: {  	_ =	task [dreg:s22], $0x5FFFF  }
0xc1: {  	[dreg:$0x1] =	wrdreg $0xFFFFFFFF  }
0xc2: {  	[dreg:$0x0] =	wrdreg $0x60  }
0xc3: {  	[dreg:$0x2] =	wrdreg s17  }
0xc4: {  	[dreg:$0x3] =	wrdreg s24  }
0xc5: {  	[dreg:$0x4] =	wrdreg s1  }
0xc6: {  	[dreg:$0x5] =	wrdreg s5  }
0xc7: {  	[dreg:$0x6] =	wrdreg $0xC  }
0xc8: {  	_ =	task.clear_ibuf [dreg:s22], $0x7FFFF;
	_ =	strace $0x90000049  }
0xc9: {  	s29 =	simm.s32 $0xC;
	_ =	strace $0x8000004B  }
0xca: {  	_ =	swait.ge [sflag:s29], $0x1  }
0xcb: {  	[sflag:s29] =	ssyncadd.s32 $0xFFFFFFFF  }
0xcc: {  	_ =	strace $0x9000004B  }
0xcd: {  	_ =	sfence  }
0xce: {  	s30 =	sld [smem:$0x0];
	_ =	sdelay $0x2  }
0xcf: {  	s31 =	sshll.u32 s1, $0xD;
	s1 =	sshrl.u32 s1, $0x2  }
0xd0: {  	s4 =	sand.u32 $0x4000, s31;
	s1 =	sadd.s32 s1, s30  }
0xd1: {  	s0 =	sor.u32 s4, s0;
	s1 =	sshll.u32 s1, $0x11  }
0xd2: {  	s0 =	sor.u32 s1, s0  }
0xd3: {  	s0 =	sadd.s32 $0x8F2B, s0  }
0xd4: {  	[sflag:s0] =	ssyncadd.remote.s32 $0x1  }
0xd5: {  	_ =	sfence.sel $0xFFFF  }
0xd6: {  	[dreg:$0x0] =	wrdreg $0xFFFFFFFF;
	(pc) =	sbr.abs _section_cstart, $3  }
0xd7: {  	[dreg:$0x1] =	wrdreg $0xFFFFFFFF  }
0xd8: {  	_ =	task.clear_ibuf [dreg:s22], $0x2FFFF;
	_ =	strace $0x9FFFFFFF  }
0xd9: {  	(tm) =	ssettm $0x7FFFFFFF  }
tec
execute0_lowered:
.L_overlay_start_1:
0x0: {  	(tag) =	ssettag $0x1  }
0x1: {  	s1 =	rddreg [dreg:$0x0]  }
0x2: {  	s11 =	rddreg [dreg:$0x1]  }
0x3: {  	s3 =	rddreg [dreg:$0x2];
	_ =	strace $0x8000004A;
	s12 =	simm.s32 $0x1  }
0x4: {  	v0 =	vimm.s32 $0x0;
	[sflag:s12] =	ssyncpa.u1 $0x0  }
0x5: {  	[tilespmem:$0x28] =	vst v0  }
0x6: {  	[tilespmem:$0x38] =	vst v0  }
0x7: {  	[tilespmem:$0x48] =	vst v0  }
0x8: {  	[tilespmem:$0x58] =	vst v0  }
0x9: {  	[tilespmem:$0x68] =	vst v0  }
0xa: {  	[tilespmem:$0x78] =	vst v0  }
0xb: {  	[tilespmem:$0x88] =	vst v0  }
0xc: {  	[tilespmem:$0x98] =	vst v0  }
0xd: {  	[tilespmem:$0xA8] =	vst v0  }
0xe: {  	[tilespmem:$0xB8] =	vst v0  }
0xf: {  	[tilespmem:$0xC8] =	vst v0  }
0x10: {  	[tilespmem:$0xD8] =	vst v0  }
0x11: {  	[tilespmem:$0xE8] =	vst v0  }
0x12: {  	[tilespmem:$0xF8] =	vst v0  }
0x13: {  	[tilespmem:$0x108] =	vst v0  }
0x14: {  	[tilespmem:$0x118] =	vst v0  }
0x15: {  	[tilespmem:$0x128] =	vst v0  }
0x16: {  	[tilespmem:$0x138] =	vst v0  }
0x17: {  	[tilespmem:$0x148] =	vst v0  }
0x18: {  	[tilespmem:$0x158] =	vst v0  }
0x19: {  	[tilespmem:$0x168] =	vst v0  }
0x1a: {  	[tilespmem:$0x178] =	vst v0  }
0x1b: {  	[tilespmem:$0x188] =	vst v0  }
0x1c: {  	[tilespmem:$0x198] =	vst v0  }
0x1d: {  	[tilespmem:$0x1A8] =	vst v0  }
0x1e: {  	[tilespmem:$0x1B8] =	vst v0  }
0x1f: {  	[tilespmem:$0x1C8] =	vst v0  }
0x20: {  	[tilespmem:$0x1D8] =	vst v0  }
0x21: {  	[tilespmem:$0x1E8] =	vst v0  }
0x22: {  	[tilespmem:$0x1F8] =	vst v0  }
0x23: {  	[tilespmem:$0x208] =	vst v0  }
0x24: {  	[tilespmem:$0x218] =	vst v0  }
0x25: {  	[tilespmem:$0x228] =	vst v0  }
0x26: {  	[tilespmem:$0x238] =	vst v0  }
0x27: {  	[tilespmem:$0x248] =	vst v0  }
0x28: {  	[tilespmem:$0x258] =	vst v0  }
0x29: {  	[tilespmem:$0x268] =	vst v0  }
0x2a: {  	[tilespmem:$0x278] =	vst v0  }
0x2b: {  	[tilespmem:$0x288] =	vst v0  }
0x2c: {  	[tilespmem:$0x298] =	vst v0  }
0x2d: {  	[tilespmem:$0x2A8] =	vst v0  }
0x2e: {  	[tilespmem:$0x2B8] =	vst v0  }
0x2f: {  	[tilespmem:$0x2C8] =	vst v0  }
0x30: {  	[tilespmem:$0x2D8] =	vst v0  }
0x31: {  	[tilespmem:$0x2E8] =	vst v0  }
0x32: {  	[tilespmem:$0x2F8] =	vst v0  }
0x33: {  	[tilespmem:$0x308] =	vst v0  }
0x34: {  	[tilespmem:$0x318] =	vst v0  }
0x35: {  	[tilespmem:$0x328] =	vst v0  }
0x36: {  	[tilespmem:$0x338] =	vst v0  }
0x37: {  	[tilespmem:$0x348] =	vst v0  }
0x38: {  	[tilespmem:$0x358] =	vst v0  }
0x39: {  	[tilespmem:$0x368] =	vst v0  }
0x3a: {  	[tilespmem:$0x378] =	vst v0  }
0x3b: {  	[tilespmem:$0x388] =	vst v0  }
0x3c: {  	[tilespmem:$0x398] =	vst v0  }
0x3d: {  	[tilespmem:$0x3A8] =	vst v0  }
0x3e: {  	[tilespmem:$0x3B8] =	vst v0  }
0x3f: {  	[tilespmem:$0x3C8] =	vst v0  }
0x40: {  	[tilespmem:$0x3D8] =	vst v0  }
0x41: {  	[tilespmem:$0x3E8] =	vst v0  }
0x42: {  	[tilespmem:$0x3F8] =	vst v0  }
0x43: {  	[tilespmem:$0x408] =	vst v0  }
0x44: {  	[tilespmem:$0x418] =	vst v0  }
0x45: {  	[tilespmem:$0x428] =	vst v0  }
0x46: {  	[tilespmem:$0x438] =	vst v0  }
0x47: {  	[tilespmem:$0x448] =	vst v0  }
0x48: {  	[tilespmem:$0x458] =	vst v0  }
0x49: {  	[tilespmem:$0x468] =	vst v0  }
0x4a: {  	[tilespmem:$0x478] =	vst v0  }
0x4b: {  	[tilespmem:$0x488] =	vst v0  }
0x4c: {  	[tilespmem:$0x498] =	vst v0  }
0x4d: {  	[tilespmem:$0x4A8] =	vst v0  }
0x4e: {  	[tilespmem:$0x4B8] =	vst v0  }
0x4f: {  	[tilespmem:$0x4C8] =	vst v0  }
0x50: {  	[tilespmem:$0x4D8] =	vst v0  }
0x51: {  	[tilespmem:$0x4E8] =	vst v0  }
0x52: {  	[tilespmem:$0x4F8] =	vst v0  }
0x53: {  	[tilespmem:$0x508] =	vst v0  }
0x54: {  	[tilespmem:$0x518] =	vst v0  }
0x55: {  	[tilespmem:$0x528] =	vst v0  }
0x56: {  	[tilespmem:$0x538] =	vst v0  }
0x57: {  	[tilespmem:$0x548] =	vst v0  }
0x58: {  	[tilespmem:$0x558] =	vst v0  }
0x59: {  	[tilespmem:$0x568] =	vst v0  }
0x5a: {  	[tilespmem:$0x578] =	vst v0  }
0x5b: {  	[tilespmem:$0x588] =	vst v0  }
0x5c: {  	[tilespmem:$0x598] =	vst v0  }
0x5d: {  	[tilespmem:$0x5A8] =	vst v0  }
0x5e: {  	[tilespmem:$0x5B8] =	vst v0  }
0x5f: {  	[tilespmem:$0x5C8] =	vst v0  }
0x60: {  	[tilespmem:$0x5D8] =	vst v0  }
0x61: {  	[tilespmem:$0x5E8] =	vst v0  }
0x62: {  	[tilespmem:$0x5F8] =	vst v0  }
0x63: {  	[tilespmem:$0x608] =	vst v0  }
0x64: {  	[tilespmem:$0x618] =	vst v0  }
0x65: {  	[tilespmem:$0x628] =	vst v0  }
0x66: {  	[tilespmem:$0x638] =	vst v0  }
0x67: {  	[tilespmem:$0x648] =	vst v0  }
0x68: {  	[tilespmem:$0x658] =	vst v0  }
0x69: {  	[tilespmem:$0x668] =	vst v0  }
0x6a: {  	[tilespmem:$0x678] =	vst v0  }
0x6b: {  	[tilespmem:$0x688] =	vst v0  }
0x6c: {  	[tilespmem:$0x698] =	vst v0  }
0x6d: {  	[tilespmem:$0x6A8] =	vst v0  }
0x6e: {  	[tilespmem:$0x6B8] =	vst v0  }
0x6f: {  	[tilespmem:$0x6C8] =	vst v0  }
0x70: {  	[tilespmem:$0x6D8] =	vst v0  }
0x71: {  	[tilespmem:$0x6E8] =	vst v0  }
0x72: {  	[tilespmem:$0x6F8] =	vst v0  }
0x73: {  	[tilespmem:$0x708] =	vst v0  }
0x74: {  	[tilespmem:$0x718] =	vst v0  }
0x75: {  	[tilespmem:$0x728] =	vst v0  }
0x76: {  	[tilespmem:$0x738] =	vst v0  }
0x77: {  	[tilespmem:$0x748] =	vst v0  }
0x78: {  	[tilespmem:$0x758] =	vst v0  }
0x79: {  	[tilespmem:$0x768] =	vst v0  }
0x7a: {  	[tilespmem:$0x778] =	vst v0  }
0x7b: {  	[tilespmem:$0x788] =	vst v0  }
0x7c: {  	[tilespmem:$0x798] =	vst v0  }
0x7d: {  	[tilespmem:$0x7A8] =	vst v0  }
0x7e: {  	[tilespmem:$0x7B8] =	vst v0  }
0x7f: {  	[tilespmem:$0x7C8] =	vst v0  }
0x80: {  	[tilespmem:$0x7D8] =	vst v0  }
0x81: {  	[tilespmem:$0x7E8] =	vst v0  }
0x82: {  	[tilespmem:$0x7F8] =	vst v0  }
0x83: {  	[tilespmem:$0x808] =	vst v0  }
0x84: {  	[tilespmem:$0x818] =	vst v0  }
0x85: {  	[tilespmem:$0x828] =	vst v0  }
0x86: {  	[tilespmem:$0x838] =	vst v0  }
0x87: {  	[tilespmem:$0x848] =	vst v0  }
0x88: {  	[tilespmem:$0x858] =	vst v0  }
0x89: {  	[tilespmem:$0x868] =	vst v0  }
0x8a: {  	[tilespmem:$0x878] =	vst v0  }
0x8b: {  	[tilespmem:$0x888] =	vst v0  }
0x8c: {  	[tilespmem:$0x898] =	vst v0  }
0x8d: {  	[tilespmem:$0x8A8] =	vst v0  }
0x8e: {  	[tilespmem:$0x8B8] =	vst v0  }
0x8f: {  	[tilespmem:$0x8C8] =	vst v0  }
0x90: {  	[tilespmem:$0x8D8] =	vst v0  }
0x91: {  	[tilespmem:$0x8E8] =	vst v0  }
0x92: {  	[tilespmem:$0x8F8] =	vst v0  }
0x93: {  	[tilespmem:$0x908] =	vst v0  }
0x94: {  	[tilespmem:$0x918] =	vst v0  }
0x95: {  	[tilespmem:$0x928] =	vst v0  }
0x96: {  	[tilespmem:$0x938] =	vst v0  }
0x97: {  	[tilespmem:$0x948] =	vst v0  }
0x98: {  	[tilespmem:$0x958] =	vst v0  }
0x99: {  	[tilespmem:$0x968] =	vst v0  }
0x9a: {  	[tilespmem:$0x978] =	vst v0  }
0x9b: {  	[tilespmem:$0x988] =	vst v0  }
0x9c: {  	[tilespmem:$0x998] =	vst v0  }
0x9d: {  	[tilespmem:$0x9A8] =	vst v0  }
0x9e: {  	[tilespmem:$0x9B8] =	vst v0  }
0x9f: {  	[tilespmem:$0x9C8] =	vst v0  }
0xa0: {  	[tilespmem:$0x9D8] =	vst v0  }
0xa1: {  	[tilespmem:$0x9E8] =	vst v0  }
0xa2: {  	[tilespmem:$0x9F8] =	vst v0  }
0xa3: {  	[tilespmem:$0xA08] =	vst v0  }
0xa4: {  	[tilespmem:$0xA18] =	vst v0  }
0xa5: {  	[tilespmem:$0xA28] =	vst v0  }
0xa6: {  	[tilespmem:$0xA38] =	vst v0  }
0xa7: {  	[tilespmem:$0xA48] =	vst v0  }
0xa8: {  	[tilespmem:$0xA58] =	vst v0  }
0xa9: {  	[tilespmem:$0xA68] =	vst v0  }
0xaa: {  	[tilespmem:$0xA78] =	vst v0  }
0xab: {  	[tilespmem:$0xA88] =	vst v0  }
0xac: {  	[tilespmem:$0xA98] =	vst v0  }
0xad: {  	[tilespmem:$0xAA8] =	vst v0  }
0xae: {  	[tilespmem:$0xAB8] =	vst v0  }
0xaf: {  	[tilespmem:$0xAC8] =	vst v0  }
0xb0: {  	[tilespmem:$0xAD8] =	vst v0  }
0xb1: {  	[tilespmem:$0xAE8] =	vst v0  }
0xb2: {  	[tilespmem:$0xAF8] =	vst v0  }
0xb3: {  	[tilespmem:$0xB08] =	vst v0  }
0xb4: {  	[tilespmem:$0xB18] =	vst v0  }
0xb5: {  	[tilespmem:$0xB28] =	vst v0  }
0xb6: {  	[tilespmem:$0xB38] =	vst v0  }
0xb7: {  	[tilespmem:$0xB48] =	vst v0  }
0xb8: {  	[tilespmem:$0xB58] =	vst v0  }
0xb9: {  	[tilespmem:$0xB68] =	vst v0  }
0xba: {  	[tilespmem:$0xB78] =	vst v0  }
0xbb: {  	[tilespmem:$0xB88] =	vst v0  }
0xbc: {  	[tilespmem:$0xB98] =	vst v0  }
0xbd: {  	[tilespmem:$0xBA8] =	vst v0  }
0xbe: {  	[tilespmem:$0xBB8] =	vst v0  }
0xbf: {  	[tilespmem:$0xBC8] =	vst v0  }
0xc0: {  	[tilespmem:$0xBD8] =	vst v0  }
0xc1: {  	[tilespmem:$0xBE8] =	vst v0  }
0xc2: {  	[tilespmem:$0xBF8] =	vst v0  }
0xc3: {  	[tilespmem:$0xC08] =	vst v0  }
0xc4: {  	[tilespmem:$0xC18] =	vst v0  }
0xc5: {  	[tilespmem:$0xC28] =	vst v0  }
0xc6: {  	[tilespmem:$0xC38] =	vst v0  }
0xc7: {  	[tilespmem:$0xC48] =	vst v0  }
0xc8: {  	[tilespmem:$0xC58] =	vst v0  }
0xc9: {  	[tilespmem:$0xC68] =	vst v0  }
0xca: {  	[tilespmem:$0xC78] =	vst v0  }
0xcb: {  	[tilespmem:$0xC88] =	vst v0  }
0xcc: {  	[tilespmem:$0xC98] =	vst v0  }
0xcd: {  	[tilespmem:$0xCA8] =	vst v0  }
0xce: {  	[tilespmem:$0xCB8] =	vst v0  }
0xcf: {  	[tilespmem:$0xCC8] =	vst v0  }
0xd0: {  	[tilespmem:$0xCD8] =	vst v0  }
0xd1: {  	[tilespmem:$0xCE8] =	vst v0  }
0xd2: {  	[tilespmem:$0xCF8] =	vst v0  }
0xd3: {  	[tilespmem:$0xD08] =	vst v0  }
0xd4: {  	[tilespmem:$0xD18] =	vst v0  }
0xd5: {  	[tilespmem:$0xD28] =	vst v0  }
0xd6: {  	[tilespmem:$0xD38] =	vst v0  }
0xd7: {  	[tilespmem:$0xD48] =	vst v0  }
0xd8: {  	[tilespmem:$0xD58] =	vst v0  }
0xd9: {  	[tilespmem:$0xD68] =	vst v0  }
0xda: {  	[tilespmem:$0xD78] =	vst v0  }
0xdb: {  	[tilespmem:$0xD88] =	vst v0  }
0xdc: {  	[tilespmem:$0xD98] =	vst v0  }
0xdd: {  	[tilespmem:$0xDA8] =	vst v0  }
0xde: {  	[tilespmem:$0xDB8] =	vst v0  }
0xdf: {  	[tilespmem:$0xDC8] =	vst v0  }
0xe0: {  	[tilespmem:$0xDD8] =	vst v0  }
0xe1: {  	[tilespmem:$0xDE8] =	vst v0  }
0xe2: {  	[tilespmem:$0xDF8] =	vst v0  }
0xe3: {  	[tilespmem:$0xE08] =	vst v0  }
0xe4: {  	[tilespmem:$0xE18] =	vst v0  }
0xe5: {  	[tilespmem:$0xE28] =	vst v0  }
0xe6: {  	[tilespmem:$0xE38] =	vst v0  }
0xe7: {  	[tilespmem:$0xE48] =	vst v0  }
0xe8: {  	[tilespmem:$0xE58] =	vst v0  }
0xe9: {  	[tilespmem:$0xE68] =	vst v0  }
0xea: {  	[tilespmem:$0xE78] =	vst v0  }
0xeb: {  	[tilespmem:$0xE88] =	vst v0  }
0xec: {  	[tilespmem:$0xE98] =	vst v0  }
0xed: {  	[tilespmem:$0xEA8] =	vst v0  }
0xee: {  	[tilespmem:$0xEB8] =	vst v0  }
0xef: {  	[tilespmem:$0xEC8] =	vst v0  }
0xf0: {  	[tilespmem:$0xED8] =	vst v0  }
0xf1: {  	[tilespmem:$0xEE8] =	vst v0  }
0xf2: {  	[tilespmem:$0xEF8] =	vst v0  }
0xf3: {  	[tilespmem:$0xF08] =	vst v0  }
0xf4: {  	[tilespmem:$0xF18] =	vst v0  }
0xf5: {  	[tilespmem:$0xF28] =	vst v0  }
0xf6: {  	[tilespmem:$0xF38] =	vst v0  }
0xf7: {  	[tilespmem:$0xF48] =	vst v0  }
0xf8: {  	[tilespmem:$0xF58] =	vst v0  }
0xf9: {  	[tilespmem:$0xF68] =	vst v0  }
0xfa: {  	[tilespmem:$0xF78] =	vst v0  }
0xfb: {  	[tilespmem:$0xF88] =	vst v0  }
0xfc: {  	[tilespmem:$0xF98] =	vst v0  }
0xfd: {  	[tilespmem:$0xFA8] =	vst v0  }
0xfe: {  	[tilespmem:$0xFB8] =	vst v0  }
0xff: {  	[tilespmem:$0xFC8] =	vst v0  }
0x100: {  	[tilespmem:$0xFD8] =	vst v0  }
0x101: {  	[tilespmem:$0xFE8] =	vst v0  }
0x102: {  	[tilespmem:$0xFF8] =	vst v0  }
0x103: {  	[tilespmem:$0x1028] =	vst v0  }
0x104: {  	[tilespmem:$0x10E8] =	vst v0  }
0x105: {  	[tilespmem:$0x1068] =	vst v0  }
0x106: {  	[tilespmem:$0x1058] =	vst v0  }
0x107: {  	[tilespmem:$0x1B28] =	vst v0  }
0x108: {  	[tilespmem:$0x1B18] =	vst v0  }
0x109: {  	[tilespmem:$0x1B08] =	vst v0  }
0x10a: {  	[tilespmem:$0x1AF8] =	vst v0  }
0x10b: {  	[tilespmem:$0x1AE8] =	vst v0  }
0x10c: {  	[tilespmem:$0x1AD8] =	vst v0  }
0x10d: {  	[tilespmem:$0x1AC8] =	vst v0  }
0x10e: {  	[tilespmem:$0x1AB8] =	vst v0  }
0x10f: {  	[tilespmem:$0x1AA8] =	vst v0  }
0x110: {  	[tilespmem:$0x1A98] =	vst v0  }
0x111: {  	[tilespmem:$0x1A88] =	vst v0  }
0x112: {  	[tilespmem:$0x1A78] =	vst v0  }
0x113: {  	[tilespmem:$0x1A68] =	vst v0  }
0x114: {  	[tilespmem:$0x1A58] =	vst v0  }
0x115: {  	[tilespmem:$0x1A48] =	vst v0  }
0x116: {  	[tilespmem:$0x1A38] =	vst v0  }
0x117: {  	[tilespmem:$0x1A28] =	vst v0  }
0x118: {  	[tilespmem:$0x1A18] =	vst v0  }
0x119: {  	[tilespmem:$0x1A08] =	vst v0  }
0x11a: {  	[tilespmem:$0x19F8] =	vst v0  }
0x11b: {  	[tilespmem:$0x19E8] =	vst v0  }
0x11c: {  	[tilespmem:$0x19D8] =	vst v0  }
0x11d: {  	[tilespmem:$0x19C8] =	vst v0  }
0x11e: {  	[tilespmem:$0x19B8] =	vst v0  }
0x11f: {  	[tilespmem:$0x19A8] =	vst v0  }
0x120: {  	[tilespmem:$0x1998] =	vst v0  }
0x121: {  	[tilespmem:$0x1988] =	vst v0  }
0x122: {  	[tilespmem:$0x1978] =	vst v0  }
0x123: {  	[tilespmem:$0x1968] =	vst v0  }
0x124: {  	[tilespmem:$0x1958] =	vst v0  }
0x125: {  	[tilespmem:$0x1948] =	vst v0  }
0x126: {  	[tilespmem:$0x1938] =	vst v0  }
0x127: {  	[tilespmem:$0x1928] =	vst v0  }
0x128: {  	[tilespmem:$0x1918] =	vst v0  }
0x129: {  	[tilespmem:$0x1908] =	vst v0  }
0x12a: {  	[tilespmem:$0x18F8] =	vst v0  }
0x12b: {  	[tilespmem:$0x18E8] =	vst v0  }
0x12c: {  	[tilespmem:$0x18D8] =	vst v0  }
0x12d: {  	[tilespmem:$0x18C8] =	vst v0  }
0x12e: {  	[tilespmem:$0x18B8] =	vst v0  }
0x12f: {  	[tilespmem:$0x18A8] =	vst v0  }
0x130: {  	[tilespmem:$0x1898] =	vst v0  }
0x131: {  	[tilespmem:$0x1888] =	vst v0  }
0x132: {  	[tilespmem:$0x1878] =	vst v0  }
0x133: {  	[tilespmem:$0x1868] =	vst v0  }
0x134: {  	[tilespmem:$0x1858] =	vst v0  }
0x135: {  	[tilespmem:$0x1848] =	vst v0  }
0x136: {  	[tilespmem:$0x1838] =	vst v0  }
0x137: {  	[tilespmem:$0x1828] =	vst v0  }
0x138: {  	[tilespmem:$0x1818] =	vst v0  }
0x139: {  	[tilespmem:$0x1808] =	vst v0  }
0x13a: {  	[tilespmem:$0x17F8] =	vst v0  }
0x13b: {  	[tilespmem:$0x17E8] =	vst v0  }
0x13c: {  	[tilespmem:$0x17D8] =	vst v0  }
0x13d: {  	[tilespmem:$0x17C8] =	vst v0  }
0x13e: {  	[tilespmem:$0x17B8] =	vst v0  }
0x13f: {  	[tilespmem:$0x17A8] =	vst v0  }
0x140: {  	[tilespmem:$0x1798] =	vst v0  }
0x141: {  	[tilespmem:$0x1788] =	vst v0  }
0x142: {  	[tilespmem:$0x1778] =	vst v0  }
0x143: {  	[tilespmem:$0x1768] =	vst v0  }
0x144: {  	[tilespmem:$0x1758] =	vst v0  }
0x145: {  	[tilespmem:$0x1748] =	vst v0  }
0x146: {  	[tilespmem:$0x1738] =	vst v0  }
0x147: {  	[tilespmem:$0x1728] =	vst v0  }
0x148: {  	[tilespmem:$0x1718] =	vst v0  }
0x149: {  	[tilespmem:$0x1708] =	vst v0  }
0x14a: {  	[tilespmem:$0x16F8] =	vst v0  }
0x14b: {  	[tilespmem:$0x16E8] =	vst v0  }
0x14c: {  	[tilespmem:$0x16D8] =	vst v0  }
0x14d: {  	[tilespmem:$0x16C8] =	vst v0  }
0x14e: {  	[tilespmem:$0x16B8] =	vst v0  }
0x14f: {  	[tilespmem:$0x16A8] =	vst v0  }
0x150: {  	[tilespmem:$0x1698] =	vst v0  }
0x151: {  	[tilespmem:$0x1688] =	vst v0  }
0x152: {  	[tilespmem:$0x1678] =	vst v0  }
0x153: {  	[tilespmem:$0x1668] =	vst v0  }
0x154: {  	[tilespmem:$0x1658] =	vst v0  }
0x155: {  	[tilespmem:$0x1648] =	vst v0  }
0x156: {  	[tilespmem:$0x1638] =	vst v0  }
0x157: {  	[tilespmem:$0x1628] =	vst v0  }
0x158: {  	[tilespmem:$0x1618] =	vst v0  }
0x159: {  	[tilespmem:$0x1608] =	vst v0  }
0x15a: {  	[tilespmem:$0x15F8] =	vst v0  }
0x15b: {  	[tilespmem:$0x15E8] =	vst v0  }
0x15c: {  	[tilespmem:$0x15D8] =	vst v0  }
0x15d: {  	[tilespmem:$0x15C8] =	vst v0  }
0x15e: {  	[tilespmem:$0x15B8] =	vst v0  }
0x15f: {  	[tilespmem:$0x15A8] =	vst v0  }
0x160: {  	[tilespmem:$0x1598] =	vst v0  }
0x161: {  	[tilespmem:$0x1588] =	vst v0  }
0x162: {  	[tilespmem:$0x1578] =	vst v0  }
0x163: {  	[tilespmem:$0x1568] =	vst v0  }
0x164: {  	[tilespmem:$0x1558] =	vst v0  }
0x165: {  	[tilespmem:$0x1548] =	vst v0  }
0x166: {  	[tilespmem:$0x1538] =	vst v0  }
0x167: {  	[tilespmem:$0x1528] =	vst v0  }
0x168: {  	[tilespmem:$0x1518] =	vst v0  }
0x169: {  	[tilespmem:$0x1508] =	vst v0  }
0x16a: {  	[tilespmem:$0x14F8] =	vst v0  }
0x16b: {  	[tilespmem:$0x14E8] =	vst v0  }
0x16c: {  	[tilespmem:$0x14D8] =	vst v0  }
0x16d: {  	[tilespmem:$0x14C8] =	vst v0  }
0x16e: {  	[tilespmem:$0x14B8] =	vst v0  }
0x16f: {  	[tilespmem:$0x14A8] =	vst v0  }
0x170: {  	[tilespmem:$0x1498] =	vst v0  }
0x171: {  	[tilespmem:$0x1488] =	vst v0  }
0x172: {  	[tilespmem:$0x1478] =	vst v0  }
0x173: {  	[tilespmem:$0x1468] =	vst v0  }
0x174: {  	[tilespmem:$0x1458] =	vst v0  }
0x175: {  	[tilespmem:$0x1448] =	vst v0  }
0x176: {  	[tilespmem:$0x1438] =	vst v0  }
0x177: {  	[tilespmem:$0x1428] =	vst v0  }
0x178: {  	[tilespmem:$0x1418] =	vst v0  }
0x179: {  	[tilespmem:$0x1408] =	vst v0  }
0x17a: {  	[tilespmem:$0x13F8] =	vst v0  }
0x17b: {  	[tilespmem:$0x13E8] =	vst v0  }
0x17c: {  	[tilespmem:$0x13D8] =	vst v0  }
0x17d: {  	[tilespmem:$0x13C8] =	vst v0  }
0x17e: {  	[tilespmem:$0x13B8] =	vst v0  }
0x17f: {  	[tilespmem:$0x13A8] =	vst v0  }
0x180: {  	[tilespmem:$0x1398] =	vst v0  }
0x181: {  	[tilespmem:$0x1388] =	vst v0  }
0x182: {  	[tilespmem:$0x1378] =	vst v0  }
0x183: {  	[tilespmem:$0x1368] =	vst v0  }
0x184: {  	[tilespmem:$0x1358] =	vst v0  }
0x185: {  	[tilespmem:$0x1348] =	vst v0  }
0x186: {  	[tilespmem:$0x1338] =	vst v0  }
0x187: {  	[tilespmem:$0x1328] =	vst v0  }
0x188: {  	[tilespmem:$0x1318] =	vst v0  }
0x189: {  	[tilespmem:$0x1308] =	vst v0  }
0x18a: {  	[tilespmem:$0x12F8] =	vst v0  }
0x18b: {  	[tilespmem:$0x12E8] =	vst v0  }
0x18c: {  	[tilespmem:$0x12D8] =	vst v0  }
0x18d: {  	[tilespmem:$0x12C8] =	vst v0  }
0x18e: {  	[tilespmem:$0x12B8] =	vst v0  }
0x18f: {  	[tilespmem:$0x12A8] =	vst v0  }
0x190: {  	[tilespmem:$0x1298] =	vst v0  }
0x191: {  	[tilespmem:$0x1288] =	vst v0  }
0x192: {  	[tilespmem:$0x1278] =	vst v0  }
0x193: {  	[tilespmem:$0x1268] =	vst v0  }
0x194: {  	[tilespmem:$0x1258] =	vst v0  }
0x195: {  	[tilespmem:$0x1248] =	vst v0  }
0x196: {  	[tilespmem:$0x1238] =	vst v0  }
0x197: {  	[tilespmem:$0x1228] =	vst v0  }
0x198: {  	[tilespmem:$0x1218] =	vst v0  }
0x199: {  	[tilespmem:$0x1208] =	vst v0  }
0x19a: {  	[tilespmem:$0x11F8] =	vst v0  }
0x19b: {  	[tilespmem:$0x11E8] =	vst v0  }
0x19c: {  	[tilespmem:$0x11D8] =	vst v0  }
0x19d: {  	[tilespmem:$0x11C8] =	vst v0  }
0x19e: {  	[tilespmem:$0x11B8] =	vst v0  }
0x19f: {  	[tilespmem:$0x11A8] =	vst v0  }
0x1a0: {  	[tilespmem:$0x1198] =	vst v0  }
0x1a1: {  	[tilespmem:$0x1188] =	vst v0  }
0x1a2: {  	[tilespmem:$0x1178] =	vst v0  }
0x1a3: {  	[tilespmem:$0x1168] =	vst v0  }
0x1a4: {  	[tilespmem:$0x1158] =	vst v0  }
0x1a5: {  	[tilespmem:$0x1148] =	vst v0  }
0x1a6: {  	[tilespmem:$0x1138] =	vst v0  }
0x1a7: {  	s4 =	stileid.u32;
	[tilespmem:$0x1128] =	vst v0  }
0x1a8: {  	s0 =	smul.u32 $0x17, s4;
	[tilespmem:$0x1118] =	vst v0  }
0x1a9: {  	s2 =	smin.u32 s4, $0x3;
	[tilespmem:$0x1108] =	vst v0  }
0x1aa: {  	[tilespmem:$0x10F8] =	vst v0;
	s0 =	sadd.s32 s2, s0  }
0x1ab: {  	p0 =	slt.u32 s4, $0x3;
	[tilespmem:$0x10C8] =	vst v0;
	s2 =	simm.s32 $0x2880;
	s6 =	smul.u32 $0x1B0, s0  }
0x1ac: {  	s2 =	simm.s32 @!p0 $0x26D0;
	[tilespmem:$0x10D8] =	vst v0  }
0x1ad: {  	[tilespmem:$0x10B8] =	vst v0;
	s0 =	sadd.s32 s2, s6  }
0x1ae: {  	s5 =	simm.s32 $0x2;
	[tilespmem:$0x1038] =	vst v0;
	s7 =	smin.u32 s0, $0x27100  }
0x1af: {  	s8 =	simm.s32 $0x9;
	s10 =	simm.s32 $0xA;
	[tilespmem:$0x10A8] =	vst v0;
	s0 =	ssub.s32 s7, s6  }
0x1b0: {  	s30 =	simm.s32 $0xB;
	s16 =	simm.s32 $0x0;
	[tilespmem:$0x1098] =	vst v0;
	p0 =	sgt.s32 s0, $0x0  }
0x1b1: {  	p4 =	por $0x0, $0x0;
	s17 =	simm.s32 $0xC;
	[tilespmem:$0x1088] =	vst v0;
	s0 =	simm.s32 @!p0 $0x0  }
0x1b2: {  	s21 =	simm.s32 $0x0;
	s18 =	simm.s32 $0x0;
	[tilespmem:$0x1078] =	vst v0;
	s28 =	smulhi.u32 $0x4BDA12F7, s0  }
0x1b3: {  	s20 =	simm.s32 $0x0;
	s3 =	sand.u32 $0x1, s3;
	s31 =	sshll.u32 s4, $0x5;
	[tilespmem:$0x1048] =	vst v0  }
0x1b4: {  	s2 =	sshrl.u32 s28, $0x7;
	[tilespmem:$0x1018] =	vst v0;
	[dreg:$0x6] =	wrdreg s3;
	s3 =	smul.u32 $0x4E20, s3  }
0x1b5: {  	[tilespmem:$0x1008] =	vst v0;
	[sflag:s5] =	ssyncpa.u1 $0x0;
	v0 =	vimm.s32 $0xFFFFFFFF;
	[dreg:$0x5] =	wrdreg s31;
	s29 =	smul.u32 $0x1B0, s2  }
.Ltmp0:
0x1b6: {  	[tilespmem:$0x3648] =	vst v0;
	[sflag:s8] =	ssyncpa.u1 $0x0;
	s3 =	sadd.s32 s3, s11;
	(pc) =	sbr.rel .LBB2_1-.Ltmp0, $4  }
0x1b7: {  	[sflag:s10] =	ssyncpa.u1 $0x0;
	s11 =	sadd.s32 $0x1000, s11;
	p0 =	sne.s32 s0, s29  }
0x1b8: {  	[sflag:s30] =	ssyncpa.u1 $0x0;
	s14 =	sadd.s32 $0x4ECE00, s3;
	s12 =	simm.s32 @!p0 $0x0  }
0x1b9: {  	s15 =	sadd.s32 $0x4E3000, s3;
	s19 =	smov.u32 s6;
	s12 =	sadd.s32 s12, s2  }
0x1ba: {  	v0 =	vlaneseq.u32;
	[dreg:$0x7] =	wrdreg s6;
	p0 =	por $0x1, $0x1;
	s4 =	sadd.s32 $0x1, s12  }
.LBB2_18:
0x1bb: {  	s0 =	simm.s32 $0x2  }
0x1bc: {  	_ =	swait.ge [sflag:s0], $0x0  }
0x1bd: {  	[sflag:s0] =	ssyncset.done $0x0;
	s0 =	simm.s32 $0x0  }
.LBB2_19:
0x1be: {  	_ =	swait.ge [sflag:s17], s0  }
0x1bf: {  	s31 =	ssub.s32 $0x0, s0;
	v1 =	vmov s23;
	vm0 =	veq.s32 v0, $0x0;
	[sflag:s17] =	ssyncset.done $0x0  }
0x1c0: {  	vm15 =	veq.s32 v0, $0x2;
	v1 =	vsel vm0, s28, v1;
	[sflag:s17] =	ssyncadd.s32 s31  }
0x1c1: {  	v1 =	vsel vm15, s21, v1;
	[sflag:s17] =	ssyncpa.u1 $0x1  }
0x1c2: {  	[tilespmem:$0x3648] =	vst v1  }
.LBB2_20:
0x1c3: {  	s0 =	sadd.s32 $0x1B0, s19  }
0x1c4: {  	s2 =	smov.u32 s6;
	p1 =	slt.s32 s0, s7  }
0x1c5: {  	s2 =	smov.u32 @p1 s0;
	p1 =	sne.s32 s20, s4  }
.Ltmp1:
0x1c6: {  	_ = 	snop;
	(pc) =	sbr.rel @!p1 .LBB2_21-.Ltmp1, $4  }
0x1c7: {  	_ = 	snop  }
0x1c8: {  	s21 =	smov.u32 s18  }
0x1c9: {  	s31 =	sadd.s32 $0x1, s20;
	s18 =	smov.u32 s19;
	p0 =	por !p0, !p0  }
0x1ca: {  	p4 =	por !p4, !p4;
	s20 =	smov.u32 s31;
	s19 =	smov.u32 s2  }
.LBB2_1:
0x1cb: {  	p2 =	sge.u32 s20, s12  }
0x1cc: {  	s0 =	smulhi.u32 @!p2 $0xAAAAAAAB, s20  }
0x1cd: {  	s2 =	smov.u32 s19;
	p3 =	sgt.s32 @!p2 s19, $0x26F50  }
0x1ce: {  	s3 =	sshra.s32 @!p2 s19, $0x1F;
	p3 =	por !p3, p2;
	s0 =	sshrl.u32 @!p2 s0, $0x1  }
0x1cf: {  	s3 =	sand.u32 @!p2 s3, s19;
	s2 =	simm.s32 @p3 $0x26F50;
	s0 =	smul.u32 @!p2 $0x3, s0  }
0x1d0: {  	s2 =	ssub.s32 @!p2 s2, s3  }
0x1d1: {  	s23 =	sadd.s32 $0xFFFFFFFF, s20;
	s2 =	sadd.s32 @!p2 $0xFFFD90B0, s2;
	s0 =	ssub.s32 @!p2 s20, s0  }
0x1d2: {  	s3 =	sshll.u32 @!p2 s2, $0x2;
	p3 =	sgt.s32 @!p2 s2, $0x1AF;
	s0 =	smul.u32 @!p2 $0x6C0, s0  }
0x1d3: {  	s5 =	sand.u32 @!p2 $0x7, s19;
	s2 =	ssub.s32 @!p2 $0x6C0, s3;
	p3 =	por !p3, p2  }
0x1d4: {  	s3 =	sshrl.u32 @!p2 s19, $0x3;
	s2 =	sshrl.u32 @!p2 s2, $0x2;
	s0 =	sshrl.u32 @!p2 s0, $0x2  }
0x1d5: {  	s3 =	sadd.s32 @!p2 s3, s14;
	s2 =	simm.s32 @!p3 $0x0;
	s0 =	sadd.s32 @!p2 $0x3888, s0  }
0x1d6: {  	[tilespmem:s0], [sflag:$0xA] =	stream.linear.gather @!p2 [hbm4b:s3+s5], s2, $0x38;
	[tilespmem:$0x1F0F8] =	vst v63  }
0x1d7: {  	p2 =	sge.u32 s23, s12  }
0x1d8: {  	p3 =	sgt.s32 @!p2 s18, $0x26F50  }
0x1d9: {  	s0 =	smov.u32 s18;
	s2 =	sshra.s32 @!p2 s18, $0x1F;
	p3 =	por !p3, p2  }
0x1da: {  	s2 =	sand.u32 @!p2 s2, s18;
	s0 =	simm.s32 @p3 $0x26F50  }
0x1db: {  	s0 =	ssub.s32 @!p2 s0, s2  }
0x1dc: {  	s0 =	sadd.s32 @!p2 $0xFFFD90B0, s0  }
0x1dd: {  	s2 =	sshll.u32 @!p2 s0, $0x2  }
0x1de: {  	p3 =	sgt.s32 @!p2 s0, $0x1AF;
	s0 =	ssub.s32 @!p2 $0x6C0, s2  }
0x1df: {  	s22 =	ssub.s32 @!p2 $0x27100, s18;
	p3 =	por !p3, p2;
	s0 =	sshrl.u32 @!p2 s0, $0x2  }
0x1e0: {  	s2 =	sand.u32 @!p2 $0x1, s23;
	s0 =	simm.s32 @!p3 $0x0;
	p3 =	slt.s32 @!p2 s22, $0x1  }
0x1e1: {  	s3 =	simm.s32 @!p2 $0xA;
	s2 =	smul.u32 @!p2 $0x6C0, s2;
	p3 =	por p2, p3  }
.Ltmp2:
0x1e2: {  	_ =	swait.ge @!p2 [sflag:s3], s0;
	(pc) =	sbr.rel @p3 .LBB2_7-.Ltmp2, $4  }
0x1e3: {  	s5 =	ssub.s32 @!p2 $0x0, s0;
	[sflag:s3] =	ssyncset.done @!p2 $0x0  }
0x1e4: {  	s2 =	sshrl.u32 @!p2 s2, $0x2;
	[sflag:s3] =	ssyncadd.s32 @!p2 s5;
	s3 =	sshrl.u32 @!p2 s18, $0x3  }
0x1e5: {  	s2 =	sadd.s32 @!p2 $0x3D98, s2;
	s5 =	sand.u32 @!p2 $0x7, s18;
	s3 =	sadd.s32 @!p2 s3, s15  }
0x1e6: {  	[tilespmem:s2], [sflag:$0xB] =	stream.linear.gather @!p2 [hbm4b:s3+s5], s0, $0x38;
	[tilespmem:$0x1F0F8] =	vst v63  }
0x1e7: {  	s0 =	smulhi.u32 $0xAAAAAAAB, s23;
	_ =	sdelay $0x1  }
0x1e8: {  	s0 =	sshrl.u32 s0, $0x1  }
0x1e9: {  	s0 =	smul.u32 $0x3, s0;
	_ =	sdelay $0x1  }
0x1ea: {  	s0 =	ssub.s32 s23, s0  }
0x1eb: {  	s2 =	simm.s32 $0x1;
	s0 =	smul.u32 $0x6C0, s0  }
.Ltmp3:
0x1ec: {  	s2 =	simm.s32 @!p0 $0x0;
	(pc) =	sbr.rel .LBB2_4-.Ltmp3, $4  }
0x1ed: {  	s2 =	smul.u32 $0x36000, s2  }
0x1ee: {  	p3 =	slt.s32 @!p2 s22, $0x1B0;
	s0 =	sshrl.u32 s0, $0x2  }
0x1ef: {  	p2 =	por !p3, p2;
	s2 =	sshrl.u32 s2, $0x2;
	s0 =	sadd.s32 $0x3888, s0  }
0x1f0: {  	s24 =	simm.s32 $0x0;
	s22 =	simm.s32 @p2 $0x1B0;
	s23 =	sadd.s32 $0x40F8, s2;
	v1 =	vmov s0  }
.LBB2_3:
0x1f1: {  	p2 =	sge.s32 s24, s22  }
.Ltmp4:
0x1f2: {  	_ = 	snop;
	(pc) =	sbr.rel @p2 .LBB2_7-.Ltmp4, $2  }
0x1f3: {  	_ =	sdelay $0x2  }
0x1f4: {  	s23 =	sadd.s32 $0x800, s23  }
.LBB2_4:
0x1f5: {  	p2 =	sle.s32 s22, s24  }
.Ltmp5:
0x1f6: {  	_ = 	snop;
	(pc) =	sbr.rel @p2 .LBB2_3-.Ltmp5, $2  }
0x1f7: {  	_ =	sdelay $0x2  }
0x1f8: {  	s0 =	smov.u32 s24;
	s24 =	sadd.s32 $0x10, s24  }
0x1f9: {  	s2 =	ssub.s32 s22, s0  }
0x1fa: {  	p2 =	slt.s32 s2, $0x10  }
0x1fb: {  	s2 =	simm.s32 @!p2 $0x10  }
0x1fc: {  	v2 =	vmov s2  }
0x1fd: {  	vm0 =	vgt.s32 v2, v0;
	_ =	sdelay $0x5  }
0x1fe: {  	v2 =	vld.idx.msk [tilespmem:v1+s0+$0x0 ss:$0x1], vm0;
	_ =	sdelay $0x2  }
0x1ff: {  	p2 =	slt.s32 s24, s22;
	s2 =	smov.u32 s22  }
0x200: {  	s3 =	smov.u32 s23;
	s25 =	simm.s32 $0x0;
	s2 =	smov.u32 @p2 s24  }
.LBB2_6:
0x201: {  	(v2sf) =	vpush v2, s25;
	_ =	sdelay $0xc  }
0x202: {  	s25 =	sadd.s32 $0x1, s25  }
0x203: {  	s31 =	sadd.s32 s25, s0  }
0x204: {  	p2 =	slt.s32 s31, s2;
	s5 =	spop (v2sf)  }
.Ltmp6:
0x205: {  	s5 =	sshll.u32 s5, $0x4;
	(pc) =	sbr.rel @p2 .LBB2_6-.Ltmp6, $4  }
0x206: {  	s5 =	sand.u32 $0x1FFFFFF0, s5  }
0x207: {  	s5 =	sadd.s32 s11, s5  }
0x208: {  	[tilespmem:s3], [sflag:$0x9] =	stream.linear.gather [hbm4b:s5+s16], $0x3, $0x38;
	[tilespmem:$0x1F0F8] =	vst v63  }
0x209: {  	s3 =	sadd.s32 $0x80, s3  }
.Ltmp7:
0x20a: {  	_ = 	snop;
	(pc) =	sbr.rel .LBB2_3-.Ltmp7, $1  }
0x20b: {  	_ =	sdelay $0x3  }
.LBB2_7:
0x20c: {  	p2 =	slt.u32 s20, $0x2  }
.Ltmp8:
0x20d: {  	_ = 	snop;
	(pc) =	sbr.rel @p2 .LBB2_20-.Ltmp8, $1  }
0x20e: {  	_ =	sdelay $0x3  }
0x20f: {  	s0 =	ssub.s32 $0x27100, s21;
	p2 =	sgt.s32 s21, $0x26F50  }
0x210: {  	s2 =	smov.u32 s21;
	s3 =	sshra.s32 s21, $0x1F;
	p3 =	slt.s32 s0, $0x1B0  }
0x211: {  	s2 =	simm.s32 @!p2 $0x26F50;
	s3 =	sand.u32 s3, s21;
	s0 =	simm.s32 @!p3 $0x1B0  }
0x212: {  	s2 =	ssub.s32 s2, s3;
	s0 =	smul.u32 $0xC, s0  }
0x213: {  	s2 =	sadd.s32 $0xFFFD90B0, s2  }
0x214: {  	s26 =	simm.s32 $0x9;
	s24 =	sshll.u32 s2, $0x2;
	s0 =	sshrl.u32 s0, $0x2  }
0x215: {  	p2 =	sgt.s32 s2, $0x1AF;
	s25 =	ssub.s32 $0x6C0, s24;
	_ =	swait.ge [sflag:s26], s0  }
0x216: {  	s0 =	ssub.s32 $0x0, s0;
	s2 =	sshrl.u32 s25, $0x2;
	[sflag:s26] =	ssyncset.done $0x0  }
0x217: {  	s28 =	simm.s32 $0xB;
	s2 =	simm.s32 @p2 $0x0;
	[sflag:s26] =	ssyncadd.s32 s0  }
0x218: {  	_ =	swait.ge [sflag:s28], s2  }
0x219: {  	s30 =	ssub.s32 $0x0, s2;
	[sflag:s28] =	ssyncset.done $0x0  }
0x21a: {  	[sflag:s28] =	ssyncadd.s32 s30  }
0x21b: {  	v1 =	vld [tilespmem:$0x3648];
	_ =	sdelay $0x4  }
0x21c: {  	(v2sf) =	vpush v1, $0x0  }
0x21d: {  	(v2sf) =	vpush v1, $0x1  }
0x21e: {  	(v2sf) =	vpush v1, $0x2;
	_ =	sdelay $0x3  }
0x21f: {  	s0 =	sadd.s32 $0x1B0, s21  }
0x220: {  	p2 =	slt.s32 s7, s0;
	s2 =	ssub.s32 $0x4E200, s21  }
0x221: {  	s0 =	smov.u32 @p2 s7;
	p2 =	sgt.s32 s2, $0x0  }
0x222: {  	s25 =	ssub.s32 s0, s21;
	s2 =	simm.s32 @!p2 $0x0  }
0x223: {  	p2 =	slt.s32 s2, s25  }
0x224: {  	s25 =	smov.u32 @p2 s2  }
0x225: {  	s24 =	simm.s32 $0x1;
	p2 =	slt.s32 s25, $0x1  }
.Ltmp9:
0x226: {  	s24 =	simm.s32 @!p4 $0x0;
	(pc) =	sbr.rel @p2 .LBB2_12-.Ltmp9, $4  }
0x227: {  	s31 =	smul.u32 $0x6C0, s24  }
0x228: {  	s26 =	spop (v2sf)  }
0x229: {  	s0 =	sshrl.u32 s31, $0x2;
	s29 =	spop (v2sf)  }
0x22a: {  	s22 =	sadd.s32 $0x3D98, s0;
	s21 =	spop (v2sf)  }
0x22b: {  	s0 =	smin.u32 s25, $0x10  }
0x22c: {  	v1 =	vmov s0  }
0x22d: {  	p3 =	sgt.s32 s25, $0x10;
	vm1 =	vgt.u32 v1, v0  }
.Ltmp10:
0x22e: {  	_ = 	snop;
	(pc) =	sbr.rel @!p3 .LBB2_11-.Ltmp10, $2  }
0x22f: {  	_ =	sdelay $0x2  }
0x230: {  	s23 =	simm.s32 $0x10;
	s28 =	sadd.s32 $0xFFFFFFF0, s25;
	s0 =	smov.u32 s22;
	vm0 =	vmmov vm1  }
.LBB2_10:
0x231: {  	s2 =	smin.u32 s28, $0x10;
	s23 =	sadd.s32 $0x10, s23;
	v1 =	vld.msk [tilespmem:s0+$0x0 ss:$0x1], vm1  }
0x232: {  	v2 =	vmov s2;
	p3 =	slt.s32 s23, s25  }
0x233: {  	vm1 =	vgt.u32 v2, v0  }
.Ltmp11:
0x234: {  	(pc) =	sbr.rel @p3 .LBB2_10-.Ltmp11, $3  }
0x235: {  	_ =	sdelay $0x1  }
0x236: {  	v1 =	vshll.u32 v1, $0x4  }
0x237: {  	s28 =	sadd.s32 $0xFFFFFFF0, s28;
	[tilespmem:s0+$0x0] =	vst.msk vm0, v1;
	s0 =	sadd.s32 $0x10, s0;
	vm0 =	vmmov vm1  }
.LBB2_11:
0x238: {  	_ =	sdelay $0x4  }
0x239: {  	v1 =	vld.msk [tilespmem:s0+$0x0 ss:$0x1], vm1;
	_ =	sdelay $0x4  }
0x23a: {  	v1 =	vshll.u32 v1, $0x4  }
0x23b: {  	[tilespmem:s0+$0x0] =	vst.msk vm0, v1  }
.LBB2_12:
0x23c: {  	s0 =	sand.u32 $0x1, s20  }
0x23d: {  	s0 =	smul.u32 $0x1B0, s0  }
0x23e: {  	p3 =	sne.s32 s29, $0xFFFFFFFF  }
0x23f: {  	v1 =	vld.msk @!p3 [tilespmem:s0+$0x3D98], $0x1;
	_ =	sdelay $0x4  }
0x240: {  	(v2sf) =	vpush @!p3 v1, $0x0;
	_ =	sdelay $0xc  }
.Ltmp12:
0x241: {  	_ = 	snop;
	(pc) =	sbr.rel @p2 .LBB2_18-.Ltmp12, $4  }
0x242: {  	_ = 	snop  }
0x243: {  	s28 =	spop @!p3 (v2sf)  }
0x244: {  	s21 =	simm.s32 @!p3 $0x0;
	s23 =	smov.u32 s28  }
0x245: {  	[sflag:s17] =	ssyncpa.u1 $0x0;
	s28 =	smov.u32 @p3 s26;
	s23 =	smov.u32 @p3 s29  }
0x246: {  	v1 =	vld.msk [tilespmem:s22+$0x0], $0x1;
	_ =	sdelay $0x4  }
0x247: {  	(v2sf) =	vpush v1, $0x0;
	_ =	sdelay $0xe  }
0x248: {  	s0 =	simm.s32 @!p4 $0x0;
	s26 =	smul.u32 $0x36000, s24;
	s31 =	spop (v2sf)  }
0x249: {  	s29 =	ssub.s32 $0x0, s25;
	s0 =	simm.s32 @p4 $0x1;
	p2 =	seq.s32 s28, s31  }
0x24a: {  	s2 =	smov.u32 s28;
	[smem:$0x7FD] =	sst s0;
	p3 =	sgt.s32 @!p2 s28, $0x0  }
0x24b: {  	s0 =	sshrl.u32 s26, $0x2;
	s26 =	sadd.s32 $0x1, s29;
	p3 =	por !p3, p2  }
0x24c: {  	s2 =	simm.s32 @p3 $0x0;
	p3 =	seq.s32 s26, $0x0  }
.Ltmp13:
0x24d: {  	_ = 	snop;
	(pc) =	sbr.rel @p3 .LBB2_15-.Ltmp13, $4  }
0x24e: {  	s6 =	smov.u32 s4;
	s25 =	simm.s32 $0x0  }
0x24f: {  	s24 =	sadd.s32 $0x40F8, s0;
	s0 =	simm.s32 @!p2 $0x1;
	s3 =	smin.u32 @!p2 s2, $0x4E1FF  }
0x250: {  	s30 =	sadd.s32 $0x1, s22;
	s0 =	smov.u32 @p2 s25;
	s5 =	sand.u32 @!p2 $0x7FFF8, s3  }
0x251: {  	s2 =	simm.s32 @!p2 $0x1B38;
	s3 =	sand.u32 @!p2 $0x7, s3;
	s5 =	sadd.s32 @!p2 s1, s5  }
.LBB2_14:
0x252: {  	s4 =	smov.u32 s0  }
0x253: {  	[tilespmem:s2], [sflag:$0x2] =	stream.linear.gather @!p2 [hbm4b:s5+s3], $0x3, $0x38;
	[tilespmem:$0x1F0F8] =	vst v63  }
0x254: {  	s26 =	sadd.s32 $0x1, s26;
	s3 =	smov.u32 s31;
	v1 =	vld.msk [tilespmem:s30+$0x0], $0x1  }
0x255: {  	p3 =	seq.s32 s26, $0x0;
	_ =	sdelay $0x3  }
0x256: {  	(v2sf) =	vpush v1, $0x0;
	_ =	sdelay $0xe  }
0x257: {  	s31 =	spop (v2sf)  }
0x258: {  	p2 =	seq.s32 s3, s31  }
0x259: {  	p4 =	sgt.s32 @!p2 s3, $0x0;
	s2 =	sshll.u32 @!p2 s0, $0x6;
	s0 =	sadd.s32 @!p2 $0x1, s0  }
.Ltmp14:
0x25a: {  	p4 =	por !p4, p2;
	s2 =	sshra.s32 @!p2 s2, $0x2;
	(pc) =	sbr.rel @!p3 .LBB2_14-.Ltmp14, $4  }
0x25b: {  	s0 =	smov.u32 @p2 s4;
	s3 =	simm.s32 @p4 $0x0;
	s2 =	sadd.s32 @!p2 $0x1B38, s2  }
0x25c: {  	s3 =	smin.u32 @!p2 s3, $0x4E1FF  }
0x25d: {  	s4 =	sand.u32 @!p2 $0x7FFF8, s3;
	s3 =	sand.u32 @!p2 $0x7, s3  }
0x25e: {  	s30 =	sadd.s32 $0x1, s30;
	s5 =	sadd.s32 @!p2 s1, s4  }
.LBB2_15:
0x25f: {  	s0 =	smul.u32 $0xC, s0  }
0x260: {  	[tilespmem:s2], [sflag:$0x2] =	stream.linear.gather @!p2 [hbm4b:s5+s3], $0x3, $0x38;
	[tilespmem:$0x1F0F8] =	vst v63  }
0x261: {  	s31 =	simm.s32 $0x2;
	s0 =	sshrl.u32 s0, $0x2  }
0x262: {  	_ =	swait.ge [sflag:s31], s0  }
0x263: {  	s0 =	ssub.s32 $0x0, s0;
	[sflag:s31] =	ssyncset.done $0x0  }
0x264: {  	[sflag:s31] =	ssyncadd.s32 s0  }
0x265: {  	v1 =	vld.msk [tilespmem:s22+$0x0], $0x1;
	_ =	sdelay $0x4  }
0x266: {  	(v2sf) =	vpush v1, $0x0;
	_ =	sdelay $0xe  }
0x267: {  	s26 =	spop (v2sf)  }
0x268: {  	p2 =	sne.s32 s28, s26  }
0x269: {  	p4 =	sne.s32 @p2 s28, s23  }
0x26a: {  	p3 =	por !p4, !p2  }
0x26b: {  	s0 =	simm.s32 @!p3 $0x0  }
0x26c: {  	v1 =	vld.msk @!p3 [tilespmem:s0+$0x1B38], $0x7  }
0x26d: {  	p5 =	sgt.u32 @!p3 s28, $0x4E1FF  }
0x26e: {  	s2 =	sshll.u32 @!p3 s21, $0x6;
	p6 =	por @p2 p5, !p4  }
0x26f: {  	s2 =	sshra.s32 @!p3 s2, $0x2;
	p1 =	por p6, !p2;
	p6 =	por p4, !p2  }
0x270: {  	s3 =	sadd.s32 @!p3 $0x28, s2;
	s4 =	sand.u32 @!p1 $0x7FFF8, s28;
	s5 =	sshll.u32 @!p6 s21, $0x6  }
0x271: {  	s28 =	sand.u32 @!p1 $0x7, s28;
	[tilespmem:s2+$0x28] =	vst.add.f32.msk @!p3 $0x7, v1;
	s2 =	sadd.s32 @!p1 s1, s4;
	s4 =	sshra.s32 @!p6 s5, $0x2  }
0x272: {  	[hbm4b:s2+s28] =	stream.linear.scatter @!p1 [tilespmem:s3], [sflag:$0xC], $0x3, $0x38;
	[tilespmem:$0x1F0F8] =	vst v63  }
0x273: {  	s0 =	rddreg [dreg:$0x5];
	s2 =	sadd.s32 @!p6 $0x28, s4;
	s3 =	simm.s32 @!p6 $0x1  }
0x274: {  	[spmem:s0] =	stream.linear.scatter @!p6 [tilespmem:s2], [sflag:$0x1], $0x3, $0x38;
	[tilespmem:$0x1F0F8] =	vst v63  }
0x275: {  	s0 =	sadd.s32 @p2 $0x1, s21;
	_ =	swait.ge @!p6 [sflag:s3], $0x3  }
0x276: {  	s2 =	sshrl.u32 @p2 s0, $0x4;
	[sflag:s3] =	ssyncset.done @!p6 $0x0  }
0x277: {  	s2 =	smulhi.u32 @p2 $0x97B425F, s2;
	[sflag:s3] =	ssyncadd.s32 @!p6 $0xFFFFFFFD  }
0x278: {  	s28 =	sadd.s32 $0x1, s29;
	v1 =	vld.msk @p2 [tilespmem:s24+$0x0], $0x7  }
0x279: {  	p1 =	por @p2 !p5, !p4;
	p4 =	seq.s32 s28, $0x0;
	s2 =	smul.u32 @p2 $0x1B0, s2  }
.Ltmp15:
0x27a: {  	p1 =	por !p1, !p2;
	s3 =	simm.s32 @!p3 $0x0;
	(pc) =	sbr.rel @p4 .LBB2_17-.Ltmp15, $4  }
0x27b: {  	s4 =	sshll.u32 @!p2 s21, $0x6;
	s3 =	simm.s32 @!p1 $0xC;
	s0 =	ssub.s32 @p2 s0, s2  }
0x27c: {  	s29 =	simm.s32 $0x0;
	s3 =	sadd.s32 @!p3 $0x0, s3;
	s5 =	sshll.u32 @p2 s0, $0x4  }
0x27d: {  	s30 =	sshra.s32 @!p2 s4, $0x2;
	s2 =	simm.s32 @p2 $0x1;
	s3 =	smov.u32 @p3 s25;
	[tilespmem:s5+$0x28] =	vst.msk @p2 $0x7, v1  }
0x27e: {  	s21 =	smov.u32 @p2 s0;
	s29 =	smov.u32 @p2 s3;
	s25 =	smov.u32 @p2 s2;
	v1 =	vld.msk @!p2 [tilespmem:s24+$0x0], $0x7  }
.LBB2_16:
0x27f: {  	_ =	sdelay $0x3  }
0x280: {  	s22 =	sadd.s32 $0x1, s22;
	[tilespmem:s30+$0x28] =	vst.add.f32.msk @!p2 $0x7, v1  }
0x281: {  	v1 =	vld.msk [tilespmem:s22+$0x0], $0x1;
	_ =	sdelay $0x4  }
0x282: {  	(v2sf) =	vpush v1, $0x0;
	_ =	sdelay $0xe  }
0x283: {  	s0 =	smov.u32 s26;
	s26 =	spop (v2sf)  }
0x284: {  	p2 =	sne.s32 s0, s26  }
0x285: {  	p5 =	sne.s32 @p2 s0, s23  }
0x286: {  	s4 =	sshll.u32 @!p2 s21, $0x6;
	p4 =	por !p5, !p2  }
0x287: {  	s30 =	sshra.s32 @!p2 s4, $0x2;
	s4 =	sshll.u32 @!p4 s25, $0x6  }
0x288: {  	s4 =	sshra.s32 @!p4 s4, $0x2  }
0x289: {  	p1 =	sgt.u32 @!p4 s0, $0x4E1FF;
	v1 =	vld.msk @!p4 [tilespmem:s4+$0x1B38], $0x7  }
0x28a: {  	s31 =	sshll.u32 @!p4 s21, $0x6;
	p6 =	por @p2 p1, !p5;
	p1 =	por @p2 !p1, !p5  }
0x28b: {  	s8 =	simm.s32 @!p4 $0x0;
	s31 =	sshra.s32 @!p4 s31, $0x2;
	p1 =	por !p1, !p2  }
0x28c: {  	p5 =	por p5, !p2;
	s8 =	simm.s32 @!p1 $0xC;
	p1 =	por p6, !p2  }
0x28d: {  	s4 =	sadd.s32 @!p4 $0x28, s31;
	s13 =	sshll.u32 @!p5 s21, $0x6;
	s10 =	sand.u32 @!p1 $0x7FFF8, s0  }
0x28e: {  	s13 =	sshra.s32 @!p5 s13, $0x2;
	s0 =	sand.u32 @!p1 $0x7, s0;
	s10 =	sadd.s32 @!p1 s1, s10;
	[tilespmem:s31+$0x28] =	vst.add.f32.msk @!p4 $0x7, v1  }
0x28f: {  	[hbm4b:s10+s0] =	stream.linear.scatter @!p1 [tilespmem:s4], [sflag:$0xC], $0x3, $0x38;
	[tilespmem:$0x1F0F8] =	vst v63  }
0x290: {  	s2 =	rddreg [dreg:$0x5];
	s0 =	sadd.s32 @!p5 $0x28, s13;
	s4 =	simm.s32 @!p5 $0x1  }
0x291: {  	[spmem:s2] =	stream.linear.scatter @!p5 [tilespmem:s0], [sflag:$0x1], $0x3, $0x38;
	[tilespmem:$0x1F0F8] =	vst v63  }
0x292: {  	s3 =	sadd.s32 @p2 $0x1, s21;
	_ =	swait.ge @!p5 [sflag:s4], $0x3  }
0x293: {  	s5 =	sshrl.u32 @p2 s3, $0x4;
	[sflag:s4] =	ssyncset.done @!p5 $0x0  }
0x294: {  	s24 =	sadd.s32 $0x80, s24;
	s5 =	smulhi.u32 @p2 $0x97B425F, s5;
	[sflag:s4] =	ssyncadd.s32 @!p5 $0xFFFFFFFD  }
0x295: {  	s28 =	sadd.s32 $0x1, s28;
	v1 =	vld.msk @p2 [tilespmem:s24+$0x0], $0x7  }
0x296: {  	p3 =	seq.s32 s28, $0x0;
	s5 =	smul.u32 @p2 $0x1B0, s5  }
.Ltmp16:
0x297: {  	_ = 	snop;
	(pc) =	sbr.rel @!p3 .LBB2_16-.Ltmp16, $4  }
0x298: {  	s3 =	ssub.s32 @p2 s3, s5  }
0x299: {  	s8 =	sadd.s32 @!p4 s8, s29;
	s5 =	sshll.u32 @p2 s3, $0x4  }
0x29a: {  	s9 =	sadd.s32 @p2 $0x1, s25;
	s8 =	smov.u32 @p4 s29;
	[tilespmem:s5+$0x28] =	vst.msk @p2 $0x7, v1  }
0x29b: {  	s25 =	smov.u32 @p2 s9;
	s21 =	smov.u32 @p2 s3;
	s29 =	smov.u32 @p2 s8;
	v1 =	vld.msk @!p2 [tilespmem:s24+$0x0], $0x7  }
.LBB2_17:
.Ltmp17:
0x29c: {  	_ = 	snop;
	(pc) =	sbr.rel .LBB2_19-.Ltmp17, $3  }
0x29d: {  	s2 =	sld [smem:$0x7FD];
	_ =	sdelay $0x1  }
0x29e: {  	s0 =	sshrl.u32 s29, $0x2;
	s28 =	smov.u32 s26  }
0x29f: {  	s4 =	smov.u32 s6;
	s6 =	rddreg [dreg:$0x7];
	p4 =	seq.s32 s2, $0x1;
	[tilespmem:s30+$0x28] =	vst.add.f32.msk @!p2 $0x7, v1  }
.LBB2_21:
0x2a0: {  	_ =	sfence.sel $0x180000  }
0x2a1: {  	s0 =	simm.s32 $0x9;
	[bflag:$0x0] =	sbarrier.arrive $0xFFFF  }
0x2a2: {  	s24 =	simm.s32 $0xA;
	[sflag:s0] =	ssyncpa.u1 $0x1  }
0x2a3: {  	s25 =	simm.s32 $0xB;
	[sflag:s24] =	ssyncpa.u1 $0x1  }
0x2a4: {  	s26 =	simm.s32 $0x2;
	[sflag:s25] =	ssyncpa.u1 $0x1  }
0x2a5: {  	[sflag:s26] =	ssyncpa.u1 $0x1  }
0x2a6: {  	v0 =	vld [tilespmem:$0x3648];
	_ =	sdelay $0x4  }
0x2a7: {  	(v2sf) =	vpush v0, $0x0  }
0x2a8: {  	(v2sf) =	vpush v0, $0x1;
	_ =	sdelay $0x1  }
0x2a9: {  	(v2sf) =	vpush v0, $0x2;
	_ =	sdelay $0xb  }
0x2aa: {  	s0 =	spop (v2sf)  }
0x2ab: {  	s2 =	spop (v2sf)  }
0x2ac: {  	s3 =	smov.u32 s0;
	p0 =	sne.s32 s0, s2  }
0x2ad: {  	s4 =	spop (v2sf);
	s3 =	simm.s32 @!p0 $0xFFFFFFFF  }
0x2ae: {  	v2 =	vimm.s32 $0x1;
	v3 =	vlaneseq.u32;
	p0 =	seq.s32 s4, $0xFFFFFFFF;
	v1 =	vmov s3  }
0x2af: {  	s16 =	stileid.u32;
	v0 =	vperm.xlane v0, v2;
	p1 =	sne.s32 @!p0 s0, s2;
	v1 =	vperm.xlane v1, v3  }
0x2b0: {  	vm0 =	vcmask $0x3F04;
	s6 =	simm.s32 $0x3648;
	s0 =	simm.s32 @!p0 $0x1;
	p1 =	por !p1, p0  }
0x2b1: {  	s3 =	sshll.u32 s16, $0x1;
	s2 =	sshll.u32 @!p0 s4, $0x6;
	s0 =	simm.s32 @p1 $0x0;
	v0 =	vsel vm0, v1, v0  }
0x2b2: {  	s5 =	sor.u32 $0x200, s3;
	s2 =	sshra.s32 @!p0 s2, $0x2;
	s0 =	sor.u32 @!p0 s0, s3;
	[tilespmem:$0x3648] =	vst v0  }
0x2b3: {  	[spmem:s5] =	stream.linear.scatter [tilespmem:s6], [sflag:$0x1], $0x2, $0x38;
	[tilespmem:$0x1F0F8] =	vst v63  }
0x2b4: {  	s2 =	sadd.s32 @!p0 $0x28, s2;
	s0 =	sshll.u32 @!p0 s0, $0x4  }
0x2b5: {  	[spmem:s0] =	stream.linear.scatter @!p0 [tilespmem:s2], [sflag:$0x1], $0x10, $0x38;
	[tilespmem:$0x1F0F8] =	vst v63  }
0x2b6: {  	s0 =	simm.s32 @!p0 $0x12  }
0x2b7: {  	s28 =	simm.s32 $0x1;
	s0 =	simm.s32 @p0 $0x2  }
0x2b8: {  	_ =	swait.ge [sflag:s28], s0  }
0x2b9: {  	s0 =	ssub.s32 $0x0, s0;
	[sflag:s28] =	ssyncset.done $0x0  }
0x2ba: {  	p0 =	sne.s32 s16, $0x0;
	[sflag:s28] =	ssyncadd.s32 s0  }
.Ltmp18:
0x2bb: {  	_ =	sfence.stream.spmem;
	(pc) =	sbr.rel @p0 .LBB2_38-.Ltmp18, $4  }
0x2bc: {  	s29 =	simm.s32 $0x3;
	[bflag:$0x0] =	sbarrier.arrive $0xFFFF  }
0x2bd: {  	s30 =	simm.s32 $0x4;
	[sflag:s29] =	ssyncpa.u1 $0x1  }
0x2be: {  	s31 =	simm.s32 $0x3C;
	[sflag:s30] =	ssyncpa.u1 $0x1  }
0x2bf: {  	s17 =	rddreg [dreg:$0x6];
	[sflag:s31] =	ssyncpa.u1 $0x1  }
0x2c0: {  	_ =	sfence.stream.spmem;
	s0 =	simm.s32 $0x5  }
0x2c1: {  	s2 =	simm.s32 $0x200;
	s3 =	simm.s32 $0x3658;
	[sflag:s0] =	ssyncpa.u1 $0x0  }
0x2c2: {  	[tilespmem:s3], [sflag:$0x5] =	stream.linear.gather [spmem:s2], $0x20, $0x38;
	[tilespmem:$0x1F0F8] =	vst v63  }
0x2c3: {  	s26 =	simm.s32 $0x0;
	s28 =	simm.s32 $0x3678  }
0x2c4: {  	[tilespmem:s28], [sflag:$0x5] =	stream.linear.gather [spmem:s26], $0x200, $0x38;
	[tilespmem:$0x1F0F8] =	vst v63  }
0x2c5: {  	_ =	swait.ge [sflag:s0], $0x220  }
0x2c6: {  	[sflag:s0] =	ssyncset.done $0x0  }
0x2c7: {  	s29 =	simm.s32 $0x0;
	[sflag:s0] =	ssyncadd.s32 $0xFFFFFDE0  }
0x2c8: {  	v0 =	vld.msk [tilespmem:s29+$0x3658], $0x1;
	_ =	sdelay $0x1  }
0x2c9: {  	s30 =	simm.s32 $0x1  }
0x2ca: {  	v1 =	vld.msk [tilespmem:s30+$0x3658], $0x1;
	_ =	sdelay $0x1  }
0x2cb: {  	(v2sf) =	vpush v0, $0x0;
	_ =	sdelay $0x2  }
0x2cc: {  	(v2sf) =	vpush v1, $0x0;
	_ =	sdelay $0x2  }
0x2cd: {  	s31 =	simm.s32 $0x2  }
0x2ce: {  	v0 =	vld.msk [tilespmem:s31+$0x3658], $0x1;
	_ =	sdelay $0x2  }
0x2cf: {  	s6 =	simm.s32 $0xFFFFFFFF;
	s2 =	simm.s32 $0xFFFFFFFF;
	s0 =	simm.s32 $0xC  }
.LBB2_23:
0x2d0: {  	s3 =	smov.u32 s6;
	s4 =	smov.u32 s2  }
0x2d1: {  	s2 =	sshra.s32 s0, $0x2;
	p1 =	sne.s32 s0, $0x7C;
	s0 =	sadd.s32 $0x4, s0;
	(v2sf) =	vpush v0, $0x0  }
0x2d2: {  	v0 =	vld.msk [tilespmem:s2+$0x3658], $0x1  }
.Ltmp19:
0x2d3: {  	(pc) =	sbr.rel @p1 .LBB2_23-.Ltmp19, $4  }
0x2d4: {  	s6 =	spop (v2sf)  }
0x2d5: {  	p2 =	sne.s32 s4, $0xFFFFFFFF;
	s2 =	smov.u32 s6  }
0x2d6: {  	p3 =	seq.s32 s6, $0xFFFFFFFF;
	s2 =	smov.u32 @p2 s4  }
0x2d7: {  	s6 =	smov.u32 @p3 s3;
	s2 =	smov.u32 @p3 s4  }
0x2d8: {  	(v2sf) =	vpush v0, $0x0;
	_ =	sdelay $0x8  }
0x2d9: {  	s0 =	spop (v2sf)  }
0x2da: {  	p1 =	sne.s32 s2, $0xFFFFFFFF;
	s3 =	smov.u32 s0  }
0x2db: {  	s9 =	simm.s32 $0x6;
	p2 =	seq.s32 s0, $0xFFFFFFFF;
	s3 =	smov.u32 @p1 s2  }
0x2dc: {  	s10 =	simm.s32 $0x3638;
	s3 =	smov.u32 @p2 s2;
	s2 =	spop (v2sf)  }
0x2dd: {  	s0 =	smov.u32 @p2 s6;
	p1 =	sne.s32 s3, $0xFFFFFFFF;
	s4 =	smov.u32 s2  }
.Ltmp20:
0x2de: {  	p2 =	seq.s32 s2, $0xFFFFFFFF;
	s4 =	smov.u32 @p1 s3;
	(pc) =	sbr.rel .LBB2_25-.Ltmp20, $4  }
0x2df: {  	s11 =	simm.s32 $0x0;
	s4 =	smov.u32 @p2 s3;
	s7 =	spop (v2sf)  }
0x2e0: {  	[sflag:s9] =	ssyncpa.u1 $0x0;
	p1 =	sne.s32 s4, $0xFFFFFFFF;
	s8 =	smov.u32 s7  }
0x2e1: {  	s2 =	smov.u32 @p2 s0;
	p2 =	seq.s32 s7, $0xFFFFFFFF;
	s8 =	smov.u32 @p1 s4  }
0x2e2: {  	s6 =	simm.s32 $0x0;
	s7 =	smov.u32 @p2 s2;
	s8 =	smov.u32 @p2 s4  }
.LBB2_30:
0x2e3: {  	p1 =	sgt.u32 s12, $0x4E1FF  }
0x2e4: {  	p2 =	seq.s32 @!p1 s12, s8  }
0x2e5: {  	p1 =	por p1, p2  }
0x2e6: {  	p2 =	sne.s32 @!p1 s12, s7  }
0x2e7: {  	p1 =	por p1, !p2  }
0x2e8: {  	s0 =	sshll.u32 @p1 s11, $0x6  }
0x2e9: {  	s0 =	sand.u32 @!p1 $0x7FFF8, s12  }
0x2ea: {  	s2 =	sand.u32 @!p1 $0x7, s12;
	s0 =	sadd.s32 @!p1 s1, s0  }
0x2eb: {  	[tilespmem:s10], [sflag:$0x6] =	stream.linear.gather @!p1 [hbm4b:s0+s2], $0x3, $0x38;
	[tilespmem:$0x1F0F8] =	vst v63  }
0x2ec: {  	_ =	swait.ge @!p1 [sflag:s9], $0x3  }
0x2ed: {  	[sflag:s9] =	ssyncset.done @!p1 $0x0  }
0x2ee: {  	[sflag:s9] =	ssyncadd.s32 @!p1 $0xFFFFFFFD  }
0x2ef: {  	v1 =	vld @!p1 [tilespmem:$0x3638];
	_ =	sdelay $0x2  }
0x2f0: {  	s0 =	sshll.u32 @!p1 s11, $0x6  }
0x2f1: {  	s2 =	sshrl.u32 @!p1 s0, $0x2  }
0x2f2: {  	[tilespmem:s2+$0x3678] =	vst.add.f32.msk @!p1 $0xffff, v1  }
0x2f3: {  	s0 =	sshrl.u32 s0, $0x2;
	[tilespmem:s6+$0x3658] =	vst.msk $0x1, v0  }
0x2f4: {  	v0 =	vld [tilespmem:s0+$0x3678];
	_ =	sdelay $0x2  }
0x2f5: {  	s31 =	sshll.u32 s6, $0x6  }
0x2f6: {  	s0 =	sshra.s32 s31, $0x2  }
0x2f7: {  	s6 =	sadd.s32 $0x1, s6;
	[tilespmem:s0+$0x3678] =	vst v0  }
.LBB2_32:
0x2f8: {  	s11 =	sadd.s32 $0x1, s11  }
0x2f9: {  	p1 =	sne.s32 s11, $0x20  }
.Ltmp21:
0x2fa: {  	_ = 	snop;
	(pc) =	sbr.rel @!p1 .LBB2_33-.Ltmp21, $1  }
0x2fb: {  	_ =	sdelay $0x3  }
.LBB2_25:
0x2fc: {  	v0 =	vld.msk [tilespmem:s11+$0x3658], $0x1;
	_ =	sdelay $0x4  }
0x2fd: {  	(v2sf) =	vpush v0, $0x0;
	_ =	sdelay $0xe  }
0x2fe: {  	s12 =	spop (v2sf)  }
0x2ff: {  	p1 =	seq.s32 s12, $0xFFFFFFFF  }
.Ltmp22:
0x300: {  	_ = 	snop;
	(pc) =	sbr.rel @p1 .LBB2_32-.Ltmp22, $1  }
0x301: {  	_ =	sdelay $0x3  }
0x302: {  	p1 =	slt.s32 s6, $0x1  }
.Ltmp23:
0x303: {  	_ = 	snop;
	(pc) =	sbr.rel @p1 .LBB2_30-.Ltmp23, $1  }
0x304: {  	_ =	sdelay $0x3  }
0x305: {  	s13 =	simm.s32 $0x3658;
	p1 =	por $0x0, $0x0  }
0x306: {  	v1 =	vld.msk @!p1 [tilespmem:s13+$0x0], $0x1;
	_ =	sdelay $0x4  }
0x307: {  	(v2sf) =	vpush @!p1 v1, $0x0;
	_ =	sdelay $0xd  }
0x308: {  	p3 =	sne.s32 s6, $0x1  }
.Ltmp24:
0x309: {  	s0 =	spop @!p1 (v2sf);
	(pc) =	sbr.rel @!p3 .LBB2_29-.Ltmp24, $4  }
0x30a: {  	p2 =	seq.s32 @!p1 s12, s0  }
0x30b: {  	s14 =	simm.s32 $0x0;
	p2 =	por !p2, p1  }
0x30c: {  	s0 =	simm.s32 $0xFFFFFFFF;
	s14 =	simm.s32 @p2 $0xFFFFFFFF  }
0x30d: {  	s15 =	simm.s32 $0x1;
	s14 =	smov.u32 @p1 s0  }
.LBB2_28:
0x30e: {  	s0 =	smov.u32 s14;
	p1 =	sne.s32 s14, $0xFFFFFFFF  }
0x30f: {  	s13 =	sadd.s32 $0x1, s13;
	s14 =	smov.u32 s15;
	s15 =	sadd.s32 $0x1, s15  }
0x310: {  	p2 =	sne.s32 s6, s15;
	v1 =	vld.msk @!p1 [tilespmem:s13+$0x0], $0x1;
	_ =	sdelay $0x4  }
0x311: {  	(v2sf) =	vpush @!p1 v1, $0x0;
	_ =	sdelay $0xe  }
.Ltmp25:
0x312: {  	s2 =	spop @!p1 (v2sf);
	(pc) =	sbr.rel @p2 .LBB2_28-.Ltmp25, $4  }
0x313: {  	p3 =	seq.s32 @!p1 s12, s2  }
0x314: {  	p3 =	por !p3, p1  }
0x315: {  	s14 =	simm.s32 @p3 $0xFFFFFFFF  }
0x316: {  	s14 =	smov.u32 @p1 s0  }
.LBB2_29:
0x317: {  	p1 =	sne.s32 s14, $0xFFFFFFFF  }
.Ltmp26:
0x318: {  	_ = 	snop;
	(pc) =	sbr.rel @!p1 .LBB2_30-.Ltmp26, $1  }
0x319: {  	_ =	sdelay $0x3  }
0x31a: {  	s0 =	sshll.u32 s11, $0x4  }
0x31b: {  	s0 =	sand.u32 $0x3FFFFFF0, s0  }
0x31c: {  	v0 =	vld [tilespmem:s0+$0x3678]  }
.Ltmp27:
0x31d: {  	_ = 	snop;
	(pc) =	sbr.rel .LBB2_32-.Ltmp27, $4  }
0x31e: {  	_ = 	snop  }
0x31f: {  	s31 =	sshll.u32 s14, $0x6  }
0x320: {  	s0 =	sshra.s32 s31, $0x2  }
0x321: {  	[tilespmem:s0+$0x3678] =	vst.add.f32.msk $0xffff, v0  }
.LBB2_33:
0x322: {  	s0 =	simm.s32 $0x6;
	p1 =	seq.s32 s6, $0x0  }
0x323: {  	[sflag:s0] =	ssyncpa.u1 $0x1;
	v0 =	vimm.s32 @p1 $0xFFFFFFFF  }
0x324: {  	s9 =	sadd.s32 $0xFFFFFFFF, s6;
	[tilespmem:$0x3878] =	vst @p1 v0  }
0x325: {  	v0 =	vld.msk @!p1 [tilespmem:s9+$0x3658], $0x1;
	_ =	sdelay $0x1  }
0x326: {  	v1 =	vld.msk @!p1 [tilespmem:$0x3658], $0x1;
	_ =	sdelay $0x2  }
0x327: {  	p2 =	seq.s32 @!p1 s9, $0x0;
	v0 =	vbroadcast @!p1 v0, $0x0  }
0x328: {  	vm0 =	vmmov @!p1 $0x1;
	p2 =	por !p2, p1  }
0x329: {  	v1 =	vnsel @!p1 vm0, $0xFFFFFFFF, v1;
	vm0 =	vcmask @!p1 $0x308;
	v0 =	vpsel !p2, $0xFFFFFFFF, v0  }
0x32a: {  	p2 =	sne.s32 @!p1 s8, s7;
	v0 =	vsel @!p1 vm0, v1, v0  }
0x32b: {  	s0 =	simm.s32 @!p1 $0x3678;
	s2 =	simm.s32 @!p1 $0x0;
	p3 =	por !p2, p1;
	[tilespmem:$0x3878] =	vst @!p1 v0  }
0x32c: {  	[spmem:s2] =	stream.linear.scatter @!p1 [tilespmem:s0], [sflag:$0x1], $0x10, $0x38;
	[tilespmem:$0x1F0F8] =	vst v63  }
0x32d: {  	s0 =	sshll.u32 @!p3 s9, $0x6  }
0x32e: {  	s0 =	sshra.s32 @!p3 s0, $0x2  }
0x32f: {  	s2 =	simm.s32 @!p3 $0x10;
	s0 =	sadd.s32 @!p3 $0x3678, s0  }
0x330: {  	[spmem:s2] =	stream.linear.scatter @!p3 [tilespmem:s0], [sflag:$0x1], $0x10, $0x38;
	[tilespmem:$0x1F0F8] =	vst v63  }
0x331: {  	s0 =	simm.s32 @!p3 $0x1  }
0x332: {  	_ =	swait.ge @!p3 [sflag:s0], $0x20  }
0x333: {  	p1 =	por p2, p1;
	[sflag:s0] =	ssyncset.done @!p3 $0x0  }
0x334: {  	[sflag:s0] =	ssyncadd.s32 @!p3 $0xFFFFFFE0;
	s0 =	simm.s32 @!p1 $0x1  }
0x335: {  	_ =	swait.ge @!p1 [sflag:s0], $0x10  }
0x336: {  	s29 =	simm.s32 $0x3878;
	[sflag:s0] =	ssyncset.done @!p1 $0x0  }
0x337: {  	s30 =	simm.s32 $0x200;
	s31 =	simm.s32 $0x1;
	[sflag:s0] =	ssyncadd.s32 @!p1 $0xFFFFFFF0  }
0x338: {  	[spmem:s30] =	stream.linear.scatter [tilespmem:s29], [sflag:$0x1], $0x10, $0x38;
	[tilespmem:$0x1F0F8] =	vst v63  }
0x339: {  	_ =	swait.ge [sflag:s31], $0x10  }
0x33a: {  	[sflag:s31] =	ssyncset.done $0x0  }
0x33b: {  	p1 =	seq.s32 s17, $0x0;
	s8 =	rddreg [dreg:$0x2];
	[sflag:s31] =	ssyncadd.s32 $0xFFFFFFF0  }
0x33c: {  	s2 =	sshll.u32 @p1 s8, $0xE;
	s7 =	rddreg [dreg:$0x3]  }
0x33d: {  	s0 =	sadd.s32 @p1 $0x15C3C, s2;
	s2 =	sshll.u32 @p1 s7, $0x11  }
0x33e: {  	_ =	sfence.stream.spmem;
	s0 =	sor.u32 @p1 s2, s0  }
0x33f: {  	[sflag:s0] =	ssyncadd.remote.s32 @p1 $0x1;
	s0 =	simm.s32 @p1 $0x4  }
0x340: {  	s3 =	simm.s32 @!p1 $0x3C;
	s2 =	sand.u32 $0xFFFFFFFE, s8;
	_ =	swait.ge @p1 [sflag:s0], $0x6  }
0x341: {  	s4 =	simm.s32 @!p1 $0x0;
	s2 =	sadd.s32 @!p1 $0x4, s2;
	[sflag:s0] =	ssyncset.done @p1 $0x0  }
0x342: {  	s5 =	simm.s32 @!p1 $0x20;
	[sflag:s0] =	ssyncadd.s32 @p1 $0xFFFFFFFA;
	s0 =	sshll.u32 @!p1 s2, $0x1A  }
0x343: {  	s2 =	sshll.u32 @!p1 s2, $0xD;
	s0 =	sor.u32 @!p1 s0, s7;
	_ =	swait.eq @!p1 [sflag:s3], $0x1  }
0x344: {  	s2 =	sor.u32 @!p1 $0x1C04, s2;
	s3 =	simm.s32 @!p1 $0x1C03;
	s0 =	sor.u32 @!p1 $0x80004000, s0  }
0x345: {  	[spmem:s5], [sflag:s2] =	dma.general @!p1 [spmem:s4], [sflag:s3], length:$0x4, [dreg:$0x0], stride_count:$0x0, ici_dest:s0, dma_misc:DstOpCode:WRITE  }
0x346: {  	p2 =	slt.s32 s9, $0x2;
	s4 =	simm.s32 @!p1 $0x40;
	s5 =	simm.s32 @!p1 $0x42  }
0x347: {  	[spmem:s5], [sflag:s2] =	dma.general @!p1 [spmem:s4], [sflag:s3], length:$0x2, [dreg:$0x0], stride_count:$0x0, ici_dest:s0, dma_misc:DstOpCode:WRITE  }
.Ltmp28:
0x348: {  	s0 =	simm.s32 @!p1 $0x3;
	(pc) =	sbr.rel @p2 .LBB2_37-.Ltmp28, $4  }
0x349: {  	s2 =	sshll.u32 @!p1 s8, $0xE;
	_ =	swait.ge @!p1 [sflag:s0], $0x6  }
0x34a: {  	s3 =	sshll.u32 @!p1 s7, $0x11;
	s2 =	sadd.s32 @!p1 $0x11C3C, s2;
	[sflag:s0] =	ssyncset.done @!p1 $0x0  }
0x34b: {  	[sflag:s0] =	ssyncadd.s32 @!p1 $0xFFFFFFFA;
	s0 =	sor.u32 @!p1 s3, s2  }
0x34c: {  	[sflag:s0] =	ssyncadd.remote.s32 @!p1 $0xFFFFFFFF;
	s0 =	simm.s32 $0x0  }
0x34d: {  	s0 =	simm.s32 $0x3659  }
0x34e: {  	v0 =	vld.msk [tilespmem:s0+$0x0], $0x1;
	_ =	sdelay $0x4  }
0x34f: {  	(v2sf) =	vpush v0, $0x0;
	_ =	sdelay $0xd  }
0x350: {  	s3 =	sadd.s32 $0xFFFFFFFE, s6  }
0x351: {  	s3 =	sadd.s32 $0xFFFFFFFF, s3;
	s0 =	spop (v2sf)  }
0x352: {  	p2 =	sne.s32 s3, $0x0;
	p1 =	sgt.u32 s0, $0x4E1FF  }
.Ltmp29:
0x353: {  	s4 =	sand.u32 @!p1 $0x7FFF8, s0;
	(pc) =	sbr.rel @!p2 .LBB2_36-.Ltmp29, $4  }
0x354: {  	s2 =	simm.s32 $0x3688;
	s0 =	sand.u32 @!p1 $0x7, s0;
	s4 =	sadd.s32 @!p1 s1, s4  }
0x355: {  	[hbm4b:s4+s0] =	stream.linear.scatter @!p1 [tilespmem:s2], [sflag:$0x5], $0x3, $0x38;
	[tilespmem:$0x1F0F8] =	vst v63  }
0x356: {  	s0 =	simm.s32 $0x0  }
0x357: {  	s6 =	simm.s32 $0x0;
	s7 =	simm.s32 $0x365A;
	s0 =	simm.s32 @!p1 $0xC  }
.LBB2_35:
0x358: {  	v0 =	vld.msk [tilespmem:s7+$0x0], $0x1;
	s3 =	sadd.s32 $0xFFFFFFFF, s3;
	s6 =	sadd.s32 s6, s0  }
0x359: {  	p1 =	sne.s32 s3, $0x0;
	_ =	sdelay $0x3  }
0x35a: {  	(v2sf) =	vpush v0, $0x0;
	_ =	sdelay $0xe  }
.Ltmp30:
0x35b: {  	s4 =	spop (v2sf);
	(pc) =	sbr.rel @p1 .LBB2_35-.Ltmp30, $4  }
0x35c: {  	s0 =	simm.s32 $0x0;
	p2 =	sgt.u32 s4, $0x4E1FF  }
0x35d: {  	s2 =	sadd.s32 $0x10, s2;
	s0 =	simm.s32 @!p2 $0xC;
	s5 =	sand.u32 @!p2 $0x7FFF8, s4  }
0x35e: {  	s7 =	sadd.s32 $0x1, s7;
	s4 =	sand.u32 @!p2 $0x7, s4;
	s5 =	sadd.s32 @!p2 s1, s5  }
0x35f: {  	[hbm4b:s5+s4] =	stream.linear.scatter @!p2 [tilespmem:s2], [sflag:$0x5], $0x3, $0x38;
	[tilespmem:$0x1F0F8] =	vst v63  }
.LBB2_36:
0x360: {  	s0 =	sadd.s32 s6, s0  }
0x361: {  	s0 =	sshrl.u32 s0, $0x2  }
.LBB2_37:
0x362: {  	s2 =	simm.s32 $0x5  }
0x363: {  	_ =	swait.ge [sflag:s2], s0  }
0x364: {  	s31 =	ssub.s32 $0x0, s0;
	[sflag:s2] =	ssyncset.done $0x0  }
0x365: {  	[sflag:s2] =	ssyncadd.s32 s31  }
0x366: {  	[sflag:s2] =	ssyncpa.u1 $0x1  }
.LBB2_38:
0x367: {  	s0 =	sor.u32 s17, s16  }
0x368: {  	p1 =	sne.s32 s0, $0x0  }
.Ltmp31:
0x369: {  	_ = 	snop;
	(pc) =	sbr.rel @p1 .LBB2_53-.Ltmp31, $3  }
0x36a: {  	_ =	sdelay $0x1  }
0x36b: {  	[bflag:$0x0] =	sbarrier.arrive $0xFFFF  }
0x36c: {  	_ =	sfence  }
0x36d: {  	s0 =	simm.s32 $0x7  }
0x36e: {  	s2 =	simm.s32 $0x200;
	s3 =	simm.s32 $0x3658;
	[sflag:s0] =	ssyncpa.u1 $0x0  }
0x36f: {  	[tilespmem:s3], [sflag:$0x7] =	stream.linear.gather [spmem:s2], $0x20, $0x38;
	[tilespmem:$0x1F0F8] =	vst v63  }
0x370: {  	s30 =	simm.s32 $0x3678;
	s2 =	simm.s32 $0x0  }
0x371: {  	[tilespmem:s30], [sflag:$0x7] =	stream.linear.gather [spmem:s2], $0x200, $0x38;
	[tilespmem:$0x1F0F8] =	vst v63  }
.Ltmp32:
0x372: {  	_ = 	snop;
	(pc) =	sbr.rel .LBB2_40-.Ltmp32, $4  }
0x373: {  	_ =	swait.ge [sflag:s0], $0x220  }
0x374: {  	[sflag:s0] =	ssyncset.done $0x0  }
0x375: {  	s31 =	simm.s32 $0x8;
	[sflag:s0] =	ssyncadd.s32 $0xFFFFFDE0  }
0x376: {  	s3 =	simm.s32 $0x0;
	[sflag:s31] =	ssyncpa.u1 $0x0  }
.LBB2_45:
0x377: {  	p1 =	slt.u32 s4, $0x4E200  }
0x378: {  	s0 =	sand.u32 @p1 $0x7FFF8, s4  }
0x379: {  	s4 =	sand.u32 @p1 $0x7, s4;
	s5 =	simm.s32 @p1 $0x3638;
	s0 =	sadd.s32 @p1 s1, s0  }
0x37a: {  	[tilespmem:s5], [sflag:$0x8] =	stream.linear.gather @p1 [hbm4b:s0+s4], $0x3, $0x38;
	[tilespmem:$0x1F0F8] =	vst v63  }
0x37b: {  	s0 =	simm.s32 @p1 $0x8  }
0x37c: {  	_ =	swait.ge @p1 [sflag:s0], $0x3  }
0x37d: {  	[sflag:s0] =	ssyncset.done @p1 $0x0  }
0x37e: {  	[sflag:s0] =	ssyncadd.s32 @p1 $0xFFFFFFFD  }
0x37f: {  	v1 =	vld @p1 [tilespmem:$0x3638];
	_ =	sdelay $0x2  }
0x380: {  	s0 =	sshll.u32 @p1 s3, $0x6  }
0x381: {  	s5 =	sshll.u32 @!p1 s3, $0x6;
	s4 =	sshrl.u32 @p1 s0, $0x2  }
0x382: {  	s5 =	smov.u32 @p1 s0;
	[tilespmem:s4+$0x3678] =	vst.add.f32.msk @p1 $0xffff, v1  }
0x383: {  	s0 =	sshrl.u32 s5, $0x2;
	[tilespmem:s2+$0x3658] =	vst.msk $0x1, v0  }
0x384: {  	v0 =	vld [tilespmem:s0+$0x3678];
	_ =	sdelay $0x2  }
0x385: {  	s31 =	sshll.u32 s2, $0x6  }
0x386: {  	s0 =	sshra.s32 s31, $0x2  }
0x387: {  	s2 =	sadd.s32 $0x1, s2;
	[tilespmem:s0+$0x3678] =	vst v0  }
.LBB2_47:
0x388: {  	s3 =	sadd.s32 $0x1, s3  }
0x389: {  	p1 =	sne.s32 s3, $0x20  }
.Ltmp33:
0x38a: {  	_ = 	snop;
	(pc) =	sbr.rel @!p1 .LBB2_48-.Ltmp33, $1  }
0x38b: {  	_ =	sdelay $0x3  }
.LBB2_40:
0x38c: {  	v0 =	vld.msk [tilespmem:s3+$0x3658], $0x1;
	_ =	sdelay $0x4  }
0x38d: {  	(v2sf) =	vpush v0, $0x0;
	_ =	sdelay $0xe  }
0x38e: {  	s4 =	spop (v2sf)  }
0x38f: {  	p1 =	seq.s32 s4, $0xFFFFFFFF  }
.Ltmp34:
0x390: {  	_ = 	snop;
	(pc) =	sbr.rel @p1 .LBB2_47-.Ltmp34, $1  }
0x391: {  	_ =	sdelay $0x3  }
0x392: {  	p1 =	slt.s32 s2, $0x1  }
.Ltmp35:
0x393: {  	_ = 	snop;
	(pc) =	sbr.rel @p1 .LBB2_45-.Ltmp35, $1  }
0x394: {  	_ =	sdelay $0x3  }
0x395: {  	s5 =	simm.s32 $0x3658;
	p1 =	por $0x0, $0x0  }
0x396: {  	v1 =	vld.msk @!p1 [tilespmem:s5+$0x0], $0x1;
	_ =	sdelay $0x4  }
0x397: {  	(v2sf) =	vpush @!p1 v1, $0x0;
	_ =	sdelay $0xd  }
0x398: {  	p3 =	sne.s32 s2, $0x1  }
.Ltmp36:
0x399: {  	s0 =	spop @!p1 (v2sf);
	(pc) =	sbr.rel @!p3 .LBB2_44-.Ltmp36, $4  }
0x39a: {  	p2 =	seq.s32 @!p1 s4, s0  }
0x39b: {  	s6 =	simm.s32 $0x0;
	p2 =	por !p2, p1  }
0x39c: {  	s0 =	simm.s32 $0xFFFFFFFF;
	s6 =	simm.s32 @p2 $0xFFFFFFFF  }
0x39d: {  	s7 =	simm.s32 $0x1;
	s6 =	smov.u32 @p1 s0  }
.LBB2_43:
0x39e: {  	s0 =	smov.u32 s6;
	p1 =	sne.s32 s6, $0xFFFFFFFF  }
0x39f: {  	s5 =	sadd.s32 $0x1, s5;
	s6 =	smov.u32 s7;
	s7 =	sadd.s32 $0x1, s7  }
0x3a0: {  	p2 =	sne.s32 s2, s7;
	v1 =	vld.msk @!p1 [tilespmem:s5+$0x0], $0x1;
	_ =	sdelay $0x4  }
0x3a1: {  	(v2sf) =	vpush @!p1 v1, $0x0;
	_ =	sdelay $0xe  }
.Ltmp37:
0x3a2: {  	s8 =	spop @!p1 (v2sf);
	(pc) =	sbr.rel @p2 .LBB2_43-.Ltmp37, $4  }
0x3a3: {  	p3 =	seq.s32 @!p1 s4, s8  }
0x3a4: {  	p3 =	por !p3, p1  }
0x3a5: {  	s6 =	simm.s32 @p3 $0xFFFFFFFF  }
0x3a6: {  	s6 =	smov.u32 @p1 s0  }
.LBB2_44:
0x3a7: {  	p1 =	sne.s32 s6, $0xFFFFFFFF  }
.Ltmp38:
0x3a8: {  	_ = 	snop;
	(pc) =	sbr.rel @!p1 .LBB2_45-.Ltmp38, $1  }
0x3a9: {  	_ =	sdelay $0x3  }
0x3aa: {  	s0 =	sshll.u32 s3, $0x4  }
0x3ab: {  	s0 =	sand.u32 $0x3FFFFFF0, s0  }
0x3ac: {  	v0 =	vld [tilespmem:s0+$0x3678]  }
.Ltmp39:
0x3ad: {  	_ = 	snop;
	(pc) =	sbr.rel .LBB2_47-.Ltmp39, $4  }
0x3ae: {  	_ = 	snop  }
0x3af: {  	s31 =	sshll.u32 s6, $0x6  }
0x3b0: {  	s0 =	sshra.s32 s31, $0x2  }
0x3b1: {  	[tilespmem:s0+$0x3678] =	vst.add.f32.msk $0xffff, v0  }
.LBB2_48:
0x3b2: {  	p1 =	slt.s32 s2, $0x1  }
.Ltmp40:
0x3b3: {  	_ = 	snop;
	(pc) =	sbr.rel @p1 .LBB2_52-.Ltmp40, $3  }
0x3b4: {  	_ =	sdelay $0x1  }
0x3b5: {  	s0 =	simm.s32 $0x8  }
0x3b6: {  	s3 =	simm.s32 $0x0;
	[sflag:s0] =	ssyncpa.u1 $0x1  }
0x3b7: {  	s0 =	simm.s32 $0x3658  }
0x3b8: {  	v0 =	vld.msk [tilespmem:s0+$0x0], $0x1;
	_ =	sdelay $0x4  }
0x3b9: {  	(v2sf) =	vpush v0, $0x0;
	_ =	sdelay $0xe  }
0x3ba: {  	s2 =	sadd.s32 $0xFFFFFFFF, s2;
	s0 =	spop (v2sf)  }
0x3bb: {  	p2 =	sne.s32 s2, $0x0;
	p1 =	sgt.u32 s0, $0x4E1FF  }
.Ltmp41:
0x3bc: {  	s5 =	sand.u32 @!p1 $0x7FFF8, s0;
	(pc) =	sbr.rel @!p2 .LBB2_51-.Ltmp41, $4  }
0x3bd: {  	s4 =	simm.s32 $0x3678;
	s0 =	sand.u32 @!p1 $0x7, s0;
	s5 =	sadd.s32 @!p1 s1, s5  }
0x3be: {  	[hbm4b:s5+s0] =	stream.linear.scatter @!p1 [tilespmem:s4], [sflag:$0x7], $0x3, $0x38;
	[tilespmem:$0x1F0F8] =	vst v63  }
0x3bf: {  	s0 =	simm.s32 $0x0  }
0x3c0: {  	s5 =	simm.s32 $0x3659;
	s0 =	simm.s32 @!p1 $0xC  }
.LBB2_50:
0x3c1: {  	v0 =	vld.msk [tilespmem:s5+$0x0], $0x1;
	s2 =	sadd.s32 $0xFFFFFFFF, s2;
	s3 =	sadd.s32 s3, s0  }
0x3c2: {  	p1 =	sne.s32 s2, $0x0;
	_ =	sdelay $0x3  }
0x3c3: {  	(v2sf) =	vpush v0, $0x0;
	_ =	sdelay $0xe  }
.Ltmp42:
0x3c4: {  	s6 =	spop (v2sf);
	(pc) =	sbr.rel @p1 .LBB2_50-.Ltmp42, $4  }
0x3c5: {  	s0 =	simm.s32 $0x0;
	p2 =	sgt.u32 s6, $0x4E1FF  }
0x3c6: {  	s4 =	sadd.s32 $0x10, s4;
	s0 =	simm.s32 @!p2 $0xC;
	s7 =	sand.u32 @!p2 $0x7FFF8, s6  }
0x3c7: {  	s5 =	sadd.s32 $0x1, s5;
	s6 =	sand.u32 @!p2 $0x7, s6;
	s7 =	sadd.s32 @!p2 s1, s7  }
0x3c8: {  	[hbm4b:s7+s6] =	stream.linear.scatter @!p2 [tilespmem:s4], [sflag:$0x7], $0x3, $0x38;
	[tilespmem:$0x1F0F8] =	vst v63  }
.LBB2_51:
0x3c9: {  	s0 =	sadd.s32 s3, s0  }
0x3ca: {  	s3 =	sshrl.u32 s0, $0x2  }
.LBB2_52:
0x3cb: {  	s0 =	simm.s32 $0x7  }
0x3cc: {  	_ =	swait.ge [sflag:s0], s3  }
0x3cd: {  	s1 =	ssub.s32 $0x0, s3;
	[sflag:s0] =	ssyncset.done $0x0  }
0x3ce: {  	[sflag:s0] =	ssyncadd.s32 s1  }
0x3cf: {  	[sflag:s0] =	ssyncpa.u1 $0x1  }
.LBB2_53:
0x3d0: {  	_ =	sfence;
	s0 =	simm.s32 $0x1  }
0x3d1: {  	[sflag:s0] =	ssyncpa.u1 $0x1  }
0x3d2: {  	_ =	strace $0x9000004A  }
0x3d3: {  	[bflag:$0x2] =	sbarrier.arrive $0xFFFF  }
0x3d4: {  	s0 =	rddreg [dreg:$0x4]  }
0x3d5: {  	s0 =	sadd.s32 @!p0 $0x100000, s0  }
0x3d6: {  	[sflag:s0] =	ssyncadd.tile.s32 @!p0 $0x1;
	_ =	shalt  }
.Lfunc_end2:
_tile_overlayer_lowered:
.L_overlay_start_2:
0x3d7: {  	(tag) =	ssettag $0x2  }
0x3d8: {  	s0 =	rddreg [dreg:$0x0];
	s2 =	stileid.u32  }
0x3d9: {  	s1 =	rddreg [dreg:$0x1];
	p0 =	sne.s32 s2, $0x0  }
0x3da: {  	s3 =	rddreg [dreg:$0x2];
	[bflag:$0x3] =	sbarrier.arrive $0xFFFF;
	s2 =	simm.s32 @!p0 $0x1C01  }
0x3db: {  	[timem:s3], [sflag:s2] =	dma.local @!p0 [hbm:s0], s1  }
0x3dc: {  	s0 =	simm.s32 @!p0 $0x1  }
0x3dd: {  	_ =	swait.ge @!p0 [sflag:s0], s1  }
0x3de: {  	s1 =	ssub.s32 @!p0 $0x0, s1;
	[sflag:s0] =	ssyncset.done @!p0 $0x0  }
0x3df: {  	[sflag:s0] =	ssyncadd.s32 @!p0 s1  }
0x3e0: {  	[bflag:$0x3] =	sbarrier.arrive $0xFFFF  }
0x3e1: {  	_ =	shalt  }

// kernel: scatter_offload_async_start.2
scs
__scs_entry_jumppad:
0x0: {  	(pc) =	sbr.rel $0x88, $3  }
0x1: {  	(tag) =	ssettag $0x0;
	lr =	simm.s32 $0x1  }
0x2: {  	[smem:$0x3F92] =	sst lr;
	_ =	strace $0xD0000000  }
0x3: {  	_ = 	snop  }
0x4: {  	_ = 	snop  }
0x5: {  	_ = 	snop  }
0x6: {  	_ = 	snop  }
0x7: {  	_ = 	snop  }
__scs_overlays_trampoline_lowered:
0x8: {  	[smem:$0x3FA1] =	sst s0  }
0x9: {  	[smem:$0x3FA2] =	sst s1  }
0xa: {  	[smem:$0x3FA3] =	sst s2  }
0xb: {  	[smem:$0x3FA4] =	sst s3  }
0xc: {  	[smem:$0x3FA5] =	sst s4  }
0xd: {  	[smem:$0x3FA6] =	sst s5  }
0xe: {  	[smem:$0x3FA7] =	sst s6  }
0xf: {  	[smem:$0x3FA8] =	sst s7  }
0x10: {  	[smem:$0x3FA9] =	sst s8  }
0x11: {  	[smem:$0x3FAA] =	sst s9;
	s0 =	simm.s32 @!p0 $0x0  }
0x12: {  	s1 =	sld [smem:$0x3F90];
	s0 =	simm.s32 @p0 $0x1  }
0x13: {  	[smem:$0x3FAB] =	sst s0;
	s0 =	simm.s32 @!p1 $0x0  }
0x14: {  	s2 =	sld [smem:$0x3F8F];
	s0 =	simm.s32 @p1 $0x1  }
0x15: {  	[smem:$0x3FAC] =	sst s0;
	s0 =	simm.s32 @!p2 $0x0  }
0x16: {  	s3 =	sld [smem:$0x3FDB];
	s0 =	simm.s32 @p2 $0x1  }
0x17: {  	s4 =	simm.s32 $0x1BF5;
	[smem:$0x3FAE] =	sst s0  }
0x18: {  	s0 =	sld [smem:$0x3F91];
	_ =	swait.ge [sflag:s4], $0x0  }
0x19: {  	s7 =	sld [smem:$0x3F92]  }
0x1a: {  	s8 =	sadd.s32 $0xFFFFE003, lr  }
0x1b: {  	s9 =	sadd.s32 $0xFFFFFEF7, lr;
	s5 =	simm.s32 $0xFFFFFFFF;
	p2 =	slt.u32 s8, $0xFFFFF086  }
0x1c: {  	p1 =	slt.u32 s9, $0xF7A;
	s5 =	simm.s32 @!p2 $0x0  }
0x1d: {  	s5 =	simm.s32 @p1 $0x1;
	p0 =	seq.s32 s7, s2  }
0x1e: {  	s7 =	smul.u32 @!p0 $0xF7A, s2;
	p2 =	seq.s32 @!p0 s5, $0x0  }
0x1f: {  	s9 =	smul.u32 $0xF7A, s1;
	s8 =	simm.s32 @!p0 $0x1BF5;
	p2 =	por !p2, p0  }
0x20: {  	[sflag:s8] =	ssyncset.s32 @!p0 $0xFFFFF086;
	s6 =	sadd.s32 @!p0 s3, s7;
	s7 =	simm.s32 @!p0 $0x108  }
0x21: {  	s3 =	sadd.s32 s3, s9;
	s6 =	sadd.s32 @!p0 $0x88, s6;
	s7 =	simm.s32 @p2 $0x1082  }
0x22: {  	[simem:s7], [sflag:s8] =	dma.local @!p0 [hbm:s6], $0xF7A  }
0x23: {  	s9 =	sor.u32 $0xD0000000, s2;
	s6 =	simm.s32 $0x108;
	_ =	swait.ge @!p0 [sflag:s8], $0x0  }
0x24: {  	s3 =	sadd.s32 $0x88, s3;
	s6 =	simm.s32 @!p1 $0x1082;
	[sflag:s4] =	ssyncset.s32 $0xFFFFF086  }
0x25: {  	[simem:s6], [sflag:s4] =	dma.local [hbm:s3], $0xF7A  }
0x26: {  	[smem:$0x3F92] =	sst s1;
	(tag) =	ssettag s2;
	_ =	strace s9  }
0x27: {  	s1 =	sld [smem:$0x3FA2]  }
0x28: {  	s2 =	sld [smem:$0x3FA3]  }
0x29: {  	s4 =	sld [smem:$0x3FA5]  }
0x2a: {  	p0 =	seq.s32 s5, $0x0;
	s5 =	sld [smem:$0x3FA6]  }
0x2b: {  	s6 =	sld [smem:$0x3FA7]  }
0x2c: {  	s7 =	sld [smem:$0x3FA8]  }
0x2d: {  	s3 =	simm.s32 $0x108;
	s8 =	sld [smem:$0x3FA9]  }
0x2e: {  	s3 =	simm.s32 @!p0 $0x1082;
	s9 =	sld [smem:$0x3FAA]  }
0x2f: {  	lr =	sadd.s32 s0, s3;
	s0 =	sld [smem:$0x3FA1]  }
0x30: {  	s3 =	sld [smem:$0x3FA4]  }
0x31: {  	[smem:$0x3FAD] =	sst s10  }
0x32: {  	s10 =	sld [smem:$0x3FAB];
	_ =	sdelay $0x3  }
0x33: {  	p0 =	seq.s32 s10, $0x1;
	s10 =	sld [smem:$0x3FAD];
	_ =	sdelay $0x3  }
0x34: {  	[smem:$0x3FAD] =	sst s10  }
0x35: {  	s10 =	sld [smem:$0x3FAC];
	_ =	sdelay $0x3  }
0x36: {  	p1 =	seq.s32 s10, $0x1;
	s10 =	sld [smem:$0x3FAD];
	_ =	sdelay $0x3  }
0x37: {  	[smem:$0x3FAD] =	sst s10  }
0x38: {  	s10 =	sld [smem:$0x3FAE]  }
0x39: {  	_ = 	snop;
	(pc) =	sbr.ind lr, $3  }
0x3a: {  	_ = 	snop  }
0x3b: {  	_ = 	snop  }
0x3c: {  	p2 =	seq.s32 s10, $0x1;
	s10 =	sld [smem:$0x3FAD]  }
0x3d: {  	_ =	shalt  }
0x3e: {  	_ =	shalt  }
0x3f: {  	_ =	shalt  }
0x40: {  	_ =	shalt  }
0x41: {  	_ =	shalt  }
0x42: {  	_ =	shalt  }
0x43: {  	_ =	shalt  }
0x44: {  	_ =	shalt  }
0x45: {  	_ =	shalt  }
0x46: {  	_ =	shalt  }
0x47: {  	_ =	shalt  }
0x48: {  	_ =	shalt  }
0x49: {  	_ =	shalt  }
0x4a: {  	_ =	shalt  }
0x4b: {  	_ =	shalt  }
0x4c: {  	_ =	shalt  }
0x4d: {  	_ =	shalt  }
0x4e: {  	_ =	shalt  }
0x4f: {  	_ =	shalt  }
0x50: {  	_ =	shalt  }
0x51: {  	_ =	shalt  }
0x52: {  	_ =	shalt  }
0x53: {  	_ =	shalt  }
0x54: {  	_ =	shalt  }
0x55: {  	_ =	shalt  }
0x56: {  	_ =	shalt  }
0x57: {  	_ =	shalt  }
0x58: {  	_ =	shalt  }
0x59: {  	_ =	shalt  }
0x5a: {  	_ =	shalt  }
0x5b: {  	_ =	shalt  }
0x5c: {  	_ =	shalt  }
0x5d: {  	_ =	shalt  }
0x5e: {  	_ =	shalt  }
0x5f: {  	_ =	shalt  }
0x60: {  	_ =	shalt  }
0x61: {  	_ =	shalt  }
0x62: {  	_ =	shalt  }
0x63: {  	_ =	shalt  }
0x64: {  	_ =	shalt  }
0x65: {  	_ =	shalt  }
0x66: {  	_ =	shalt  }
0x67: {  	_ =	shalt  }
0x68: {  	_ =	shalt  }
0x69: {  	_ =	shalt  }
0x6a: {  	_ =	shalt  }
0x6b: {  	_ =	shalt  }
0x6c: {  	_ =	shalt  }
0x6d: {  	_ =	shalt  }
0x6e: {  	_ =	shalt  }
0x6f: {  	_ =	shalt  }
0x70: {  	_ =	shalt  }
0x71: {  	_ =	shalt  }
0x72: {  	_ =	shalt  }
0x73: {  	_ =	shalt  }
0x74: {  	_ =	shalt  }
0x75: {  	_ =	shalt  }
0x76: {  	_ =	shalt  }
0x77: {  	_ =	shalt  }
0x78: {  	_ =	shalt  }
0x79: {  	_ =	shalt  }
0x7a: {  	_ =	shalt  }
0x7b: {  	_ =	shalt  }
0x7c: {  	_ =	shalt  }
0x7d: {  	_ =	shalt  }
0x7e: {  	_ =	shalt  }
0x7f: {  	_ =	shalt  }
0x80: {  	_ =	shalt  }
0x81: {  	_ =	shalt  }
0x82: {  	_ =	shalt  }
0x83: {  	_ =	shalt  }
0x84: {  	_ =	shalt  }
0x85: {  	_ =	shalt  }
0x86: {  	_ =	shalt  }
0x87: {  	_ =	shalt  }
.Lfunc_end0:
.L_simem_size_0:
called_computation.2_lowered:
.L_overlay_start_0:
0x88: {  	s2 =	sld [smem:$0x3FD9]  }
0x89: {  	s3 =	sld [smem:$0x3FFE];
	_ =	sdelay $0x1  }
0x8a: {  	s1 =	srdreg.scid  }
0x8b: {  	s0 =	sand.u32 $0x1, s1  }
0x8c: {  	s12 =	sshll.u32 s0, $0xA;
	s2 =	sadd.s32 s3, s2  }
0x8d: {  	s2 =	sadd.s32 s2, s12  }
0x8e: {  	[smem:$0x3FB9] =	sst s2  }
0x8f: {  	_ = 	snop  }
0x90: {  	(tm) =	ssettm $0x1  }
0x91: {  	s13 =	sld [smem:$0x3FFB];
	_ =	sdelay $0x3  }
0x92: {  	_ =	strace s13  }
0x93: {  	s2 =	sld [smem:$0x3FFC];
	_ =	sdelay $0x3  }
0x94: {  	_ =	strace s2  }
0x95: {  	s2 =	sld [smem:$0x3FFD];
	_ =	sdelay $0x3  }
0x96: {  	_ =	strace s2  }
0x97: {  	_ =	strace $0x8FFFFFFF  }
0x98: {  	s14 =	sld [smem:$0x3FDB];
	_ =	sdelay $0x1  }
0x99: {  	s15 =	simm.s32 $_scs_section_size  }
0x9a: {  	s4 =	simm.s32 $_size__tile_overlayer_lowered;
	s5 =	simm.s32 $_tile_overlayer_lowered  }
0x9b: {  	s19 =	simm.s32 $0x1BFF;
	s17 =	sshll.u32 s5, $0x1;
	s6 =	sadd.s32 s15, s14  }
0x9c: {  	s20 =	simm.s32 $0x0;
	s16 =	sshll.u32 s4, $0x1;
	s18 =	sadd.s32 s17, s6  }
0x9d: {  	[timem:s20], [sflag:s19] =	dma.local [hbm:s18], s16  }
0x9e: {  	_ =	swait.ge [sflag:s19], s16  }
0x9f: {  	s3 =	ssub.s32 $0x0, s16;
	[sflag:s19] =	ssyncset.done $0x0  }
0xa0: {  	[sflag:s19] =	ssyncadd.s32 s3;
	_ =	sdelay $0x1  }
0xa1: {  	s21 =	simm.s32 $0x1B8B  }
0xa2: {  	_ =	swait.ge [sflag:s21], $0x1  }
0xa3: {  	[sflag:s21] =	ssyncset.done $0x0  }
0xa4: {  	[sflag:s21] =	ssyncadd.s32 $0xFFFFFFFF  }
0xa5: {  	s3 =	sld [smem:$0x0]  }
0xa6: {  	s4 =	sand.u32 $0xFFFFFFFE, s1  }
0xa7: {  	p0 =	sne.s32 s1, s4  }
0xa8: {  	s4 =	sshll.u32 @p0 s4, $0xE  }
0xa9: {  	s5 =	sadd.s32 @p0 $0x11B8D, s4;
	s7 =	sshll.u32 @p0 s3, $0x11  }
0xaa: {  	s5 =	sor.u32 @p0 s7, s5  }
0xab: {  	[sflag:s5] =	ssyncadd.remote.s32 @p0 $0x1;
	_ =	sdelay $0x1  }
0xac: {  	s5 =	simm.s32 @p0 $0x1B8D  }
0xad: {  	_ =	swait.eq @p0 [sflag:s5], $0x1  }
0xae: {  	[sflag:s5] =	ssyncadd.s32 @p0 $0xFFFFFFFF  }
0xaf: {  	s7 =	sshll.u32 @!p0 s1, $0xE  }
0xb0: {  	s7 =	sor.u32 @!p0 $0x4000, s7;
	s5 =	simm.s32 @!p0 $0x1B8D  }
0xb1: {  	s9 =	sshll.u32 @!p0 s3, $0x11;
	s8 =	sadd.s32 @!p0 $0x11B8D, s7;
	_ =	swait.eq @!p0 [sflag:s5], $0x1  }
0xb2: {  	[sflag:s5] =	ssyncadd.s32 @!p0 $0xFFFFFFFF;
	s5 =	sor.u32 @!p0 s9, s8  }
0xb3: {  	s23 =	simm.s32 $0x1B8E;
	s22 =	sld [smem:$0x3FFE];
	[sflag:s5] =	ssyncadd.remote.s32 @!p0 $0x1  }
0xb4: {  	s24 =	simm.s32 $execute0_lowered;
	[smem:$0x3FD2] =	sst s23  }
0xb5: {  	s8 =	sshll.u32 s24, $0x1;
	_ =	strace $0x80000052;
	[dreg:$0x1] =	wrdreg $0xFFFFFFFF  }
0xb6: {  	s25 =	simm.s32 $_size_execute0_lowered;
	s8 =	sadd.s32 s6, s8;
	[dreg:$0x0] =	wrdreg $0x0  }
0xb7: {  	s9 =	sshll.u32 s25, $0x1;
	[dreg:$0x2] =	wrdreg s8  }
0xb8: {  	[dreg:$0x3] =	wrdreg s9  }
0xb9: {  	[dreg:$0x4] =	wrdreg $0xC0  }
0xba: {  	s26 =	simm.s32 $execute1_lowered;
	_ =	task [dreg:s20], $0x5FFFF  }
0xbb: {  	s8 =	sshll.u32 s26, $0x1;
	[dreg:$0x1] =	wrdreg $0xFFFFFFFF  }
0xbc: {  	s6 =	sadd.s32 s6, s8;
	[dreg:$0x0] =	wrdreg $0x60  }
0xbd: {  	[dreg:$0x2] =	wrdreg s6  }
0xbe: {  	[dreg:$0x3] =	wrdreg s22  }
0xbf: {  	[dreg:$0x4] =	wrdreg $0xC  }
0xc0: {  	_ =	task.clear_ibuf [dreg:s20], $0x5FFFF;
	_ =	strace $0x90000052  }
0xc1: {  	s28 =	simm.s32 $0xC;
	_ =	strace $0x80000054  }
0xc2: {  	_ =	swait.ge [sflag:s28], $0x1  }
0xc3: {  	[sflag:s28] =	ssyncadd.s32 $0xFFFFFFFF  }
0xc4: {  	_ =	strace $0x90000054  }
0xc5: {  	s6 =	sld [smem:$0x0];
	_ =	sdelay $0x3  }
0xc6: {  	s4 =	sadd.s32 @p0 $0x11BF3, s4;
	s8 =	sshll.u32 @p0 s6, $0x11  }
0xc7: {  	s4 =	sor.u32 @p0 s8, s4  }
0xc8: {  	[sflag:s4] =	ssyncadd.remote.s32 @p0 $0x1;
	_ =	sdelay $0x1  }
0xc9: {  	s4 =	simm.s32 @p0 $0x1BF3  }
0xca: {  	_ =	swait.eq @p0 [sflag:s4], $0x1  }
0xcb: {  	[sflag:s4] =	ssyncadd.s32 @p0 $0xFFFFFFFF;
	_ =	sdelay $0x1  }
0xcc: {  	s4 =	simm.s32 @!p0 $0x1BF3  }
0xcd: {  	s7 =	sadd.s32 @!p0 $0x11BF3, s7;
	s6 =	sshll.u32 @!p0 s6, $0x11;
	_ =	swait.eq @!p0 [sflag:s4], $0x1  }
0xce: {  	[sflag:s4] =	ssyncadd.s32 @!p0 $0xFFFFFFFF;
	s4 =	sor.u32 @!p0 s6, s7  }
0xcf: {  	[sflag:s4] =	ssyncadd.remote.s32 @!p0 $0x1  }
0xd0: {  	_ =	strace $0x80000055;
	[dreg:$0x1] =	wrdreg $0xFFFFFFFF  }
0xd1: {  	[dreg:$0x0] =	wrdreg $0x2030  }
0xd2: {  	[dreg:$0x2] =	wrdreg s22  }
0xd3: {  	[dreg:$0x3] =	wrdreg s1  }
0xd4: {  	[dreg:$0x4] =	wrdreg s3  }
0xd5: {  	[dreg:$0x5] =	wrdreg $0xD  }
0xd6: {  	_ =	task.clear_ibuf [dreg:s20], $0x6FFFF;
	_ =	strace $0x90000055  }
0xd7: {  	s29 =	simm.s32 $0xD;
	_ =	strace $0x80000057  }
0xd8: {  	_ =	swait.ge [sflag:s29], $0x1  }
0xd9: {  	[sflag:s29] =	ssyncadd.s32 $0xFFFFFFFF  }
0xda: {  	_ =	strace $0x90000057  }
0xdb: {  	_ =	sfence  }
0xdc: {  	s30 =	sld [smem:$0x0];
	_ =	sdelay $0x2  }
0xdd: {  	s31 =	sshll.u32 s1, $0xD;
	s1 =	sshrl.u32 s1, $0x2  }
0xde: {  	s4 =	sand.u32 $0x4000, s31;
	s1 =	sadd.s32 s1, s30  }
0xdf: {  	s0 =	sor.u32 s4, s0;
	s1 =	sshll.u32 s1, $0x11  }
0xe0: {  	s0 =	sor.u32 s1, s0  }
0xe1: {  	s0 =	sadd.s32 $0x8F2B, s0  }
0xe2: {  	[sflag:s0] =	ssyncadd.remote.s32 $0x1  }
0xe3: {  	_ =	sfence.sel $0xFFFF  }
0xe4: {  	[dreg:$0x0] =	wrdreg $0xFFFFFFFF;
	(pc) =	sbr.abs _section_cstart, $3  }
0xe5: {  	[dreg:$0x1] =	wrdreg $0xFFFFFFFF  }
0xe6: {  	_ =	task.clear_ibuf [dreg:s20], $0x2FFFF;
	_ =	strace $0x9FFFFFFF  }
0xe7: {  	(tm) =	ssettm $0x7FFFFFFF  }
tec
execute0_lowered:
.L_overlay_start_1:
0x0: {  	(tag) =	ssettag $0x1  }
0x1: {  	s2 =	rddreg [dreg:$0x0]  }
0x2: {  	s4 =	rddreg [dreg:$0x1]  }
0x3: {  	s0 =	rddreg [dreg:$0x2];
	s3 =	stileid.u32  }
0x4: {  	[bflag:$0x3] =	sbarrier.arrive $0xFFFF;
	s1 =	simm.s32 $_size_execute1_lowered;
	s29 =	srdreg.scid  }
0x5: {  	s7 =	simm.s32 $0x2;
	s8 =	simm.s32 $0x0;
	p0 =	sne.s32 s3, $0x0  }
0x6: {  	s1 =	sshll.u32 s1, $0x1;
	s5 =	simm.s32 @!p0 $0x1C3F;
	s6 =	simm.s32 @!p0 $0x4060  }
0x7: {  	[timem:s6], [sflag:s5] =	dma.local @!p0 [hbm:s2], s1  }
0x8: {  	s12 =	simm.s32 $0x0;
	s10 =	simm.s32 $0x0;
	s2 =	sshll.u32 s29, $0x7  }
.Ltmp0:
0x9: {  	s3 =	sshll.u32 s3, $0x8;
	s30 =	sand.u32 $0x80, s2;
	(pc) =	sbr.rel .LBB2_1-.Ltmp0, $4  }
0xa: {  	s11 =	simm.s32 $0x0;
	_ =	strace $0x80000053;
	s3 =	sor.u32 s3, s30  }
0xb: {  	s5 =	simm.s32 $0x1;
	s2 =	sadd.s32 $0x50A800, s4;
	s31 =	ssub.s32 $0x4E00, s3  }
0xc: {  	s4 =	sadd.s32 $0x1000, s4;
	[sflag:s5] =	ssyncpa.u1 $0x0;
	s6 =	sshrl.u32 s31, $0xC  }
0xd: {  	[sflag:s7] =	ssyncpa.u1 $0x0;
	s9 =	smov.u32 s3;
	s7 =	sadd.s32 $0x2, s6  }
.LBB2_4:
0xe: {  	_ = 	snop  }
.LBB2_7:
0xf: {  	_ =	sdelay $0x3  }
0x10: {  	[tilespmem:v0+s16+$0x0 ss:$0x1] =	vst.idx.msk @p1 $0xffff, v2  }
0x11: {  	v56 =	vld.idx.msk [tilespmem:v1+s15+$0x0 ss:$0x1], $0xffff;
	s24 =	sor.u32 $0x70, s15;
	[tilespmem:v0+s17+$0x0 ss:$0x1] =	vst.idx.msk @p1 $0xffff, v4  }
0x12: {  	s25 =	sor.u32 $0x10, s15;
	[tilespmem:v0+s18+$0x0 ss:$0x1] =	vst.idx.msk @p1 $0xffff, v3;
	v57 =	vld.idx.msk [tilespmem:v1+s24+$0x0 ss:$0x1], $0xffff  }
0x13: {  	s26 =	sor.u32 $0x20, s15;
	[tilespmem:v0+s19+$0x0 ss:$0x1] =	vst.idx.msk @p1 $0xffff, v5;
	v58 =	vld.idx.msk [tilespmem:v1+s25+$0x0 ss:$0x1], $0xffff  }
0x14: {  	s28 =	sor.u32 $0x30, s15;
	[tilespmem:v0+s20+$0x0 ss:$0x1] =	vst.idx.msk @p1 $0xffff, v6;
	v59 =	vld.idx.msk [tilespmem:v1+s26+$0x0 ss:$0x1], $0xffff  }
0x15: {  	s29 =	sor.u32 $0x40, s15;
	[tilespmem:v0+s21+$0x0 ss:$0x1] =	vst.idx.msk @p1 $0xffff, v7;
	v60 =	vld.idx.msk [tilespmem:v1+s28+$0x0 ss:$0x1], $0xffff  }
0x16: {  	s30 =	sor.u32 $0x50, s15;
	v61 =	vld.idx.msk [tilespmem:v1+s29+$0x0 ss:$0x1], $0xffff;
	[tilespmem:v0+s15+$0x0 ss:$0x1] =	vst.idx.msk $0xffff, v56  }
0x17: {  	s31 =	sor.u32 $0x60, s15;
	v62 =	vld.idx.msk [tilespmem:v1+s30+$0x0 ss:$0x1], $0xffff;
	[tilespmem:v0+s24+$0x0 ss:$0x1] =	vst.idx.msk $0xffff, v57  }
0x18: {  	v63 =	vld.idx.msk [tilespmem:v1+s31+$0x0 ss:$0x1], $0xffff;
	[tilespmem:v0+s25+$0x0 ss:$0x1] =	vst.idx.msk $0xffff, v58  }
0x19: {  	[tilespmem:v0+s26+$0x0 ss:$0x1] =	vst.idx.msk $0xffff, v59  }
0x1a: {  	[tilespmem:v0+s28+$0x0 ss:$0x1] =	vst.idx.msk $0xffff, v60  }
0x1b: {  	[tilespmem:v0+s29+$0x0 ss:$0x1] =	vst.idx.msk $0xffff, v61  }
0x1c: {  	[tilespmem:v0+s30+$0x0 ss:$0x1] =	vst.idx.msk $0xffff, v62  }
0x1d: {  	[tilespmem:v0+s31+$0x0 ss:$0x1] =	vst.idx.msk $0xffff, v63  }
.LBB2_8:
0x1e: {  	s15 =	sand.u32 $0x1FFFFFF, s10  }
0x1f: {  	s16 =	smulhi.u32 $0x1A36E2F, s15;
	_ =	sdelay $0x1  }
0x20: {  	s16 =	sshrl.u32 s16, $0x7  }
0x21: {  	s16 =	smul.u32 $0x4E20, s16;
	_ =	sdelay $0x1  }
0x22: {  	s15 =	ssub.s32 s15, s16  }
0x23: {  	s15 =	sshll.u32 s15, $0x4  }
0x24: {  	s15 =	sadd.s32 s4, s15  }
0x25: {  	[hbm4b:s15+s8] =	stream.linear.scatter [tilespmem:s14], [sflag:$0x2], s13, $0x38;
	[tilespmem:$0x10000] =	vst v63  }
.LBB2_9:
0x26: {  	p1 =	slt.u32 s11, $0x2  }
0x27: {  	p2 =	sgt.s32 @!p1 s12, $0x4DA0  }
0x28: {  	s13 =	smov.u32 s12;
	s14 =	sshra.s32 @!p1 s12, $0x1F;
	p2 =	por !p2, p1  }
0x29: {  	s12 =	sand.u32 @!p1 s14, s12;
	s13 =	simm.s32 @p2 $0x4DA0  }
0x2a: {  	s12 =	ssub.s32 @!p1 s13, s12  }
0x2b: {  	s12 =	sadd.s32 @!p1 $0xFFFFB260, s12  }
0x2c: {  	s13 =	sshll.u32 @!p1 s12, $0x9  }
0x2d: {  	p2 =	sgt.s32 @!p1 s12, $0x7F;
	s12 =	ssub.s32 @!p1 $0x10000, s13  }
0x2e: {  	s14 =	sadd.s32 $0x1000, s9;
	p2 =	por !p2, p1;
	s12 =	sshrl.u32 @!p1 s12, $0x2  }
0x2f: {  	s12 =	simm.s32 @!p2 $0x0;
	p2 =	sgt.s32 s14, $0x4E1F  }
0x30: {  	s14 =	smov.u32 @p2 s3;
	p2 =	sne.s32 s11, s7  }
.Ltmp1:
0x31: {  	_ = 	snop;
	(pc) =	sbr.rel @!p2 .LBB2_10-.Ltmp1, $4  }
0x32: {  	s13 =	simm.s32 @!p1 $0x2  }
0x33: {  	_ =	swait.ge @!p1 [sflag:s13], s12;
	s15 =	ssub.s32 @!p1 $0x0, s12  }
0x34: {  	s12 =	smov.u32 s10;
	s11 =	sadd.s32 $0x1, s11;
	[sflag:s13] =	ssyncset.done @!p1 $0x0  }
0x35: {  	s10 =	smov.u32 s9;
	s9 =	smov.u32 s14;
	[sflag:s13] =	ssyncadd.s32 @!p1 s15  }
.LBB2_1:
0x36: {  	p1 =	sgt.u32 s11, s6  }
0x37: {  	s13 =	sand.u32 @!p1 $0x1FFFFFF, s9  }
0x38: {  	p2 =	sgt.s32 @!p1 s9, $0x4DA0;
	s14 =	smulhi.u32 @!p1 $0x1A36E2F, s13  }
0x39: {  	s15 =	smov.u32 s9;
	s16 =	sshra.s32 @!p1 s9, $0x1F;
	p2 =	por !p2, p1  }
0x3a: {  	s16 =	sand.u32 @!p1 s16, s9;
	s15 =	simm.s32 @p2 $0x4DA0;
	s14 =	sshrl.u32 @!p1 s14, $0x7  }
0x3b: {  	s15 =	ssub.s32 @!p1 s15, s16;
	s14 =	smul.u32 @!p1 $0x4E20, s14  }
0x3c: {  	s16 =	sxor.u32 @!p1 $0xFFFFFFFF, s11;
	s15 =	sadd.s32 @!p1 $0xFFFFB260, s15  }
0x3d: {  	s16 =	sshll.u32 @!p1 s16, $0xE;
	s13 =	ssub.s32 @!p1 s13, s14;
	s14 =	sshll.u32 @!p1 s15, $0x9  }
0x3e: {  	s16 =	sand.u32 @!p1 $0x4000, s16;
	p2 =	sgt.s32 @!p1 s15, $0x7F;
	s14 =	ssub.s32 @!p1 $0x10000, s14  }
0x3f: {  	p2 =	por !p2, p1;
	s13 =	sshll.u32 @!p1 s13, $0x4;
	s14 =	sshrl.u32 @!p1 s14, $0x2  }
0x40: {  	s15 =	simm.s32 @!p1 $0x0;
	s13 =	sadd.s32 @!p1 s2, s13;
	s14 =	simm.s32 @!p2 $0x0  }
0x41: {  	[tilespmem:s16], [sflag:$0x1] =	stream.linear.gather @!p1 [hbm4b:s13+s15], s14, $0x38;
	[tilespmem:$0x10000] =	vst v63  }
0x42: {  	p1 =	seq.s32 s11, $0x0  }
0x43: {  	p2 =	sge.u32 @!p1 s11, s7  }
0x44: {  	p1 =	por p1, p2  }
.Ltmp2:
0x45: {  	_ = 	snop;
	(pc) =	sbr.rel @p1 .LBB2_9-.Ltmp2, $1  }
0x46: {  	_ =	sdelay $0x3  }
0x47: {  	p1 =	sgt.s32 s10, $0x4DA0;
	s13 =	smov.u32 s10;
	s14 =	sshra.s32 s10, $0x1F  }
0x48: {  	s13 =	simm.s32 @!p1 $0x4DA0;
	s14 =	sand.u32 s14, s10  }
0x49: {  	s13 =	ssub.s32 s13, s14  }
0x4a: {  	s13 =	sadd.s32 $0xFFFFB260, s13  }
0x4b: {  	s31 =	sshll.u32 s13, $0x9  }
0x4c: {  	s14 =	ssub.s32 $0x10000, s31  }
0x4d: {  	p1 =	sgt.s32 s13, $0x7F;
	s13 =	sshrl.u32 s14, $0x2;
	s14 =	sadd.s32 $0x80, s10  }
0x4e: {  	s13 =	simm.s32 @p1 $0x0;
	p1 =	slt.s32 s14, $0x4E20  }
0x4f: {  	s14 =	simm.s32 @!p1 $0x4E20  }
0x50: {  	s16 =	ssub.s32 s14, s10  }
0x51: {  	p1 =	slt.s32 s16, $0x1  }
.Ltmp3:
0x52: {  	_ = 	snop;
	(pc) =	sbr.rel @p1 .LBB2_8-.Ltmp3, $4  }
0x53: {  	_ = 	snop  }
0x54: {  	s15 =	sshll.u32 s11, $0xE;
	_ =	swait.ge [sflag:s5], s13  }
0x55: {  	s15 =	sand.u32 $0x4000, s15;
	s17 =	ssub.s32 $0x0, s13;
	[sflag:s5] =	ssyncset.done $0x0  }
0x56: {  	s14 =	sor.u32 $0x8000, s15;
	[sflag:s5] =	ssyncadd.s32 s17  }
0x57: {  	p2 =	sne.s32 s16, $0x1  }
.Ltmp4:
0x58: {  	v1 =	vmov s15;
	v0 =	vmov s14;
	(pc) =	sbr.rel @!p2 .LBB2_4-.Ltmp4, $3  }
0x59: {  	_ =	sdelay $0x1  }
0x5a: {  	s17 =	simm.s32 $0x0  }
0x5b: {  	s23 =	sadd.s32 $0xFFFFFFFF, s16;
	p1 =	por $0x0, $0x0;
	s15 =	sand.u32 $0x3F80, s17  }
0x5c: {  	_ =	sdelay $0x3  }
0x5d: {  	v6 =	vld.idx.msk [tilespmem:v1+s15+$0x0 ss:$0x1], $0xffff;
	s24 =	sor.u32 $0x70, s15  }
0x5e: {  	s16 =	sor.u32 $0x10, s15;
	v8 =	vld.idx.msk [tilespmem:v1+s24+$0x0 ss:$0x1], $0xffff  }
0x5f: {  	s17 =	sor.u32 $0x20, s15;
	p2 =	sne.s32 s23, $0x1;
	v2 =	vld.idx.msk [tilespmem:v1+s16+$0x0 ss:$0x1], $0xffff  }
.Ltmp5:
0x60: {  	s18 =	sor.u32 $0x30, s15;
	v4 =	vld.idx.msk [tilespmem:v1+s17+$0x0 ss:$0x1], $0xffff;
	(pc) =	sbr.rel @!p2 .LBB2_7-.Ltmp5, $4  }
0x61: {  	s19 =	sor.u32 $0x40, s15;
	v3 =	vld.idx.msk [tilespmem:v1+s18+$0x0 ss:$0x1], $0xffff  }
0x62: {  	s21 =	sor.u32 $0x60, s15;
	v5 =	vld.idx.msk [tilespmem:v1+s19+$0x0 ss:$0x1], $0xffff  }
0x63: {  	s20 =	sor.u32 $0x50, s15;
	s22 =	simm.s32 $0x80;
	v7 =	vld.idx.msk [tilespmem:v1+s21+$0x0 ss:$0x1], $0xffff;
	[tilespmem:v0+s15+$0x0 ss:$0x1] =	vst.idx.msk $0xffff, v6  }
0x64: {  	s23 =	sadd.s32 $0xFFFFFFFF, s23;
	p1 =	por $0x1, $0x1;
	v6 =	vld.idx.msk [tilespmem:v1+s20+$0x0 ss:$0x1], $0xffff;
	s15 =	sand.u32 $0x3F80, s22;
	[tilespmem:v0+s24+$0x0 ss:$0x1] =	vst.idx.msk $0xffff, v8  }
.LBB2_6:
0x65: {  	p2 =	sne.s32 s23, $0x1;
	v8 =	vld.idx.msk [tilespmem:v1+s15+$0x0 ss:$0x1], $0xffff;
	s24 =	sor.u32 $0x70, s15;
	[tilespmem:v0+s16+$0x0 ss:$0x1] =	vst.idx.msk $0xffff, v2;
	s16 =	sor.u32 $0x10, s15  }
0x66: {  	s25 =	sor.u32 $0x30, s15;
	s26 =	sor.u32 $0x40, s15;
	v9 =	vld.idx.msk [tilespmem:v1+s24+$0x0 ss:$0x1], $0xffff;
	[tilespmem:v0+s17+$0x0 ss:$0x1] =	vst.idx.msk $0xffff, v4;
	s17 =	sor.u32 $0x20, s15  }
0x67: {  	s28 =	sor.u32 $0x50, s15;
	s29 =	sor.u32 $0x60, s15;
	v2 =	vld.idx.msk [tilespmem:v1+s16+$0x0 ss:$0x1], $0xffff;
	[tilespmem:v0+s18+$0x0 ss:$0x1] =	vst.idx.msk $0xffff, v3;
	s18 =	smov.u32 s25  }
.Ltmp6:
0x68: {  	v4 =	vld.idx.msk [tilespmem:v1+s17+$0x0 ss:$0x1], $0xffff;
	[tilespmem:v0+s19+$0x0 ss:$0x1] =	vst.idx.msk $0xffff, v5;
	s19 =	smov.u32 s26;
	(pc) =	sbr.rel @p2 .LBB2_6-.Ltmp6, $4  }
0x69: {  	v3 =	vld.idx.msk [tilespmem:v1+s18+$0x0 ss:$0x1], $0xffff;
	[tilespmem:v0+s20+$0x0 ss:$0x1] =	vst.idx.msk $0xffff, v6;
	s20 =	smov.u32 s28  }
0x6a: {  	v5 =	vld.idx.msk [tilespmem:v1+s19+$0x0 ss:$0x1], $0xffff;
	[tilespmem:v0+s21+$0x0 ss:$0x1] =	vst.idx.msk $0xffff, v7;
	s21 =	smov.u32 s29  }
0x6b: {  	s22 =	sadd.s32 $0x80, s22;
	[tilespmem:v0+s15+$0x0 ss:$0x1] =	vst.idx.msk $0xffff, v8;
	v6 =	vld.idx.msk [tilespmem:v1+s20+$0x0 ss:$0x1], $0xffff  }
0x6c: {  	s23 =	sadd.s32 $0xFFFFFFFF, s23;
	s15 =	sand.u32 $0x3F80, s22;
	v7 =	vld.idx.msk [tilespmem:v1+s21+$0x0 ss:$0x1], $0xffff;
	[tilespmem:v0+s24+$0x0 ss:$0x1] =	vst.idx.msk $0xffff, v9  }
.Ltmp7:
0x6d: {  	_ = 	snop;
	(pc) =	sbr.rel .LBB2_7-.Ltmp7, $1  }
0x6e: {  	_ =	sdelay $0x3  }
.LBB2_10:
0x6f: {  	_ =	sfence.sel $0x180000  }
0x70: {  	s2 =	simm.s32 $0x1;
	[bflag:$0x0] =	sbarrier.arrive $0xFFFF  }
0x71: {  	s31 =	simm.s32 $0x2;
	[sflag:s2] =	ssyncpa.u1 $0x1  }
0x72: {  	[sflag:s31] =	ssyncpa.u1 $0x1  }
0x73: {  	_ =	strace $0x90000053  }
0x74: {  	s0 =	sadd.s32 @!p0 $0x100000, s0;
	[bflag:$0x2] =	sbarrier.arrive $0xFFFF  }
0x75: {  	[sflag:s0] =	ssyncadd.tile.s32 @!p0 $0x1;
	s0 =	simm.s32 @!p0 $0x3F  }
0x76: {  	_ =	swait.ge @!p0 [sflag:s0], s1  }
0x77: {  	s1 =	ssub.s32 @!p0 $0x0, s1;
	[sflag:s0] =	ssyncset.done @!p0 $0x0  }
0x78: {  	[sflag:s0] =	ssyncadd.s32 @!p0 s1  }
0x79: {  	[bflag:$0x3] =	sbarrier.arrive $0xFFFF  }
0x7a: {  	_ =	shalt  }
.Lfunc_end2:
execute1_lowered:
.L_overlay_start_2:
0x7b: {  	(tag) =	ssettag $0x2  }
0x7c: {  	s2 =	rddreg [dreg:$0x0]  }
0x7d: {  	s3 =	rddreg [dreg:$0x1];
	_ =	strace $0x80000056;
	s0 =	simm.s32 $0x1  }
0x7e: {  	v0 =	vimm.s32 $0x0;
	[sflag:s0] =	ssyncpa.u1 $0x0;
	s0 =	simm.s32 $0x108  }
0x7f: {  	[tilespmem:s0+$0x70] =	vst v0  }
0x80: {  	[tilespmem:s0+$0x60] =	vst v0  }
0x81: {  	[tilespmem:s0+$0x50] =	vst v0  }
0x82: {  	[tilespmem:s0+$0x40] =	vst v0  }
0x83: {  	[tilespmem:s0+$0x30] =	vst v0  }
0x84: {  	s1 =	sadd.s32 $0x1000, s2;
	s15 =	sadd.s32 $0x4E3000, s2;
	s6 =	sadd.s32 $0xA88C00, s2;
	[tilespmem:s0+$0x20] =	vst v0  }
0x85: {  	s14 =	sadd.s32 $0x4ECE00, s2;
	s5 =	sand.u32 $0x1, s3;
	s3 =	simm.s32 $0x40;
	[tilespmem:s0+$0x10] =	vst v0  }
.LBB3_1:
0x86: {  	s3 =	sadd.s32 $0x40, s3;
	[tilespmem:s0+$0x0] =	vst v0;
	s0 =	sadd.s32 $0x80, s0  }
0x87: {  	p0 =	slt.u32 s3, $0x3C40;
	[tilespmem:s0+$0x70] =	vst v0  }
0x88: {  	[tilespmem:s0+$0x60] =	vst v0  }
.Ltmp8:
0x89: {  	[tilespmem:s0+$0x50] =	vst v0;
	(pc) =	sbr.rel @p0 .LBB3_1-.Ltmp8, $4  }
0x8a: {  	[tilespmem:s0+$0x40] =	vst v0  }
0x8b: {  	[tilespmem:s0+$0x30] =	vst v0  }
0x8c: {  	[tilespmem:s0+$0x20] =	vst v0  }
0x8d: {  	[tilespmem:s0+$0x10] =	vst v0  }
0x8e: {  	s9 =	stileid.u32  }
0x8f: {  	s2 =	smul.u32 $0x29, s9  }
0x90: {  	s3 =	smin.u32 s9, $0xB  }
0x91: {  	s2 =	sadd.s32 s3, s2  }
0x92: {  	p0 =	slt.u32 s9, $0xB;
	s7 =	smul.u32 $0xF0, s2;
	s2 =	simm.s32 $0x2760  }
0x93: {  	s2 =	simm.s32 @!p0 $0x2670  }
0x94: {  	s2 =	sadd.s32 s2, s7  }
0x95: {  	s8 =	smin.u32 s2, $0x27100  }
0x96: {  	s2 =	ssub.s32 s8, s7  }
0x97: {  	p0 =	sgt.s32 s2, $0x0  }
0x98: {  	s29 =	simm.s32 $0x2;
	s10 =	simm.s32 $0x9;
	s2 =	simm.s32 @!p0 $0x0  }
0x99: {  	s4 =	simm.s32 $0xA;
	s11 =	simm.s32 $0xB;
	s28 =	smulhi.u32 $0x88888889, s2  }
0x9a: {  	[dreg:$0x4] =	wrdreg s5;
	s31 =	smul.u32 $0x4E20, s5;
	s12 =	simm.s32 $0x1  }
0x9b: {  	s22 =	simm.s32 $0x0;
	s18 =	simm.s32 $0xC;
	s30 =	sshrl.u32 s28, $0x7  }
0x9c: {  	s20 =	simm.s32 $0x0;
	s21 =	simm.s32 $0x0;
	s3 =	smul.u32 $0xF0, s30  }
.Ltmp9:
0x9d: {  	[tilespmem:s0+$0x0] =	vst v0;
	v0 =	vimm.s32 $0xFFFFFFFF;
	[sflag:s29] =	ssyncpa.u1 $0x0;
	s16 =	sshll.u32 s9, $0x8;
	(pc) =	sbr.rel .LBB3_3-.Ltmp9, $4  }
0x9e: {  	[tilespmem:$0xF208] =	vst v0;
	[sflag:s10] =	ssyncpa.u1 $0x0;
	p0 =	sne.s32 s2, s3;
	s2 =	simm.s32 $0x1  }
0x9f: {  	s14 =	sadd.s32 s31, s14;
	[sflag:s4] =	ssyncpa.u1 $0x0;
	s2 =	simm.s32 @!p0 $0x0  }
0xa0: {  	s15 =	sadd.s32 s31, s15;
	[sflag:s11] =	ssyncpa.u1 $0x0;
	s13 =	sadd.s32 s2, s30  }
0xa1: {  	v0 =	vlaneseq.u32;
	s19 =	smov.u32 s7;
	p0 =	por $0x0, $0x0;
	s17 =	sadd.s32 $0x1, s13  }
.LBB3_18:
0xa2: {  	s0 =	sshrl.u32 s31, $0x2  }
.LBB3_20:
0xa3: {  	_ =	swait.ge [sflag:s18], s0  }
0xa4: {  	s31 =	ssub.s32 $0x0, s0;
	v1 =	vmov s24;
	vm0 =	veq.s32 v0, $0x0;
	[sflag:s18] =	ssyncset.done $0x0  }
0xa5: {  	vm15 =	veq.s32 v0, $0x2;
	v1 =	vsel vm0, s30, v1;
	[sflag:s18] =	ssyncadd.s32 s31  }
0xa6: {  	v1 =	vsel vm15, s22, v1;
	[sflag:s18] =	ssyncpa.u1 $0x1  }
0xa7: {  	[tilespmem:$0xF208] =	vst v1  }
.LBB3_21:
0xa8: {  	s0 =	sadd.s32 $0xF0, s19  }
0xa9: {  	s2 =	smov.u32 s7;
	p1 =	slt.s32 s0, s8  }
0xaa: {  	s2 =	smov.u32 @p1 s0;
	p1 =	sne.s32 s21, s17  }
.Ltmp10:
0xab: {  	_ = 	snop;
	(pc) =	sbr.rel @!p1 .LBB3_22-.Ltmp10, $3  }
0xac: {  	_ =	sdelay $0x1  }
0xad: {  	s22 =	smov.u32 s20;
	s31 =	sadd.s32 $0x1, s21;
	s20 =	smov.u32 s19  }
0xae: {  	p0 =	por !p0, !p0;
	s21 =	smov.u32 s31;
	s19 =	smov.u32 s2  }
.LBB3_3:
0xaf: {  	p1 =	sge.u32 s21, s13  }
0xb0: {  	s0 =	smulhi.u32 @!p1 $0xAAAAAAAB, s21  }
0xb1: {  	s2 =	smov.u32 s19;
	p2 =	sgt.s32 @!p1 s19, $0x27010  }
0xb2: {  	s3 =	sshra.s32 @!p1 s19, $0x1F;
	p2 =	por !p2, p1;
	s0 =	sshrl.u32 @!p1 s0, $0x1  }
0xb3: {  	s3 =	sand.u32 @!p1 s3, s19;
	s2 =	simm.s32 @p2 $0x27010;
	s0 =	smul.u32 @!p1 $0x3, s0  }
0xb4: {  	s2 =	ssub.s32 @!p1 s2, s3  }
0xb5: {  	s2 =	sadd.s32 @!p1 $0xFFFD8FF0, s2;
	s0 =	ssub.s32 @!p1 s21, s0  }
0xb6: {  	s3 =	sshll.u32 @!p1 s2, $0x2;
	p2 =	sgt.s32 @!p1 s2, $0xEF;
	s0 =	smul.u32 @!p1 $0x3C0, s0  }
0xb7: {  	s4 =	sand.u32 @!p1 $0x7, s19;
	s2 =	ssub.s32 @!p1 $0x3C0, s3;
	p2 =	por !p2, p1  }
0xb8: {  	s3 =	sshrl.u32 @!p1 s19, $0x3;
	s2 =	sshrl.u32 @!p1 s2, $0x2;
	s0 =	sshrl.u32 @!p1 s0, $0x2  }
0xb9: {  	s3 =	sadd.s32 @!p1 s3, s14;
	s2 =	simm.s32 @!p2 $0x0;
	s0 =	sadd.s32 @!p1 $0x10248, s0  }
0xba: {  	[tilespmem:s0], [sflag:$0xA] =	stream.linear.gather @!p1 [hbm4b:s3+s4], s2, $0x38;
	[tilespmem:$0x1F6F8] =	vst v63  }
0xbb: {  	s0 =	sadd.s32 $0xFFFFFFFF, s21  }
0xbc: {  	p1 =	sge.u32 s0, s13  }
0xbd: {  	p2 =	sgt.s32 @!p1 s20, $0x27010  }
0xbe: {  	s2 =	smov.u32 s20;
	s3 =	sshra.s32 @!p1 s20, $0x1F;
	p2 =	por !p2, p1  }
0xbf: {  	s3 =	sand.u32 @!p1 s3, s20;
	s2 =	simm.s32 @p2 $0x27010  }
0xc0: {  	s2 =	ssub.s32 @!p1 s2, s3  }
0xc1: {  	s2 =	sadd.s32 @!p1 $0xFFFD8FF0, s2  }
0xc2: {  	s4 =	sand.u32 @!p1 $0x1, s0;
	s3 =	sshll.u32 @!p1 s2, $0x2  }
0xc3: {  	p2 =	sgt.s32 @!p1 s2, $0xEF;
	s2 =	ssub.s32 @!p1 $0x3C0, s3;
	s3 =	smulhi.u32 @!p1 $0xAAAAAAAB, s0  }
0xc4: {  	s23 =	smul.u32 @!p1 $0x3C0, s4;
	p2 =	por !p2, p1;
	s2 =	sshrl.u32 @!p1 s2, $0x2  }
0xc5: {  	s5 =	simm.s32 @!p1 $0xA;
	s2 =	simm.s32 @!p2 $0x0;
	s3 =	sshrl.u32 @!p1 s3, $0x1  }
0xc6: {  	s23 =	sshrl.u32 @!p1 s23, $0x2;
	_ =	swait.ge @!p1 [sflag:s5], s2;
	s3 =	smul.u32 @!p1 $0x3, s3  }
0xc7: {  	s23 =	sadd.s32 @!p1 $0x10518, s23;
	s24 =	ssub.s32 @!p1 $0x0, s2;
	[sflag:s5] =	ssyncset.done @!p1 $0x0  }
0xc8: {  	[sflag:s5] =	ssyncadd.s32 @!p1 s24;
	s5 =	sshrl.u32 @!p1 s20, $0x3;
	s0 =	ssub.s32 @!p1 s0, s3  }
0xc9: {  	s24 =	sand.u32 @!p1 $0x7, s20;
	s5 =	sadd.s32 @!p1 s5, s15;
	s0 =	smul.u32 @!p1 $0x3C0, s0  }
0xca: {  	[tilespmem:s23], [sflag:$0xB] =	stream.linear.gather @!p1 [hbm4b:s5+s24], s2, $0x38;
	[tilespmem:$0x1F6F8] =	vst v63  }
0xcb: {  	s3 =	ssub.s32 @!p1 $0x27100, s20;
	s2 =	smul.u32 @!p1 $0x1E000, s4  }
0xcc: {  	p2 =	slt.s32 @!p1 s3, $0xF0  }
0xcd: {  	p2 =	por !p2, p1;
	s0 =	sshrl.u32 @!p1 s0, $0x2;
	s2 =	sshrl.u32 @!p1 s2, $0x2  }
0xce: {  	s3 =	simm.s32 @p2 $0xF0;
	s0 =	sadd.s32 @!p1 $0x10248, s0;
	s2 =	sor.u32 @!p1 $0x106F8, s2  }
0xcf: {  	[tilespmem:s2], [sflag:$0x9] =	stream.indirect.gather @!p1 [hbm4b:s6+s3], $0x80, s0, s3, $0xb8;
	[tilespmem:$0x1F6F8] =	vst v63  }
0xd0: {  	p1 =	slt.u32 s21, $0x2  }
.Ltmp11:
0xd1: {  	_ = 	snop;
	(pc) =	sbr.rel @p1 .LBB3_21-.Ltmp11, $1  }
0xd2: {  	_ =	sdelay $0x3  }
0xd3: {  	p1 =	sgt.s32 s22, $0x27010  }
0xd4: {  	s0 =	smov.u32 s22;
	s2 =	sshra.s32 s22, $0x1F;
	s3 =	ssub.s32 $0x27100, s22  }
0xd5: {  	s0 =	simm.s32 @!p1 $0x27010;
	s2 =	sand.u32 s2, s22;
	p1 =	slt.s32 s3, $0xF0  }
0xd6: {  	s0 =	ssub.s32 s0, s2;
	s3 =	simm.s32 @!p1 $0xF0  }
0xd7: {  	s0 =	sadd.s32 $0xFFFD8FF0, s0;
	s25 =	sshll.u32 s3, $0x7  }
0xd8: {  	s26 =	sshll.u32 s0, $0x2;
	s2 =	sand.u32 $0x3FFFFF80, s25  }
0xd9: {  	p1 =	sgt.s32 s0, $0xEF;
	s29 =	ssub.s32 $0x3C0, s26;
	_ =	swait.ge [sflag:s10], s2  }
0xda: {  	s2 =	ssub.s32 $0x0, s2;
	[sflag:s10] =	ssyncset.done $0x0;
	s0 =	sshrl.u32 s29, $0x2  }
0xdb: {  	[sflag:s10] =	ssyncadd.s32 s2;
	s0 =	simm.s32 @p1 $0x0  }
0xdc: {  	_ =	swait.ge [sflag:s11], s0  }
0xdd: {  	s0 =	ssub.s32 $0x0, s0;
	[sflag:s11] =	ssyncset.done $0x0  }
0xde: {  	[sflag:s11] =	ssyncadd.s32 s0  }
0xdf: {  	v1 =	vld [tilespmem:$0xF208];
	_ =	sdelay $0x4  }
0xe0: {  	(v2sf) =	vpush v1, $0x0  }
0xe1: {  	(v2sf) =	vpush v1, $0x1  }
0xe2: {  	(v2sf) =	vpush v1, $0x2;
	_ =	sdelay $0x3  }
0xe3: {  	s0 =	sadd.s32 $0xF0, s22  }
0xe4: {  	s2 =	ssub.s32 $0x4E200, s22;
	p1 =	slt.s32 s8, s0  }
0xe5: {  	s0 =	smov.u32 @p1 s8;
	p1 =	sgt.s32 s2, $0x0  }
0xe6: {  	s26 =	ssub.s32 s0, s22;
	s2 =	simm.s32 @!p1 $0x0  }
0xe7: {  	p1 =	slt.s32 s2, s26  }
0xe8: {  	s26 =	smov.u32 @p1 s2  }
0xe9: {  	s25 =	simm.s32 $0x1;
	p1 =	slt.s32 s26, $0x1  }
.Ltmp12:
0xea: {  	s25 =	simm.s32 @!p0 $0x0;
	(pc) =	sbr.rel @p1 .LBB3_8-.Ltmp12, $4  }
0xeb: {  	s31 =	smul.u32 $0x3C0, s25  }
0xec: {  	s28 =	spop (v2sf)  }
0xed: {  	s0 =	sshrl.u32 s31, $0x2;
	s30 =	spop (v2sf)  }
0xee: {  	s23 =	sadd.s32 $0x10518, s0;
	s22 =	spop (v2sf)  }
0xef: {  	s0 =	smin.u32 s26, $0x10  }
0xf0: {  	v1 =	vmov s0  }
0xf1: {  	p2 =	sgt.s32 s26, $0x10;
	vm1 =	vgt.u32 v1, v0  }
.Ltmp13:
0xf2: {  	_ = 	snop;
	(pc) =	sbr.rel @!p2 .LBB3_7-.Ltmp13, $2  }
0xf3: {  	_ =	sdelay $0x2  }
0xf4: {  	s4 =	simm.s32 $0x10;
	s24 =	sadd.s32 $0xFFFFFFF0, s26;
	s0 =	smov.u32 s23;
	vm0 =	vmmov vm1  }
.LBB3_6:
0xf5: {  	s2 =	smin.u32 s24, $0x10;
	s4 =	sadd.s32 $0x10, s4;
	v1 =	vld.msk [tilespmem:s0+$0x0 ss:$0x1], vm1  }
0xf6: {  	v2 =	vmov s2;
	p2 =	slt.s32 s4, s26  }
0xf7: {  	vm1 =	vgt.u32 v2, v0  }
.Ltmp14:
0xf8: {  	(pc) =	sbr.rel @p2 .LBB3_6-.Ltmp14, $3  }
0xf9: {  	_ =	sdelay $0x1  }
0xfa: {  	v1 =	vshll.u32 v1, $0x4  }
0xfb: {  	s24 =	sadd.s32 $0xFFFFFFF0, s24;
	[tilespmem:s0+$0x0] =	vst.msk vm0, v1;
	s0 =	sadd.s32 $0x10, s0;
	vm0 =	vmmov vm1  }
.LBB3_7:
0xfc: {  	_ =	sdelay $0x4  }
0xfd: {  	v1 =	vld.msk [tilespmem:s0+$0x0 ss:$0x1], vm1;
	_ =	sdelay $0x4  }
0xfe: {  	v1 =	vshll.u32 v1, $0x4  }
0xff: {  	[tilespmem:s0+$0x0] =	vst.msk vm0, v1  }
.LBB3_8:
0x100: {  	s0 =	sand.u32 $0x1, s21  }
0x101: {  	s2 =	smul.u32 $0x7800, s0  }
0x102: {  	p2 =	sne.s32 s30, $0xFFFFFFFF  }
0x103: {  	v1 =	vld @!p2 [tilespmem:s2+$0x106F8];
	_ =	sdelay $0x2  }
0x104: {  	s0 =	smul.u32 $0xF0, s0;
	_ =	sdelay $0x1  }
0x105: {  	v2 =	vld.msk @!p2 [tilespmem:s0+$0x10518], $0x1;
	[tilespmem:$0x108] =	vst @!p2 v1  }
0x106: {  	v1 =	vld @!p2 [tilespmem:s2+$0x10708];
	_ =	sdelay $0x4  }
0x107: {  	[tilespmem:$0x118] =	vst @!p2 v1  }
0x108: {  	v1 =	vld @!p2 [tilespmem:s2+$0x10718];
	_ =	sdelay $0x4  }
0x109: {  	[tilespmem:$0x128] =	vst @!p2 v1  }
0x10a: {  	v1 =	vld @!p2 [tilespmem:s2+$0x10728];
	_ =	sdelay $0x4  }
0x10b: {  	[tilespmem:$0x138] =	vst @!p2 v1  }
0x10c: {  	v1 =	vld @!p2 [tilespmem:s2+$0x10738];
	_ =	sdelay $0x4  }
0x10d: {  	[tilespmem:$0x148] =	vst @!p2 v1  }
0x10e: {  	(v2sf) =	vpush @!p2 v2, $0x0;
	v1 =	vld @!p2 [tilespmem:s2+$0x10748];
	_ =	sdelay $0x4  }
0x10f: {  	[tilespmem:$0x158] =	vst @!p2 v1  }
0x110: {  	v1 =	vld @!p2 [tilespmem:s2+$0x10758];
	_ =	sdelay $0x4  }
0x111: {  	[tilespmem:$0x168] =	vst @!p2 v1  }
0x112: {  	v1 =	vld @!p2 [tilespmem:s2+$0x10768]  }
.Ltmp15:
0x113: {  	_ = 	snop;
	(pc) =	sbr.rel @p1 .LBB3_19-.Ltmp15, $4  }
0x114: {  	_ = 	snop  }
0x115: {  	s29 =	spop @!p2 (v2sf)  }
0x116: {  	s22 =	simm.s32 @!p2 $0x0;
	s24 =	smov.u32 s29  }
0x117: {  	s29 =	smov.u32 @p2 s28;
	s24 =	smov.u32 @p2 s30;
	[tilespmem:$0x178] =	vst @!p2 v1;
	[sflag:s18] =	ssyncpa.u1 $0x0  }
0x118: {  	v1 =	vld.msk [tilespmem:s23+$0x0], $0x1;
	_ =	sdelay $0x4  }
0x119: {  	(v2sf) =	vpush v1, $0x0;
	_ =	sdelay $0xe  }
0x11a: {  	s2 =	smul.u32 $0x1E000, s25;
	s0 =	spop (v2sf)  }
0x11b: {  	s26 =	ssub.s32 $0x0, s26;
	p1 =	seq.s32 s29, s0  }
0x11c: {  	s30 =	sadd.s32 $0x1, s26;
	s2 =	sshrl.u32 s2, $0x2;
	p2 =	sgt.s32 @!p1 s29, $0x0  }
0x11d: {  	s25 =	sor.u32 $0x10738, s2;
	s2 =	smov.u32 s29;
	p2 =	por !p2, p1  }
0x11e: {  	s2 =	simm.s32 @p2 $0x0;
	p2 =	seq.s32 s30, $0x0  }
.Ltmp16:
0x11f: {  	_ = 	snop;
	(pc) =	sbr.rel @p2 .LBB3_11-.Ltmp16, $4  }
0x120: {  	_ = 	snop  }
0x121: {  	s28 =	simm.s32 $0x0;
	s31 =	sadd.s32 $0x1, s23;
	s2 =	smin.u32 @!p1 s2, $0x4E1F0  }
0x122: {  	s4 =	simm.s32 @!p1 $0x1;
	s5 =	simm.s32 @!p1 $0x7988;
	s3 =	sand.u32 @!p1 $0x7FFF8, s2  }
0x123: {  	s4 =	smov.u32 @p1 s28;
	s2 =	sand.u32 @!p1 $0x7, s2;
	s3 =	sadd.s32 @!p1 s1, s3  }
.LBB3_10:
0x124: {  	s9 =	smov.u32 s4  }
0x125: {  	[tilespmem:s5], [sflag:$0x2] =	stream.linear.gather @!p1 [hbm4b:s3+s2], $0x80, $0x38;
	[tilespmem:$0x1F6F8] =	vst v63  }
0x126: {  	s30 =	sadd.s32 $0x1, s30;
	s2 =	smov.u32 s0;
	v1 =	vld.msk [tilespmem:s31+$0x0], $0x1  }
0x127: {  	p2 =	seq.s32 s30, $0x0;
	_ =	sdelay $0x3  }
0x128: {  	(v2sf) =	vpush v1, $0x0;
	_ =	sdelay $0xe  }
0x129: {  	s0 =	spop (v2sf)  }
0x12a: {  	p1 =	seq.s32 s2, s0  }
0x12b: {  	p3 =	sgt.s32 @!p1 s2, $0x0;
	s3 =	sshll.u32 @!p1 s4, $0x9;
	s4 =	sadd.s32 @!p1 $0x1, s4  }
.Ltmp17:
0x12c: {  	p3 =	por !p3, p1;
	s3 =	sshra.s32 @!p1 s3, $0x2;
	(pc) =	sbr.rel @!p2 .LBB3_10-.Ltmp17, $4  }
0x12d: {  	s4 =	smov.u32 @p1 s9;
	s2 =	simm.s32 @p3 $0x0;
	s5 =	sadd.s32 @!p1 $0x7988, s3  }
0x12e: {  	s2 =	smin.u32 @!p1 s2, $0x4E1F0  }
0x12f: {  	s3 =	sand.u32 @!p1 $0x7FFF8, s2;
	s2 =	sand.u32 @!p1 $0x7, s2  }
0x130: {  	s31 =	sadd.s32 $0x1, s31;
	s3 =	sadd.s32 @!p1 s1, s3  }
.LBB3_11:
0x131: {  	[tilespmem:s5], [sflag:$0x2] =	stream.linear.gather @!p1 [hbm4b:s3+s2], $0x80, $0x38;
	[tilespmem:$0x1F6F8] =	vst v63  }
.Ltmp18:
0x132: {  	s0 =	sshll.u32 s4, $0x7;
	(pc) =	sbr.rel .LBB3_12-.Ltmp18, $4  }
0x133: {  	s30 =	simm.s32 $0x2;
	s0 =	sand.u32 $0x3FFFFF80, s0  }
0x134: {  	_ =	swait.ge [sflag:s30], s0  }
0x135: {  	s0 =	ssub.s32 $0x0, s0;
	[sflag:s30] =	ssyncset.done $0x0  }
0x136: {  	s31 =	simm.s32 $0x0;
	[sflag:s30] =	ssyncadd.s32 s0  }
.LBB3_13:
0x137: {  	s0 =	sshra.s32 s0, $0x2;
	v1 =	vld [tilespmem:s25+$0xFFFFFFC0]  }
0x138: {  	v2 =	vld [tilespmem:s0+$0x108];
	_ =	sdelay $0x4  }
0x139: {  	v1 =	vmax.f32 v1, v2  }
0x13a: {  	v2 =	vld [tilespmem:s0+$0x118];
	[tilespmem:s0+$0x108] =	vst v1  }
0x13b: {  	v1 =	vld [tilespmem:s25+$0xFFFFFFD0];
	_ =	sdelay $0x4  }
0x13c: {  	v1 =	vmax.f32 v1, v2  }
0x13d: {  	v2 =	vld [tilespmem:s0+$0x128];
	[tilespmem:s0+$0x118] =	vst v1  }
0x13e: {  	v1 =	vld [tilespmem:s25+$0xFFFFFFE0];
	_ =	sdelay $0x4  }
0x13f: {  	v1 =	vmax.f32 v1, v2  }
0x140: {  	v2 =	vld [tilespmem:s0+$0x138];
	[tilespmem:s0+$0x128] =	vst v1  }
0x141: {  	v1 =	vld [tilespmem:s25+$0xFFFFFFF0];
	_ =	sdelay $0x4  }
0x142: {  	v1 =	vmax.f32 v1, v2  }
0x143: {  	v2 =	vld [tilespmem:s0+$0x148];
	[tilespmem:s0+$0x138] =	vst v1  }
0x144: {  	v1 =	vld [tilespmem:s25+$0x0];
	_ =	sdelay $0x4  }
0x145: {  	v1 =	vmax.f32 v1, v2  }
0x146: {  	v2 =	vld [tilespmem:s0+$0x158];
	[tilespmem:s0+$0x148] =	vst v1  }
0x147: {  	v1 =	vld [tilespmem:s25+$0x10];
	_ =	sdelay $0x4  }
0x148: {  	v1 =	vmax.f32 v1, v2  }
0x149: {  	v2 =	vld [tilespmem:s0+$0x168];
	[tilespmem:s0+$0x158] =	vst v1  }
0x14a: {  	v1 =	vld [tilespmem:s25+$0x20];
	_ =	sdelay $0x4  }
0x14b: {  	v1 =	vmax.f32 v1, v2  }
0x14c: {  	v2 =	vld [tilespmem:s0+$0x178];
	[tilespmem:s0+$0x168] =	vst v1  }
0x14d: {  	v1 =	vld [tilespmem:s25+$0x30];
	_ =	sdelay $0x4  }
0x14e: {  	v1 =	vmax.f32 v1, v2  }
0x14f: {  	[tilespmem:s0+$0x178] =	vst v1  }
.LBB3_17:
0x150: {  	s26 =	sadd.s32 $0x1, s26  }
0x151: {  	p1 =	seq.s32 s26, $0x0  }
.Ltmp19:
0x152: {  	_ = 	snop;
	(pc) =	sbr.rel @p1 .LBB3_18-.Ltmp19, $2  }
0x153: {  	_ =	sdelay $0x2  }
0x154: {  	s23 =	sadd.s32 $0x1, s23;
	s25 =	sadd.s32 $0x80, s25;
	s29 =	smov.u32 s30  }
.LBB3_12:
0x155: {  	v1 =	vld.msk [tilespmem:s23+$0x0], $0x1;
	_ =	sdelay $0x4  }
0x156: {  	(v2sf) =	vpush v1, $0x0;
	_ =	sdelay $0xe  }
0x157: {  	s30 =	spop (v2sf)  }
0x158: {  	p1 =	sne.s32 s29, s30  }
.Ltmp20:
0x159: {  	_ = 	snop;
	(pc) =	sbr.rel @!p1 .LBB3_13-.Ltmp20, $2  }
0x15a: {  	_ =	sdelay $0x2  }
0x15b: {  	s0 =	sshll.u32 s22, $0x9  }
0x15c: {  	p1 =	seq.s32 s29, s24  }
.Ltmp21:
0x15d: {  	_ = 	snop;
	(pc) =	sbr.rel @!p1 .LBB3_15-.Ltmp21, $1  }
0x15e: {  	_ =	sdelay $0x3  }
0x15f: {  	s0 =	sshra.s32 s0, $0x2  }
.Ltmp22:
0x160: {  	s0 =	sadd.s32 $0x108, s0;
	(pc) =	sbr.rel .LBB3_16-.Ltmp22, $4  }
0x161: {  	[spmem:s16] =	stream.linear.scatter [tilespmem:s0], [sflag:$0x1], $0x80, $0x38;
	[tilespmem:$0x1F6F8] =	vst v63  }
0x162: {  	_ =	swait.ge [sflag:s12], $0x80  }
0x163: {  	[sflag:s12] =	ssyncset.done $0x0  }
0x164: {  	[sflag:s12] =	ssyncadd.s32 $0xFFFFFF80  }
.LBB3_15:
0x165: {  	s2 =	sshll.u32 s28, $0x9;
	s0 =	sshra.s32 s0, $0x2  }
0x166: {  	s2 =	sshra.s32 s2, $0x2;
	v2 =	vld [tilespmem:s0+$0x108]  }
0x167: {  	v1 =	vld [tilespmem:s2+$0x7988];
	_ =	sdelay $0x4  }
0x168: {  	v1 =	vmax.f32 v1, v2  }
0x169: {  	v2 =	vld [tilespmem:s0+$0x118];
	[tilespmem:s0+$0x108] =	vst v1  }
0x16a: {  	v1 =	vld [tilespmem:s2+$0x7998];
	_ =	sdelay $0x4  }
0x16b: {  	v1 =	vmax.f32 v1, v2  }
0x16c: {  	v2 =	vld [tilespmem:s0+$0x128];
	[tilespmem:s0+$0x118] =	vst v1  }
0x16d: {  	v1 =	vld [tilespmem:s2+$0x79A8];
	_ =	sdelay $0x4  }
0x16e: {  	v1 =	vmax.f32 v1, v2  }
0x16f: {  	v2 =	vld [tilespmem:s0+$0x138];
	[tilespmem:s0+$0x128] =	vst v1  }
0x170: {  	v1 =	vld [tilespmem:s2+$0x79B8];
	_ =	sdelay $0x4  }
0x171: {  	v1 =	vmax.f32 v1, v2  }
0x172: {  	v2 =	vld [tilespmem:s0+$0x148];
	[tilespmem:s0+$0x138] =	vst v1  }
0x173: {  	v1 =	vld [tilespmem:s2+$0x79C8];
	_ =	sdelay $0x4  }
0x174: {  	v1 =	vmax.f32 v1, v2  }
0x175: {  	v2 =	vld [tilespmem:s0+$0x158];
	[tilespmem:s0+$0x148] =	vst v1  }
0x176: {  	v1 =	vld [tilespmem:s2+$0x79D8];
	_ =	sdelay $0x4  }
0x177: {  	v1 =	vmax.f32 v1, v2  }
0x178: {  	v2 =	vld [tilespmem:s0+$0x168];
	[tilespmem:s0+$0x158] =	vst v1  }
0x179: {  	v1 =	vld [tilespmem:s2+$0x79E8];
	_ =	sdelay $0x4  }
0x17a: {  	v1 =	vmax.f32 v1, v2  }
0x17b: {  	v2 =	vld [tilespmem:s0+$0x178];
	[tilespmem:s0+$0x168] =	vst v1  }
0x17c: {  	v1 =	vld [tilespmem:s2+$0x79F8];
	_ =	sdelay $0x3  }
0x17d: {  	p1 =	sgt.u32 s29, $0x4E1F0  }
0x17e: {  	s2 =	sand.u32 @!p1 $0x7FFF8, s29;
	v1 =	vmax.f32 v1, v2  }
0x17f: {  	s3 =	sadd.s32 $0x108, s0;
	[tilespmem:s0+$0x178] =	vst v1;
	s0 =	sadd.s32 @!p1 s1, s2;
	s2 =	sand.u32 @!p1 $0x7, s29  }
0x180: {  	[hbm4b:s0+s2] =	stream.linear.scatter @!p1 [tilespmem:s3], [sflag:$0xC], $0x80, $0x38;
	[tilespmem:$0x1F6F8] =	vst v63  }
0x181: {  	s0 =	simm.s32 $0x0  }
0x182: {  	s0 =	simm.s32 @!p1 $0x200  }
0x183: {  	s31 =	sadd.s32 s0, s31  }
.LBB3_16:
0x184: {  	s0 =	sadd.s32 $0x1, s22  }
0x185: {  	s2 =	smulhi.u32 $0x88888889, s0;
	_ =	sdelay $0x1  }
0x186: {  	v1 =	vld [tilespmem:s25+$0xFFFFFFC0];
	s2 =	sshrl.u32 s2, $0x7  }
0x187: {  	s2 =	smul.u32 $0xF0, s2;
	_ =	sdelay $0x1  }
0x188: {  	s22 =	ssub.s32 s0, s2  }
0x189: {  	s0 =	sshll.u32 s22, $0x7  }
0x18a: {  	[tilespmem:s0+$0x108] =	vst v1  }
0x18b: {  	v1 =	vld [tilespmem:s25+$0xFFFFFFD0];
	_ =	sdelay $0x4  }
0x18c: {  	[tilespmem:s0+$0x118] =	vst v1  }
0x18d: {  	v1 =	vld [tilespmem:s25+$0xFFFFFFE0];
	_ =	sdelay $0x4  }
0x18e: {  	[tilespmem:s0+$0x128] =	vst v1  }
0x18f: {  	v1 =	vld [tilespmem:s25+$0xFFFFFFF0];
	_ =	sdelay $0x4  }
0x190: {  	[tilespmem:s0+$0x138] =	vst v1  }
0x191: {  	v1 =	vld [tilespmem:s25+$0x0];
	_ =	sdelay $0x4  }
0x192: {  	[tilespmem:s0+$0x148] =	vst v1  }
0x193: {  	v1 =	vld [tilespmem:s25+$0x10];
	_ =	sdelay $0x4  }
0x194: {  	[tilespmem:s0+$0x158] =	vst v1  }
0x195: {  	v1 =	vld [tilespmem:s25+$0x20];
	_ =	sdelay $0x4  }
0x196: {  	[tilespmem:s0+$0x168] =	vst v1  }
0x197: {  	v1 =	vld [tilespmem:s25+$0x30]  }
.Ltmp23:
0x198: {  	_ = 	snop;
	(pc) =	sbr.rel .LBB3_17-.Ltmp23, $2  }
0x199: {  	_ =	sdelay $0x2  }
0x19a: {  	s28 =	sadd.s32 $0x1, s28;
	[tilespmem:s0+$0x178] =	vst v1  }
.LBB3_19:
.Ltmp24:
0x19b: {  	(pc) =	sbr.rel .LBB3_20-.Ltmp24, $4  }
0x19c: {  	_ = 	snop  }
0x19d: {  	s0 =	simm.s32 $0x2  }
0x19e: {  	_ =	swait.ge [sflag:s0], $0x0  }
0x19f: {  	s30 =	smov.u32 s29;
	[sflag:s0] =	ssyncset.done $0x0;
	s0 =	simm.s32 $0x0  }
.LBB3_22:
0x1a0: {  	_ =	sfence.sel $0x180000  }
0x1a1: {  	s0 =	simm.s32 $0x9;
	[bflag:$0x0] =	sbarrier.arrive $0xFFFF  }
0x1a2: {  	s24 =	simm.s32 $0xA;
	[sflag:s0] =	ssyncpa.u1 $0x1  }
0x1a3: {  	s25 =	simm.s32 $0xB;
	[sflag:s24] =	ssyncpa.u1 $0x1  }
0x1a4: {  	s26 =	simm.s32 $0x2;
	[sflag:s25] =	ssyncpa.u1 $0x1  }
0x1a5: {  	[sflag:s26] =	ssyncpa.u1 $0x1  }
0x1a6: {  	v0 =	vld [tilespmem:$0xF208];
	_ =	sdelay $0x4  }
0x1a7: {  	(v2sf) =	vpush v0, $0x0  }
0x1a8: {  	(v2sf) =	vpush v0, $0x1;
	_ =	sdelay $0x1  }
0x1a9: {  	(v2sf) =	vpush v0, $0x2;
	_ =	sdelay $0xb  }
0x1aa: {  	s0 =	spop (v2sf)  }
0x1ab: {  	s2 =	spop (v2sf)  }
0x1ac: {  	s3 =	smov.u32 s0;
	p0 =	sne.s32 s0, s2  }
0x1ad: {  	s4 =	spop (v2sf);
	s3 =	simm.s32 @!p0 $0xFFFFFFFF  }
0x1ae: {  	v2 =	vimm.s32 $0x1;
	v3 =	vlaneseq.u32;
	p0 =	seq.s32 s4, $0xFFFFFFFF;
	v1 =	vmov s3  }
0x1af: {  	s16 =	stileid.u32;
	v0 =	vperm.xlane v0, v2;
	p1 =	sne.s32 @!p0 s0, s2;
	v1 =	vperm.xlane v1, v3  }
0x1b0: {  	vm0 =	vcmask $0x3F04;
	s6 =	simm.s32 $0xF208;
	s0 =	simm.s32 @!p0 $0x1;
	p1 =	por !p1, p0  }
0x1b1: {  	s3 =	sshll.u32 s16, $0x1;
	s2 =	sshll.u32 @!p0 s4, $0x9;
	s0 =	simm.s32 @p1 $0x0;
	v0 =	vsel vm0, v1, v0  }
0x1b2: {  	s5 =	sor.u32 $0x1000, s3;
	s2 =	sshra.s32 @!p0 s2, $0x2;
	s0 =	sor.u32 @!p0 s0, s3;
	[tilespmem:$0xF208] =	vst v0  }
0x1b3: {  	[spmem:s5] =	stream.linear.scatter [tilespmem:s6], [sflag:$0x1], $0x2, $0x38;
	[tilespmem:$0x1F6F8] =	vst v63  }
0x1b4: {  	s2 =	sadd.s32 @!p0 $0x108, s2;
	s0 =	sshll.u32 @!p0 s0, $0x7  }
0x1b5: {  	[spmem:s0] =	stream.linear.scatter @!p0 [tilespmem:s2], [sflag:$0x1], $0x80, $0x38;
	[tilespmem:$0x1F6F8] =	vst v63  }
0x1b6: {  	s0 =	simm.s32 @!p0 $0x82  }
0x1b7: {  	s28 =	simm.s32 $0x1;
	s0 =	simm.s32 @p0 $0x2  }
0x1b8: {  	_ =	swait.ge [sflag:s28], s0  }
0x1b9: {  	s0 =	ssub.s32 $0x0, s0;
	[sflag:s28] =	ssyncset.done $0x0  }
0x1ba: {  	p0 =	sne.s32 s16, $0x0;
	[sflag:s28] =	ssyncadd.s32 s0  }
.Ltmp25:
0x1bb: {  	_ =	sfence.stream.spmem;
	(pc) =	sbr.rel @p0 .LBB3_39-.Ltmp25, $4  }
0x1bc: {  	s29 =	simm.s32 $0x3;
	[bflag:$0x0] =	sbarrier.arrive $0xFFFF  }
0x1bd: {  	s30 =	simm.s32 $0x4;
	[sflag:s29] =	ssyncpa.u1 $0x1  }
0x1be: {  	s31 =	simm.s32 $0x3C;
	[sflag:s30] =	ssyncpa.u1 $0x1  }
0x1bf: {  	s15 =	rddreg [dreg:$0x4];
	[sflag:s31] =	ssyncpa.u1 $0x1  }
0x1c0: {  	_ =	sfence.stream.spmem;
	s0 =	simm.s32 $0x5  }
0x1c1: {  	s2 =	simm.s32 $0x1000;
	s3 =	simm.s32 $0xF218;
	[sflag:s0] =	ssyncpa.u1 $0x0  }
0x1c2: {  	[tilespmem:s3], [sflag:$0x5] =	stream.linear.gather [spmem:s2], $0x20, $0x38;
	[tilespmem:$0x1F6F8] =	vst v63  }
0x1c3: {  	s26 =	simm.s32 $0x0;
	s28 =	simm.s32 $0xF238  }
0x1c4: {  	[tilespmem:s28], [sflag:$0x5] =	stream.linear.gather [spmem:s26], $0x1000, $0x38;
	[tilespmem:$0x1F6F8] =	vst v63  }
0x1c5: {  	_ =	swait.ge [sflag:s0], $0x1020  }
0x1c6: {  	[sflag:s0] =	ssyncset.done $0x0  }
0x1c7: {  	s29 =	simm.s32 $0x0;
	[sflag:s0] =	ssyncadd.s32 $0xFFFFEFE0  }
0x1c8: {  	v0 =	vld.msk [tilespmem:s29+$0xF218], $0x1;
	_ =	sdelay $0x1  }
0x1c9: {  	s30 =	simm.s32 $0x1  }
0x1ca: {  	v1 =	vld.msk [tilespmem:s30+$0xF218], $0x1;
	_ =	sdelay $0x1  }
0x1cb: {  	(v2sf) =	vpush v0, $0x0;
	_ =	sdelay $0x2  }
0x1cc: {  	(v2sf) =	vpush v1, $0x0;
	_ =	sdelay $0x2  }
0x1cd: {  	s31 =	simm.s32 $0x2  }
0x1ce: {  	v0 =	vld.msk [tilespmem:s31+$0xF218], $0x1;
	_ =	sdelay $0x2  }
0x1cf: {  	s4 =	simm.s32 $0xFFFFFFFF;
	s5 =	simm.s32 $0xFFFFFFFF;
	s0 =	simm.s32 $0xC  }
.LBB3_24:
0x1d0: {  	s2 =	smov.u32 s5;
	s3 =	smov.u32 s4  }
0x1d1: {  	s4 =	sshra.s32 s0, $0x2;
	p1 =	sne.s32 s0, $0x7C;
	s0 =	sadd.s32 $0x4, s0;
	(v2sf) =	vpush v0, $0x0  }
0x1d2: {  	v0 =	vld.msk [tilespmem:s4+$0xF218], $0x1  }
.Ltmp26:
0x1d3: {  	(pc) =	sbr.rel @p1 .LBB3_24-.Ltmp26, $4  }
0x1d4: {  	s5 =	spop (v2sf)  }
0x1d5: {  	p2 =	sne.s32 s3, $0xFFFFFFFF;
	s4 =	smov.u32 s5  }
0x1d6: {  	p3 =	seq.s32 s5, $0xFFFFFFFF;
	s4 =	smov.u32 @p2 s3  }
0x1d7: {  	s5 =	smov.u32 @p3 s2;
	s4 =	smov.u32 @p3 s3  }
0x1d8: {  	(v2sf) =	vpush v0, $0x0;
	_ =	sdelay $0x8  }
0x1d9: {  	s0 =	spop (v2sf)  }
0x1da: {  	p1 =	sne.s32 s4, $0xFFFFFFFF;
	s2 =	smov.u32 s0  }
0x1db: {  	s9 =	simm.s32 $0x6;
	p2 =	seq.s32 s0, $0xFFFFFFFF;
	s2 =	smov.u32 @p1 s4  }
0x1dc: {  	s6 =	simm.s32 $0x0;
	s2 =	smov.u32 @p2 s4;
	s3 =	spop (v2sf)  }
0x1dd: {  	s0 =	smov.u32 @p2 s5;
	p1 =	sne.s32 s2, $0xFFFFFFFF;
	s4 =	smov.u32 s3  }
.Ltmp27:
0x1de: {  	p2 =	seq.s32 s3, $0xFFFFFFFF;
	s4 =	smov.u32 @p1 s2;
	(pc) =	sbr.rel .LBB3_26-.Ltmp27, $4  }
0x1df: {  	s10 =	simm.s32 $0xF188;
	s4 =	smov.u32 @p2 s2;
	s7 =	spop (v2sf)  }
0x1e0: {  	s11 =	simm.s32 $0x0;
	p1 =	sne.s32 s4, $0xFFFFFFFF;
	s8 =	smov.u32 s7  }
0x1e1: {  	s3 =	smov.u32 @p2 s0;
	p2 =	seq.s32 s7, $0xFFFFFFFF;
	s8 =	smov.u32 @p1 s4  }
0x1e2: {  	[sflag:s9] =	ssyncpa.u1 $0x0;
	s7 =	smov.u32 @p2 s3;
	s8 =	smov.u32 @p2 s4  }
.LBB3_32:
0x1e3: {  	p1 =	sgt.u32 s12, $0x4E1F0  }
0x1e4: {  	p2 =	seq.s32 @!p1 s12, s8  }
0x1e5: {  	p1 =	por p1, p2  }
0x1e6: {  	p2 =	sne.s32 @!p1 s12, s7  }
0x1e7: {  	p1 =	por p1, !p2  }
0x1e8: {  	s0 =	sshll.u32 @p1 s11, $0x9  }
0x1e9: {  	s0 =	sand.u32 @!p1 $0x7FFF8, s12  }
0x1ea: {  	s2 =	sand.u32 @!p1 $0x7, s12;
	s0 =	sadd.s32 @!p1 s1, s0  }
0x1eb: {  	[tilespmem:s10], [sflag:$0x6] =	stream.linear.gather @!p1 [hbm4b:s0+s2], $0x80, $0x38;
	[tilespmem:$0x1F6F8] =	vst v63  }
0x1ec: {  	_ =	swait.ge @!p1 [sflag:s9], $0x80  }
0x1ed: {  	[sflag:s9] =	ssyncset.done @!p1 $0x0  }
0x1ee: {  	s0 =	sshll.u32 @!p1 s11, $0x9;
	[sflag:s9] =	ssyncadd.s32 @!p1 $0xFFFFFF80  }
0x1ef: {  	s2 =	sshrl.u32 @!p1 s0, $0x2;
	v1 =	vld @!p1 [tilespmem:$0xF188]  }
0x1f0: {  	v2 =	vld @!p1 [tilespmem:s2+$0xF238];
	_ =	sdelay $0x4  }
0x1f1: {  	v1 =	vmax.f32 @!p1 v1, v2  }
0x1f2: {  	v2 =	vld @!p1 [tilespmem:s2+$0xF248];
	[tilespmem:s2+$0xF238] =	vst @!p1 v1  }
0x1f3: {  	v1 =	vld @!p1 [tilespmem:$0xF198];
	_ =	sdelay $0x4  }
0x1f4: {  	v1 =	vmax.f32 @!p1 v1, v2  }
0x1f5: {  	v2 =	vld @!p1 [tilespmem:s2+$0xF258];
	[tilespmem:s2+$0xF248] =	vst @!p1 v1  }
0x1f6: {  	v1 =	vld @!p1 [tilespmem:$0xF1A8];
	_ =	sdelay $0x4  }
0x1f7: {  	v1 =	vmax.f32 @!p1 v1, v2  }
0x1f8: {  	v2 =	vld @!p1 [tilespmem:s2+$0xF268];
	[tilespmem:s2+$0xF258] =	vst @!p1 v1  }
0x1f9: {  	v1 =	vld @!p1 [tilespmem:$0xF1B8];
	_ =	sdelay $0x4  }
0x1fa: {  	v1 =	vmax.f32 @!p1 v1, v2  }
0x1fb: {  	v2 =	vld @!p1 [tilespmem:s2+$0xF278];
	[tilespmem:s2+$0xF268] =	vst @!p1 v1  }
0x1fc: {  	v1 =	vld @!p1 [tilespmem:$0xF1C8];
	_ =	sdelay $0x4  }
0x1fd: {  	v1 =	vmax.f32 @!p1 v1, v2  }
0x1fe: {  	v2 =	vld @!p1 [tilespmem:s2+$0xF288];
	[tilespmem:s2+$0xF278] =	vst @!p1 v1  }
0x1ff: {  	v1 =	vld @!p1 [tilespmem:$0xF1D8];
	_ =	sdelay $0x4  }
0x200: {  	v1 =	vmax.f32 @!p1 v1, v2  }
0x201: {  	v2 =	vld @!p1 [tilespmem:s2+$0xF298];
	[tilespmem:s2+$0xF288] =	vst @!p1 v1  }
0x202: {  	v1 =	vld @!p1 [tilespmem:$0xF1E8];
	_ =	sdelay $0x4  }
0x203: {  	v1 =	vmax.f32 @!p1 v1, v2  }
0x204: {  	v2 =	vld @!p1 [tilespmem:s2+$0xF2A8];
	[tilespmem:s2+$0xF298] =	vst @!p1 v1  }
0x205: {  	v1 =	vld @!p1 [tilespmem:$0xF1F8];
	_ =	sdelay $0x4  }
0x206: {  	v1 =	vmax.f32 @!p1 v1, v2  }
0x207: {  	[tilespmem:s2+$0xF2A8] =	vst @!p1 v1  }
0x208: {  	s0 =	sshrl.u32 s0, $0x2;
	[tilespmem:s6+$0xF218] =	vst.msk $0x1, v0  }
0x209: {  	v0 =	vld [tilespmem:s0+$0xF238];
	_ =	sdelay $0x2  }
0x20a: {  	s31 =	sshll.u32 s6, $0x9  }
0x20b: {  	s2 =	sshra.s32 s31, $0x2  }
0x20c: {  	[tilespmem:s2+$0xF238] =	vst v0  }
0x20d: {  	v0 =	vld [tilespmem:s0+$0xF248];
	_ =	sdelay $0x4  }
0x20e: {  	[tilespmem:s2+$0xF248] =	vst v0  }
0x20f: {  	v0 =	vld [tilespmem:s0+$0xF258];
	_ =	sdelay $0x4  }
0x210: {  	[tilespmem:s2+$0xF258] =	vst v0  }
0x211: {  	v0 =	vld [tilespmem:s0+$0xF268];
	_ =	sdelay $0x4  }
0x212: {  	[tilespmem:s2+$0xF268] =	vst v0  }
0x213: {  	v0 =	vld [tilespmem:s0+$0xF278];
	_ =	sdelay $0x4  }
0x214: {  	[tilespmem:s2+$0xF278] =	vst v0  }
0x215: {  	v0 =	vld [tilespmem:s0+$0xF288];
	_ =	sdelay $0x4  }
0x216: {  	[tilespmem:s2+$0xF288] =	vst v0  }
0x217: {  	v0 =	vld [tilespmem:s0+$0xF298];
	_ =	sdelay $0x4  }
0x218: {  	[tilespmem:s2+$0xF298] =	vst v0  }
0x219: {  	v0 =	vld [tilespmem:s0+$0xF2A8];
	_ =	sdelay $0x4  }
0x21a: {  	s6 =	sadd.s32 $0x1, s6;
	[tilespmem:s2+$0xF2A8] =	vst v0  }
.LBB3_33:
0x21b: {  	s11 =	sadd.s32 $0x1, s11  }
0x21c: {  	p1 =	sne.s32 s11, $0x20  }
.Ltmp28:
0x21d: {  	_ = 	snop;
	(pc) =	sbr.rel @!p1 .LBB3_34-.Ltmp28, $1  }
0x21e: {  	_ =	sdelay $0x3  }
.LBB3_26:
0x21f: {  	v0 =	vld.msk [tilespmem:s11+$0xF218], $0x1;
	_ =	sdelay $0x4  }
0x220: {  	(v2sf) =	vpush v0, $0x0;
	_ =	sdelay $0xe  }
0x221: {  	s12 =	spop (v2sf)  }
0x222: {  	p1 =	seq.s32 s12, $0xFFFFFFFF  }
.Ltmp29:
0x223: {  	_ = 	snop;
	(pc) =	sbr.rel @p1 .LBB3_33-.Ltmp29, $1  }
0x224: {  	_ =	sdelay $0x3  }
0x225: {  	p1 =	slt.s32 s6, $0x1  }
.Ltmp30:
0x226: {  	_ = 	snop;
	(pc) =	sbr.rel @p1 .LBB3_32-.Ltmp30, $1  }
0x227: {  	_ =	sdelay $0x3  }
0x228: {  	s13 =	simm.s32 $0xF218;
	p1 =	por $0x0, $0x0  }
0x229: {  	v1 =	vld.msk @!p1 [tilespmem:s13+$0x0], $0x1;
	_ =	sdelay $0x4  }
0x22a: {  	(v2sf) =	vpush @!p1 v1, $0x0;
	_ =	sdelay $0xd  }
0x22b: {  	p3 =	sne.s32 s6, $0x1  }
.Ltmp31:
0x22c: {  	s0 =	spop @!p1 (v2sf);
	(pc) =	sbr.rel @!p3 .LBB3_30-.Ltmp31, $4  }
0x22d: {  	p2 =	seq.s32 @!p1 s12, s0  }
0x22e: {  	s14 =	simm.s32 $0x0;
	p2 =	por !p2, p1  }
0x22f: {  	s2 =	simm.s32 $0xFFFFFFFF;
	s14 =	simm.s32 @p2 $0xFFFFFFFF  }
0x230: {  	s0 =	simm.s32 $0x1;
	s14 =	smov.u32 @p1 s2  }
.LBB3_29:
0x231: {  	s2 =	smov.u32 s14;
	p1 =	sne.s32 s14, $0xFFFFFFFF  }
0x232: {  	s13 =	sadd.s32 $0x1, s13;
	s14 =	smov.u32 s0;
	s0 =	sadd.s32 $0x1, s0  }
0x233: {  	p2 =	sne.s32 s6, s0;
	v1 =	vld.msk @!p1 [tilespmem:s13+$0x0], $0x1;
	_ =	sdelay $0x4  }
0x234: {  	(v2sf) =	vpush @!p1 v1, $0x0;
	_ =	sdelay $0xe  }
.Ltmp32:
0x235: {  	s3 =	spop @!p1 (v2sf);
	(pc) =	sbr.rel @p2 .LBB3_29-.Ltmp32, $4  }
0x236: {  	p3 =	seq.s32 @!p1 s12, s3  }
0x237: {  	p3 =	por !p3, p1  }
0x238: {  	s14 =	simm.s32 @p3 $0xFFFFFFFF  }
0x239: {  	s14 =	smov.u32 @p1 s2  }
.LBB3_30:
0x23a: {  	p1 =	seq.s32 s14, $0xFFFFFFFF  }
.Ltmp33:
0x23b: {  	_ = 	snop;
	(pc) =	sbr.rel @p1 .LBB3_32-.Ltmp33, $1  }
0x23c: {  	_ =	sdelay $0x3  }
0x23d: {  	s0 =	sshll.u32 s11, $0x7  }
0x23e: {  	s2 =	sshll.u32 s14, $0x9;
	s0 =	sand.u32 $0x3FFFFF80, s0  }
0x23f: {  	s2 =	sshra.s32 s2, $0x2;
	v0 =	vld [tilespmem:s0+$0xF238]  }
0x240: {  	v1 =	vld [tilespmem:s2+$0xF238];
	_ =	sdelay $0x4  }
0x241: {  	v0 =	vmax.f32 v0, v1  }
0x242: {  	v57 =	vld [tilespmem:s2+$0xF248];
	[tilespmem:s2+$0xF238] =	vst v0  }
0x243: {  	v0 =	vld [tilespmem:s0+$0xF248];
	_ =	sdelay $0x4  }
0x244: {  	v0 =	vmax.f32 v0, v57  }
0x245: {  	v58 =	vld [tilespmem:s2+$0xF258];
	[tilespmem:s2+$0xF248] =	vst v0  }
0x246: {  	v0 =	vld [tilespmem:s0+$0xF258];
	_ =	sdelay $0x4  }
0x247: {  	v0 =	vmax.f32 v0, v58  }
0x248: {  	v59 =	vld [tilespmem:s2+$0xF268];
	[tilespmem:s2+$0xF258] =	vst v0  }
0x249: {  	v0 =	vld [tilespmem:s0+$0xF268];
	_ =	sdelay $0x4  }
0x24a: {  	v0 =	vmax.f32 v0, v59  }
0x24b: {  	v60 =	vld [tilespmem:s2+$0xF278];
	[tilespmem:s2+$0xF268] =	vst v0  }
0x24c: {  	v0 =	vld [tilespmem:s0+$0xF278];
	_ =	sdelay $0x4  }
0x24d: {  	v0 =	vmax.f32 v0, v60  }
0x24e: {  	v61 =	vld [tilespmem:s2+$0xF288];
	[tilespmem:s2+$0xF278] =	vst v0  }
0x24f: {  	v0 =	vld [tilespmem:s0+$0xF288];
	_ =	sdelay $0x4  }
0x250: {  	v0 =	vmax.f32 v0, v61  }
0x251: {  	v62 =	vld [tilespmem:s2+$0xF298];
	[tilespmem:s2+$0xF288] =	vst v0  }
0x252: {  	v0 =	vld [tilespmem:s0+$0xF298];
	_ =	sdelay $0x4  }
0x253: {  	v0 =	vmax.f32 v0, v62  }
0x254: {  	v63 =	vld [tilespmem:s2+$0xF2A8];
	[tilespmem:s2+$0xF298] =	vst v0  }
0x255: {  	v0 =	vld [tilespmem:s0+$0xF2A8];
	_ =	sdelay $0x1  }
.Ltmp34:
0x256: {  	_ = 	snop;
	(pc) =	sbr.rel .LBB3_33-.Ltmp34, $3  }
0x257: {  	_ =	sdelay $0x1  }
0x258: {  	v0 =	vmax.f32 v0, v63  }
0x259: {  	[tilespmem:s2+$0xF2A8] =	vst v0  }
.LBB3_34:
0x25a: {  	s0 =	simm.s32 $0x6;
	p1 =	seq.s32 s6, $0x0  }
0x25b: {  	[sflag:s0] =	ssyncpa.u1 $0x1;
	v0 =	vimm.s32 @p1 $0xFFFFFFFF  }
0x25c: {  	s9 =	sadd.s32 $0xFFFFFFFF, s6;
	[tilespmem:$0x10238] =	vst @p1 v0  }
0x25d: {  	v0 =	vld.msk @!p1 [tilespmem:s9+$0xF218], $0x1;
	_ =	sdelay $0x1  }
0x25e: {  	v1 =	vld.msk @!p1 [tilespmem:$0xF218], $0x1;
	_ =	sdelay $0x2  }
0x25f: {  	p2 =	seq.s32 @!p1 s9, $0x0;
	v0 =	vbroadcast @!p1 v0, $0x0  }
0x260: {  	vm0 =	vmmov @!p1 $0x1;
	p2 =	por !p2, p1  }
0x261: {  	v1 =	vnsel @!p1 vm0, $0xFFFFFFFF, v1;
	vm0 =	vcmask @!p1 $0x308;
	v0 =	vpsel !p2, $0xFFFFFFFF, v0  }
0x262: {  	p2 =	sne.s32 @!p1 s8, s7;
	v0 =	vsel @!p1 vm0, v1, v0  }
0x263: {  	s0 =	simm.s32 @!p1 $0xF238;
	s2 =	simm.s32 @!p1 $0x0;
	p3 =	por !p2, p1;
	[tilespmem:$0x10238] =	vst @!p1 v0  }
0x264: {  	[spmem:s2] =	stream.linear.scatter @!p1 [tilespmem:s0], [sflag:$0x1], $0x80, $0x38;
	[tilespmem:$0x1F6F8] =	vst v63  }
0x265: {  	s0 =	sshll.u32 @!p3 s9, $0x9  }
0x266: {  	s0 =	sshra.s32 @!p3 s0, $0x2  }
0x267: {  	s2 =	simm.s32 @!p3 $0x80;
	s0 =	sadd.s32 @!p3 $0xF238, s0  }
0x268: {  	[spmem:s2] =	stream.linear.scatter @!p3 [tilespmem:s0], [sflag:$0x1], $0x80, $0x38;
	[tilespmem:$0x1F6F8] =	vst v63  }
0x269: {  	s0 =	simm.s32 @!p3 $0x1  }
0x26a: {  	_ =	swait.ge @!p3 [sflag:s0], $0x100  }
0x26b: {  	p1 =	por p2, p1;
	[sflag:s0] =	ssyncset.done @!p3 $0x0  }
0x26c: {  	[sflag:s0] =	ssyncadd.s32 @!p3 $0xFFFFFF00;
	s0 =	simm.s32 @!p1 $0x1  }
0x26d: {  	_ =	swait.ge @!p1 [sflag:s0], $0x80  }
0x26e: {  	s29 =	simm.s32 $0x10238;
	[sflag:s0] =	ssyncset.done @!p1 $0x0  }
0x26f: {  	s30 =	simm.s32 $0x1000;
	s31 =	simm.s32 $0x1;
	[sflag:s0] =	ssyncadd.s32 @!p1 $0xFFFFFF80  }
0x270: {  	[spmem:s30] =	stream.linear.scatter [tilespmem:s29], [sflag:$0x1], $0x10, $0x38;
	[tilespmem:$0x1F6F8] =	vst v63  }
0x271: {  	_ =	swait.ge [sflag:s31], $0x10  }
0x272: {  	[sflag:s31] =	ssyncset.done $0x0  }
0x273: {  	p1 =	seq.s32 s15, $0x0;
	s8 =	rddreg [dreg:$0x1];
	[sflag:s31] =	ssyncadd.s32 $0xFFFFFFF0  }
0x274: {  	s2 =	sshll.u32 @p1 s8, $0xE;
	s7 =	rddreg [dreg:$0x2]  }
0x275: {  	s0 =	sadd.s32 @p1 $0x15C3C, s2;
	s2 =	sshll.u32 @p1 s7, $0x11  }
0x276: {  	_ =	sfence.stream.spmem;
	s0 =	sor.u32 @p1 s2, s0  }
0x277: {  	[sflag:s0] =	ssyncadd.remote.s32 @p1 $0x1;
	s0 =	simm.s32 @p1 $0x4  }
0x278: {  	s3 =	simm.s32 @!p1 $0x3C;
	s2 =	sand.u32 $0xFFFFFFFE, s8;
	_ =	swait.ge @p1 [sflag:s0], $0x22  }
0x279: {  	s4 =	simm.s32 @!p1 $0x0;
	s2 =	sadd.s32 @!p1 $0x4, s2;
	[sflag:s0] =	ssyncset.done @p1 $0x0  }
0x27a: {  	s5 =	simm.s32 @!p1 $0x100;
	[sflag:s0] =	ssyncadd.s32 @p1 $0xFFFFFFDE;
	s0 =	sshll.u32 @!p1 s2, $0x1A  }
0x27b: {  	s2 =	sshll.u32 @!p1 s2, $0xD;
	s0 =	sor.u32 @!p1 s0, s7;
	_ =	swait.eq @!p1 [sflag:s3], $0x1  }
0x27c: {  	s2 =	sor.u32 @!p1 $0x1C04, s2;
	s3 =	simm.s32 @!p1 $0x1C03;
	s0 =	sor.u32 @!p1 $0x80004000, s0  }
0x27d: {  	[spmem:s5], [sflag:s2] =	dma.general @!p1 [spmem:s4], [sflag:s3], length:$0x20, [dreg:$0x0], stride_count:$0x0, ici_dest:s0, dma_misc:DstOpCode:WRITE  }
0x27e: {  	p2 =	slt.s32 s9, $0x2;
	s4 =	simm.s32 @!p1 $0x200;
	s5 =	simm.s32 @!p1 $0x202  }
0x27f: {  	[spmem:s5], [sflag:s2] =	dma.general @!p1 [spmem:s4], [sflag:s3], length:$0x2, [dreg:$0x0], stride_count:$0x0, ici_dest:s0, dma_misc:DstOpCode:WRITE  }
.Ltmp35:
0x280: {  	s0 =	simm.s32 @!p1 $0x3;
	(pc) =	sbr.rel @p2 .LBB3_38-.Ltmp35, $4  }
0x281: {  	s2 =	sshll.u32 @!p1 s8, $0xE;
	_ =	swait.ge @!p1 [sflag:s0], $0x22  }
0x282: {  	s3 =	sshll.u32 @!p1 s7, $0x11;
	s2 =	sadd.s32 @!p1 $0x11C3C, s2;
	[sflag:s0] =	ssyncset.done @!p1 $0x0  }
0x283: {  	[sflag:s0] =	ssyncadd.s32 @!p1 $0xFFFFFFDE;
	s0 =	sor.u32 @!p1 s3, s2  }
0x284: {  	[sflag:s0] =	ssyncadd.remote.s32 @!p1 $0xFFFFFFFF;
	s0 =	simm.s32 $0x0  }
0x285: {  	s0 =	simm.s32 $0xF219  }
0x286: {  	v0 =	vld.msk [tilespmem:s0+$0x0], $0x1;
	_ =	sdelay $0x4  }
0x287: {  	(v2sf) =	vpush v0, $0x0;
	_ =	sdelay $0xb  }
0x288: {  	s31 =	sadd.s32 $0xFFFFFFFE, s6  }
0x289: {  	s0 =	sadd.s32 $0xFFFFFFFF, s31  }
0x28a: {  	p2 =	sne.s32 s0, $0x0  }
.Ltmp36:
0x28b: {  	s2 =	spop (v2sf);
	(pc) =	sbr.rel @!p2 .LBB3_37-.Ltmp36, $4  }
0x28c: {  	s4 =	simm.s32 $0xF2B8;
	s7 =	simm.s32 $0x0;
	p1 =	sgt.u32 s2, $0x4E1F0  }
0x28d: {  	s5 =	simm.s32 $0x0;
	s6 =	simm.s32 $0xF21A;
	s3 =	sand.u32 @!p1 $0x7FFF8, s2  }
0x28e: {  	s2 =	sand.u32 @!p1 $0x7, s2;
	s7 =	simm.s32 @!p1 $0x200;
	s3 =	sadd.s32 @!p1 s1, s3  }
0x28f: {  	[hbm4b:s3+s2] =	stream.linear.scatter @!p1 [tilespmem:s4], [sflag:$0x5], $0x80, $0x38;
	[tilespmem:$0x1F6F8] =	vst v63  }
.LBB3_36:
0x290: {  	v0 =	vld.msk [tilespmem:s6+$0x0], $0x1;
	s0 =	sadd.s32 $0xFFFFFFFF, s0;
	s5 =	sadd.s32 s5, s7  }
0x291: {  	p1 =	sne.s32 s0, $0x0;
	_ =	sdelay $0x3  }
0x292: {  	(v2sf) =	vpush v0, $0x0;
	_ =	sdelay $0xe  }
.Ltmp37:
0x293: {  	s2 =	spop (v2sf);
	(pc) =	sbr.rel @p1 .LBB3_36-.Ltmp37, $4  }
0x294: {  	s7 =	simm.s32 $0x0;
	p2 =	sgt.u32 s2, $0x4E1F0  }
0x295: {  	s4 =	sadd.s32 $0x80, s4;
	s7 =	simm.s32 @!p2 $0x200;
	s3 =	sand.u32 @!p2 $0x7FFF8, s2  }
0x296: {  	s6 =	sadd.s32 $0x1, s6;
	s2 =	sand.u32 @!p2 $0x7, s2;
	s3 =	sadd.s32 @!p2 s1, s3  }
0x297: {  	[hbm4b:s3+s2] =	stream.linear.scatter @!p2 [tilespmem:s4], [sflag:$0x5], $0x80, $0x38;
	[tilespmem:$0x1F6F8] =	vst v63  }
.LBB3_37:
0x298: {  	s0 =	sadd.s32 s5, s7  }
0x299: {  	s0 =	sshrl.u32 s0, $0x2  }
.LBB3_38:
0x29a: {  	s2 =	simm.s32 $0x5  }
0x29b: {  	_ =	swait.ge [sflag:s2], s0  }
0x29c: {  	s31 =	ssub.s32 $0x0, s0;
	[sflag:s2] =	ssyncset.done $0x0  }
0x29d: {  	[sflag:s2] =	ssyncadd.s32 s31  }
0x29e: {  	[sflag:s2] =	ssyncpa.u1 $0x1  }
.LBB3_39:
0x29f: {  	s0 =	sor.u32 s15, s16  }
0x2a0: {  	p1 =	sne.s32 s0, $0x0  }
.Ltmp38:
0x2a1: {  	_ = 	snop;
	(pc) =	sbr.rel @p1 .LBB3_54-.Ltmp38, $3  }
0x2a2: {  	_ =	sdelay $0x1  }
0x2a3: {  	[bflag:$0x0] =	sbarrier.arrive $0xFFFF  }
0x2a4: {  	_ =	sfence  }
0x2a5: {  	s0 =	simm.s32 $0x7  }
0x2a6: {  	s2 =	simm.s32 $0x1000;
	s3 =	simm.s32 $0xF218;
	[sflag:s0] =	ssyncpa.u1 $0x0  }
0x2a7: {  	[tilespmem:s3], [sflag:$0x7] =	stream.linear.gather [spmem:s2], $0x20, $0x38;
	[tilespmem:$0x1F6F8] =	vst v63  }
0x2a8: {  	s30 =	simm.s32 $0xF238;
	s2 =	simm.s32 $0x0  }
0x2a9: {  	[tilespmem:s30], [sflag:$0x7] =	stream.linear.gather [spmem:s2], $0x1000, $0x38;
	[tilespmem:$0x1F6F8] =	vst v63  }
.Ltmp39:
0x2aa: {  	_ = 	snop;
	(pc) =	sbr.rel .LBB3_41-.Ltmp39, $4  }
0x2ab: {  	_ =	swait.ge [sflag:s0], $0x1020  }
0x2ac: {  	[sflag:s0] =	ssyncset.done $0x0  }
0x2ad: {  	s31 =	simm.s32 $0x8;
	[sflag:s0] =	ssyncadd.s32 $0xFFFFEFE0  }
0x2ae: {  	s3 =	simm.s32 $0x0;
	[sflag:s31] =	ssyncpa.u1 $0x0  }
.LBB3_47:
0x2af: {  	p1 =	slt.u32 s4, $0x4E1F1  }
0x2b0: {  	s0 =	sand.u32 @p1 $0x7FFF8, s4  }
0x2b1: {  	s4 =	sand.u32 @p1 $0x7, s4;
	s5 =	simm.s32 @p1 $0xF188;
	s0 =	sadd.s32 @p1 s1, s0  }
0x2b2: {  	[tilespmem:s5], [sflag:$0x8] =	stream.linear.gather @p1 [hbm4b:s0+s4], $0x80, $0x38;
	[tilespmem:$0x1F6F8] =	vst v63  }
0x2b3: {  	s0 =	simm.s32 @p1 $0x8  }
0x2b4: {  	_ =	swait.ge @p1 [sflag:s0], $0x80  }
0x2b5: {  	[sflag:s0] =	ssyncset.done @p1 $0x0  }
0x2b6: {  	[sflag:s0] =	ssyncadd.s32 @p1 $0xFFFFFF80;
	s0 =	sshll.u32 @p1 s3, $0x9  }
0x2b7: {  	s4 =	sshrl.u32 @p1 s0, $0x2;
	v1 =	vld @p1 [tilespmem:$0xF188]  }
0x2b8: {  	v2 =	vld @p1 [tilespmem:s4+$0xF238];
	_ =	sdelay $0x4  }
0x2b9: {  	v1 =	vmax.f32 @p1 v1, v2  }
0x2ba: {  	v2 =	vld @p1 [tilespmem:s4+$0xF248];
	[tilespmem:s4+$0xF238] =	vst @p1 v1  }
0x2bb: {  	v1 =	vld @p1 [tilespmem:$0xF198];
	_ =	sdelay $0x4  }
0x2bc: {  	v1 =	vmax.f32 @p1 v1, v2  }
0x2bd: {  	v2 =	vld @p1 [tilespmem:s4+$0xF258];
	[tilespmem:s4+$0xF248] =	vst @p1 v1  }
0x2be: {  	v1 =	vld @p1 [tilespmem:$0xF1A8];
	_ =	sdelay $0x4  }
0x2bf: {  	v1 =	vmax.f32 @p1 v1, v2  }
0x2c0: {  	v2 =	vld @p1 [tilespmem:s4+$0xF268];
	[tilespmem:s4+$0xF258] =	vst @p1 v1  }
0x2c1: {  	v1 =	vld @p1 [tilespmem:$0xF1B8];
	_ =	sdelay $0x4  }
0x2c2: {  	v1 =	vmax.f32 @p1 v1, v2  }
0x2c3: {  	v2 =	vld @p1 [tilespmem:s4+$0xF278];
	[tilespmem:s4+$0xF268] =	vst @p1 v1  }
0x2c4: {  	v1 =	vld @p1 [tilespmem:$0xF1C8];
	_ =	sdelay $0x4  }
0x2c5: {  	v1 =	vmax.f32 @p1 v1, v2  }
0x2c6: {  	v2 =	vld @p1 [tilespmem:s4+$0xF288];
	[tilespmem:s4+$0xF278] =	vst @p1 v1  }
0x2c7: {  	v1 =	vld @p1 [tilespmem:$0xF1D8];
	_ =	sdelay $0x4  }
0x2c8: {  	v1 =	vmax.f32 @p1 v1, v2  }
0x2c9: {  	v2 =	vld @p1 [tilespmem:s4+$0xF298];
	[tilespmem:s4+$0xF288] =	vst @p1 v1  }
0x2ca: {  	v1 =	vld @p1 [tilespmem:$0xF1E8];
	_ =	sdelay $0x4  }
0x2cb: {  	v1 =	vmax.f32 @p1 v1, v2  }
0x2cc: {  	v2 =	vld @p1 [tilespmem:s4+$0xF2A8];
	[tilespmem:s4+$0xF298] =	vst @p1 v1  }
0x2cd: {  	v1 =	vld @p1 [tilespmem:$0xF1F8];
	_ =	sdelay $0x4  }
0x2ce: {  	s5 =	sshll.u32 @!p1 s3, $0x9;
	v1 =	vmax.f32 @p1 v1, v2  }
0x2cf: {  	s5 =	smov.u32 @p1 s0;
	[tilespmem:s4+$0xF2A8] =	vst @p1 v1  }
0x2d0: {  	s0 =	sshrl.u32 s5, $0x2;
	[tilespmem:s2+$0xF218] =	vst.msk $0x1, v0  }
0x2d1: {  	v0 =	vld [tilespmem:s0+$0xF238];
	_ =	sdelay $0x2  }
0x2d2: {  	s31 =	sshll.u32 s2, $0x9  }
0x2d3: {  	s4 =	sshra.s32 s31, $0x2  }
0x2d4: {  	[tilespmem:s4+$0xF238] =	vst v0  }
0x2d5: {  	v0 =	vld [tilespmem:s0+$0xF248];
	_ =	sdelay $0x4  }
0x2d6: {  	[tilespmem:s4+$0xF248] =	vst v0  }
0x2d7: {  	v0 =	vld [tilespmem:s0+$0xF258];
	_ =	sdelay $0x4  }
0x2d8: {  	[tilespmem:s4+$0xF258] =	vst v0  }
0x2d9: {  	v0 =	vld [tilespmem:s0+$0xF268];
	_ =	sdelay $0x4  }
0x2da: {  	[tilespmem:s4+$0xF268] =	vst v0  }
0x2db: {  	v0 =	vld [tilespmem:s0+$0xF278];
	_ =	sdelay $0x4  }
0x2dc: {  	[tilespmem:s4+$0xF278] =	vst v0  }
0x2dd: {  	v0 =	vld [tilespmem:s0+$0xF288];
	_ =	sdelay $0x4  }
0x2de: {  	[tilespmem:s4+$0xF288] =	vst v0  }
0x2df: {  	v0 =	vld [tilespmem:s0+$0xF298];
	_ =	sdelay $0x4  }
0x2e0: {  	[tilespmem:s4+$0xF298] =	vst v0  }
0x2e1: {  	v0 =	vld [tilespmem:s0+$0xF2A8];
	_ =	sdelay $0x4  }
0x2e2: {  	s2 =	sadd.s32 $0x1, s2;
	[tilespmem:s4+$0xF2A8] =	vst v0  }
.LBB3_48:
0x2e3: {  	s3 =	sadd.s32 $0x1, s3  }
0x2e4: {  	p1 =	sne.s32 s3, $0x20  }
.Ltmp40:
0x2e5: {  	_ = 	snop;
	(pc) =	sbr.rel @!p1 .LBB3_49-.Ltmp40, $1  }
0x2e6: {  	_ =	sdelay $0x3  }
.LBB3_41:
0x2e7: {  	v0 =	vld.msk [tilespmem:s3+$0xF218], $0x1;
	_ =	sdelay $0x4  }
0x2e8: {  	(v2sf) =	vpush v0, $0x0;
	_ =	sdelay $0xe  }
0x2e9: {  	s4 =	spop (v2sf)  }
0x2ea: {  	p1 =	seq.s32 s4, $0xFFFFFFFF  }
.Ltmp41:
0x2eb: {  	_ = 	snop;
	(pc) =	sbr.rel @p1 .LBB3_48-.Ltmp41, $1  }
0x2ec: {  	_ =	sdelay $0x3  }
0x2ed: {  	p1 =	slt.s32 s2, $0x1  }
.Ltmp42:
0x2ee: {  	_ = 	snop;
	(pc) =	sbr.rel @p1 .LBB3_47-.Ltmp42, $1  }
0x2ef: {  	_ =	sdelay $0x3  }
0x2f0: {  	s5 =	simm.s32 $0xF218;
	p1 =	por $0x0, $0x0  }
0x2f1: {  	v1 =	vld.msk @!p1 [tilespmem:s5+$0x0], $0x1;
	_ =	sdelay $0x4  }
0x2f2: {  	(v2sf) =	vpush @!p1 v1, $0x0;
	_ =	sdelay $0xd  }
0x2f3: {  	p3 =	sne.s32 s2, $0x1  }
.Ltmp43:
0x2f4: {  	s0 =	spop @!p1 (v2sf);
	(pc) =	sbr.rel @!p3 .LBB3_45-.Ltmp43, $4  }
0x2f5: {  	p2 =	seq.s32 @!p1 s4, s0  }
0x2f6: {  	s6 =	simm.s32 $0x0;
	p2 =	por !p2, p1  }
0x2f7: {  	s7 =	simm.s32 $0xFFFFFFFF;
	s6 =	simm.s32 @p2 $0xFFFFFFFF  }
0x2f8: {  	s0 =	simm.s32 $0x1;
	s6 =	smov.u32 @p1 s7  }
.LBB3_44:
0x2f9: {  	s7 =	smov.u32 s6;
	p1 =	sne.s32 s6, $0xFFFFFFFF  }
0x2fa: {  	s5 =	sadd.s32 $0x1, s5;
	s6 =	smov.u32 s0;
	s0 =	sadd.s32 $0x1, s0  }
0x2fb: {  	p2 =	sne.s32 s2, s0;
	v1 =	vld.msk @!p1 [tilespmem:s5+$0x0], $0x1;
	_ =	sdelay $0x4  }
0x2fc: {  	(v2sf) =	vpush @!p1 v1, $0x0;
	_ =	sdelay $0xe  }
.Ltmp44:
0x2fd: {  	s8 =	spop @!p1 (v2sf);
	(pc) =	sbr.rel @p2 .LBB3_44-.Ltmp44, $4  }
0x2fe: {  	p3 =	seq.s32 @!p1 s4, s8  }
0x2ff: {  	p3 =	por !p3, p1  }
0x300: {  	s6 =	simm.s32 @p3 $0xFFFFFFFF  }
0x301: {  	s6 =	smov.u32 @p1 s7  }
.LBB3_45:
0x302: {  	p1 =	seq.s32 s6, $0xFFFFFFFF  }
.Ltmp45:
0x303: {  	_ = 	snop;
	(pc) =	sbr.rel @p1 .LBB3_47-.Ltmp45, $1  }
0x304: {  	_ =	sdelay $0x3  }
0x305: {  	s0 =	sshll.u32 s3, $0x7  }
0x306: {  	s4 =	sshll.u32 s6, $0x9;
	s0 =	sand.u32 $0x3FFFFF80, s0  }
0x307: {  	s4 =	sshra.s32 s4, $0x2;
	v0 =	vld [tilespmem:s0+$0xF238]  }
0x308: {  	v1 =	vld [tilespmem:s4+$0xF238];
	_ =	sdelay $0x4  }
0x309: {  	v0 =	vmax.f32 v0, v1  }
0x30a: {  	v57 =	vld [tilespmem:s4+$0xF248];
	[tilespmem:s4+$0xF238] =	vst v0  }
0x30b: {  	v0 =	vld [tilespmem:s0+$0xF248];
	_ =	sdelay $0x4  }
0x30c: {  	v0 =	vmax.f32 v0, v57  }
0x30d: {  	v58 =	vld [tilespmem:s4+$0xF258];
	[tilespmem:s4+$0xF248] =	vst v0  }
0x30e: {  	v0 =	vld [tilespmem:s0+$0xF258];
	_ =	sdelay $0x4  }
0x30f: {  	v0 =	vmax.f32 v0, v58  }
0x310: {  	v59 =	vld [tilespmem:s4+$0xF268];
	[tilespmem:s4+$0xF258] =	vst v0  }
0x311: {  	v0 =	vld [tilespmem:s0+$0xF268];
	_ =	sdelay $0x4  }
0x312: {  	v0 =	vmax.f32 v0, v59  }
0x313: {  	v60 =	vld [tilespmem:s4+$0xF278];
	[tilespmem:s4+$0xF268] =	vst v0  }
0x314: {  	v0 =	vld [tilespmem:s0+$0xF278];
	_ =	sdelay $0x4  }
0x315: {  	v0 =	vmax.f32 v0, v60  }
0x316: {  	v61 =	vld [tilespmem:s4+$0xF288];
	[tilespmem:s4+$0xF278] =	vst v0  }
0x317: {  	v0 =	vld [tilespmem:s0+$0xF288];
	_ =	sdelay $0x4  }
0x318: {  	v0 =	vmax.f32 v0, v61  }
0x319: {  	v62 =	vld [tilespmem:s4+$0xF298];
	[tilespmem:s4+$0xF288] =	vst v0  }
0x31a: {  	v0 =	vld [tilespmem:s0+$0xF298];
	_ =	sdelay $0x4  }
0x31b: {  	v0 =	vmax.f32 v0, v62  }
0x31c: {  	v63 =	vld [tilespmem:s4+$0xF2A8];
	[tilespmem:s4+$0xF298] =	vst v0  }
0x31d: {  	v0 =	vld [tilespmem:s0+$0xF2A8];
	_ =	sdelay $0x1  }
.Ltmp46:
0x31e: {  	_ = 	snop;
	(pc) =	sbr.rel .LBB3_48-.Ltmp46, $3  }
0x31f: {  	_ =	sdelay $0x1  }
0x320: {  	v0 =	vmax.f32 v0, v63  }
0x321: {  	[tilespmem:s4+$0xF2A8] =	vst v0  }
.LBB3_49:
0x322: {  	p1 =	slt.s32 s2, $0x1  }
.Ltmp47:
0x323: {  	_ = 	snop;
	(pc) =	sbr.rel @p1 .LBB3_53-.Ltmp47, $3  }
0x324: {  	_ =	sdelay $0x1  }
0x325: {  	s0 =	simm.s32 $0x8  }
0x326: {  	s3 =	simm.s32 $0x0;
	[sflag:s0] =	ssyncpa.u1 $0x1  }
0x327: {  	s0 =	simm.s32 $0xF218  }
0x328: {  	v0 =	vld.msk [tilespmem:s0+$0x0], $0x1;
	_ =	sdelay $0x4  }
0x329: {  	(v2sf) =	vpush v0, $0x0;
	_ =	sdelay $0xe  }
0x32a: {  	s0 =	sadd.s32 $0xFFFFFFFF, s2;
	s5 =	spop (v2sf)  }
0x32b: {  	p2 =	sne.s32 s0, $0x0;
	p1 =	sgt.u32 s5, $0x4E1F0  }
.Ltmp48:
0x32c: {  	s6 =	sand.u32 @!p1 $0x7FFF8, s5;
	(pc) =	sbr.rel @!p2 .LBB3_52-.Ltmp48, $4  }
0x32d: {  	s4 =	simm.s32 $0xF238;
	s5 =	sand.u32 @!p1 $0x7, s5;
	s2 =	sadd.s32 @!p1 s1, s6  }
0x32e: {  	[hbm4b:s2+s5] =	stream.linear.scatter @!p1 [tilespmem:s4], [sflag:$0x7], $0x80, $0x38;
	[tilespmem:$0x1F6F8] =	vst v63  }
0x32f: {  	s5 =	simm.s32 $0x0  }
0x330: {  	s2 =	simm.s32 $0xF219;
	s5 =	simm.s32 @!p1 $0x200  }
.LBB3_51:
0x331: {  	v0 =	vld.msk [tilespmem:s2+$0x0], $0x1;
	s0 =	sadd.s32 $0xFFFFFFFF, s0;
	s3 =	sadd.s32 s3, s5  }
0x332: {  	p1 =	sne.s32 s0, $0x0;
	_ =	sdelay $0x3  }
0x333: {  	(v2sf) =	vpush v0, $0x0;
	_ =	sdelay $0xe  }
.Ltmp49:
0x334: {  	s6 =	spop (v2sf);
	(pc) =	sbr.rel @p1 .LBB3_51-.Ltmp49, $4  }
0x335: {  	s5 =	simm.s32 $0x0;
	p2 =	sgt.u32 s6, $0x4E1F0  }
0x336: {  	s4 =	sadd.s32 $0x80, s4;
	s5 =	simm.s32 @!p2 $0x200;
	s7 =	sand.u32 @!p2 $0x7FFF8, s6  }
0x337: {  	s2 =	sadd.s32 $0x1, s2;
	s6 =	sand.u32 @!p2 $0x7, s6;
	s7 =	sadd.s32 @!p2 s1, s7  }
0x338: {  	[hbm4b:s7+s6] =	stream.linear.scatter @!p2 [tilespmem:s4], [sflag:$0x7], $0x80, $0x38;
	[tilespmem:$0x1F6F8] =	vst v63  }
.LBB3_52:
0x339: {  	s0 =	sadd.s32 s3, s5  }
0x33a: {  	s3 =	sshrl.u32 s0, $0x2  }
.LBB3_53:
0x33b: {  	s0 =	simm.s32 $0x7  }
0x33c: {  	_ =	swait.ge [sflag:s0], s3  }
0x33d: {  	s1 =	ssub.s32 $0x0, s3;
	[sflag:s0] =	ssyncset.done $0x0  }
0x33e: {  	[sflag:s0] =	ssyncadd.s32 s1  }
0x33f: {  	[sflag:s0] =	ssyncpa.u1 $0x1  }
.LBB3_54:
0x340: {  	_ =	sfence;
	s0 =	simm.s32 $0x1  }
0x341: {  	[sflag:s0] =	ssyncpa.u1 $0x1  }
0x342: {  	_ =	strace $0x90000056  }
0x343: {  	[bflag:$0x2] =	sbarrier.arrive $0xFFFF  }
0x344: {  	s0 =	rddreg [dreg:$0x3]  }
0x345: {  	s0 =	sadd.s32 @!p0 $0x100000, s0  }
0x346: {  	[sflag:s0] =	ssyncadd.tile.s32 @!p0 $0x1;
	_ =	shalt  }
.Lfunc_end3:
_tile_overlayer_lowered:
.L_overlay_start_3:
0x347: {  	(tag) =	ssettag $0x3  }
0x348: {  	s0 =	rddreg [dreg:$0x0];
	s2 =	stileid.u32  }
0x349: {  	s1 =	rddreg [dreg:$0x1];
	p0 =	sne.s32 s2, $0x0  }
0x34a: {  	s3 =	rddreg [dreg:$0x2];
	[bflag:$0x3] =	sbarrier.arrive $0xFFFF;
	s2 =	simm.s32 @!p0 $0x1C01  }
0x34b: {  	[timem:s3], [sflag:s2] =	dma.local @!p0 [hbm:s0], s1  }
0x34c: {  	s0 =	simm.s32 @!p0 $0x1  }
0x34d: {  	_ =	swait.ge @!p0 [sflag:s0], s1  }
0x34e: {  	s1 =	ssub.s32 @!p0 $0x0, s1;
	[sflag:s0] =	ssyncset.done @!p0 $0x0  }
0x34f: {  	[sflag:s0] =	ssyncadd.s32 @!p0 s1  }
0x350: {  	[bflag:$0x3] =	sbarrier.arrive $0xFFFF  }
0x351: {  	_ =	shalt  }

// kernel: scatter_offload_async_start.3
scs
__scs_entry_jumppad:
0x0: {  	(pc) =	sbr.rel $0x88, $3  }
0x1: {  	(tag) =	ssettag $0x0;
	lr =	simm.s32 $0x1  }
0x2: {  	[smem:$0x3F92] =	sst lr;
	_ =	strace $0xD0000000  }
0x3: {  	_ = 	snop  }
0x4: {  	_ = 	snop  }
0x5: {  	_ = 	snop  }
0x6: {  	_ = 	snop  }
0x7: {  	_ = 	snop  }
__scs_overlays_trampoline_lowered:
0x8: {  	[smem:$0x3FA1] =	sst s0  }
0x9: {  	[smem:$0x3FA2] =	sst s1  }
0xa: {  	[smem:$0x3FA3] =	sst s2  }
0xb: {  	[smem:$0x3FA4] =	sst s3  }
0xc: {  	[smem:$0x3FA5] =	sst s4  }
0xd: {  	[smem:$0x3FA6] =	sst s5  }
0xe: {  	[smem:$0x3FA7] =	sst s6  }
0xf: {  	[smem:$0x3FA8] =	sst s7  }
0x10: {  	[smem:$0x3FA9] =	sst s8  }
0x11: {  	[smem:$0x3FAA] =	sst s9;
	s0 =	simm.s32 @!p0 $0x0  }
0x12: {  	s1 =	sld [smem:$0x3F90];
	s0 =	simm.s32 @p0 $0x1  }
0x13: {  	[smem:$0x3FAB] =	sst s0;
	s0 =	simm.s32 @!p1 $0x0  }
0x14: {  	s2 =	sld [smem:$0x3F8F];
	s0 =	simm.s32 @p1 $0x1  }
0x15: {  	[smem:$0x3FAC] =	sst s0;
	s0 =	simm.s32 @!p2 $0x0  }
0x16: {  	s3 =	sld [smem:$0x3FDB];
	s0 =	simm.s32 @p2 $0x1  }
0x17: {  	s4 =	simm.s32 $0x1BF5;
	[smem:$0x3FAE] =	sst s0  }
0x18: {  	s0 =	sld [smem:$0x3F91];
	_ =	swait.ge [sflag:s4], $0x0  }
0x19: {  	s7 =	sld [smem:$0x3F92]  }
0x1a: {  	s8 =	sadd.s32 $0xFFFFE003, lr  }
0x1b: {  	s9 =	sadd.s32 $0xFFFFFEF7, lr;
	s5 =	simm.s32 $0xFFFFFFFF;
	p2 =	slt.u32 s8, $0xFFFFF086  }
0x1c: {  	p1 =	slt.u32 s9, $0xF7A;
	s5 =	simm.s32 @!p2 $0x0  }
0x1d: {  	s5 =	simm.s32 @p1 $0x1;
	p0 =	seq.s32 s7, s2  }
0x1e: {  	s7 =	smul.u32 @!p0 $0xF7A, s2;
	p2 =	seq.s32 @!p0 s5, $0x0  }
0x1f: {  	s9 =	smul.u32 $0xF7A, s1;
	s8 =	simm.s32 @!p0 $0x1BF5;
	p2 =	por !p2, p0  }
0x20: {  	[sflag:s8] =	ssyncset.s32 @!p0 $0xFFFFF086;
	s6 =	sadd.s32 @!p0 s3, s7;
	s7 =	simm.s32 @!p0 $0x108  }
0x21: {  	s3 =	sadd.s32 s3, s9;
	s6 =	sadd.s32 @!p0 $0x88, s6;
	s7 =	simm.s32 @p2 $0x1082  }
0x22: {  	[simem:s7], [sflag:s8] =	dma.local @!p0 [hbm:s6], $0xF7A  }
0x23: {  	s9 =	sor.u32 $0xD0000000, s2;
	s6 =	simm.s32 $0x108;
	_ =	swait.ge @!p0 [sflag:s8], $0x0  }
0x24: {  	s3 =	sadd.s32 $0x88, s3;
	s6 =	simm.s32 @!p1 $0x1082;
	[sflag:s4] =	ssyncset.s32 $0xFFFFF086  }
0x25: {  	[simem:s6], [sflag:s4] =	dma.local [hbm:s3], $0xF7A  }
0x26: {  	[smem:$0x3F92] =	sst s1;
	(tag) =	ssettag s2;
	_ =	strace s9  }
0x27: {  	s1 =	sld [smem:$0x3FA2]  }
0x28: {  	s2 =	sld [smem:$0x3FA3]  }
0x29: {  	s4 =	sld [smem:$0x3FA5]  }
0x2a: {  	p0 =	seq.s32 s5, $0x0;
	s5 =	sld [smem:$0x3FA6]  }
0x2b: {  	s6 =	sld [smem:$0x3FA7]  }
0x2c: {  	s7 =	sld [smem:$0x3FA8]  }
0x2d: {  	s3 =	simm.s32 $0x108;
	s8 =	sld [smem:$0x3FA9]  }
0x2e: {  	s3 =	simm.s32 @!p0 $0x1082;
	s9 =	sld [smem:$0x3FAA]  }
0x2f: {  	lr =	sadd.s32 s0, s3;
	s0 =	sld [smem:$0x3FA1]  }
0x30: {  	s3 =	sld [smem:$0x3FA4]  }
0x31: {  	[smem:$0x3FAD] =	sst s10  }
0x32: {  	s10 =	sld [smem:$0x3FAB];
	_ =	sdelay $0x3  }
0x33: {  	p0 =	seq.s32 s10, $0x1;
	s10 =	sld [smem:$0x3FAD];
	_ =	sdelay $0x3  }
0x34: {  	[smem:$0x3FAD] =	sst s10  }
0x35: {  	s10 =	sld [smem:$0x3FAC];
	_ =	sdelay $0x3  }
0x36: {  	p1 =	seq.s32 s10, $0x1;
	s10 =	sld [smem:$0x3FAD];
	_ =	sdelay $0x3  }
0x37: {  	[smem:$0x3FAD] =	sst s10  }
0x38: {  	s10 =	sld [smem:$0x3FAE]  }
0x39: {  	_ = 	snop;
	(pc) =	sbr.ind lr, $3  }
0x3a: {  	_ = 	snop  }
0x3b: {  	_ = 	snop  }
0x3c: {  	p2 =	seq.s32 s10, $0x1;
	s10 =	sld [smem:$0x3FAD]  }
0x3d: {  	_ =	shalt  }
0x3e: {  	_ =	shalt  }
0x3f: {  	_ =	shalt  }
0x40: {  	_ =	shalt  }
0x41: {  	_ =	shalt  }
0x42: {  	_ =	shalt  }
0x43: {  	_ =	shalt  }
0x44: {  	_ =	shalt  }
0x45: {  	_ =	shalt  }
0x46: {  	_ =	shalt  }
0x47: {  	_ =	shalt  }
0x48: {  	_ =	shalt  }
0x49: {  	_ =	shalt  }
0x4a: {  	_ =	shalt  }
0x4b: {  	_ =	shalt  }
0x4c: {  	_ =	shalt  }
0x4d: {  	_ =	shalt  }
0x4e: {  	_ =	shalt  }
0x4f: {  	_ =	shalt  }
0x50: {  	_ =	shalt  }
0x51: {  	_ =	shalt  }
0x52: {  	_ =	shalt  }
0x53: {  	_ =	shalt  }
0x54: {  	_ =	shalt  }
0x55: {  	_ =	shalt  }
0x56: {  	_ =	shalt  }
0x57: {  	_ =	shalt  }
0x58: {  	_ =	shalt  }
0x59: {  	_ =	shalt  }
0x5a: {  	_ =	shalt  }
0x5b: {  	_ =	shalt  }
0x5c: {  	_ =	shalt  }
0x5d: {  	_ =	shalt  }
0x5e: {  	_ =	shalt  }
0x5f: {  	_ =	shalt  }
0x60: {  	_ =	shalt  }
0x61: {  	_ =	shalt  }
0x62: {  	_ =	shalt  }
0x63: {  	_ =	shalt  }
0x64: {  	_ =	shalt  }
0x65: {  	_ =	shalt  }
0x66: {  	_ =	shalt  }
0x67: {  	_ =	shalt  }
0x68: {  	_ =	shalt  }
0x69: {  	_ =	shalt  }
0x6a: {  	_ =	shalt  }
0x6b: {  	_ =	shalt  }
0x6c: {  	_ =	shalt  }
0x6d: {  	_ =	shalt  }
0x6e: {  	_ =	shalt  }
0x6f: {  	_ =	shalt  }
0x70: {  	_ =	shalt  }
0x71: {  	_ =	shalt  }
0x72: {  	_ =	shalt  }
0x73: {  	_ =	shalt  }
0x74: {  	_ =	shalt  }
0x75: {  	_ =	shalt  }
0x76: {  	_ =	shalt  }
0x77: {  	_ =	shalt  }
0x78: {  	_ =	shalt  }
0x79: {  	_ =	shalt  }
0x7a: {  	_ =	shalt  }
0x7b: {  	_ =	shalt  }
0x7c: {  	_ =	shalt  }
0x7d: {  	_ =	shalt  }
0x7e: {  	_ =	shalt  }
0x7f: {  	_ =	shalt  }
0x80: {  	_ =	shalt  }
0x81: {  	_ =	shalt  }
0x82: {  	_ =	shalt  }
0x83: {  	_ =	shalt  }
0x84: {  	_ =	shalt  }
0x85: {  	_ =	shalt  }
0x86: {  	_ =	shalt  }
0x87: {  	_ =	shalt  }
.Lfunc_end0:
.L_simem_size_0:
called_computation.3_lowered:
.L_overlay_start_0:
0x88: {  	s2 =	sld [smem:$0x3FD9]  }
0x89: {  	s3 =	sld [smem:$0x3FFE];
	_ =	sdelay $0x1  }
0x8a: {  	s1 =	srdreg.scid  }
0x8b: {  	s0 =	sand.u32 $0x1, s1  }
0x8c: {  	s12 =	sshll.u32 s0, $0xA;
	s2 =	sadd.s32 s3, s2  }
0x8d: {  	s2 =	sadd.s32 s2, s12  }
0x8e: {  	[smem:$0x3FB9] =	sst s2  }
0x8f: {  	_ = 	snop  }
0x90: {  	s13 =	sld [smem:$0x3FC8];
	(tm) =	ssettm $0x1  }
0x91: {  	s14 =	sld [smem:$0x3FFB];
	_ =	sdelay $0x3  }
0x92: {  	_ =	strace s14  }
0x93: {  	s2 =	sld [smem:$0x3FFC];
	_ =	sdelay $0x3  }
0x94: {  	_ =	strace s2  }
0x95: {  	s2 =	sld [smem:$0x3FFD];
	_ =	sdelay $0x3  }
0x96: {  	_ =	strace s2  }
0x97: {  	_ =	strace $0x8FFFFFFF  }
0x98: {  	s15 =	sld [smem:$0x3FDB];
	_ =	sdelay $0x1  }
0x99: {  	s4 =	simm.s32 $_scs_section_size  }
0x9a: {  	s5 =	simm.s32 $_size__tile_overlayer_lowered;
	s6 =	simm.s32 $_tile_overlayer_lowered  }
0x9b: {  	s19 =	simm.s32 $0x1BFF;
	s17 =	sshll.u32 s6, $0x1;
	s7 =	sadd.s32 s4, s15  }
0x9c: {  	s20 =	simm.s32 $0x0;
	s16 =	sshll.u32 s5, $0x1;
	s18 =	sadd.s32 s17, s7  }
0x9d: {  	[timem:s20], [sflag:s19] =	dma.local [hbm:s18], s16  }
0x9e: {  	_ =	swait.ge [sflag:s19], s16  }
0x9f: {  	s4 =	ssub.s32 $0x0, s16;
	[sflag:s19] =	ssyncset.done $0x0  }
0xa0: {  	[sflag:s19] =	ssyncadd.s32 s4;
	_ =	sdelay $0x1  }
0xa1: {  	s21 =	simm.s32 $0x1B8B  }
0xa2: {  	_ =	swait.ge [sflag:s21], $0x1  }
0xa3: {  	[sflag:s21] =	ssyncset.done $0x0  }
0xa4: {  	[sflag:s21] =	ssyncadd.s32 $0xFFFFFFFF  }
0xa5: {  	s4 =	sld [smem:$0x0]  }
0xa6: {  	s5 =	sand.u32 $0xFFFFFFFE, s1  }
0xa7: {  	p0 =	sne.s32 s1, s5  }
0xa8: {  	s5 =	sshll.u32 @p0 s5, $0xE  }
0xa9: {  	s6 =	sadd.s32 @p0 $0x11B8D, s5;
	s8 =	sshll.u32 @p0 s4, $0x11  }
0xaa: {  	s6 =	sor.u32 @p0 s8, s6  }
0xab: {  	[sflag:s6] =	ssyncadd.remote.s32 @p0 $0x1;
	_ =	sdelay $0x1  }
0xac: {  	s6 =	simm.s32 @p0 $0x1B8D  }
0xad: {  	_ =	swait.eq @p0 [sflag:s6], $0x1  }
0xae: {  	[sflag:s6] =	ssyncadd.s32 @p0 $0xFFFFFFFF  }
0xaf: {  	s8 =	sshll.u32 @!p0 s1, $0xE  }
0xb0: {  	s8 =	sor.u32 @!p0 $0x4000, s8;
	s6 =	simm.s32 @!p0 $0x1B8D  }
0xb1: {  	s10 =	sshll.u32 @!p0 s4, $0x11;
	s9 =	sadd.s32 @!p0 $0x11B8D, s8;
	_ =	swait.eq @!p0 [sflag:s6], $0x1  }
0xb2: {  	[sflag:s6] =	ssyncadd.s32 @!p0 $0xFFFFFFFF;
	s6 =	sor.u32 @!p0 s10, s9  }
0xb3: {  	s23 =	simm.s32 $0x1B8E;
	s22 =	sld [smem:$0x3FFE];
	[sflag:s6] =	ssyncadd.remote.s32 @!p0 $0x1  }
0xb4: {  	s24 =	simm.s32 $execute0_lowered;
	[smem:$0x3FD2] =	sst s23  }
0xb5: {  	s9 =	sshll.u32 s24, $0x1;
	_ =	strace $0x8000004C;
	[dreg:$0x1] =	wrdreg $0xFFFFFFFF  }
0xb6: {  	s25 =	simm.s32 $_size_execute0_lowered;
	s9 =	sadd.s32 s7, s9;
	[dreg:$0x0] =	wrdreg $0x0  }
0xb7: {  	s10 =	sshll.u32 s25, $0x1;
	[dreg:$0x2] =	wrdreg s9  }
0xb8: {  	[dreg:$0x3] =	wrdreg s10  }
0xb9: {  	[dreg:$0x4] =	wrdreg $0xC0  }
0xba: {  	s26 =	simm.s32 $execute1_lowered;
	_ =	task [dreg:s20], $0x5FFFF  }
0xbb: {  	s9 =	sshll.u32 s26, $0x1;
	[dreg:$0x1] =	wrdreg $0xFFFFFFFF  }
0xbc: {  	s7 =	sadd.s32 s7, s9;
	[dreg:$0x0] =	wrdreg $0x60  }
0xbd: {  	[dreg:$0x2] =	wrdreg s7  }
0xbe: {  	[dreg:$0x3] =	wrdreg s22  }
0xbf: {  	[dreg:$0x4] =	wrdreg $0x9  }
0xc0: {  	_ =	task.clear_ibuf [dreg:s20], $0x5FFFF;
	_ =	strace $0x9000004C  }
0xc1: {  	s28 =	simm.s32 $0x9;
	_ =	strace $0x8000004E  }
0xc2: {  	_ =	swait.ge [sflag:s28], $0x1  }
0xc3: {  	[sflag:s28] =	ssyncadd.s32 $0xFFFFFFFF  }
0xc4: {  	_ =	strace $0x9000004E  }
0xc5: {  	s7 =	sld [smem:$0x0];
	_ =	sdelay $0x3  }
0xc6: {  	s5 =	sadd.s32 @p0 $0x11BF3, s5;
	s9 =	sshll.u32 @p0 s7, $0x11  }
0xc7: {  	s5 =	sor.u32 @p0 s9, s5  }
0xc8: {  	[sflag:s5] =	ssyncadd.remote.s32 @p0 $0x1;
	_ =	sdelay $0x1  }
0xc9: {  	s5 =	simm.s32 @p0 $0x1BF3  }
0xca: {  	_ =	swait.eq @p0 [sflag:s5], $0x1  }
0xcb: {  	[sflag:s5] =	ssyncadd.s32 @p0 $0xFFFFFFFF;
	_ =	sdelay $0x1  }
0xcc: {  	s5 =	simm.s32 @!p0 $0x1BF3  }
0xcd: {  	s8 =	sadd.s32 @!p0 $0x11BF3, s8;
	s7 =	sshll.u32 @!p0 s7, $0x11;
	_ =	swait.eq @!p0 [sflag:s5], $0x1  }
0xce: {  	[sflag:s5] =	ssyncadd.s32 @!p0 $0xFFFFFFFF;
	s5 =	sor.u32 @!p0 s7, s8  }
0xcf: {  	[sflag:s5] =	ssyncadd.remote.s32 @!p0 $0x1  }
0xd0: {  	_ =	strace $0x8000004F;
	[dreg:$0x1] =	wrdreg $0xFFFFFFFF  }
0xd1: {  	[dreg:$0x0] =	wrdreg $0x2030  }
0xd2: {  	[dreg:$0x2] =	wrdreg s22  }
0xd3: {  	[dreg:$0x3] =	wrdreg s13  }
0xd4: {  	[dreg:$0x4] =	wrdreg s1  }
0xd5: {  	[dreg:$0x5] =	wrdreg s4  }
0xd6: {  	[dreg:$0x6] =	wrdreg $0xA  }
0xd7: {  	_ =	task.clear_ibuf [dreg:s20], $0x7FFFF;
	_ =	strace $0x9000004F  }
0xd8: {  	s29 =	simm.s32 $0xA;
	_ =	strace $0x80000051  }
0xd9: {  	_ =	swait.ge [sflag:s29], $0x1  }
0xda: {  	[sflag:s29] =	ssyncadd.s32 $0xFFFFFFFF  }
0xdb: {  	_ =	strace $0x90000051  }
0xdc: {  	_ =	sfence  }
0xdd: {  	s30 =	sld [smem:$0x0];
	_ =	sdelay $0x2  }
0xde: {  	s31 =	sshll.u32 s1, $0xD;
	s1 =	sshrl.u32 s1, $0x2  }
0xdf: {  	s4 =	sand.u32 $0x4000, s31;
	s1 =	sadd.s32 s1, s30  }
0xe0: {  	s0 =	sor.u32 s4, s0;
	s1 =	sshll.u32 s1, $0x11  }
0xe1: {  	s0 =	sor.u32 s1, s0  }
0xe2: {  	s0 =	sadd.s32 $0x8F2B, s0  }
0xe3: {  	[sflag:s0] =	ssyncadd.remote.s32 $0x1  }
0xe4: {  	_ =	sfence.sel $0xFFFF  }
0xe5: {  	[dreg:$0x0] =	wrdreg $0xFFFFFFFF;
	(pc) =	sbr.abs _section_cstart, $3  }
0xe6: {  	[dreg:$0x1] =	wrdreg $0xFFFFFFFF  }
0xe7: {  	_ =	task.clear_ibuf [dreg:s20], $0x2FFFF;
	_ =	strace $0x9FFFFFFF  }
0xe8: {  	(tm) =	ssettm $0x7FFFFFFF  }
0xe9: {  	_ =	shalt  }
tec
execute0_lowered:
.L_overlay_start_1:
0x0: {  	(tag) =	ssettag $0x1  }
0x1: {  	s2 =	rddreg [dreg:$0x0]  }
0x2: {  	s4 =	rddreg [dreg:$0x1]  }
0x3: {  	s0 =	rddreg [dreg:$0x2];
	s3 =	stileid.u32  }
0x4: {  	[bflag:$0x3] =	sbarrier.arrive $0xFFFF;
	s1 =	simm.s32 $_size_execute1_lowered;
	s29 =	srdreg.scid  }
0x5: {  	s7 =	simm.s32 $0x2;
	s8 =	simm.s32 $0x0;
	p0 =	sne.s32 s3, $0x0  }
0x6: {  	s1 =	sshll.u32 s1, $0x1;
	s5 =	simm.s32 @!p0 $0x1C3F;
	s6 =	simm.s32 @!p0 $0x4060  }
0x7: {  	[timem:s6], [sflag:s5] =	dma.local @!p0 [hbm:s2], s1  }
0x8: {  	s12 =	simm.s32 $0x0;
	s10 =	simm.s32 $0x0;
	s2 =	sshll.u32 s29, $0x7  }
.Ltmp0:
0x9: {  	s3 =	sshll.u32 s3, $0x8;
	s30 =	sand.u32 $0x80, s2;
	(pc) =	sbr.rel .LBB2_1-.Ltmp0, $4  }
0xa: {  	s11 =	simm.s32 $0x0;
	_ =	strace $0x8000004D;
	s3 =	sor.u32 s3, s30  }
0xb: {  	s5 =	simm.s32 $0x1;
	s2 =	sadd.s32 $0x50A800, s4;
	s31 =	ssub.s32 $0x4E00, s3  }
0xc: {  	s4 =	sadd.s32 $0x558A00, s4;
	[sflag:s5] =	ssyncpa.u1 $0x0;
	s6 =	sshrl.u32 s31, $0xC  }
0xd: {  	[sflag:s7] =	ssyncpa.u1 $0x0;
	s9 =	smov.u32 s3;
	s7 =	sadd.s32 $0x2, s6  }
.LBB2_4:
0xe: {  	_ = 	snop  }
.LBB2_7:
0xf: {  	_ =	sdelay $0x3  }
0x10: {  	[tilespmem:v0+s16+$0x0 ss:$0x1] =	vst.idx.msk @p1 $0xffff, v2  }
0x11: {  	v56 =	vld.idx.msk [tilespmem:v1+s15+$0x0 ss:$0x1], $0xffff;
	s24 =	sor.u32 $0x70, s15;
	[tilespmem:v0+s17+$0x0 ss:$0x1] =	vst.idx.msk @p1 $0xffff, v4  }
0x12: {  	s25 =	sor.u32 $0x10, s15;
	[tilespmem:v0+s18+$0x0 ss:$0x1] =	vst.idx.msk @p1 $0xffff, v3;
	v57 =	vld.idx.msk [tilespmem:v1+s24+$0x0 ss:$0x1], $0xffff  }
0x13: {  	s26 =	sor.u32 $0x20, s15;
	[tilespmem:v0+s19+$0x0 ss:$0x1] =	vst.idx.msk @p1 $0xffff, v5;
	v58 =	vld.idx.msk [tilespmem:v1+s25+$0x0 ss:$0x1], $0xffff  }
0x14: {  	s28 =	sor.u32 $0x30, s15;
	[tilespmem:v0+s20+$0x0 ss:$0x1] =	vst.idx.msk @p1 $0xffff, v6;
	v59 =	vld.idx.msk [tilespmem:v1+s26+$0x0 ss:$0x1], $0xffff  }
0x15: {  	s29 =	sor.u32 $0x40, s15;
	[tilespmem:v0+s21+$0x0 ss:$0x1] =	vst.idx.msk @p1 $0xffff, v7;
	v60 =	vld.idx.msk [tilespmem:v1+s28+$0x0 ss:$0x1], $0xffff  }
0x16: {  	s30 =	sor.u32 $0x50, s15;
	v61 =	vld.idx.msk [tilespmem:v1+s29+$0x0 ss:$0x1], $0xffff;
	[tilespmem:v0+s15+$0x0 ss:$0x1] =	vst.idx.msk $0xffff, v56  }
0x17: {  	s31 =	sor.u32 $0x60, s15;
	v62 =	vld.idx.msk [tilespmem:v1+s30+$0x0 ss:$0x1], $0xffff;
	[tilespmem:v0+s24+$0x0 ss:$0x1] =	vst.idx.msk $0xffff, v57  }
0x18: {  	v63 =	vld.idx.msk [tilespmem:v1+s31+$0x0 ss:$0x1], $0xffff;
	[tilespmem:v0+s25+$0x0 ss:$0x1] =	vst.idx.msk $0xffff, v58  }
0x19: {  	[tilespmem:v0+s26+$0x0 ss:$0x1] =	vst.idx.msk $0xffff, v59  }
0x1a: {  	[tilespmem:v0+s28+$0x0 ss:$0x1] =	vst.idx.msk $0xffff, v60  }
0x1b: {  	[tilespmem:v0+s29+$0x0 ss:$0x1] =	vst.idx.msk $0xffff, v61  }
0x1c: {  	[tilespmem:v0+s30+$0x0 ss:$0x1] =	vst.idx.msk $0xffff, v62  }
0x1d: {  	[tilespmem:v0+s31+$0x0 ss:$0x1] =	vst.idx.msk $0xffff, v63  }
.LBB2_8:
0x1e: {  	s15 =	sand.u32 $0x1FFFFFF, s10  }
0x1f: {  	s16 =	smulhi.u32 $0x1A36E2F, s15;
	_ =	sdelay $0x1  }
0x20: {  	s16 =	sshrl.u32 s16, $0x7  }
0x21: {  	s16 =	smul.u32 $0x4E20, s16;
	_ =	sdelay $0x1  }
0x22: {  	s15 =	ssub.s32 s15, s16  }
0x23: {  	s15 =	sshll.u32 s15, $0x4  }
0x24: {  	s15 =	sadd.s32 s4, s15  }
0x25: {  	[hbm4b:s15+s8] =	stream.linear.scatter [tilespmem:s14], [sflag:$0x2], s13, $0x38;
	[tilespmem:$0x10000] =	vst v63  }
.LBB2_9:
0x26: {  	p1 =	slt.u32 s11, $0x2  }
0x27: {  	p2 =	sgt.s32 @!p1 s12, $0x4DA0  }
0x28: {  	s13 =	smov.u32 s12;
	s14 =	sshra.s32 @!p1 s12, $0x1F;
	p2 =	por !p2, p1  }
0x29: {  	s12 =	sand.u32 @!p1 s14, s12;
	s13 =	simm.s32 @p2 $0x4DA0  }
0x2a: {  	s12 =	ssub.s32 @!p1 s13, s12  }
0x2b: {  	s12 =	sadd.s32 @!p1 $0xFFFFB260, s12  }
0x2c: {  	s13 =	sshll.u32 @!p1 s12, $0x9  }
0x2d: {  	p2 =	sgt.s32 @!p1 s12, $0x7F;
	s12 =	ssub.s32 @!p1 $0x10000, s13  }
0x2e: {  	s14 =	sadd.s32 $0x1000, s9;
	p2 =	por !p2, p1;
	s12 =	sshrl.u32 @!p1 s12, $0x2  }
0x2f: {  	s12 =	simm.s32 @!p2 $0x0;
	p2 =	sgt.s32 s14, $0x4E1F  }
0x30: {  	s14 =	smov.u32 @p2 s3;
	p2 =	sne.s32 s11, s7  }
.Ltmp1:
0x31: {  	_ = 	snop;
	(pc) =	sbr.rel @!p2 .LBB2_10-.Ltmp1, $4  }
0x32: {  	s13 =	simm.s32 @!p1 $0x2  }
0x33: {  	_ =	swait.ge @!p1 [sflag:s13], s12;
	s15 =	ssub.s32 @!p1 $0x0, s12  }
0x34: {  	s12 =	smov.u32 s10;
	s11 =	sadd.s32 $0x1, s11;
	[sflag:s13] =	ssyncset.done @!p1 $0x0  }
0x35: {  	s10 =	smov.u32 s9;
	s9 =	smov.u32 s14;
	[sflag:s13] =	ssyncadd.s32 @!p1 s15  }
.LBB2_1:
0x36: {  	p1 =	sgt.u32 s11, s6  }
0x37: {  	s13 =	sand.u32 @!p1 $0x1FFFFFF, s9  }
0x38: {  	p2 =	sgt.s32 @!p1 s9, $0x4DA0;
	s14 =	smulhi.u32 @!p1 $0x1A36E2F, s13  }
0x39: {  	s15 =	smov.u32 s9;
	s16 =	sshra.s32 @!p1 s9, $0x1F;
	p2 =	por !p2, p1  }
0x3a: {  	s16 =	sand.u32 @!p1 s16, s9;
	s15 =	simm.s32 @p2 $0x4DA0;
	s14 =	sshrl.u32 @!p1 s14, $0x7  }
0x3b: {  	s15 =	ssub.s32 @!p1 s15, s16;
	s14 =	smul.u32 @!p1 $0x4E20, s14  }
0x3c: {  	s16 =	sxor.u32 @!p1 $0xFFFFFFFF, s11;
	s15 =	sadd.s32 @!p1 $0xFFFFB260, s15  }
0x3d: {  	s16 =	sshll.u32 @!p1 s16, $0xE;
	s13 =	ssub.s32 @!p1 s13, s14;
	s14 =	sshll.u32 @!p1 s15, $0x9  }
0x3e: {  	s16 =	sand.u32 @!p1 $0x4000, s16;
	p2 =	sgt.s32 @!p1 s15, $0x7F;
	s14 =	ssub.s32 @!p1 $0x10000, s14  }
0x3f: {  	p2 =	por !p2, p1;
	s13 =	sshll.u32 @!p1 s13, $0x4;
	s14 =	sshrl.u32 @!p1 s14, $0x2  }
0x40: {  	s15 =	simm.s32 @!p1 $0x0;
	s13 =	sadd.s32 @!p1 s2, s13;
	s14 =	simm.s32 @!p2 $0x0  }
0x41: {  	[tilespmem:s16], [sflag:$0x1] =	stream.linear.gather @!p1 [hbm4b:s13+s15], s14, $0x38;
	[tilespmem:$0x10000] =	vst v63  }
0x42: {  	p1 =	seq.s32 s11, $0x0  }
0x43: {  	p2 =	sge.u32 @!p1 s11, s7  }
0x44: {  	p1 =	por p1, p2  }
.Ltmp2:
0x45: {  	_ = 	snop;
	(pc) =	sbr.rel @p1 .LBB2_9-.Ltmp2, $1  }
0x46: {  	_ =	sdelay $0x3  }
0x47: {  	p1 =	sgt.s32 s10, $0x4DA0;
	s13 =	smov.u32 s10;
	s14 =	sshra.s32 s10, $0x1F  }
0x48: {  	s13 =	simm.s32 @!p1 $0x4DA0;
	s14 =	sand.u32 s14, s10  }
0x49: {  	s13 =	ssub.s32 s13, s14  }
0x4a: {  	s13 =	sadd.s32 $0xFFFFB260, s13  }
0x4b: {  	s31 =	sshll.u32 s13, $0x9  }
0x4c: {  	s14 =	ssub.s32 $0x10000, s31  }
0x4d: {  	p1 =	sgt.s32 s13, $0x7F;
	s13 =	sshrl.u32 s14, $0x2;
	s14 =	sadd.s32 $0x80, s10  }
0x4e: {  	s13 =	simm.s32 @p1 $0x0;
	p1 =	slt.s32 s14, $0x4E20  }
0x4f: {  	s14 =	simm.s32 @!p1 $0x4E20  }
0x50: {  	s16 =	ssub.s32 s14, s10  }
0x51: {  	p1 =	slt.s32 s16, $0x1  }
.Ltmp3:
0x52: {  	_ = 	snop;
	(pc) =	sbr.rel @p1 .LBB2_8-.Ltmp3, $4  }
0x53: {  	_ = 	snop  }
0x54: {  	s15 =	sshll.u32 s11, $0xE;
	_ =	swait.ge [sflag:s5], s13  }
0x55: {  	s15 =	sand.u32 $0x4000, s15;
	s17 =	ssub.s32 $0x0, s13;
	[sflag:s5] =	ssyncset.done $0x0  }
0x56: {  	s14 =	sor.u32 $0x8000, s15;
	[sflag:s5] =	ssyncadd.s32 s17  }
0x57: {  	p2 =	sne.s32 s16, $0x1  }
.Ltmp4:
0x58: {  	v1 =	vmov s15;
	v0 =	vmov s14;
	(pc) =	sbr.rel @!p2 .LBB2_4-.Ltmp4, $3  }
0x59: {  	_ =	sdelay $0x1  }
0x5a: {  	s17 =	simm.s32 $0x0  }
0x5b: {  	s23 =	sadd.s32 $0xFFFFFFFF, s16;
	p1 =	por $0x0, $0x0;
	s15 =	sand.u32 $0x3F80, s17  }
0x5c: {  	_ =	sdelay $0x3  }
0x5d: {  	v6 =	vld.idx.msk [tilespmem:v1+s15+$0x0 ss:$0x1], $0xffff;
	s24 =	sor.u32 $0x70, s15  }
0x5e: {  	s16 =	sor.u32 $0x10, s15;
	v8 =	vld.idx.msk [tilespmem:v1+s24+$0x0 ss:$0x1], $0xffff  }
0x5f: {  	s17 =	sor.u32 $0x20, s15;
	p2 =	sne.s32 s23, $0x1;
	v2 =	vld.idx.msk [tilespmem:v1+s16+$0x0 ss:$0x1], $0xffff  }
.Ltmp5:
0x60: {  	s18 =	sor.u32 $0x30, s15;
	v4 =	vld.idx.msk [tilespmem:v1+s17+$0x0 ss:$0x1], $0xffff;
	(pc) =	sbr.rel @!p2 .LBB2_7-.Ltmp5, $4  }
0x61: {  	s19 =	sor.u32 $0x40, s15;
	v3 =	vld.idx.msk [tilespmem:v1+s18+$0x0 ss:$0x1], $0xffff  }
0x62: {  	s21 =	sor.u32 $0x60, s15;
	v5 =	vld.idx.msk [tilespmem:v1+s19+$0x0 ss:$0x1], $0xffff  }
0x63: {  	s20 =	sor.u32 $0x50, s15;
	s22 =	simm.s32 $0x80;
	v7 =	vld.idx.msk [tilespmem:v1+s21+$0x0 ss:$0x1], $0xffff;
	[tilespmem:v0+s15+$0x0 ss:$0x1] =	vst.idx.msk $0xffff, v6  }
0x64: {  	s23 =	sadd.s32 $0xFFFFFFFF, s23;
	p1 =	por $0x1, $0x1;
	v6 =	vld.idx.msk [tilespmem:v1+s20+$0x0 ss:$0x1], $0xffff;
	s15 =	sand.u32 $0x3F80, s22;
	[tilespmem:v0+s24+$0x0 ss:$0x1] =	vst.idx.msk $0xffff, v8  }
.LBB2_6:
0x65: {  	p2 =	sne.s32 s23, $0x1;
	v8 =	vld.idx.msk [tilespmem:v1+s15+$0x0 ss:$0x1], $0xffff;
	s24 =	sor.u32 $0x70, s15;
	[tilespmem:v0+s16+$0x0 ss:$0x1] =	vst.idx.msk $0xffff, v2;
	s16 =	sor.u32 $0x10, s15  }
0x66: {  	s25 =	sor.u32 $0x30, s15;
	s26 =	sor.u32 $0x40, s15;
	v9 =	vld.idx.msk [tilespmem:v1+s24+$0x0 ss:$0x1], $0xffff;
	[tilespmem:v0+s17+$0x0 ss:$0x1] =	vst.idx.msk $0xffff, v4;
	s17 =	sor.u32 $0x20, s15  }
0x67: {  	s28 =	sor.u32 $0x50, s15;
	s29 =	sor.u32 $0x60, s15;
	v2 =	vld.idx.msk [tilespmem:v1+s16+$0x0 ss:$0x1], $0xffff;
	[tilespmem:v0+s18+$0x0 ss:$0x1] =	vst.idx.msk $0xffff, v3;
	s18 =	smov.u32 s25  }
.Ltmp6:
0x68: {  	v4 =	vld.idx.msk [tilespmem:v1+s17+$0x0 ss:$0x1], $0xffff;
	[tilespmem:v0+s19+$0x0 ss:$0x1] =	vst.idx.msk $0xffff, v5;
	s19 =	smov.u32 s26;
	(pc) =	sbr.rel @p2 .LBB2_6-.Ltmp6, $4  }
0x69: {  	v3 =	vld.idx.msk [tilespmem:v1+s18+$0x0 ss:$0x1], $0xffff;
	[tilespmem:v0+s20+$0x0 ss:$0x1] =	vst.idx.msk $0xffff, v6;
	s20 =	smov.u32 s28  }
0x6a: {  	v5 =	vld.idx.msk [tilespmem:v1+s19+$0x0 ss:$0x1], $0xffff;
	[tilespmem:v0+s21+$0x0 ss:$0x1] =	vst.idx.msk $0xffff, v7;
	s21 =	smov.u32 s29  }
0x6b: {  	s22 =	sadd.s32 $0x80, s22;
	[tilespmem:v0+s15+$0x0 ss:$0x1] =	vst.idx.msk $0xffff, v8;
	v6 =	vld.idx.msk [tilespmem:v1+s20+$0x0 ss:$0x1], $0xffff  }
0x6c: {  	s23 =	sadd.s32 $0xFFFFFFFF, s23;
	s15 =	sand.u32 $0x3F80, s22;
	v7 =	vld.idx.msk [tilespmem:v1+s21+$0x0 ss:$0x1], $0xffff;
	[tilespmem:v0+s24+$0x0 ss:$0x1] =	vst.idx.msk $0xffff, v9  }
.Ltmp7:
0x6d: {  	_ = 	snop;
	(pc) =	sbr.rel .LBB2_7-.Ltmp7, $1  }
0x6e: {  	_ =	sdelay $0x3  }
.LBB2_10:
0x6f: {  	_ =	sfence.sel $0x180000  }
0x70: {  	s2 =	simm.s32 $0x1;
	[bflag:$0x0] =	sbarrier.arrive $0xFFFF  }
0x71: {  	s31 =	simm.s32 $0x2;
	[sflag:s2] =	ssyncpa.u1 $0x1  }
0x72: {  	[sflag:s31] =	ssyncpa.u1 $0x1  }
0x73: {  	_ =	strace $0x9000004D  }
0x74: {  	s0 =	sadd.s32 @!p0 $0x100000, s0;
	[bflag:$0x2] =	sbarrier.arrive $0xFFFF  }
0x75: {  	[sflag:s0] =	ssyncadd.tile.s32 @!p0 $0x1;
	s0 =	simm.s32 @!p0 $0x3F  }
0x76: {  	_ =	swait.ge @!p0 [sflag:s0], s1  }
0x77: {  	s1 =	ssub.s32 @!p0 $0x0, s1;
	[sflag:s0] =	ssyncset.done @!p0 $0x0  }
0x78: {  	[sflag:s0] =	ssyncadd.s32 @!p0 s1  }
0x79: {  	[bflag:$0x3] =	sbarrier.arrive $0xFFFF  }
0x7a: {  	_ =	shalt  }
.Lfunc_end2:
execute1_lowered:
.L_overlay_start_2:
0x7b: {  	(tag) =	ssettag $0x2  }
0x7c: {  	s2 =	rddreg [dreg:$0x0]  }
0x7d: {  	s9 =	rddreg [dreg:$0x1]  }
0x7e: {  	s3 =	rddreg [dreg:$0x2];
	_ =	strace $0x80000050;
	s0 =	simm.s32 $0x1  }
0x7f: {  	v0 =	vimm.s32 $0x0;
	[sflag:s0] =	ssyncpa.u1 $0x0;
	s0 =	simm.s32 $0x108  }
0x80: {  	[tilespmem:s0+$0x70] =	vst v0  }
0x81: {  	[tilespmem:s0+$0x60] =	vst v0  }
0x82: {  	[tilespmem:s0+$0x50] =	vst v0  }
0x83: {  	[tilespmem:s0+$0x40] =	vst v0  }
0x84: {  	[tilespmem:s0+$0x30] =	vst v0  }
0x85: {  	s1 =	sadd.s32 $0x558A00, s2;
	s15 =	sadd.s32 $0x4E3000, s2;
	[tilespmem:s0+$0x20] =	vst v0  }
0x86: {  	s14 =	sadd.s32 $0x4ECE00, s2;
	s5 =	sand.u32 $0x1, s3;
	s3 =	simm.s32 $0x40;
	[tilespmem:s0+$0x10] =	vst v0  }
.LBB3_1:
0x87: {  	s3 =	sadd.s32 $0x40, s3;
	[tilespmem:s0+$0x0] =	vst v0;
	s0 =	sadd.s32 $0x80, s0  }
0x88: {  	p0 =	slt.u32 s3, $0x3C40;
	[tilespmem:s0+$0x70] =	vst v0  }
0x89: {  	[tilespmem:s0+$0x60] =	vst v0  }
.Ltmp8:
0x8a: {  	[tilespmem:s0+$0x50] =	vst v0;
	(pc) =	sbr.rel @p0 .LBB3_1-.Ltmp8, $4  }
0x8b: {  	[tilespmem:s0+$0x40] =	vst v0  }
0x8c: {  	[tilespmem:s0+$0x30] =	vst v0  }
0x8d: {  	[tilespmem:s0+$0x20] =	vst v0  }
0x8e: {  	[tilespmem:s0+$0x10] =	vst v0  }
0x8f: {  	s6 =	stileid.u32  }
0x90: {  	s2 =	smul.u32 $0x29, s6  }
0x91: {  	s3 =	smin.u32 s6, $0xB  }
0x92: {  	s2 =	sadd.s32 s3, s2  }
0x93: {  	p0 =	slt.u32 s6, $0xB;
	s7 =	smul.u32 $0xF0, s2;
	s2 =	simm.s32 $0x2760  }
0x94: {  	s2 =	simm.s32 @!p0 $0x2670  }
0x95: {  	s2 =	sadd.s32 s2, s7  }
0x96: {  	s8 =	smin.u32 s2, $0x27100  }
0x97: {  	s2 =	ssub.s32 s8, s7  }
0x98: {  	p0 =	sgt.s32 s2, $0x0  }
0x99: {  	s29 =	simm.s32 $0x2;
	s10 =	simm.s32 $0x9;
	s2 =	simm.s32 @!p0 $0x0  }
0x9a: {  	s4 =	simm.s32 $0xA;
	s11 =	simm.s32 $0xB;
	s28 =	smulhi.u32 $0x88888889, s2  }
0x9b: {  	[dreg:$0x5] =	wrdreg s5;
	s31 =	smul.u32 $0x4E20, s5;
	s12 =	simm.s32 $0x1  }
0x9c: {  	s22 =	simm.s32 $0x0;
	s18 =	simm.s32 $0xC;
	s30 =	sshrl.u32 s28, $0x7  }
0x9d: {  	s20 =	simm.s32 $0x0;
	s21 =	simm.s32 $0x0;
	s3 =	smul.u32 $0xF0, s30  }
.Ltmp9:
0x9e: {  	[tilespmem:s0+$0x0] =	vst v0;
	v0 =	vimm.s32 $0xFFFFFFFF;
	[sflag:s29] =	ssyncpa.u1 $0x0;
	s16 =	sshll.u32 s6, $0x8;
	(pc) =	sbr.rel .LBB3_3-.Ltmp9, $4  }
0x9f: {  	[tilespmem:$0xF208] =	vst v0;
	[sflag:s10] =	ssyncpa.u1 $0x0;
	p0 =	sne.s32 s2, s3;
	s2 =	simm.s32 $0x1  }
0xa0: {  	s14 =	sadd.s32 s31, s14;
	[sflag:s4] =	ssyncpa.u1 $0x0;
	s2 =	simm.s32 @!p0 $0x0  }
0xa1: {  	s15 =	sadd.s32 s31, s15;
	[sflag:s11] =	ssyncpa.u1 $0x0;
	s13 =	sadd.s32 s2, s30  }
0xa2: {  	v0 =	vlaneseq.u32;
	s19 =	smov.u32 s7;
	p0 =	por $0x0, $0x0;
	s17 =	sadd.s32 $0x1, s13  }
.LBB3_18:
0xa3: {  	s0 =	sshrl.u32 s31, $0x2  }
.LBB3_20:
0xa4: {  	_ =	swait.ge [sflag:s18], s0  }
0xa5: {  	s31 =	ssub.s32 $0x0, s0;
	v1 =	vmov s24;
	vm0 =	veq.s32 v0, $0x0;
	[sflag:s18] =	ssyncset.done $0x0  }
0xa6: {  	vm15 =	veq.s32 v0, $0x2;
	v1 =	vsel vm0, s30, v1;
	[sflag:s18] =	ssyncadd.s32 s31  }
0xa7: {  	v1 =	vsel vm15, s22, v1;
	[sflag:s18] =	ssyncpa.u1 $0x1  }
0xa8: {  	[tilespmem:$0xF208] =	vst v1  }
.LBB3_21:
0xa9: {  	s0 =	sadd.s32 $0xF0, s19  }
0xaa: {  	s2 =	smov.u32 s7;
	p1 =	slt.s32 s0, s8  }
0xab: {  	s2 =	smov.u32 @p1 s0;
	p1 =	sne.s32 s21, s17  }
.Ltmp10:
0xac: {  	_ = 	snop;
	(pc) =	sbr.rel @!p1 .LBB3_22-.Ltmp10, $3  }
0xad: {  	_ =	sdelay $0x1  }
0xae: {  	s22 =	smov.u32 s20;
	s31 =	sadd.s32 $0x1, s21;
	s20 =	smov.u32 s19  }
0xaf: {  	p0 =	por !p0, !p0;
	s21 =	smov.u32 s31;
	s19 =	smov.u32 s2  }
.LBB3_3:
0xb0: {  	p1 =	sge.u32 s21, s13  }
0xb1: {  	s0 =	smulhi.u32 @!p1 $0xAAAAAAAB, s21  }
0xb2: {  	s2 =	smov.u32 s19;
	p2 =	sgt.s32 @!p1 s19, $0x27010  }
0xb3: {  	s3 =	sshra.s32 @!p1 s19, $0x1F;
	p2 =	por !p2, p1;
	s0 =	sshrl.u32 @!p1 s0, $0x1  }
0xb4: {  	s3 =	sand.u32 @!p1 s3, s19;
	s2 =	simm.s32 @p2 $0x27010;
	s0 =	smul.u32 @!p1 $0x3, s0  }
0xb5: {  	s2 =	ssub.s32 @!p1 s2, s3  }
0xb6: {  	s2 =	sadd.s32 @!p1 $0xFFFD8FF0, s2;
	s0 =	ssub.s32 @!p1 s21, s0  }
0xb7: {  	s3 =	sshll.u32 @!p1 s2, $0x2;
	p2 =	sgt.s32 @!p1 s2, $0xEF;
	s0 =	smul.u32 @!p1 $0x3C0, s0  }
0xb8: {  	s4 =	sand.u32 @!p1 $0x7, s19;
	s2 =	ssub.s32 @!p1 $0x3C0, s3;
	p2 =	por !p2, p1  }
0xb9: {  	s3 =	sshrl.u32 @!p1 s19, $0x3;
	s2 =	sshrl.u32 @!p1 s2, $0x2;
	s0 =	sshrl.u32 @!p1 s0, $0x2  }
0xba: {  	s3 =	sadd.s32 @!p1 s3, s14;
	s2 =	simm.s32 @!p2 $0x0;
	s0 =	sadd.s32 @!p1 $0x10248, s0  }
0xbb: {  	[tilespmem:s0], [sflag:$0xA] =	stream.linear.gather @!p1 [hbm4b:s3+s4], s2, $0x38;
	[tilespmem:$0x1F6F8] =	vst v63  }
0xbc: {  	s0 =	sadd.s32 $0xFFFFFFFF, s21  }
0xbd: {  	p1 =	sge.u32 s0, s13  }
0xbe: {  	p2 =	sgt.s32 @!p1 s20, $0x27010  }
0xbf: {  	s2 =	smov.u32 s20;
	s3 =	sshra.s32 @!p1 s20, $0x1F;
	p2 =	por !p2, p1  }
0xc0: {  	s3 =	sand.u32 @!p1 s3, s20;
	s2 =	simm.s32 @p2 $0x27010  }
0xc1: {  	s2 =	ssub.s32 @!p1 s2, s3  }
0xc2: {  	s2 =	sadd.s32 @!p1 $0xFFFD8FF0, s2  }
0xc3: {  	s4 =	sand.u32 @!p1 $0x1, s0;
	s3 =	sshll.u32 @!p1 s2, $0x2  }
0xc4: {  	p2 =	sgt.s32 @!p1 s2, $0xEF;
	s2 =	ssub.s32 @!p1 $0x3C0, s3;
	s3 =	smulhi.u32 @!p1 $0xAAAAAAAB, s0  }
0xc5: {  	s23 =	smul.u32 @!p1 $0x3C0, s4;
	p2 =	por !p2, p1;
	s2 =	sshrl.u32 @!p1 s2, $0x2  }
0xc6: {  	s5 =	simm.s32 @!p1 $0xA;
	s2 =	simm.s32 @!p2 $0x0;
	s3 =	sshrl.u32 @!p1 s3, $0x1  }
0xc7: {  	s23 =	sshrl.u32 @!p1 s23, $0x2;
	_ =	swait.ge @!p1 [sflag:s5], s2;
	s3 =	smul.u32 @!p1 $0x3, s3  }
0xc8: {  	s23 =	sadd.s32 @!p1 $0x10518, s23;
	s24 =	ssub.s32 @!p1 $0x0, s2;
	[sflag:s5] =	ssyncset.done @!p1 $0x0  }
0xc9: {  	[sflag:s5] =	ssyncadd.s32 @!p1 s24;
	s5 =	sshrl.u32 @!p1 s20, $0x3;
	s0 =	ssub.s32 @!p1 s0, s3  }
0xca: {  	s24 =	sand.u32 @!p1 $0x7, s20;
	s5 =	sadd.s32 @!p1 s5, s15;
	s0 =	smul.u32 @!p1 $0x3C0, s0  }
0xcb: {  	[tilespmem:s23], [sflag:$0xB] =	stream.linear.gather @!p1 [hbm4b:s5+s24], s2, $0x38;
	[tilespmem:$0x1F6F8] =	vst v63  }
0xcc: {  	s3 =	ssub.s32 @!p1 $0x27100, s20;
	s2 =	smul.u32 @!p1 $0x1E000, s4  }
0xcd: {  	p2 =	slt.s32 @!p1 s3, $0xF0  }
0xce: {  	p2 =	por !p2, p1;
	s0 =	sshrl.u32 @!p1 s0, $0x2;
	s2 =	sshrl.u32 @!p1 s2, $0x2  }
0xcf: {  	s3 =	simm.s32 @p2 $0xF0;
	s0 =	sadd.s32 @!p1 $0x10248, s0;
	s2 =	sor.u32 @!p1 $0x106F8, s2  }
0xd0: {  	[tilespmem:s2], [sflag:$0x9] =	stream.indirect.gather @!p1 [hbm4b:s9+s3], $0x80, s0, s3, $0xb8;
	[tilespmem:$0x1F6F8] =	vst v63  }
0xd1: {  	p1 =	slt.u32 s21, $0x2  }
.Ltmp11:
0xd2: {  	_ = 	snop;
	(pc) =	sbr.rel @p1 .LBB3_21-.Ltmp11, $1  }
0xd3: {  	_ =	sdelay $0x3  }
0xd4: {  	p1 =	sgt.s32 s22, $0x27010  }
0xd5: {  	s0 =	smov.u32 s22;
	s2 =	sshra.s32 s22, $0x1F;
	s3 =	ssub.s32 $0x27100, s22  }
0xd6: {  	s0 =	simm.s32 @!p1 $0x27010;
	s2 =	sand.u32 s2, s22;
	p1 =	slt.s32 s3, $0xF0  }
0xd7: {  	s0 =	ssub.s32 s0, s2;
	s3 =	simm.s32 @!p1 $0xF0  }
0xd8: {  	s0 =	sadd.s32 $0xFFFD8FF0, s0;
	s25 =	sshll.u32 s3, $0x7  }
0xd9: {  	s26 =	sshll.u32 s0, $0x2;
	s2 =	sand.u32 $0x3FFFFF80, s25  }
0xda: {  	p1 =	sgt.s32 s0, $0xEF;
	s29 =	ssub.s32 $0x3C0, s26;
	_ =	swait.ge [sflag:s10], s2  }
0xdb: {  	s2 =	ssub.s32 $0x0, s2;
	[sflag:s10] =	ssyncset.done $0x0;
	s0 =	sshrl.u32 s29, $0x2  }
0xdc: {  	[sflag:s10] =	ssyncadd.s32 s2;
	s0 =	simm.s32 @p1 $0x0  }
0xdd: {  	_ =	swait.ge [sflag:s11], s0  }
0xde: {  	s0 =	ssub.s32 $0x0, s0;
	[sflag:s11] =	ssyncset.done $0x0  }
0xdf: {  	[sflag:s11] =	ssyncadd.s32 s0  }
0xe0: {  	v1 =	vld [tilespmem:$0xF208];
	_ =	sdelay $0x4  }
0xe1: {  	(v2sf) =	vpush v1, $0x0  }
0xe2: {  	(v2sf) =	vpush v1, $0x1  }
0xe3: {  	(v2sf) =	vpush v1, $0x2;
	_ =	sdelay $0x3  }
0xe4: {  	s0 =	sadd.s32 $0xF0, s22  }
0xe5: {  	s2 =	ssub.s32 $0x4E200, s22;
	p1 =	slt.s32 s8, s0  }
0xe6: {  	s0 =	smov.u32 @p1 s8;
	p1 =	sgt.s32 s2, $0x0  }
0xe7: {  	s26 =	ssub.s32 s0, s22;
	s2 =	simm.s32 @!p1 $0x0  }
0xe8: {  	p1 =	slt.s32 s2, s26  }
0xe9: {  	s26 =	smov.u32 @p1 s2  }
0xea: {  	s25 =	simm.s32 $0x1;
	p1 =	slt.s32 s26, $0x1  }
.Ltmp12:
0xeb: {  	s25 =	simm.s32 @!p0 $0x0;
	(pc) =	sbr.rel @p1 .LBB3_8-.Ltmp12, $4  }
0xec: {  	s31 =	smul.u32 $0x3C0, s25  }
0xed: {  	s28 =	spop (v2sf)  }
0xee: {  	s0 =	sshrl.u32 s31, $0x2;
	s30 =	spop (v2sf)  }
0xef: {  	s23 =	sadd.s32 $0x10518, s0;
	s22 =	spop (v2sf)  }
0xf0: {  	s0 =	smin.u32 s26, $0x10  }
0xf1: {  	v1 =	vmov s0  }
0xf2: {  	p2 =	sgt.s32 s26, $0x10;
	vm1 =	vgt.u32 v1, v0  }
.Ltmp13:
0xf3: {  	_ = 	snop;
	(pc) =	sbr.rel @!p2 .LBB3_7-.Ltmp13, $2  }
0xf4: {  	_ =	sdelay $0x2  }
0xf5: {  	s4 =	simm.s32 $0x10;
	s24 =	sadd.s32 $0xFFFFFFF0, s26;
	s0 =	smov.u32 s23;
	vm0 =	vmmov vm1  }
.LBB3_6:
0xf6: {  	s2 =	smin.u32 s24, $0x10;
	s4 =	sadd.s32 $0x10, s4;
	v1 =	vld.msk [tilespmem:s0+$0x0 ss:$0x1], vm1  }
0xf7: {  	v2 =	vmov s2;
	p2 =	slt.s32 s4, s26  }
0xf8: {  	vm1 =	vgt.u32 v2, v0  }
.Ltmp14:
0xf9: {  	(pc) =	sbr.rel @p2 .LBB3_6-.Ltmp14, $3  }
0xfa: {  	_ =	sdelay $0x1  }
0xfb: {  	v1 =	vshll.u32 v1, $0x4  }
0xfc: {  	s24 =	sadd.s32 $0xFFFFFFF0, s24;
	[tilespmem:s0+$0x0] =	vst.msk vm0, v1;
	s0 =	sadd.s32 $0x10, s0;
	vm0 =	vmmov vm1  }
.LBB3_7:
0xfd: {  	_ =	sdelay $0x4  }
0xfe: {  	v1 =	vld.msk [tilespmem:s0+$0x0 ss:$0x1], vm1;
	_ =	sdelay $0x4  }
0xff: {  	v1 =	vshll.u32 v1, $0x4  }
0x100: {  	[tilespmem:s0+$0x0] =	vst.msk vm0, v1  }
.LBB3_8:
0x101: {  	s0 =	sand.u32 $0x1, s21  }
0x102: {  	s2 =	smul.u32 $0x7800, s0  }
0x103: {  	p2 =	sne.s32 s30, $0xFFFFFFFF  }
0x104: {  	v1 =	vld @!p2 [tilespmem:s2+$0x106F8];
	_ =	sdelay $0x2  }
0x105: {  	s0 =	smul.u32 $0xF0, s0;
	_ =	sdelay $0x1  }
0x106: {  	v2 =	vld.msk @!p2 [tilespmem:s0+$0x10518], $0x1;
	[tilespmem:$0x108] =	vst @!p2 v1  }
0x107: {  	v1 =	vld @!p2 [tilespmem:s2+$0x10708];
	_ =	sdelay $0x4  }
0x108: {  	[tilespmem:$0x118] =	vst @!p2 v1  }
0x109: {  	v1 =	vld @!p2 [tilespmem:s2+$0x10718];
	_ =	sdelay $0x4  }
0x10a: {  	[tilespmem:$0x128] =	vst @!p2 v1  }
0x10b: {  	v1 =	vld @!p2 [tilespmem:s2+$0x10728];
	_ =	sdelay $0x4  }
0x10c: {  	[tilespmem:$0x138] =	vst @!p2 v1  }
0x10d: {  	v1 =	vld @!p2 [tilespmem:s2+$0x10738];
	_ =	sdelay $0x4  }
0x10e: {  	[tilespmem:$0x148] =	vst @!p2 v1  }
0x10f: {  	(v2sf) =	vpush @!p2 v2, $0x0;
	v1 =	vld @!p2 [tilespmem:s2+$0x10748];
	_ =	sdelay $0x4  }
0x110: {  	[tilespmem:$0x158] =	vst @!p2 v1  }
0x111: {  	v1 =	vld @!p2 [tilespmem:s2+$0x10758];
	_ =	sdelay $0x4  }
0x112: {  	[tilespmem:$0x168] =	vst @!p2 v1  }
0x113: {  	v1 =	vld @!p2 [tilespmem:s2+$0x10768]  }
.Ltmp15:
0x114: {  	_ = 	snop;
	(pc) =	sbr.rel @p1 .LBB3_19-.Ltmp15, $4  }
0x115: {  	_ = 	snop  }
0x116: {  	s29 =	spop @!p2 (v2sf)  }
0x117: {  	s22 =	simm.s32 @!p2 $0x0;
	s24 =	smov.u32 s29  }
0x118: {  	s29 =	smov.u32 @p2 s28;
	s24 =	smov.u32 @p2 s30;
	[tilespmem:$0x178] =	vst @!p2 v1;
	[sflag:s18] =	ssyncpa.u1 $0x0  }
0x119: {  	v1 =	vld.msk [tilespmem:s23+$0x0], $0x1;
	_ =	sdelay $0x4  }
0x11a: {  	(v2sf) =	vpush v1, $0x0;
	_ =	sdelay $0xe  }
0x11b: {  	s2 =	smul.u32 $0x1E000, s25;
	s0 =	spop (v2sf)  }
0x11c: {  	s26 =	ssub.s32 $0x0, s26;
	p1 =	seq.s32 s29, s0  }
0x11d: {  	s30 =	sadd.s32 $0x1, s26;
	s2 =	sshrl.u32 s2, $0x2;
	p2 =	sgt.s32 @!p1 s29, $0x0  }
0x11e: {  	s25 =	sor.u32 $0x10738, s2;
	s2 =	smov.u32 s29;
	p2 =	por !p2, p1  }
0x11f: {  	s2 =	simm.s32 @p2 $0x0;
	p2 =	seq.s32 s30, $0x0  }
.Ltmp16:
0x120: {  	_ = 	snop;
	(pc) =	sbr.rel @p2 .LBB3_11-.Ltmp16, $4  }
0x121: {  	_ = 	snop  }
0x122: {  	s28 =	simm.s32 $0x0;
	s31 =	sadd.s32 $0x1, s23;
	s2 =	smin.u32 @!p1 s2, $0x4E1F0  }
0x123: {  	s4 =	simm.s32 @!p1 $0x1;
	s5 =	simm.s32 @!p1 $0x7988;
	s3 =	sand.u32 @!p1 $0x7FFF8, s2  }
0x124: {  	s4 =	smov.u32 @p1 s28;
	s2 =	sand.u32 @!p1 $0x7, s2;
	s3 =	sadd.s32 @!p1 s1, s3  }
.LBB3_10:
0x125: {  	s6 =	smov.u32 s4  }
0x126: {  	[tilespmem:s5], [sflag:$0x2] =	stream.linear.gather @!p1 [hbm4b:s3+s2], $0x80, $0x38;
	[tilespmem:$0x1F6F8] =	vst v63  }
0x127: {  	s30 =	sadd.s32 $0x1, s30;
	s2 =	smov.u32 s0;
	v1 =	vld.msk [tilespmem:s31+$0x0], $0x1  }
0x128: {  	p2 =	seq.s32 s30, $0x0;
	_ =	sdelay $0x3  }
0x129: {  	(v2sf) =	vpush v1, $0x0;
	_ =	sdelay $0xe  }
0x12a: {  	s0 =	spop (v2sf)  }
0x12b: {  	p1 =	seq.s32 s2, s0  }
0x12c: {  	p3 =	sgt.s32 @!p1 s2, $0x0;
	s3 =	sshll.u32 @!p1 s4, $0x9;
	s4 =	sadd.s32 @!p1 $0x1, s4  }
.Ltmp17:
0x12d: {  	p3 =	por !p3, p1;
	s3 =	sshra.s32 @!p1 s3, $0x2;
	(pc) =	sbr.rel @!p2 .LBB3_10-.Ltmp17, $4  }
0x12e: {  	s4 =	smov.u32 @p1 s6;
	s2 =	simm.s32 @p3 $0x0;
	s5 =	sadd.s32 @!p1 $0x7988, s3  }
0x12f: {  	s2 =	smin.u32 @!p1 s2, $0x4E1F0  }
0x130: {  	s3 =	sand.u32 @!p1 $0x7FFF8, s2;
	s2 =	sand.u32 @!p1 $0x7, s2  }
0x131: {  	s31 =	sadd.s32 $0x1, s31;
	s3 =	sadd.s32 @!p1 s1, s3  }
.LBB3_11:
0x132: {  	[tilespmem:s5], [sflag:$0x2] =	stream.linear.gather @!p1 [hbm4b:s3+s2], $0x80, $0x38;
	[tilespmem:$0x1F6F8] =	vst v63  }
.Ltmp18:
0x133: {  	s0 =	sshll.u32 s4, $0x7;
	(pc) =	sbr.rel .LBB3_12-.Ltmp18, $4  }
0x134: {  	s30 =	simm.s32 $0x2;
	s0 =	sand.u32 $0x3FFFFF80, s0  }
0x135: {  	_ =	swait.ge [sflag:s30], s0  }
0x136: {  	s0 =	ssub.s32 $0x0, s0;
	[sflag:s30] =	ssyncset.done $0x0  }
0x137: {  	s31 =	simm.s32 $0x0;
	[sflag:s30] =	ssyncadd.s32 s0  }
.LBB3_13:
0x138: {  	s0 =	sshra.s32 s0, $0x2;
	v1 =	vld [tilespmem:s25+$0xFFFFFFC0]  }
0x139: {  	v2 =	vld [tilespmem:s0+$0x108];
	_ =	sdelay $0x4  }
0x13a: {  	v1 =	vmax.f32 v1, v2  }
0x13b: {  	v2 =	vld [tilespmem:s0+$0x118];
	[tilespmem:s0+$0x108] =	vst v1  }
0x13c: {  	v1 =	vld [tilespmem:s25+$0xFFFFFFD0];
	_ =	sdelay $0x4  }
0x13d: {  	v1 =	vmax.f32 v1, v2  }
0x13e: {  	v2 =	vld [tilespmem:s0+$0x128];
	[tilespmem:s0+$0x118] =	vst v1  }
0x13f: {  	v1 =	vld [tilespmem:s25+$0xFFFFFFE0];
	_ =	sdelay $0x4  }
0x140: {  	v1 =	vmax.f32 v1, v2  }
0x141: {  	v2 =	vld [tilespmem:s0+$0x138];
	[tilespmem:s0+$0x128] =	vst v1  }
0x142: {  	v1 =	vld [tilespmem:s25+$0xFFFFFFF0];
	_ =	sdelay $0x4  }
0x143: {  	v1 =	vmax.f32 v1, v2  }
0x144: {  	v2 =	vld [tilespmem:s0+$0x148];
	[tilespmem:s0+$0x138] =	vst v1  }
0x145: {  	v1 =	vld [tilespmem:s25+$0x0];
	_ =	sdelay $0x4  }
0x146: {  	v1 =	vmax.f32 v1, v2  }
0x147: {  	v2 =	vld [tilespmem:s0+$0x158];
	[tilespmem:s0+$0x148] =	vst v1  }
0x148: {  	v1 =	vld [tilespmem:s25+$0x10];
	_ =	sdelay $0x4  }
0x149: {  	v1 =	vmax.f32 v1, v2  }
0x14a: {  	v2 =	vld [tilespmem:s0+$0x168];
	[tilespmem:s0+$0x158] =	vst v1  }
0x14b: {  	v1 =	vld [tilespmem:s25+$0x20];
	_ =	sdelay $0x4  }
0x14c: {  	v1 =	vmax.f32 v1, v2  }
0x14d: {  	v2 =	vld [tilespmem:s0+$0x178];
	[tilespmem:s0+$0x168] =	vst v1  }
0x14e: {  	v1 =	vld [tilespmem:s25+$0x30];
	_ =	sdelay $0x4  }
0x14f: {  	v1 =	vmax.f32 v1, v2  }
0x150: {  	[tilespmem:s0+$0x178] =	vst v1  }
.LBB3_17:
0x151: {  	s26 =	sadd.s32 $0x1, s26  }
0x152: {  	p1 =	seq.s32 s26, $0x0  }
.Ltmp19:
0x153: {  	_ = 	snop;
	(pc) =	sbr.rel @p1 .LBB3_18-.Ltmp19, $2  }
0x154: {  	_ =	sdelay $0x2  }
0x155: {  	s23 =	sadd.s32 $0x1, s23;
	s25 =	sadd.s32 $0x80, s25;
	s29 =	smov.u32 s30  }
.LBB3_12:
0x156: {  	v1 =	vld.msk [tilespmem:s23+$0x0], $0x1;
	_ =	sdelay $0x4  }
0x157: {  	(v2sf) =	vpush v1, $0x0;
	_ =	sdelay $0xe  }
0x158: {  	s30 =	spop (v2sf)  }
0x159: {  	p1 =	sne.s32 s29, s30  }
.Ltmp20:
0x15a: {  	_ = 	snop;
	(pc) =	sbr.rel @!p1 .LBB3_13-.Ltmp20, $2  }
0x15b: {  	_ =	sdelay $0x2  }
0x15c: {  	s0 =	sshll.u32 s22, $0x9  }
0x15d: {  	p1 =	seq.s32 s29, s24  }
.Ltmp21:
0x15e: {  	_ = 	snop;
	(pc) =	sbr.rel @!p1 .LBB3_15-.Ltmp21, $1  }
0x15f: {  	_ =	sdelay $0x3  }
0x160: {  	s0 =	sshra.s32 s0, $0x2  }
.Ltmp22:
0x161: {  	s0 =	sadd.s32 $0x108, s0;
	(pc) =	sbr.rel .LBB3_16-.Ltmp22, $4  }
0x162: {  	[spmem:s16] =	stream.linear.scatter [tilespmem:s0], [sflag:$0x1], $0x80, $0x38;
	[tilespmem:$0x1F6F8] =	vst v63  }
0x163: {  	_ =	swait.ge [sflag:s12], $0x80  }
0x164: {  	[sflag:s12] =	ssyncset.done $0x0  }
0x165: {  	[sflag:s12] =	ssyncadd.s32 $0xFFFFFF80  }
.LBB3_15:
0x166: {  	s2 =	sshll.u32 s28, $0x9;
	s0 =	sshra.s32 s0, $0x2  }
0x167: {  	s2 =	sshra.s32 s2, $0x2;
	v2 =	vld [tilespmem:s0+$0x108]  }
0x168: {  	v1 =	vld [tilespmem:s2+$0x7988];
	_ =	sdelay $0x4  }
0x169: {  	v1 =	vmax.f32 v1, v2  }
0x16a: {  	v2 =	vld [tilespmem:s0+$0x118];
	[tilespmem:s0+$0x108] =	vst v1  }
0x16b: {  	v1 =	vld [tilespmem:s2+$0x7998];
	_ =	sdelay $0x4  }
0x16c: {  	v1 =	vmax.f32 v1, v2  }
0x16d: {  	v2 =	vld [tilespmem:s0+$0x128];
	[tilespmem:s0+$0x118] =	vst v1  }
0x16e: {  	v1 =	vld [tilespmem:s2+$0x79A8];
	_ =	sdelay $0x4  }
0x16f: {  	v1 =	vmax.f32 v1, v2  }
0x170: {  	v2 =	vld [tilespmem:s0+$0x138];
	[tilespmem:s0+$0x128] =	vst v1  }
0x171: {  	v1 =	vld [tilespmem:s2+$0x79B8];
	_ =	sdelay $0x4  }
0x172: {  	v1 =	vmax.f32 v1, v2  }
0x173: {  	v2 =	vld [tilespmem:s0+$0x148];
	[tilespmem:s0+$0x138] =	vst v1  }
0x174: {  	v1 =	vld [tilespmem:s2+$0x79C8];
	_ =	sdelay $0x4  }
0x175: {  	v1 =	vmax.f32 v1, v2  }
0x176: {  	v2 =	vld [tilespmem:s0+$0x158];
	[tilespmem:s0+$0x148] =	vst v1  }
0x177: {  	v1 =	vld [tilespmem:s2+$0x79D8];
	_ =	sdelay $0x4  }
0x178: {  	v1 =	vmax.f32 v1, v2  }
0x179: {  	v2 =	vld [tilespmem:s0+$0x168];
	[tilespmem:s0+$0x158] =	vst v1  }
0x17a: {  	v1 =	vld [tilespmem:s2+$0x79E8];
	_ =	sdelay $0x4  }
0x17b: {  	v1 =	vmax.f32 v1, v2  }
0x17c: {  	v2 =	vld [tilespmem:s0+$0x178];
	[tilespmem:s0+$0x168] =	vst v1  }
0x17d: {  	v1 =	vld [tilespmem:s2+$0x79F8];
	_ =	sdelay $0x3  }
0x17e: {  	p1 =	sgt.u32 s29, $0x4E1F0  }
0x17f: {  	s2 =	sand.u32 @!p1 $0x7FFF8, s29;
	v1 =	vmax.f32 v1, v2  }
0x180: {  	s3 =	sadd.s32 $0x108, s0;
	[tilespmem:s0+$0x178] =	vst v1;
	s0 =	sadd.s32 @!p1 s1, s2;
	s2 =	sand.u32 @!p1 $0x7, s29  }
0x181: {  	[hbm4b:s0+s2] =	stream.linear.scatter @!p1 [tilespmem:s3], [sflag:$0xC], $0x80, $0x38;
	[tilespmem:$0x1F6F8] =	vst v63  }
0x182: {  	s0 =	simm.s32 $0x0  }
0x183: {  	s0 =	simm.s32 @!p1 $0x200  }
0x184: {  	s31 =	sadd.s32 s0, s31  }
.LBB3_16:
0x185: {  	s0 =	sadd.s32 $0x1, s22  }
0x186: {  	s2 =	smulhi.u32 $0x88888889, s0;
	_ =	sdelay $0x1  }
0x187: {  	v1 =	vld [tilespmem:s25+$0xFFFFFFC0];
	s2 =	sshrl.u32 s2, $0x7  }
0x188: {  	s2 =	smul.u32 $0xF0, s2;
	_ =	sdelay $0x1  }
0x189: {  	s22 =	ssub.s32 s0, s2  }
0x18a: {  	s0 =	sshll.u32 s22, $0x7  }
0x18b: {  	[tilespmem:s0+$0x108] =	vst v1  }
0x18c: {  	v1 =	vld [tilespmem:s25+$0xFFFFFFD0];
	_ =	sdelay $0x4  }
0x18d: {  	[tilespmem:s0+$0x118] =	vst v1  }
0x18e: {  	v1 =	vld [tilespmem:s25+$0xFFFFFFE0];
	_ =	sdelay $0x4  }
0x18f: {  	[tilespmem:s0+$0x128] =	vst v1  }
0x190: {  	v1 =	vld [tilespmem:s25+$0xFFFFFFF0];
	_ =	sdelay $0x4  }
0x191: {  	[tilespmem:s0+$0x138] =	vst v1  }
0x192: {  	v1 =	vld [tilespmem:s25+$0x0];
	_ =	sdelay $0x4  }
0x193: {  	[tilespmem:s0+$0x148] =	vst v1  }
0x194: {  	v1 =	vld [tilespmem:s25+$0x10];
	_ =	sdelay $0x4  }
0x195: {  	[tilespmem:s0+$0x158] =	vst v1  }
0x196: {  	v1 =	vld [tilespmem:s25+$0x20];
	_ =	sdelay $0x4  }
0x197: {  	[tilespmem:s0+$0x168] =	vst v1  }
0x198: {  	v1 =	vld [tilespmem:s25+$0x30]  }
.Ltmp23:
0x199: {  	_ = 	snop;
	(pc) =	sbr.rel .LBB3_17-.Ltmp23, $2  }
0x19a: {  	_ =	sdelay $0x2  }
0x19b: {  	s28 =	sadd.s32 $0x1, s28;
	[tilespmem:s0+$0x178] =	vst v1  }
.LBB3_19:
.Ltmp24:
0x19c: {  	(pc) =	sbr.rel .LBB3_20-.Ltmp24, $4  }
0x19d: {  	_ = 	snop  }
0x19e: {  	s0 =	simm.s32 $0x2  }
0x19f: {  	_ =	swait.ge [sflag:s0], $0x0  }
0x1a0: {  	s30 =	smov.u32 s29;
	[sflag:s0] =	ssyncset.done $0x0;
	s0 =	simm.s32 $0x0  }
.LBB3_22:
0x1a1: {  	_ =	sfence.sel $0x180000  }
0x1a2: {  	s0 =	simm.s32 $0x9;
	[bflag:$0x0] =	sbarrier.arrive $0xFFFF  }
0x1a3: {  	s24 =	simm.s32 $0xA;
	[sflag:s0] =	ssyncpa.u1 $0x1  }
0x1a4: {  	s25 =	simm.s32 $0xB;
	[sflag:s24] =	ssyncpa.u1 $0x1  }
0x1a5: {  	s26 =	simm.s32 $0x2;
	[sflag:s25] =	ssyncpa.u1 $0x1  }
0x1a6: {  	[sflag:s26] =	ssyncpa.u1 $0x1  }
0x1a7: {  	v0 =	vld [tilespmem:$0xF208];
	_ =	sdelay $0x4  }
0x1a8: {  	(v2sf) =	vpush v0, $0x0  }
0x1a9: {  	(v2sf) =	vpush v0, $0x1;
	_ =	sdelay $0x1  }
0x1aa: {  	(v2sf) =	vpush v0, $0x2;
	_ =	sdelay $0xb  }
0x1ab: {  	s0 =	spop (v2sf)  }
0x1ac: {  	s2 =	spop (v2sf)  }
0x1ad: {  	s3 =	smov.u32 s0;
	p0 =	sne.s32 s0, s2  }
0x1ae: {  	s4 =	spop (v2sf);
	s3 =	simm.s32 @!p0 $0xFFFFFFFF  }
0x1af: {  	v2 =	vimm.s32 $0x1;
	v3 =	vlaneseq.u32;
	p0 =	seq.s32 s4, $0xFFFFFFFF;
	v1 =	vmov s3  }
0x1b0: {  	s16 =	stileid.u32;
	v0 =	vperm.xlane v0, v2;
	p1 =	sne.s32 @!p0 s0, s2;
	v1 =	vperm.xlane v1, v3  }
0x1b1: {  	vm0 =	vcmask $0x3F04;
	s6 =	simm.s32 $0xF208;
	s0 =	simm.s32 @!p0 $0x1;
	p1 =	por !p1, p0  }
0x1b2: {  	s3 =	sshll.u32 s16, $0x1;
	s2 =	sshll.u32 @!p0 s4, $0x9;
	s0 =	simm.s32 @p1 $0x0;
	v0 =	vsel vm0, v1, v0  }
0x1b3: {  	s5 =	sor.u32 $0x1000, s3;
	s2 =	sshra.s32 @!p0 s2, $0x2;
	s0 =	sor.u32 @!p0 s0, s3;
	[tilespmem:$0xF208] =	vst v0  }
0x1b4: {  	[spmem:s5] =	stream.linear.scatter [tilespmem:s6], [sflag:$0x1], $0x2, $0x38;
	[tilespmem:$0x1F6F8] =	vst v63  }
0x1b5: {  	s2 =	sadd.s32 @!p0 $0x108, s2;
	s0 =	sshll.u32 @!p0 s0, $0x7  }
0x1b6: {  	[spmem:s0] =	stream.linear.scatter @!p0 [tilespmem:s2], [sflag:$0x1], $0x80, $0x38;
	[tilespmem:$0x1F6F8] =	vst v63  }
0x1b7: {  	s0 =	simm.s32 @!p0 $0x82  }
0x1b8: {  	s28 =	simm.s32 $0x1;
	s0 =	simm.s32 @p0 $0x2  }
0x1b9: {  	_ =	swait.ge [sflag:s28], s0  }
0x1ba: {  	s0 =	ssub.s32 $0x0, s0;
	[sflag:s28] =	ssyncset.done $0x0  }
0x1bb: {  	p0 =	sne.s32 s16, $0x0;
	[sflag:s28] =	ssyncadd.s32 s0  }
.Ltmp25:
0x1bc: {  	_ =	sfence.stream.spmem;
	(pc) =	sbr.rel @p0 .LBB3_39-.Ltmp25, $4  }
0x1bd: {  	s29 =	simm.s32 $0x3;
	[bflag:$0x0] =	sbarrier.arrive $0xFFFF  }
0x1be: {  	s30 =	simm.s32 $0x4;
	[sflag:s29] =	ssyncpa.u1 $0x1  }
0x1bf: {  	s31 =	simm.s32 $0x3C;
	[sflag:s30] =	ssyncpa.u1 $0x1  }
0x1c0: {  	s15 =	rddreg [dreg:$0x5];
	[sflag:s31] =	ssyncpa.u1 $0x1  }
0x1c1: {  	_ =	sfence.stream.spmem;
	s0 =	simm.s32 $0x5  }
0x1c2: {  	s2 =	simm.s32 $0x1000;
	s3 =	simm.s32 $0xF218;
	[sflag:s0] =	ssyncpa.u1 $0x0  }
0x1c3: {  	[tilespmem:s3], [sflag:$0x5] =	stream.linear.gather [spmem:s2], $0x20, $0x38;
	[tilespmem:$0x1F6F8] =	vst v63  }
0x1c4: {  	s26 =	simm.s32 $0x0;
	s28 =	simm.s32 $0xF238  }
0x1c5: {  	[tilespmem:s28], [sflag:$0x5] =	stream.linear.gather [spmem:s26], $0x1000, $0x38;
	[tilespmem:$0x1F6F8] =	vst v63  }
0x1c6: {  	_ =	swait.ge [sflag:s0], $0x1020  }
0x1c7: {  	[sflag:s0] =	ssyncset.done $0x0  }
0x1c8: {  	s29 =	simm.s32 $0x0;
	[sflag:s0] =	ssyncadd.s32 $0xFFFFEFE0  }
0x1c9: {  	v0 =	vld.msk [tilespmem:s29+$0xF218], $0x1;
	_ =	sdelay $0x1  }
0x1ca: {  	s30 =	simm.s32 $0x1  }
0x1cb: {  	v1 =	vld.msk [tilespmem:s30+$0xF218], $0x1;
	_ =	sdelay $0x1  }
0x1cc: {  	(v2sf) =	vpush v0, $0x0;
	_ =	sdelay $0x2  }
0x1cd: {  	(v2sf) =	vpush v1, $0x0;
	_ =	sdelay $0x2  }
0x1ce: {  	s31 =	simm.s32 $0x2  }
0x1cf: {  	v0 =	vld.msk [tilespmem:s31+$0xF218], $0x1;
	_ =	sdelay $0x2  }
0x1d0: {  	s4 =	simm.s32 $0xFFFFFFFF;
	s5 =	simm.s32 $0xFFFFFFFF;
	s0 =	simm.s32 $0xC  }
.LBB3_24:
0x1d1: {  	s2 =	smov.u32 s5;
	s3 =	smov.u32 s4  }
0x1d2: {  	s4 =	sshra.s32 s0, $0x2;
	p1 =	sne.s32 s0, $0x7C;
	s0 =	sadd.s32 $0x4, s0;
	(v2sf) =	vpush v0, $0x0  }
0x1d3: {  	v0 =	vld.msk [tilespmem:s4+$0xF218], $0x1  }
.Ltmp26:
0x1d4: {  	(pc) =	sbr.rel @p1 .LBB3_24-.Ltmp26, $4  }
0x1d5: {  	s5 =	spop (v2sf)  }
0x1d6: {  	p2 =	sne.s32 s3, $0xFFFFFFFF;
	s4 =	smov.u32 s5  }
0x1d7: {  	p3 =	seq.s32 s5, $0xFFFFFFFF;
	s4 =	smov.u32 @p2 s3  }
0x1d8: {  	s5 =	smov.u32 @p3 s2;
	s4 =	smov.u32 @p3 s3  }
0x1d9: {  	(v2sf) =	vpush v0, $0x0;
	_ =	sdelay $0x8  }
0x1da: {  	s0 =	spop (v2sf)  }
0x1db: {  	p1 =	sne.s32 s4, $0xFFFFFFFF;
	s2 =	smov.u32 s0  }
0x1dc: {  	s9 =	simm.s32 $0x6;
	p2 =	seq.s32 s0, $0xFFFFFFFF;
	s2 =	smov.u32 @p1 s4  }
0x1dd: {  	s6 =	simm.s32 $0x0;
	s2 =	smov.u32 @p2 s4;
	s3 =	spop (v2sf)  }
0x1de: {  	s0 =	smov.u32 @p2 s5;
	p1 =	sne.s32 s2, $0xFFFFFFFF;
	s4 =	smov.u32 s3  }
.Ltmp27:
0x1df: {  	p2 =	seq.s32 s3, $0xFFFFFFFF;
	s4 =	smov.u32 @p1 s2;
	(pc) =	sbr.rel .LBB3_26-.Ltmp27, $4  }
0x1e0: {  	s10 =	simm.s32 $0xF188;
	s4 =	smov.u32 @p2 s2;
	s7 =	spop (v2sf)  }
0x1e1: {  	s11 =	simm.s32 $0x0;
	p1 =	sne.s32 s4, $0xFFFFFFFF;
	s8 =	smov.u32 s7  }
0x1e2: {  	s3 =	smov.u32 @p2 s0;
	p2 =	seq.s32 s7, $0xFFFFFFFF;
	s8 =	smov.u32 @p1 s4  }
0x1e3: {  	[sflag:s9] =	ssyncpa.u1 $0x0;
	s7 =	smov.u32 @p2 s3;
	s8 =	smov.u32 @p2 s4  }
.LBB3_32:
0x1e4: {  	p1 =	sgt.u32 s12, $0x4E1F0  }
0x1e5: {  	p2 =	seq.s32 @!p1 s12, s8  }
0x1e6: {  	p1 =	por p1, p2  }
0x1e7: {  	p2 =	sne.s32 @!p1 s12, s7  }
0x1e8: {  	p1 =	por p1, !p2  }
0x1e9: {  	s0 =	sshll.u32 @p1 s11, $0x9  }
0x1ea: {  	s0 =	sand.u32 @!p1 $0x7FFF8, s12  }
0x1eb: {  	s2 =	sand.u32 @!p1 $0x7, s12;
	s0 =	sadd.s32 @!p1 s1, s0  }
0x1ec: {  	[tilespmem:s10], [sflag:$0x6] =	stream.linear.gather @!p1 [hbm4b:s0+s2], $0x80, $0x38;
	[tilespmem:$0x1F6F8] =	vst v63  }
0x1ed: {  	_ =	swait.ge @!p1 [sflag:s9], $0x80  }
0x1ee: {  	[sflag:s9] =	ssyncset.done @!p1 $0x0  }
0x1ef: {  	s0 =	sshll.u32 @!p1 s11, $0x9;
	[sflag:s9] =	ssyncadd.s32 @!p1 $0xFFFFFF80  }
0x1f0: {  	s2 =	sshrl.u32 @!p1 s0, $0x2;
	v1 =	vld @!p1 [tilespmem:$0xF188]  }
0x1f1: {  	v2 =	vld @!p1 [tilespmem:s2+$0xF238];
	_ =	sdelay $0x4  }
0x1f2: {  	v1 =	vmax.f32 @!p1 v1, v2  }
0x1f3: {  	v2 =	vld @!p1 [tilespmem:s2+$0xF248];
	[tilespmem:s2+$0xF238] =	vst @!p1 v1  }
0x1f4: {  	v1 =	vld @!p1 [tilespmem:$0xF198];
	_ =	sdelay $0x4  }
0x1f5: {  	v1 =	vmax.f32 @!p1 v1, v2  }
0x1f6: {  	v2 =	vld @!p1 [tilespmem:s2+$0xF258];
	[tilespmem:s2+$0xF248] =	vst @!p1 v1  }
0x1f7: {  	v1 =	vld @!p1 [tilespmem:$0xF1A8];
	_ =	sdelay $0x4  }
0x1f8: {  	v1 =	vmax.f32 @!p1 v1, v2  }
0x1f9: {  	v2 =	vld @!p1 [tilespmem:s2+$0xF268];
	[tilespmem:s2+$0xF258] =	vst @!p1 v1  }
0x1fa: {  	v1 =	vld @!p1 [tilespmem:$0xF1B8];
	_ =	sdelay $0x4  }
0x1fb: {  	v1 =	vmax.f32 @!p1 v1, v2  }
0x1fc: {  	v2 =	vld @!p1 [tilespmem:s2+$0xF278];
	[tilespmem:s2+$0xF268] =	vst @!p1 v1  }
0x1fd: {  	v1 =	vld @!p1 [tilespmem:$0xF1C8];
	_ =	sdelay $0x4  }
0x1fe: {  	v1 =	vmax.f32 @!p1 v1, v2  }
0x1ff: {  	v2 =	vld @!p1 [tilespmem:s2+$0xF288];
	[tilespmem:s2+$0xF278] =	vst @!p1 v1  }
0x200: {  	v1 =	vld @!p1 [tilespmem:$0xF1D8];
	_ =	sdelay $0x4  }
0x201: {  	v1 =	vmax.f32 @!p1 v1, v2  }
0x202: {  	v2 =	vld @!p1 [tilespmem:s2+$0xF298];
	[tilespmem:s2+$0xF288] =	vst @!p1 v1  }
0x203: {  	v1 =	vld @!p1 [tilespmem:$0xF1E8];
	_ =	sdelay $0x4  }
0x204: {  	v1 =	vmax.f32 @!p1 v1, v2  }
0x205: {  	v2 =	vld @!p1 [tilespmem:s2+$0xF2A8];
	[tilespmem:s2+$0xF298] =	vst @!p1 v1  }
0x206: {  	v1 =	vld @!p1 [tilespmem:$0xF1F8];
	_ =	sdelay $0x4  }
0x207: {  	v1 =	vmax.f32 @!p1 v1, v2  }
0x208: {  	[tilespmem:s2+$0xF2A8] =	vst @!p1 v1  }
0x209: {  	s0 =	sshrl.u32 s0, $0x2;
	[tilespmem:s6+$0xF218] =	vst.msk $0x1, v0  }
0x20a: {  	v0 =	vld [tilespmem:s0+$0xF238];
	_ =	sdelay $0x2  }
0x20b: {  	s31 =	sshll.u32 s6, $0x9  }
0x20c: {  	s2 =	sshra.s32 s31, $0x2  }
0x20d: {  	[tilespmem:s2+$0xF238] =	vst v0  }
0x20e: {  	v0 =	vld [tilespmem:s0+$0xF248];
	_ =	sdelay $0x4  }
0x20f: {  	[tilespmem:s2+$0xF248] =	vst v0  }
0x210: {  	v0 =	vld [tilespmem:s0+$0xF258];
	_ =	sdelay $0x4  }
0x211: {  	[tilespmem:s2+$0xF258] =	vst v0  }
0x212: {  	v0 =	vld [tilespmem:s0+$0xF268];
	_ =	sdelay $0x4  }
0x213: {  	[tilespmem:s2+$0xF268] =	vst v0  }
0x214: {  	v0 =	vld [tilespmem:s0+$0xF278];
	_ =	sdelay $0x4  }
0x215: {  	[tilespmem:s2+$0xF278] =	vst v0  }
0x216: {  	v0 =	vld [tilespmem:s0+$0xF288];
	_ =	sdelay $0x4  }
0x217: {  	[tilespmem:s2+$0xF288] =	vst v0  }
0x218: {  	v0 =	vld [tilespmem:s0+$0xF298];
	_ =	sdelay $0x4  }
0x219: {  	[tilespmem:s2+$0xF298] =	vst v0  }
0x21a: {  	v0 =	vld [tilespmem:s0+$0xF2A8];
	_ =	sdelay $0x4  }
0x21b: {  	s6 =	sadd.s32 $0x1, s6;
	[tilespmem:s2+$0xF2A8] =	vst v0  }
.LBB3_33:
0x21c: {  	s11 =	sadd.s32 $0x1, s11  }
0x21d: {  	p1 =	sne.s32 s11, $0x20  }
.Ltmp28:
0x21e: {  	_ = 	snop;
	(pc) =	sbr.rel @!p1 .LBB3_34-.Ltmp28, $1  }
0x21f: {  	_ =	sdelay $0x3  }
.LBB3_26:
0x220: {  	v0 =	vld.msk [tilespmem:s11+$0xF218], $0x1;
	_ =	sdelay $0x4  }
0x221: {  	(v2sf) =	vpush v0, $0x0;
	_ =	sdelay $0xe  }
0x222: {  	s12 =	spop (v2sf)  }
0x223: {  	p1 =	seq.s32 s12, $0xFFFFFFFF  }
.Ltmp29:
0x224: {  	_ = 	snop;
	(pc) =	sbr.rel @p1 .LBB3_33-.Ltmp29, $1  }
0x225: {  	_ =	sdelay $0x3  }
0x226: {  	p1 =	slt.s32 s6, $0x1  }
.Ltmp30:
0x227: {  	_ = 	snop;
	(pc) =	sbr.rel @p1 .LBB3_32-.Ltmp30, $1  }
0x228: {  	_ =	sdelay $0x3  }
0x229: {  	s13 =	simm.s32 $0xF218;
	p1 =	por $0x0, $0x0  }
0x22a: {  	v1 =	vld.msk @!p1 [tilespmem:s13+$0x0], $0x1;
	_ =	sdelay $0x4  }
0x22b: {  	(v2sf) =	vpush @!p1 v1, $0x0;
	_ =	sdelay $0xd  }
0x22c: {  	p3 =	sne.s32 s6, $0x1  }
.Ltmp31:
0x22d: {  	s0 =	spop @!p1 (v2sf);
	(pc) =	sbr.rel @!p3 .LBB3_30-.Ltmp31, $4  }
0x22e: {  	p2 =	seq.s32 @!p1 s12, s0  }
0x22f: {  	s14 =	simm.s32 $0x0;
	p2 =	por !p2, p1  }
0x230: {  	s2 =	simm.s32 $0xFFFFFFFF;
	s14 =	simm.s32 @p2 $0xFFFFFFFF  }
0x231: {  	s0 =	simm.s32 $0x1;
	s14 =	smov.u32 @p1 s2  }
.LBB3_29:
0x232: {  	s2 =	smov.u32 s14;
	p1 =	sne.s32 s14, $0xFFFFFFFF  }
0x233: {  	s13 =	sadd.s32 $0x1, s13;
	s14 =	smov.u32 s0;
	s0 =	sadd.s32 $0x1, s0  }
0x234: {  	p2 =	sne.s32 s6, s0;
	v1 =	vld.msk @!p1 [tilespmem:s13+$0x0], $0x1;
	_ =	sdelay $0x4  }
0x235: {  	(v2sf) =	vpush @!p1 v1, $0x0;
	_ =	sdelay $0xe  }
.Ltmp32:
0x236: {  	s3 =	spop @!p1 (v2sf);
	(pc) =	sbr.rel @p2 .LBB3_29-.Ltmp32, $4  }
0x237: {  	p3 =	seq.s32 @!p1 s12, s3  }
0x238: {  	p3 =	por !p3, p1  }
0x239: {  	s14 =	simm.s32 @p3 $0xFFFFFFFF  }
0x23a: {  	s14 =	smov.u32 @p1 s2  }
.LBB3_30:
0x23b: {  	p1 =	seq.s32 s14, $0xFFFFFFFF  }
.Ltmp33:
0x23c: {  	_ = 	snop;
	(pc) =	sbr.rel @p1 .LBB3_32-.Ltmp33, $1  }
0x23d: {  	_ =	sdelay $0x3  }
0x23e: {  	s0 =	sshll.u32 s11, $0x7  }
0x23f: {  	s2 =	sshll.u32 s14, $0x9;
	s0 =	sand.u32 $0x3FFFFF80, s0  }
0x240: {  	s2 =	sshra.s32 s2, $0x2;
	v0 =	vld [tilespmem:s0+$0xF238]  }
0x241: {  	v1 =	vld [tilespmem:s2+$0xF238];
	_ =	sdelay $0x4  }
0x242: {  	v0 =	vmax.f32 v0, v1  }
0x243: {  	v57 =	vld [tilespmem:s2+$0xF248];
	[tilespmem:s2+$0xF238] =	vst v0  }
0x244: {  	v0 =	vld [tilespmem:s0+$0xF248];
	_ =	sdelay $0x4  }
0x245: {  	v0 =	vmax.f32 v0, v57  }
0x246: {  	v58 =	vld [tilespmem:s2+$0xF258];
	[tilespmem:s2+$0xF248] =	vst v0  }
0x247: {  	v0 =	vld [tilespmem:s0+$0xF258];
	_ =	sdelay $0x4  }
0x248: {  	v0 =	vmax.f32 v0, v58  }
0x249: {  	v59 =	vld [tilespmem:s2+$0xF268];
	[tilespmem:s2+$0xF258] =	vst v0  }
0x24a: {  	v0 =	vld [tilespmem:s0+$0xF268];
	_ =	sdelay $0x4  }
0x24b: {  	v0 =	vmax.f32 v0, v59  }
0x24c: {  	v60 =	vld [tilespmem:s2+$0xF278];
	[tilespmem:s2+$0xF268] =	vst v0  }
0x24d: {  	v0 =	vld [tilespmem:s0+$0xF278];
	_ =	sdelay $0x4  }
0x24e: {  	v0 =	vmax.f32 v0, v60  }
0x24f: {  	v61 =	vld [tilespmem:s2+$0xF288];
	[tilespmem:s2+$0xF278] =	vst v0  }
0x250: {  	v0 =	vld [tilespmem:s0+$0xF288];
	_ =	sdelay $0x4  }
0x251: {  	v0 =	vmax.f32 v0, v61  }
0x252: {  	v62 =	vld [tilespmem:s2+$0xF298];
	[tilespmem:s2+$0xF288] =	vst v0  }
0x253: {  	v0 =	vld [tilespmem:s0+$0xF298];
	_ =	sdelay $0x4  }
0x254: {  	v0 =	vmax.f32 v0, v62  }
0x255: {  	v63 =	vld [tilespmem:s2+$0xF2A8];
	[tilespmem:s2+$0xF298] =	vst v0  }
0x256: {  	v0 =	vld [tilespmem:s0+$0xF2A8];
	_ =	sdelay $0x1  }
.Ltmp34:
0x257: {  	_ = 	snop;
	(pc) =	sbr.rel .LBB3_33-.Ltmp34, $3  }
0x258: {  	_ =	sdelay $0x1  }
0x259: {  	v0 =	vmax.f32 v0, v63  }
0x25a: {  	[tilespmem:s2+$0xF2A8] =	vst v0  }
.LBB3_34:
0x25b: {  	s0 =	simm.s32 $0x6;
	p1 =	seq.s32 s6, $0x0  }
0x25c: {  	[sflag:s0] =	ssyncpa.u1 $0x1;
	v0 =	vimm.s32 @p1 $0xFFFFFFFF  }
0x25d: {  	s9 =	sadd.s32 $0xFFFFFFFF, s6;
	[tilespmem:$0x10238] =	vst @p1 v0  }
0x25e: {  	v0 =	vld.msk @!p1 [tilespmem:s9+$0xF218], $0x1;
	_ =	sdelay $0x1  }
0x25f: {  	v1 =	vld.msk @!p1 [tilespmem:$0xF218], $0x1;
	_ =	sdelay $0x2  }
0x260: {  	p2 =	seq.s32 @!p1 s9, $0x0;
	v0 =	vbroadcast @!p1 v0, $0x0  }
0x261: {  	vm0 =	vmmov @!p1 $0x1;
	p2 =	por !p2, p1  }
0x262: {  	v1 =	vnsel @!p1 vm0, $0xFFFFFFFF, v1;
	vm0 =	vcmask @!p1 $0x308;
	v0 =	vpsel !p2, $0xFFFFFFFF, v0  }
0x263: {  	p2 =	sne.s32 @!p1 s8, s7;
	v0 =	vsel @!p1 vm0, v1, v0  }
0x264: {  	s0 =	simm.s32 @!p1 $0xF238;
	s2 =	simm.s32 @!p1 $0x0;
	p3 =	por !p2, p1;
	[tilespmem:$0x10238] =	vst @!p1 v0  }
0x265: {  	[spmem:s2] =	stream.linear.scatter @!p1 [tilespmem:s0], [sflag:$0x1], $0x80, $0x38;
	[tilespmem:$0x1F6F8] =	vst v63  }
0x266: {  	s0 =	sshll.u32 @!p3 s9, $0x9  }
0x267: {  	s0 =	sshra.s32 @!p3 s0, $0x2  }
0x268: {  	s2 =	simm.s32 @!p3 $0x80;
	s0 =	sadd.s32 @!p3 $0xF238, s0  }
0x269: {  	[spmem:s2] =	stream.linear.scatter @!p3 [tilespmem:s0], [sflag:$0x1], $0x80, $0x38;
	[tilespmem:$0x1F6F8] =	vst v63  }
0x26a: {  	s0 =	simm.s32 @!p3 $0x1  }
0x26b: {  	_ =	swait.ge @!p3 [sflag:s0], $0x100  }
0x26c: {  	p1 =	por p2, p1;
	[sflag:s0] =	ssyncset.done @!p3 $0x0  }
0x26d: {  	[sflag:s0] =	ssyncadd.s32 @!p3 $0xFFFFFF00;
	s0 =	simm.s32 @!p1 $0x1  }
0x26e: {  	_ =	swait.ge @!p1 [sflag:s0], $0x80  }
0x26f: {  	s29 =	simm.s32 $0x10238;
	[sflag:s0] =	ssyncset.done @!p1 $0x0  }
0x270: {  	s30 =	simm.s32 $0x1000;
	s31 =	simm.s32 $0x1;
	[sflag:s0] =	ssyncadd.s32 @!p1 $0xFFFFFF80  }
0x271: {  	[spmem:s30] =	stream.linear.scatter [tilespmem:s29], [sflag:$0x1], $0x10, $0x38;
	[tilespmem:$0x1F6F8] =	vst v63  }
0x272: {  	_ =	swait.ge [sflag:s31], $0x10  }
0x273: {  	[sflag:s31] =	ssyncset.done $0x0  }
0x274: {  	p1 =	seq.s32 s15, $0x0;
	s8 =	rddreg [dreg:$0x2];
	[sflag:s31] =	ssyncadd.s32 $0xFFFFFFF0  }
0x275: {  	s2 =	sshll.u32 @p1 s8, $0xE;
	s7 =	rddreg [dreg:$0x3]  }
0x276: {  	s0 =	sadd.s32 @p1 $0x15C3C, s2;
	s2 =	sshll.u32 @p1 s7, $0x11  }
0x277: {  	_ =	sfence.stream.spmem;
	s0 =	sor.u32 @p1 s2, s0  }
0x278: {  	[sflag:s0] =	ssyncadd.remote.s32 @p1 $0x1;
	s0 =	simm.s32 @p1 $0x4  }
0x279: {  	s3 =	simm.s32 @!p1 $0x3C;
	s2 =	sand.u32 $0xFFFFFFFE, s8;
	_ =	swait.ge @p1 [sflag:s0], $0x22  }
0x27a: {  	s4 =	simm.s32 @!p1 $0x0;
	s2 =	sadd.s32 @!p1 $0x4, s2;
	[sflag:s0] =	ssyncset.done @p1 $0x0  }
0x27b: {  	s5 =	simm.s32 @!p1 $0x100;
	[sflag:s0] =	ssyncadd.s32 @p1 $0xFFFFFFDE;
	s0 =	sshll.u32 @!p1 s2, $0x1A  }
0x27c: {  	s2 =	sshll.u32 @!p1 s2, $0xD;
	s0 =	sor.u32 @!p1 s0, s7;
	_ =	swait.eq @!p1 [sflag:s3], $0x1  }
0x27d: {  	s2 =	sor.u32 @!p1 $0x1C04, s2;
	s3 =	simm.s32 @!p1 $0x1C03;
	s0 =	sor.u32 @!p1 $0x80004000, s0  }
0x27e: {  	[spmem:s5], [sflag:s2] =	dma.general @!p1 [spmem:s4], [sflag:s3], length:$0x20, [dreg:$0x0], stride_count:$0x0, ici_dest:s0, dma_misc:DstOpCode:WRITE  }
0x27f: {  	p2 =	slt.s32 s9, $0x2;
	s4 =	simm.s32 @!p1 $0x200;
	s5 =	simm.s32 @!p1 $0x202  }
0x280: {  	[spmem:s5], [sflag:s2] =	dma.general @!p1 [spmem:s4], [sflag:s3], length:$0x2, [dreg:$0x0], stride_count:$0x0, ici_dest:s0, dma_misc:DstOpCode:WRITE  }
.Ltmp35:
0x281: {  	s0 =	simm.s32 @!p1 $0x3;
	(pc) =	sbr.rel @p2 .LBB3_38-.Ltmp35, $4  }
0x282: {  	s2 =	sshll.u32 @!p1 s8, $0xE;
	_ =	swait.ge @!p1 [sflag:s0], $0x22  }
0x283: {  	s3 =	sshll.u32 @!p1 s7, $0x11;
	s2 =	sadd.s32 @!p1 $0x11C3C, s2;
	[sflag:s0] =	ssyncset.done @!p1 $0x0  }
0x284: {  	[sflag:s0] =	ssyncadd.s32 @!p1 $0xFFFFFFDE;
	s0 =	sor.u32 @!p1 s3, s2  }
0x285: {  	[sflag:s0] =	ssyncadd.remote.s32 @!p1 $0xFFFFFFFF;
	s0 =	simm.s32 $0x0  }
0x286: {  	s0 =	simm.s32 $0xF219  }
0x287: {  	v0 =	vld.msk [tilespmem:s0+$0x0], $0x1;
	_ =	sdelay $0x4  }
0x288: {  	(v2sf) =	vpush v0, $0x0;
	_ =	sdelay $0xb  }
0x289: {  	s31 =	sadd.s32 $0xFFFFFFFE, s6  }
0x28a: {  	s0 =	sadd.s32 $0xFFFFFFFF, s31  }
0x28b: {  	p2 =	sne.s32 s0, $0x0  }
.Ltmp36:
0x28c: {  	s2 =	spop (v2sf);
	(pc) =	sbr.rel @!p2 .LBB3_37-.Ltmp36, $4  }
0x28d: {  	s4 =	simm.s32 $0xF2B8;
	s7 =	simm.s32 $0x0;
	p1 =	sgt.u32 s2, $0x4E1F0  }
0x28e: {  	s5 =	simm.s32 $0x0;
	s6 =	simm.s32 $0xF21A;
	s3 =	sand.u32 @!p1 $0x7FFF8, s2  }
0x28f: {  	s2 =	sand.u32 @!p1 $0x7, s2;
	s7 =	simm.s32 @!p1 $0x200;
	s3 =	sadd.s32 @!p1 s1, s3  }
0x290: {  	[hbm4b:s3+s2] =	stream.linear.scatter @!p1 [tilespmem:s4], [sflag:$0x5], $0x80, $0x38;
	[tilespmem:$0x1F6F8] =	vst v63  }
.LBB3_36:
0x291: {  	v0 =	vld.msk [tilespmem:s6+$0x0], $0x1;
	s0 =	sadd.s32 $0xFFFFFFFF, s0;
	s5 =	sadd.s32 s5, s7  }
0x292: {  	p1 =	sne.s32 s0, $0x0;
	_ =	sdelay $0x3  }
0x293: {  	(v2sf) =	vpush v0, $0x0;
	_ =	sdelay $0xe  }
.Ltmp37:
0x294: {  	s2 =	spop (v2sf);
	(pc) =	sbr.rel @p1 .LBB3_36-.Ltmp37, $4  }
0x295: {  	s7 =	simm.s32 $0x0;
	p2 =	sgt.u32 s2, $0x4E1F0  }
0x296: {  	s4 =	sadd.s32 $0x80, s4;
	s7 =	simm.s32 @!p2 $0x200;
	s3 =	sand.u32 @!p2 $0x7FFF8, s2  }
0x297: {  	s6 =	sadd.s32 $0x1, s6;
	s2 =	sand.u32 @!p2 $0x7, s2;
	s3 =	sadd.s32 @!p2 s1, s3  }
0x298: {  	[hbm4b:s3+s2] =	stream.linear.scatter @!p2 [tilespmem:s4], [sflag:$0x5], $0x80, $0x38;
	[tilespmem:$0x1F6F8] =	vst v63  }
.LBB3_37:
0x299: {  	s0 =	sadd.s32 s5, s7  }
0x29a: {  	s0 =	sshrl.u32 s0, $0x2  }
.LBB3_38:
0x29b: {  	s2 =	simm.s32 $0x5  }
0x29c: {  	_ =	swait.ge [sflag:s2], s0  }
0x29d: {  	s31 =	ssub.s32 $0x0, s0;
	[sflag:s2] =	ssyncset.done $0x0  }
0x29e: {  	[sflag:s2] =	ssyncadd.s32 s31  }
0x29f: {  	[sflag:s2] =	ssyncpa.u1 $0x1  }
.LBB3_39:
0x2a0: {  	s0 =	sor.u32 s15, s16  }
0x2a1: {  	p1 =	sne.s32 s0, $0x0  }
.Ltmp38:
0x2a2: {  	_ = 	snop;
	(pc) =	sbr.rel @p1 .LBB3_54-.Ltmp38, $3  }
0x2a3: {  	_ =	sdelay $0x1  }
0x2a4: {  	[bflag:$0x0] =	sbarrier.arrive $0xFFFF  }
0x2a5: {  	_ =	sfence  }
0x2a6: {  	s0 =	simm.s32 $0x7  }
0x2a7: {  	s2 =	simm.s32 $0x1000;
	s3 =	simm.s32 $0xF218;
	[sflag:s0] =	ssyncpa.u1 $0x0  }
0x2a8: {  	[tilespmem:s3], [sflag:$0x7] =	stream.linear.gather [spmem:s2], $0x20, $0x38;
	[tilespmem:$0x1F6F8] =	vst v63  }
0x2a9: {  	s30 =	simm.s32 $0xF238;
	s2 =	simm.s32 $0x0  }
0x2aa: {  	[tilespmem:s30], [sflag:$0x7] =	stream.linear.gather [spmem:s2], $0x1000, $0x38;
	[tilespmem:$0x1F6F8] =	vst v63  }
.Ltmp39:
0x2ab: {  	_ = 	snop;
	(pc) =	sbr.rel .LBB3_41-.Ltmp39, $4  }
0x2ac: {  	_ =	swait.ge [sflag:s0], $0x1020  }
0x2ad: {  	[sflag:s0] =	ssyncset.done $0x0  }
0x2ae: {  	s31 =	simm.s32 $0x8;
	[sflag:s0] =	ssyncadd.s32 $0xFFFFEFE0  }
0x2af: {  	s3 =	simm.s32 $0x0;
	[sflag:s31] =	ssyncpa.u1 $0x0  }
.LBB3_47:
0x2b0: {  	p1 =	slt.u32 s4, $0x4E1F1  }
0x2b1: {  	s0 =	sand.u32 @p1 $0x7FFF8, s4  }
0x2b2: {  	s4 =	sand.u32 @p1 $0x7, s4;
	s5 =	simm.s32 @p1 $0xF188;
	s0 =	sadd.s32 @p1 s1, s0  }
0x2b3: {  	[tilespmem:s5], [sflag:$0x8] =	stream.linear.gather @p1 [hbm4b:s0+s4], $0x80, $0x38;
	[tilespmem:$0x1F6F8] =	vst v63  }
0x2b4: {  	s0 =	simm.s32 @p1 $0x8  }
0x2b5: {  	_ =	swait.ge @p1 [sflag:s0], $0x80  }
0x2b6: {  	[sflag:s0] =	ssyncset.done @p1 $0x0  }
0x2b7: {  	[sflag:s0] =	ssyncadd.s32 @p1 $0xFFFFFF80;
	s0 =	sshll.u32 @p1 s3, $0x9  }
0x2b8: {  	s4 =	sshrl.u32 @p1 s0, $0x2;
	v1 =	vld @p1 [tilespmem:$0xF188]  }
0x2b9: {  	v2 =	vld @p1 [tilespmem:s4+$0xF238];
	_ =	sdelay $0x4  }
0x2ba: {  	v1 =	vmax.f32 @p1 v1, v2  }
0x2bb: {  	v2 =	vld @p1 [tilespmem:s4+$0xF248];
	[tilespmem:s4+$0xF238] =	vst @p1 v1  }
0x2bc: {  	v1 =	vld @p1 [tilespmem:$0xF198];
	_ =	sdelay $0x4  }
0x2bd: {  	v1 =	vmax.f32 @p1 v1, v2  }
0x2be: {  	v2 =	vld @p1 [tilespmem:s4+$0xF258];
	[tilespmem:s4+$0xF248] =	vst @p1 v1  }
0x2bf: {  	v1 =	vld @p1 [tilespmem:$0xF1A8];
	_ =	sdelay $0x4  }
0x2c0: {  	v1 =	vmax.f32 @p1 v1, v2  }
0x2c1: {  	v2 =	vld @p1 [tilespmem:s4+$0xF268];
	[tilespmem:s4+$0xF258] =	vst @p1 v1  }
0x2c2: {  	v1 =	vld @p1 [tilespmem:$0xF1B8];
	_ =	sdelay $0x4  }
0x2c3: {  	v1 =	vmax.f32 @p1 v1, v2  }
0x2c4: {  	v2 =	vld @p1 [tilespmem:s4+$0xF278];
	[tilespmem:s4+$0xF268] =	vst @p1 v1  }
0x2c5: {  	v1 =	vld @p1 [tilespmem:$0xF1C8];
	_ =	sdelay $0x4  }
0x2c6: {  	v1 =	vmax.f32 @p1 v1, v2  }
0x2c7: {  	v2 =	vld @p1 [tilespmem:s4+$0xF288];
	[tilespmem:s4+$0xF278] =	vst @p1 v1  }
0x2c8: {  	v1 =	vld @p1 [tilespmem:$0xF1D8];
	_ =	sdelay $0x4  }
0x2c9: {  	v1 =	vmax.f32 @p1 v1, v2  }
0x2ca: {  	v2 =	vld @p1 [tilespmem:s4+$0xF298];
	[tilespmem:s4+$0xF288] =	vst @p1 v1  }
0x2cb: {  	v1 =	vld @p1 [tilespmem:$0xF1E8];
	_ =	sdelay $0x4  }
0x2cc: {  	v1 =	vmax.f32 @p1 v1, v2  }
0x2cd: {  	v2 =	vld @p1 [tilespmem:s4+$0xF2A8];
	[tilespmem:s4+$0xF298] =	vst @p1 v1  }
0x2ce: {  	v1 =	vld @p1 [tilespmem:$0xF1F8];
	_ =	sdelay $0x4  }
0x2cf: {  	s5 =	sshll.u32 @!p1 s3, $0x9;
	v1 =	vmax.f32 @p1 v1, v2  }
0x2d0: {  	s5 =	smov.u32 @p1 s0;
	[tilespmem:s4+$0xF2A8] =	vst @p1 v1  }
0x2d1: {  	s0 =	sshrl.u32 s5, $0x2;
	[tilespmem:s2+$0xF218] =	vst.msk $0x1, v0  }
0x2d2: {  	v0 =	vld [tilespmem:s0+$0xF238];
	_ =	sdelay $0x2  }
0x2d3: {  	s31 =	sshll.u32 s2, $0x9  }
0x2d4: {  	s4 =	sshra.s32 s31, $0x2  }
0x2d5: {  	[tilespmem:s4+$0xF238] =	vst v0  }
0x2d6: {  	v0 =	vld [tilespmem:s0+$0xF248];
	_ =	sdelay $0x4  }
0x2d7: {  	[tilespmem:s4+$0xF248] =	vst v0  }
0x2d8: {  	v0 =	vld [tilespmem:s0+$0xF258];
	_ =	sdelay $0x4  }
0x2d9: {  	[tilespmem:s4+$0xF258] =	vst v0  }
0x2da: {  	v0 =	vld [tilespmem:s0+$0xF268];
	_ =	sdelay $0x4  }
0x2db: {  	[tilespmem:s4+$0xF268] =	vst v0  }
0x2dc: {  	v0 =	vld [tilespmem:s0+$0xF278];
	_ =	sdelay $0x4  }
0x2dd: {  	[tilespmem:s4+$0xF278] =	vst v0  }
0x2de: {  	v0 =	vld [tilespmem:s0+$0xF288];
	_ =	sdelay $0x4  }
0x2df: {  	[tilespmem:s4+$0xF288] =	vst v0  }
0x2e0: {  	v0 =	vld [tilespmem:s0+$0xF298];
	_ =	sdelay $0x4  }
0x2e1: {  	[tilespmem:s4+$0xF298] =	vst v0  }
0x2e2: {  	v0 =	vld [tilespmem:s0+$0xF2A8];
	_ =	sdelay $0x4  }
0x2e3: {  	s2 =	sadd.s32 $0x1, s2;
	[tilespmem:s4+$0xF2A8] =	vst v0  }
.LBB3_48:
0x2e4: {  	s3 =	sadd.s32 $0x1, s3  }
0x2e5: {  	p1 =	sne.s32 s3, $0x20  }
.Ltmp40:
0x2e6: {  	_ = 	snop;
	(pc) =	sbr.rel @!p1 .LBB3_49-.Ltmp40, $1  }
0x2e7: {  	_ =	sdelay $0x3  }
.LBB3_41:
0x2e8: {  	v0 =	vld.msk [tilespmem:s3+$0xF218], $0x1;
	_ =	sdelay $0x4  }
0x2e9: {  	(v2sf) =	vpush v0, $0x0;
	_ =	sdelay $0xe  }
0x2ea: {  	s4 =	spop (v2sf)  }
0x2eb: {  	p1 =	seq.s32 s4, $0xFFFFFFFF  }
.Ltmp41:
0x2ec: {  	_ = 	snop;
	(pc) =	sbr.rel @p1 .LBB3_48-.Ltmp41, $1  }
0x2ed: {  	_ =	sdelay $0x3  }
0x2ee: {  	p1 =	slt.s32 s2, $0x1  }
.Ltmp42:
0x2ef: {  	_ = 	snop;
	(pc) =	sbr.rel @p1 .LBB3_47-.Ltmp42, $1  }
0x2f0: {  	_ =	sdelay $0x3  }
0x2f1: {  	s5 =	simm.s32 $0xF218;
	p1 =	por $0x0, $0x0  }
0x2f2: {  	v1 =	vld.msk @!p1 [tilespmem:s5+$0x0], $0x1;
	_ =	sdelay $0x4  }
0x2f3: {  	(v2sf) =	vpush @!p1 v1, $0x0;
	_ =	sdelay $0xd  }
0x2f4: {  	p3 =	sne.s32 s2, $0x1  }
.Ltmp43:
0x2f5: {  	s0 =	spop @!p1 (v2sf);
	(pc) =	sbr.rel @!p3 .LBB3_45-.Ltmp43, $4  }
0x2f6: {  	p2 =	seq.s32 @!p1 s4, s0  }
0x2f7: {  	s6 =	simm.s32 $0x0;
	p2 =	por !p2, p1  }
0x2f8: {  	s7 =	simm.s32 $0xFFFFFFFF;
	s6 =	simm.s32 @p2 $0xFFFFFFFF  }
0x2f9: {  	s0 =	simm.s32 $0x1;
	s6 =	smov.u32 @p1 s7  }
.LBB3_44:
0x2fa: {  	s7 =	smov.u32 s6;
	p1 =	sne.s32 s6, $0xFFFFFFFF  }
0x2fb: {  	s5 =	sadd.s32 $0x1, s5;
	s6 =	smov.u32 s0;
	s0 =	sadd.s32 $0x1, s0  }
0x2fc: {  	p2 =	sne.s32 s2, s0;
	v1 =	vld.msk @!p1 [tilespmem:s5+$0x0], $0x1;
	_ =	sdelay $0x4  }
0x2fd: {  	(v2sf) =	vpush @!p1 v1, $0x0;
	_ =	sdelay $0xe  }
.Ltmp44:
0x2fe: {  	s8 =	spop @!p1 (v2sf);
	(pc) =	sbr.rel @p2 .LBB3_44-.Ltmp44, $4  }
0x2ff: {  	p3 =	seq.s32 @!p1 s4, s8  }
0x300: {  	p3 =	por !p3, p1  }
0x301: {  	s6 =	simm.s32 @p3 $0xFFFFFFFF  }
0x302: {  	s6 =	smov.u32 @p1 s7  }
.LBB3_45:
0x303: {  	p1 =	seq.s32 s6, $0xFFFFFFFF  }
.Ltmp45:
0x304: {  	_ = 	snop;
	(pc) =	sbr.rel @p1 .LBB3_47-.Ltmp45, $1  }
0x305: {  	_ =	sdelay $0x3  }
0x306: {  	s0 =	sshll.u32 s3, $0x7  }
0x307: {  	s4 =	sshll.u32 s6, $0x9;
	s0 =	sand.u32 $0x3FFFFF80, s0  }
0x308: {  	s4 =	sshra.s32 s4, $0x2;
	v0 =	vld [tilespmem:s0+$0xF238]  }
0x309: {  	v1 =	vld [tilespmem:s4+$0xF238];
	_ =	sdelay $0x4  }
0x30a: {  	v0 =	vmax.f32 v0, v1  }
0x30b: {  	v57 =	vld [tilespmem:s4+$0xF248];
	[tilespmem:s4+$0xF238] =	vst v0  }
0x30c: {  	v0 =	vld [tilespmem:s0+$0xF248];
	_ =	sdelay $0x4  }
0x30d: {  	v0 =	vmax.f32 v0, v57  }
0x30e: {  	v58 =	vld [tilespmem:s4+$0xF258];
	[tilespmem:s4+$0xF248] =	vst v0  }
0x30f: {  	v0 =	vld [tilespmem:s0+$0xF258];
	_ =	sdelay $0x4  }
0x310: {  	v0 =	vmax.f32 v0, v58  }
0x311: {  	v59 =	vld [tilespmem:s4+$0xF268];
	[tilespmem:s4+$0xF258] =	vst v0  }
0x312: {  	v0 =	vld [tilespmem:s0+$0xF268];
	_ =	sdelay $0x4  }
0x313: {  	v0 =	vmax.f32 v0, v59  }
0x314: {  	v60 =	vld [tilespmem:s4+$0xF278];
	[tilespmem:s4+$0xF268] =	vst v0  }
0x315: {  	v0 =	vld [tilespmem:s0+$0xF278];
	_ =	sdelay $0x4  }
0x316: {  	v0 =	vmax.f32 v0, v60  }
0x317: {  	v61 =	vld [tilespmem:s4+$0xF288];
	[tilespmem:s4+$0xF278] =	vst v0  }
0x318: {  	v0 =	vld [tilespmem:s0+$0xF288];
	_ =	sdelay $0x4  }
0x319: {  	v0 =	vmax.f32 v0, v61  }
0x31a: {  	v62 =	vld [tilespmem:s4+$0xF298];
	[tilespmem:s4+$0xF288] =	vst v0  }
0x31b: {  	v0 =	vld [tilespmem:s0+$0xF298];
	_ =	sdelay $0x4  }
0x31c: {  	v0 =	vmax.f32 v0, v62  }
0x31d: {  	v63 =	vld [tilespmem:s4+$0xF2A8];
	[tilespmem:s4+$0xF298] =	vst v0  }
0x31e: {  	v0 =	vld [tilespmem:s0+$0xF2A8];
	_ =	sdelay $0x1  }
.Ltmp46:
0x31f: {  	_ = 	snop;
	(pc) =	sbr.rel .LBB3_48-.Ltmp46, $3  }
0x320: {  	_ =	sdelay $0x1  }
0x321: {  	v0 =	vmax.f32 v0, v63  }
0x322: {  	[tilespmem:s4+$0xF2A8] =	vst v0  }
.LBB3_49:
0x323: {  	p1 =	slt.s32 s2, $0x1  }
.Ltmp47:
0x324: {  	_ = 	snop;
	(pc) =	sbr.rel @p1 .LBB3_53-.Ltmp47, $3  }
0x325: {  	_ =	sdelay $0x1  }
0x326: {  	s0 =	simm.s32 $0x8  }
0x327: {  	s3 =	simm.s32 $0x0;
	[sflag:s0] =	ssyncpa.u1 $0x1  }
0x328: {  	s0 =	simm.s32 $0xF218  }
0x329: {  	v0 =	vld.msk [tilespmem:s0+$0x0], $0x1;
	_ =	sdelay $0x4  }
0x32a: {  	(v2sf) =	vpush v0, $0x0;
	_ =	sdelay $0xe  }
0x32b: {  	s0 =	sadd.s32 $0xFFFFFFFF, s2;
	s5 =	spop (v2sf)  }
0x32c: {  	p2 =	sne.s32 s0, $0x0;
	p1 =	sgt.u32 s5, $0x4E1F0  }
.Ltmp48:
0x32d: {  	s6 =	sand.u32 @!p1 $0x7FFF8, s5;
	(pc) =	sbr.rel @!p2 .LBB3_52-.Ltmp48, $4  }
0x32e: {  	s4 =	simm.s32 $0xF238;
	s5 =	sand.u32 @!p1 $0x7, s5;
	s2 =	sadd.s32 @!p1 s1, s6  }
0x32f: {  	[hbm4b:s2+s5] =	stream.linear.scatter @!p1 [tilespmem:s4], [sflag:$0x7], $0x80, $0x38;
	[tilespmem:$0x1F6F8] =	vst v63  }
0x330: {  	s5 =	simm.s32 $0x0  }
0x331: {  	s2 =	simm.s32 $0xF219;
	s5 =	simm.s32 @!p1 $0x200  }
.LBB3_51:
0x332: {  	v0 =	vld.msk [tilespmem:s2+$0x0], $0x1;
	s0 =	sadd.s32 $0xFFFFFFFF, s0;
	s3 =	sadd.s32 s3, s5  }
0x333: {  	p1 =	sne.s32 s0, $0x0;
	_ =	sdelay $0x3  }
0x334: {  	(v2sf) =	vpush v0, $0x0;
	_ =	sdelay $0xe  }
.Ltmp49:
0x335: {  	s6 =	spop (v2sf);
	(pc) =	sbr.rel @p1 .LBB3_51-.Ltmp49, $4  }
0x336: {  	s5 =	simm.s32 $0x0;
	p2 =	sgt.u32 s6, $0x4E1F0  }
0x337: {  	s4 =	sadd.s32 $0x80, s4;
	s5 =	simm.s32 @!p2 $0x200;
	s7 =	sand.u32 @!p2 $0x7FFF8, s6  }
0x338: {  	s2 =	sadd.s32 $0x1, s2;
	s6 =	sand.u32 @!p2 $0x7, s6;
	s7 =	sadd.s32 @!p2 s1, s7  }
0x339: {  	[hbm4b:s7+s6] =	stream.linear.scatter @!p2 [tilespmem:s4], [sflag:$0x7], $0x80, $0x38;
	[tilespmem:$0x1F6F8] =	vst v63  }
.LBB3_52:
0x33a: {  	s0 =	sadd.s32 s3, s5  }
0x33b: {  	s3 =	sshrl.u32 s0, $0x2  }
.LBB3_53:
0x33c: {  	s0 =	simm.s32 $0x7  }
0x33d: {  	_ =	swait.ge [sflag:s0], s3  }
0x33e: {  	s1 =	ssub.s32 $0x0, s3;
	[sflag:s0] =	ssyncset.done $0x0  }
0x33f: {  	[sflag:s0] =	ssyncadd.s32 s1  }
0x340: {  	[sflag:s0] =	ssyncpa.u1 $0x1  }
.LBB3_54:
0x341: {  	_ =	sfence;
	s0 =	simm.s32 $0x1  }
0x342: {  	[sflag:s0] =	ssyncpa.u1 $0x1  }
0x343: {  	_ =	strace $0x90000050  }
0x344: {  	[bflag:$0x2] =	sbarrier.arrive $0xFFFF  }
0x345: {  	s0 =	rddreg [dreg:$0x4]  }
0x346: {  	s0 =	sadd.s32 @!p0 $0x100000, s0  }
0x347: {  	[sflag:s0] =	ssyncadd.tile.s32 @!p0 $0x1;
	_ =	shalt  }
.Lfunc_end3:
_tile_overlayer_lowered:
.L_overlay_start_3:
0x348: {  	(tag) =	ssettag $0x3  }
0x349: {  	s0 =	rddreg [dreg:$0x0];
	s2 =	stileid.u32  }
0x34a: {  	s1 =	rddreg [dreg:$0x1];
	p0 =	sne.s32 s2, $0x0  }
0x34b: {  	s3 =	rddreg [dreg:$0x2];
	[bflag:$0x3] =	sbarrier.arrive $0xFFFF;
	s2 =	simm.s32 @!p0 $0x1C01  }
0x34c: {  	[timem:s3], [sflag:s2] =	dma.local @!p0 [hbm:s0], s1  }
0x34d: {  	s0 =	simm.s32 @!p0 $0x1  }
0x34e: {  	_ =	swait.ge @!p0 [sflag:s0], s1  }
0x34f: {  	s1 =	ssub.s32 @!p0 $0x0, s1;
	[sflag:s0] =	ssyncset.done @!p0 $0x0  }
0x350: {  	[sflag:s0] =	ssyncadd.s32 @!p0 s1  }
0x351: {  	[bflag:$0x3] =	sbarrier.arrive $0xFFFF  }
0x352: {  	_ =	shalt  }

// kernel: scatter_offload_async_start.4
scs
__scs_entry_jumppad:
0x0: {  	(pc) =	sbr.rel $0x88, $3  }
0x1: {  	(tag) =	ssettag $0x0;
	lr =	simm.s32 $0x1  }
0x2: {  	[smem:$0x3F92] =	sst lr;
	_ =	strace $0xD0000000  }
0x3: {  	_ = 	snop  }
0x4: {  	_ = 	snop  }
0x5: {  	_ = 	snop  }
0x6: {  	_ = 	snop  }
0x7: {  	_ = 	snop  }
__scs_overlays_trampoline_lowered:
0x8: {  	[smem:$0x3FA1] =	sst s0  }
0x9: {  	[smem:$0x3FA2] =	sst s1  }
0xa: {  	[smem:$0x3FA3] =	sst s2  }
0xb: {  	[smem:$0x3FA4] =	sst s3  }
0xc: {  	[smem:$0x3FA5] =	sst s4  }
0xd: {  	[smem:$0x3FA6] =	sst s5  }
0xe: {  	[smem:$0x3FA7] =	sst s6  }
0xf: {  	[smem:$0x3FA8] =	sst s7  }
0x10: {  	[smem:$0x3FA9] =	sst s8  }
0x11: {  	[smem:$0x3FAA] =	sst s9;
	s0 =	simm.s32 @!p0 $0x0  }
0x12: {  	s1 =	sld [smem:$0x3F90];
	s0 =	simm.s32 @p0 $0x1  }
0x13: {  	[smem:$0x3FAB] =	sst s0;
	s0 =	simm.s32 @!p1 $0x0  }
0x14: {  	s2 =	sld [smem:$0x3F8F];
	s0 =	simm.s32 @p1 $0x1  }
0x15: {  	[smem:$0x3FAC] =	sst s0;
	s0 =	simm.s32 @!p2 $0x0  }
0x16: {  	s3 =	sld [smem:$0x3FDB];
	s0 =	simm.s32 @p2 $0x1  }
0x17: {  	s4 =	simm.s32 $0x1BF5;
	[smem:$0x3FAE] =	sst s0  }
0x18: {  	s0 =	sld [smem:$0x3F91];
	_ =	swait.ge [sflag:s4], $0x0  }
0x19: {  	s7 =	sld [smem:$0x3F92]  }
0x1a: {  	s8 =	sadd.s32 $0xFFFFE003, lr  }
0x1b: {  	s9 =	sadd.s32 $0xFFFFFEF7, lr;
	s5 =	simm.s32 $0xFFFFFFFF;
	p2 =	slt.u32 s8, $0xFFFFF086  }
0x1c: {  	p1 =	slt.u32 s9, $0xF7A;
	s5 =	simm.s32 @!p2 $0x0  }
0x1d: {  	s5 =	simm.s32 @p1 $0x1;
	p0 =	seq.s32 s7, s2  }
0x1e: {  	s7 =	smul.u32 @!p0 $0xF7A, s2;
	p2 =	seq.s32 @!p0 s5, $0x0  }
0x1f: {  	s9 =	smul.u32 $0xF7A, s1;
	s8 =	simm.s32 @!p0 $0x1BF5;
	p2 =	por !p2, p0  }
0x20: {  	[sflag:s8] =	ssyncset.s32 @!p0 $0xFFFFF086;
	s6 =	sadd.s32 @!p0 s3, s7;
	s7 =	simm.s32 @!p0 $0x108  }
0x21: {  	s3 =	sadd.s32 s3, s9;
	s6 =	sadd.s32 @!p0 $0x88, s6;
	s7 =	simm.s32 @p2 $0x1082  }
0x22: {  	[simem:s7], [sflag:s8] =	dma.local @!p0 [hbm:s6], $0xF7A  }
0x23: {  	s9 =	sor.u32 $0xD0000000, s2;
	s6 =	simm.s32 $0x108;
	_ =	swait.ge @!p0 [sflag:s8], $0x0  }
0x24: {  	s3 =	sadd.s32 $0x88, s3;
	s6 =	simm.s32 @!p1 $0x1082;
	[sflag:s4] =	ssyncset.s32 $0xFFFFF086  }
0x25: {  	[simem:s6], [sflag:s4] =	dma.local [hbm:s3], $0xF7A  }
0x26: {  	[smem:$0x3F92] =	sst s1;
	(tag) =	ssettag s2;
	_ =	strace s9  }
0x27: {  	s1 =	sld [smem:$0x3FA2]  }
0x28: {  	s2 =	sld [smem:$0x3FA3]  }
0x29: {  	s4 =	sld [smem:$0x3FA5]  }
0x2a: {  	p0 =	seq.s32 s5, $0x0;
	s5 =	sld [smem:$0x3FA6]  }
0x2b: {  	s6 =	sld [smem:$0x3FA7]  }
0x2c: {  	s7 =	sld [smem:$0x3FA8]  }
0x2d: {  	s3 =	simm.s32 $0x108;
	s8 =	sld [smem:$0x3FA9]  }
0x2e: {  	s3 =	simm.s32 @!p0 $0x1082;
	s9 =	sld [smem:$0x3FAA]  }
0x2f: {  	lr =	sadd.s32 s0, s3;
	s0 =	sld [smem:$0x3FA1]  }
0x30: {  	s3 =	sld [smem:$0x3FA4]  }
0x31: {  	[smem:$0x3FAD] =	sst s10  }
0x32: {  	s10 =	sld [smem:$0x3FAB];
	_ =	sdelay $0x3  }
0x33: {  	p0 =	seq.s32 s10, $0x1;
	s10 =	sld [smem:$0x3FAD];
	_ =	sdelay $0x3  }
0x34: {  	[smem:$0x3FAD] =	sst s10  }
0x35: {  	s10 =	sld [smem:$0x3FAC];
	_ =	sdelay $0x3  }
0x36: {  	p1 =	seq.s32 s10, $0x1;
	s10 =	sld [smem:$0x3FAD];
	_ =	sdelay $0x3  }
0x37: {  	[smem:$0x3FAD] =	sst s10  }
0x38: {  	s10 =	sld [smem:$0x3FAE]  }
0x39: {  	_ = 	snop;
	(pc) =	sbr.ind lr, $3  }
0x3a: {  	_ = 	snop  }
0x3b: {  	_ = 	snop  }
0x3c: {  	p2 =	seq.s32 s10, $0x1;
	s10 =	sld [smem:$0x3FAD]  }
0x3d: {  	_ =	shalt  }
0x3e: {  	_ =	shalt  }
0x3f: {  	_ =	shalt  }
0x40: {  	_ =	shalt  }
0x41: {  	_ =	shalt  }
0x42: {  	_ =	shalt  }
0x43: {  	_ =	shalt  }
0x44: {  	_ =	shalt  }
0x45: {  	_ =	shalt  }
0x46: {  	_ =	shalt  }
0x47: {  	_ =	shalt  }
0x48: {  	_ =	shalt  }
0x49: {  	_ =	shalt  }
0x4a: {  	_ =	shalt  }
0x4b: {  	_ =	shalt  }
0x4c: {  	_ =	shalt  }
0x4d: {  	_ =	shalt  }
0x4e: {  	_ =	shalt  }
0x4f: {  	_ =	shalt  }
0x50: {  	_ =	shalt  }
0x51: {  	_ =	shalt  }
0x52: {  	_ =	shalt  }
0x53: {  	_ =	shalt  }
0x54: {  	_ =	shalt  }
0x55: {  	_ =	shalt  }
0x56: {  	_ =	shalt  }
0x57: {  	_ =	shalt  }
0x58: {  	_ =	shalt  }
0x59: {  	_ =	shalt  }
0x5a: {  	_ =	shalt  }
0x5b: {  	_ =	shalt  }
0x5c: {  	_ =	shalt  }
0x5d: {  	_ =	shalt  }
0x5e: {  	_ =	shalt  }
0x5f: {  	_ =	shalt  }
0x60: {  	_ =	shalt  }
0x61: {  	_ =	shalt  }
0x62: {  	_ =	shalt  }
0x63: {  	_ =	shalt  }
0x64: {  	_ =	shalt  }
0x65: {  	_ =	shalt  }
0x66: {  	_ =	shalt  }
0x67: {  	_ =	shalt  }
0x68: {  	_ =	shalt  }
0x69: {  	_ =	shalt  }
0x6a: {  	_ =	shalt  }
0x6b: {  	_ =	shalt  }
0x6c: {  	_ =	shalt  }
0x6d: {  	_ =	shalt  }
0x6e: {  	_ =	shalt  }
0x6f: {  	_ =	shalt  }
0x70: {  	_ =	shalt  }
0x71: {  	_ =	shalt  }
0x72: {  	_ =	shalt  }
0x73: {  	_ =	shalt  }
0x74: {  	_ =	shalt  }
0x75: {  	_ =	shalt  }
0x76: {  	_ =	shalt  }
0x77: {  	_ =	shalt  }
0x78: {  	_ =	shalt  }
0x79: {  	_ =	shalt  }
0x7a: {  	_ =	shalt  }
0x7b: {  	_ =	shalt  }
0x7c: {  	_ =	shalt  }
0x7d: {  	_ =	shalt  }
0x7e: {  	_ =	shalt  }
0x7f: {  	_ =	shalt  }
0x80: {  	_ =	shalt  }
0x81: {  	_ =	shalt  }
0x82: {  	_ =	shalt  }
0x83: {  	_ =	shalt  }
0x84: {  	_ =	shalt  }
0x85: {  	_ =	shalt  }
0x86: {  	_ =	shalt  }
0x87: {  	_ =	shalt  }
.Lfunc_end0:
.L_simem_size_0:
called_computation.4_lowered:
.L_overlay_start_0:
0x88: {  	s2 =	sld [smem:$0x3FD9]  }
0x89: {  	s3 =	sld [smem:$0x3FFE];
	_ =	sdelay $0x1  }
0x8a: {  	s1 =	srdreg.scid  }
0x8b: {  	s0 =	sand.u32 $0x1, s1  }
0x8c: {  	s15 =	sshll.u32 s0, $0xA;
	s2 =	sadd.s32 s3, s2  }
0x8d: {  	s2 =	sadd.s32 s2, s15  }
0x8e: {  	[smem:$0x3FB9] =	sst s2  }
0x8f: {  	_ = 	snop  }
0x90: {  	s2 =	sld [smem:$0x3FD0];
	_ =	sdelay $0x2  }
0x91: {  	s16 =	simm.s32 $0xE;
	s4 =	simm.s32 $0x10  }
0x92: {  	[smem:s4], [sflag:s16] =	dma.local [hbm:s2], $0x1  }
0x93: {  	_ =	swait.eq [sflag:s16], $0x1  }
0x94: {  	[sflag:s16] =	ssyncset.done $0x0  }
0x95: {  	[sflag:s16] =	ssyncadd.s32 $0xFFFFFFFF  }
0x96: {  	s17 =	sld [smem:$0x10];
	(tm) =	ssettm $0x1  }
0x97: {  	s18 =	sld [smem:$0x3FFB];
	_ =	sdelay $0x3  }
0x98: {  	_ =	strace s18  }
0x99: {  	s2 =	sld [smem:$0x3FFC];
	_ =	sdelay $0x3  }
0x9a: {  	_ =	strace s2  }
0x9b: {  	s2 =	sld [smem:$0x3FFD];
	_ =	sdelay $0x3  }
0x9c: {  	_ =	strace s2  }
0x9d: {  	_ =	strace $0x8FFFFFFF  }
0x9e: {  	s19 =	sld [smem:$0x3FDB];
	_ =	sdelay $0x1  }
0x9f: {  	s20 =	simm.s32 $_scs_section_size  }
0xa0: {  	s5 =	simm.s32 $_size__tile_overlayer_lowered;
	s6 =	simm.s32 $_tile_overlayer_lowered  }
0xa1: {  	s7 =	simm.s32 $0x1BFF;
	s21 =	sshll.u32 s6, $0x1;
	s4 =	sadd.s32 s20, s19  }
0xa2: {  	s22 =	simm.s32 $0x0;
	s5 =	sshll.u32 s5, $0x1;
	s6 =	sadd.s32 s21, s4  }
0xa3: {  	[timem:s22], [sflag:s7] =	dma.local [hbm:s6], s5  }
0xa4: {  	_ =	swait.ge [sflag:s7], s5  }
0xa5: {  	s5 =	ssub.s32 $0x0, s5;
	[sflag:s7] =	ssyncset.done $0x0  }
0xa6: {  	[sflag:s7] =	ssyncadd.s32 s5;
	_ =	sdelay $0x1  }
0xa7: {  	s23 =	simm.s32 $0x1B8B  }
0xa8: {  	_ =	swait.ge [sflag:s23], $0x1  }
0xa9: {  	[sflag:s23] =	ssyncset.done $0x0  }
0xaa: {  	[sflag:s23] =	ssyncadd.s32 $0xFFFFFFFF  }
0xab: {  	s5 =	sld [smem:$0x0]  }
0xac: {  	s6 =	sand.u32 $0xFFFFFFFE, s1  }
0xad: {  	p0 =	sne.s32 s1, s6  }
0xae: {  	s6 =	sshll.u32 @p0 s6, $0xE  }
0xaf: {  	s6 =	sadd.s32 @p0 $0x11B8D, s6;
	s7 =	sshll.u32 @p0 s5, $0x11  }
0xb0: {  	s6 =	sor.u32 @p0 s7, s6  }
0xb1: {  	[sflag:s6] =	ssyncadd.remote.s32 @p0 $0x1;
	_ =	sdelay $0x1  }
0xb2: {  	s6 =	simm.s32 @p0 $0x1B8D  }
0xb3: {  	_ =	swait.eq @p0 [sflag:s6], $0x1  }
0xb4: {  	[sflag:s6] =	ssyncadd.s32 @p0 $0xFFFFFFFF  }
0xb5: {  	s7 =	sshll.u32 @!p0 s1, $0xE  }
0xb6: {  	s7 =	sor.u32 @!p0 $0x4000, s7;
	s6 =	simm.s32 @!p0 $0x1B8D  }
0xb7: {  	s8 =	sshll.u32 @!p0 s5, $0x11;
	s7 =	sadd.s32 @!p0 $0x11B8D, s7;
	_ =	swait.eq @!p0 [sflag:s6], $0x1  }
0xb8: {  	[sflag:s6] =	ssyncadd.s32 @!p0 $0xFFFFFFFF;
	s6 =	sor.u32 @!p0 s8, s7  }
0xb9: {  	s25 =	simm.s32 $0x1B8E;
	s24 =	sld [smem:$0x3FFE];
	[sflag:s6] =	ssyncadd.remote.s32 @!p0 $0x1  }
0xba: {  	s26 =	simm.s32 $execute0_lowered;
	[smem:$0x3FD2] =	sst s25  }
0xbb: {  	s7 =	sshll.u32 s26, $0x1;
	_ =	strace $0x8000005B;
	[dreg:$0x1] =	wrdreg $0xFFFFFFFF  }
0xbc: {  	s28 =	simm.s32 $_size_execute0_lowered;
	s4 =	sadd.s32 s4, s7;
	[dreg:$0x0] =	wrdreg $0x0  }
0xbd: {  	s7 =	sshll.u32 s28, $0x1;
	[dreg:$0x2] =	wrdreg s4  }
0xbe: {  	[dreg:$0x3] =	wrdreg s7  }
0xbf: {  	[dreg:$0x4] =	wrdreg $0xC0  }
0xc0: {  	_ =	task [dreg:s22], $0x5FFFF  }
0xc1: {  	[dreg:$0x1] =	wrdreg $0xFFFFFFFF  }
0xc2: {  	[dreg:$0x0] =	wrdreg $0x60  }
0xc3: {  	[dreg:$0x2] =	wrdreg s24  }
0xc4: {  	[dreg:$0x3] =	wrdreg s17  }
0xc5: {  	[dreg:$0x4] =	wrdreg s1  }
0xc6: {  	[dreg:$0x5] =	wrdreg s5  }
0xc7: {  	[dreg:$0x6] =	wrdreg $0x9  }
0xc8: {  	_ =	task.clear_ibuf [dreg:s22], $0x7FFFF;
	_ =	strace $0x9000005B  }
0xc9: {  	s29 =	simm.s32 $0x9;
	_ =	strace $0x8000005D  }
0xca: {  	_ =	swait.ge [sflag:s29], $0x1  }
0xcb: {  	[sflag:s29] =	ssyncadd.s32 $0xFFFFFFFF  }
0xcc: {  	_ =	strace $0x9000005D  }
0xcd: {  	_ =	sfence  }
0xce: {  	s30 =	sld [smem:$0x0];
	_ =	sdelay $0x2  }
0xcf: {  	s31 =	sshll.u32 s1, $0xD;
	s1 =	sshrl.u32 s1, $0x2  }
0xd0: {  	s4 =	sand.u32 $0x4000, s31;
	s1 =	sadd.s32 s1, s30  }
0xd1: {  	s0 =	sor.u32 s4, s0;
	s1 =	sshll.u32 s1, $0x11  }
0xd2: {  	s0 =	sor.u32 s1, s0  }
0xd3: {  	s0 =	sadd.s32 $0x8F2B, s0  }
0xd4: {  	[sflag:s0] =	ssyncadd.remote.s32 $0x1  }
0xd5: {  	_ =	sfence.sel $0xFFFF  }
0xd6: {  	[dreg:$0x0] =	wrdreg $0xFFFFFFFF;
	(pc) =	sbr.abs _section_cstart, $3  }
0xd7: {  	[dreg:$0x1] =	wrdreg $0xFFFFFFFF  }
0xd8: {  	_ =	task.clear_ibuf [dreg:s22], $0x2FFFF;
	_ =	strace $0x9FFFFFFF  }
0xd9: {  	(tm) =	ssettm $0x7FFFFFFF  }
tec
execute0_lowered:
.L_overlay_start_1:
0x0: {  	(tag) =	ssettag $0x1  }
0x1: {  	s2 =	rddreg [dreg:$0x0]  }
0x2: {  	s0 =	rddreg [dreg:$0x1]  }
0x3: {  	s3 =	rddreg [dreg:$0x2];
	_ =	strace $0x8000005C;
	s1 =	simm.s32 $0x1  }
0x4: {  	s4 =	simm.s32 $0x108;
	v0 =	vimm.s32 $0x0;
	[sflag:s1] =	ssyncpa.u1 $0x0  }
0x5: {  	[tilespmem:s4+$0x70] =	vst v0  }
0x6: {  	[tilespmem:s4+$0x60] =	vst v0  }
0x7: {  	[tilespmem:s4+$0x50] =	vst v0  }
0x8: {  	[tilespmem:s4+$0x40] =	vst v0  }
0x9: {  	[tilespmem:s4+$0x30] =	vst v0  }
0xa: {  	s1 =	sadd.s32 $0x1000, s2;
	s7 =	sadd.s32 $0x4FF600, s2;
	[tilespmem:s4+$0x20] =	vst v0  }
0xb: {  	s15 =	sadd.s32 $0x4F6C00, s2;
	s6 =	sand.u32 $0x1, s3;
	s2 =	simm.s32 $0x40;
	[tilespmem:s4+$0x10] =	vst v0  }
.LBB2_1:
0xc: {  	s2 =	sadd.s32 $0x40, s2;
	[tilespmem:s4+$0x0] =	vst v0;
	s4 =	sadd.s32 $0x80, s4  }
0xd: {  	p0 =	slt.u32 s2, $0x3C40;
	[tilespmem:s4+$0x70] =	vst v0  }
0xe: {  	[tilespmem:s4+$0x60] =	vst v0  }
.Ltmp0:
0xf: {  	[tilespmem:s4+$0x50] =	vst v0;
	(pc) =	sbr.rel @p0 .LBB2_1-.Ltmp0, $4  }
0x10: {  	[tilespmem:s4+$0x40] =	vst v0  }
0x11: {  	[tilespmem:s4+$0x30] =	vst v0  }
0x12: {  	[tilespmem:s4+$0x20] =	vst v0  }
0x13: {  	[tilespmem:s4+$0x10] =	vst v0  }
0x14: {  	s10 =	stileid.u32  }
0x15: {  	s3 =	sshll.u32 s10, $0x1;
	s2 =	smin.u32 s10, $0xA  }
0x16: {  	s2 =	sadd.s32 s2, s3  }
0x17: {  	p0 =	slt.u32 s10, $0xA;
	s8 =	smul.u32 $0xF0, s2;
	s2 =	simm.s32 $0x2D0  }
0x18: {  	s2 =	simm.s32 @!p0 $0x1E0  }
0x19: {  	s2 =	sadd.s32 s2, s8  }
0x1a: {  	s9 =	smin.u32 s2, $0x2710  }
0x1b: {  	s2 =	ssub.s32 s9, s8  }
0x1c: {  	s29 =	simm.s32 $0x2;
	p0 =	sgt.s32 s2, $0x0  }
0x1d: {  	s11 =	simm.s32 $0x9;
	s5 =	simm.s32 $0xA;
	s2 =	simm.s32 @!p0 $0x0  }
0x1e: {  	s12 =	simm.s32 $0xB;
	[dreg:$0x5] =	wrdreg s6;
	s28 =	smul.u32 $0x8889, s2  }
0x1f: {  	s31 =	smul.u32 $0x4E2, s6;
	s13 =	simm.s32 $0x1;
	s19 =	simm.s32 $0xC  }
0x20: {  	s21 =	simm.s32 $0x0;
	[dreg:$0x6] =	wrdreg s3;
	s3 =	sshrl.u32 s28, $0x17  }
0x21: {  	[tilespmem:s4+$0x0] =	vst v0;
	v0 =	vimm.s32 $0xFFFFFFFF;
	s22 =	simm.s32 $0x0;
	[sflag:s29] =	ssyncpa.u1 $0x0;
	s30 =	smul.u32 $0xF0, s3  }
.Ltmp1:
0x22: {  	s17 =	sshll.u32 s10, $0x8;
	[tilespmem:$0xF208] =	vst v0;
	[sflag:s11] =	ssyncpa.u1 $0x0;
	(pc) =	sbr.rel .LBB2_3-.Ltmp1, $4  }
0x23: {  	s15 =	sadd.s32 s31, s15;
	p0 =	sne.s32 s2, s30;
	s2 =	simm.s32 $0x1  }
0x24: {  	s16 =	sadd.s32 s31, s0;
	[sflag:s5] =	ssyncpa.u1 $0x0;
	s2 =	simm.s32 @!p0 $0x0  }
0x25: {  	s0 =	simm.s32 $0x0;
	[sflag:s12] =	ssyncpa.u1 $0x0;
	s14 =	sadd.s32 s3, s2  }
0x26: {  	v0 =	vlaneseq.u32;
	s20 =	smov.u32 s8;
	p0 =	por $0x0, $0x0;
	s18 =	sadd.s32 $0x1, s14  }
.LBB2_18:
0x27: {  	s0 =	sshrl.u32 s0, $0x2  }
.LBB2_20:
0x28: {  	_ =	swait.ge [sflag:s19], s0  }
0x29: {  	s30 =	ssub.s32 $0x0, s0;
	v1 =	vmov s25;
	vm0 =	veq.s32 v0, $0x0;
	[sflag:s19] =	ssyncset.done $0x0  }
0x2a: {  	vm15 =	veq.s32 v0, $0x2;
	v1 =	vsel vm0, s31, v1;
	[sflag:s19] =	ssyncadd.s32 s30  }
0x2b: {  	v1 =	vsel vm15, s23, v1;
	[sflag:s19] =	ssyncpa.u1 $0x1  }
0x2c: {  	[tilespmem:$0xF208] =	vst v1  }
.LBB2_21:
0x2d: {  	s2 =	sadd.s32 $0xF0, s20  }
0x2e: {  	s3 =	smov.u32 s8;
	p1 =	slt.s32 s2, s9  }
0x2f: {  	s3 =	smov.u32 @p1 s2;
	p1 =	sne.s32 s22, s18  }
.Ltmp2:
0x30: {  	_ = 	snop;
	(pc) =	sbr.rel @!p1 .LBB2_22-.Ltmp2, $3  }
0x31: {  	_ =	sdelay $0x1  }
0x32: {  	s0 =	smov.u32 s21;
	s31 =	sadd.s32 $0x1, s22;
	s21 =	smov.u32 s20  }
0x33: {  	p0 =	por !p0, !p0;
	s22 =	smov.u32 s31;
	s20 =	smov.u32 s3  }
.LBB2_3:
0x34: {  	p1 =	sge.u32 s22, s14  }
0x35: {  	s2 =	smulhi.u32 @!p1 $0xAAAAAAAB, s22  }
0x36: {  	s3 =	smov.u32 s20;
	p2 =	sgt.s32 @!p1 s20, $0x2620  }
0x37: {  	s4 =	sshra.s32 @!p1 s20, $0x1F;
	p2 =	por !p2, p1;
	s2 =	sshrl.u32 @!p1 s2, $0x1  }
0x38: {  	s4 =	sand.u32 @!p1 s4, s20;
	s3 =	simm.s32 @p2 $0x2620;
	s2 =	smul.u32 @!p1 $0x3, s2  }
0x39: {  	s3 =	ssub.s32 @!p1 s3, s4  }
0x3a: {  	s3 =	sadd.s32 @!p1 $0xFFFFD9E0, s3;
	s2 =	ssub.s32 @!p1 s22, s2  }
0x3b: {  	s4 =	sshll.u32 @!p1 s3, $0x2;
	p2 =	sgt.s32 @!p1 s3, $0xEF;
	s2 =	smul.u32 @!p1 $0x3C0, s2  }
0x3c: {  	s5 =	sand.u32 @!p1 $0x7, s20;
	s3 =	ssub.s32 @!p1 $0x3C0, s4;
	p2 =	por !p2, p1  }
0x3d: {  	s4 =	sshrl.u32 @!p1 s20, $0x3;
	s3 =	sshrl.u32 @!p1 s3, $0x2;
	s2 =	sshrl.u32 @!p1 s2, $0x2  }
0x3e: {  	s4 =	sadd.s32 @!p1 s4, s15;
	s3 =	simm.s32 @!p2 $0x0;
	s2 =	sadd.s32 @!p1 $0x10248, s2  }
0x3f: {  	[tilespmem:s2], [sflag:$0xA] =	stream.linear.gather @!p1 [hbm4b:s4+s5], s3, $0x38;
	[tilespmem:$0x1F6F8] =	vst v63  }
0x40: {  	s2 =	sadd.s32 $0xFFFFFFFF, s22  }
0x41: {  	p1 =	sge.u32 s2, s14  }
0x42: {  	p2 =	sgt.s32 @!p1 s21, $0x2620  }
0x43: {  	s3 =	smov.u32 s21;
	s4 =	sshra.s32 @!p1 s21, $0x1F;
	p2 =	por !p2, p1  }
0x44: {  	s4 =	sand.u32 @!p1 s4, s21;
	s3 =	simm.s32 @p2 $0x2620  }
0x45: {  	s3 =	ssub.s32 @!p1 s3, s4  }
0x46: {  	s3 =	sadd.s32 @!p1 $0xFFFFD9E0, s3  }
0x47: {  	s5 =	sand.u32 @!p1 $0x1, s2;
	s4 =	sshll.u32 @!p1 s3, $0x2  }
0x48: {  	p2 =	sgt.s32 @!p1 s3, $0xEF;
	s3 =	ssub.s32 @!p1 $0x3C0, s4;
	s4 =	smulhi.u32 @!p1 $0xAAAAAAAB, s2  }
0x49: {  	s23 =	smul.u32 @!p1 $0x3C0, s5;
	p2 =	por !p2, p1;
	s3 =	sshrl.u32 @!p1 s3, $0x2  }
0x4a: {  	s6 =	simm.s32 @!p1 $0xA;
	s3 =	simm.s32 @!p2 $0x0;
	s4 =	sshrl.u32 @!p1 s4, $0x1  }
0x4b: {  	s23 =	sshrl.u32 @!p1 s23, $0x2;
	_ =	swait.ge @!p1 [sflag:s6], s3;
	s4 =	smul.u32 @!p1 $0x3, s4  }
0x4c: {  	s23 =	sadd.s32 @!p1 $0x10518, s23;
	s24 =	ssub.s32 @!p1 $0x0, s3;
	[sflag:s6] =	ssyncset.done @!p1 $0x0  }
0x4d: {  	[sflag:s6] =	ssyncadd.s32 @!p1 s24;
	s6 =	sshrl.u32 @!p1 s21, $0x3;
	s2 =	ssub.s32 @!p1 s2, s4  }
0x4e: {  	s24 =	sand.u32 @!p1 $0x7, s21;
	s6 =	sadd.s32 @!p1 s6, s16;
	s2 =	smul.u32 @!p1 $0x3C0, s2  }
0x4f: {  	[tilespmem:s23], [sflag:$0xB] =	stream.linear.gather @!p1 [hbm4b:s6+s24], s3, $0x38;
	[tilespmem:$0x1F6F8] =	vst v63  }
0x50: {  	s4 =	ssub.s32 @!p1 $0x2710, s21;
	s3 =	smul.u32 @!p1 $0x1E000, s5  }
0x51: {  	p2 =	slt.s32 @!p1 s4, $0xF0  }
0x52: {  	p2 =	por !p2, p1;
	s2 =	sshrl.u32 @!p1 s2, $0x2;
	s3 =	sshrl.u32 @!p1 s3, $0x2  }
0x53: {  	s4 =	simm.s32 @p2 $0xF0;
	s2 =	sadd.s32 @!p1 $0x10248, s2;
	s3 =	sor.u32 @!p1 $0x106F8, s3  }
0x54: {  	[tilespmem:s3], [sflag:$0x9] =	stream.indirect.gather @!p1 [hbm4b:s7+s4], $0x80, s2, s4, $0xb8;
	[tilespmem:$0x1F6F8] =	vst v63  }
0x55: {  	p1 =	slt.u32 s22, $0x2  }
.Ltmp3:
0x56: {  	_ = 	snop;
	(pc) =	sbr.rel @p1 .LBB2_21-.Ltmp3, $1  }
0x57: {  	_ =	sdelay $0x3  }
0x58: {  	p1 =	sgt.s32 s0, $0x2620  }
0x59: {  	s2 =	smov.u32 s0;
	s3 =	sshra.s32 s0, $0x1F;
	s4 =	ssub.s32 $0x2710, s0  }
0x5a: {  	s2 =	simm.s32 @!p1 $0x2620;
	s3 =	sand.u32 s3, s0;
	p1 =	slt.s32 s4, $0xF0  }
0x5b: {  	s2 =	ssub.s32 s2, s3;
	s4 =	simm.s32 @!p1 $0xF0  }
0x5c: {  	s2 =	sadd.s32 $0xFFFFD9E0, s2;
	s25 =	sshll.u32 s4, $0x7  }
0x5d: {  	s26 =	sshll.u32 s2, $0x2;
	s3 =	sand.u32 $0x3FFFFF80, s25  }
0x5e: {  	p1 =	sgt.s32 s2, $0xEF;
	s30 =	ssub.s32 $0x3C0, s26;
	_ =	swait.ge [sflag:s11], s3  }
0x5f: {  	s3 =	ssub.s32 $0x0, s3;
	[sflag:s11] =	ssyncset.done $0x0;
	s2 =	sshrl.u32 s30, $0x2  }
0x60: {  	[sflag:s11] =	ssyncadd.s32 s3;
	s2 =	simm.s32 @p1 $0x0  }
0x61: {  	_ =	swait.ge [sflag:s12], s2  }
0x62: {  	s2 =	ssub.s32 $0x0, s2;
	[sflag:s12] =	ssyncset.done $0x0  }
0x63: {  	[sflag:s12] =	ssyncadd.s32 s2  }
0x64: {  	v1 =	vld [tilespmem:$0xF208];
	_ =	sdelay $0x4  }
0x65: {  	(v2sf) =	vpush v1, $0x0  }
0x66: {  	(v2sf) =	vpush v1, $0x1  }
0x67: {  	(v2sf) =	vpush v1, $0x2;
	_ =	sdelay $0x3  }
0x68: {  	s2 =	sadd.s32 $0xF0, s0  }
0x69: {  	s3 =	ssub.s32 $0x4E20, s0;
	p1 =	slt.s32 s9, s2  }
0x6a: {  	s2 =	smov.u32 @p1 s9;
	p1 =	sgt.s32 s3, $0x0  }
0x6b: {  	s0 =	ssub.s32 s2, s0;
	s3 =	simm.s32 @!p1 $0x0  }
0x6c: {  	p1 =	slt.s32 s3, s0  }
0x6d: {  	s0 =	smov.u32 @p1 s3  }
0x6e: {  	s26 =	simm.s32 $0x1;
	p1 =	slt.s32 s0, $0x1  }
.Ltmp4:
0x6f: {  	s26 =	simm.s32 @!p0 $0x0;
	(pc) =	sbr.rel @p1 .LBB2_8-.Ltmp4, $4  }
0x70: {  	s31 =	smul.u32 $0x3C0, s26  }
0x71: {  	s28 =	spop (v2sf)  }
0x72: {  	s2 =	sshrl.u32 s31, $0x2;
	s29 =	spop (v2sf)  }
0x73: {  	s24 =	sadd.s32 $0x10518, s2;
	s23 =	spop (v2sf)  }
0x74: {  	s2 =	smin.u32 s0, $0x10  }
0x75: {  	v1 =	vmov s2  }
0x76: {  	p2 =	sgt.s32 s0, $0x10;
	vm1 =	vgt.u32 v1, v0  }
.Ltmp5:
0x77: {  	_ = 	snop;
	(pc) =	sbr.rel @!p2 .LBB2_7-.Ltmp5, $2  }
0x78: {  	_ =	sdelay $0x2  }
0x79: {  	s5 =	simm.s32 $0x10;
	s25 =	sadd.s32 $0xFFFFFFF0, s0;
	s4 =	smov.u32 s24;
	vm0 =	vmmov vm1  }
.LBB2_6:
0x7a: {  	s2 =	smin.u32 s25, $0x10;
	s5 =	sadd.s32 $0x10, s5;
	v1 =	vld.msk [tilespmem:s4+$0x0 ss:$0x1], vm1  }
0x7b: {  	v2 =	vmov s2;
	p2 =	slt.s32 s5, s0  }
0x7c: {  	vm1 =	vgt.u32 v2, v0  }
.Ltmp6:
0x7d: {  	(pc) =	sbr.rel @p2 .LBB2_6-.Ltmp6, $3  }
0x7e: {  	_ =	sdelay $0x1  }
0x7f: {  	v1 =	vshll.u32 v1, $0x4  }
0x80: {  	s25 =	sadd.s32 $0xFFFFFFF0, s25;
	[tilespmem:s4+$0x0] =	vst.msk vm0, v1;
	s4 =	sadd.s32 $0x10, s4;
	vm0 =	vmmov vm1  }
.LBB2_7:
0x81: {  	_ =	sdelay $0x4  }
0x82: {  	v1 =	vld.msk [tilespmem:s4+$0x0 ss:$0x1], vm1;
	_ =	sdelay $0x4  }
0x83: {  	v1 =	vshll.u32 v1, $0x4  }
0x84: {  	[tilespmem:s4+$0x0] =	vst.msk vm0, v1  }
.LBB2_8:
0x85: {  	s2 =	sand.u32 $0x1, s22  }
0x86: {  	s3 =	smul.u32 $0x7800, s2  }
0x87: {  	p2 =	sne.s32 s29, $0xFFFFFFFF  }
0x88: {  	v1 =	vld @!p2 [tilespmem:s3+$0x106F8];
	_ =	sdelay $0x2  }
0x89: {  	s2 =	smul.u32 $0xF0, s2;
	_ =	sdelay $0x1  }
0x8a: {  	v2 =	vld.msk @!p2 [tilespmem:s2+$0x10518], $0x1;
	[tilespmem:$0x108] =	vst @!p2 v1  }
0x8b: {  	v1 =	vld @!p2 [tilespmem:s3+$0x10708];
	_ =	sdelay $0x4  }
0x8c: {  	[tilespmem:$0x118] =	vst @!p2 v1  }
0x8d: {  	v1 =	vld @!p2 [tilespmem:s3+$0x10718];
	_ =	sdelay $0x4  }
0x8e: {  	[tilespmem:$0x128] =	vst @!p2 v1  }
0x8f: {  	v1 =	vld @!p2 [tilespmem:s3+$0x10728];
	_ =	sdelay $0x4  }
0x90: {  	[tilespmem:$0x138] =	vst @!p2 v1  }
0x91: {  	v1 =	vld @!p2 [tilespmem:s3+$0x10738];
	_ =	sdelay $0x4  }
0x92: {  	[tilespmem:$0x148] =	vst @!p2 v1  }
0x93: {  	(v2sf) =	vpush @!p2 v2, $0x0;
	v1 =	vld @!p2 [tilespmem:s3+$0x10748];
	_ =	sdelay $0x4  }
0x94: {  	[tilespmem:$0x158] =	vst @!p2 v1  }
0x95: {  	v1 =	vld @!p2 [tilespmem:s3+$0x10758];
	_ =	sdelay $0x4  }
0x96: {  	[tilespmem:$0x168] =	vst @!p2 v1  }
0x97: {  	v1 =	vld @!p2 [tilespmem:s3+$0x10768]  }
.Ltmp7:
0x98: {  	_ = 	snop;
	(pc) =	sbr.rel @p1 .LBB2_19-.Ltmp7, $4  }
0x99: {  	_ = 	snop  }
0x9a: {  	s30 =	spop @!p2 (v2sf)  }
0x9b: {  	s23 =	simm.s32 @!p2 $0x0;
	s25 =	smov.u32 s30  }
0x9c: {  	s30 =	smov.u32 @p2 s28;
	s25 =	smov.u32 @p2 s29;
	[tilespmem:$0x178] =	vst @!p2 v1;
	[sflag:s19] =	ssyncpa.u1 $0x0  }
0x9d: {  	v1 =	vld.msk [tilespmem:s24+$0x0], $0x1;
	_ =	sdelay $0x4  }
0x9e: {  	(v2sf) =	vpush v1, $0x0;
	_ =	sdelay $0xe  }
0x9f: {  	s2 =	smul.u32 $0x1E000, s26;
	s4 =	spop (v2sf)  }
0xa0: {  	s28 =	ssub.s32 $0x0, s0;
	p1 =	seq.s32 s30, s4  }
0xa1: {  	s0 =	sadd.s32 $0x1, s28;
	s2 =	sshrl.u32 s2, $0x2;
	p2 =	sgt.s32 @!p1 s30, $0x0  }
0xa2: {  	s26 =	sor.u32 $0x10738, s2;
	s2 =	smov.u32 s30;
	p2 =	por !p2, p1  }
0xa3: {  	s2 =	simm.s32 @p2 $0x0;
	p2 =	seq.s32 s0, $0x0  }
.Ltmp8:
0xa4: {  	_ = 	snop;
	(pc) =	sbr.rel @p2 .LBB2_11-.Ltmp8, $4  }
0xa5: {  	_ = 	snop  }
0xa6: {  	s29 =	simm.s32 $0x0;
	s5 =	simm.s32 @!p1 $0x1;
	s3 =	smin.u32 @!p1 s2, $0x7CF0  }
0xa7: {  	s31 =	sadd.s32 $0x1, s24;
	s5 =	smov.u32 @p1 s29;
	s6 =	sand.u32 @!p1 $0x7FF8, s3  }
0xa8: {  	s2 =	simm.s32 @!p1 $0x7988;
	s3 =	sand.u32 @!p1 $0x7, s3;
	s6 =	sadd.s32 @!p1 s1, s6  }
.LBB2_10:
0xa9: {  	s10 =	smov.u32 s5  }
0xaa: {  	[tilespmem:s2], [sflag:$0x2] =	stream.linear.gather @!p1 [hbm4b:s6+s3], $0x80, $0x38;
	[tilespmem:$0x1F6F8] =	vst v63  }
0xab: {  	s0 =	sadd.s32 $0x1, s0;
	s3 =	smov.u32 s4;
	v1 =	vld.msk [tilespmem:s31+$0x0], $0x1  }
0xac: {  	p2 =	seq.s32 s0, $0x0;
	_ =	sdelay $0x3  }
0xad: {  	(v2sf) =	vpush v1, $0x0;
	_ =	sdelay $0xe  }
0xae: {  	s4 =	spop (v2sf)  }
0xaf: {  	p1 =	seq.s32 s3, s4  }
0xb0: {  	p3 =	sgt.s32 @!p1 s3, $0x0;
	s2 =	sshll.u32 @!p1 s5, $0x9;
	s5 =	sadd.s32 @!p1 $0x1, s5  }
.Ltmp9:
0xb1: {  	p3 =	por !p3, p1;
	s2 =	sshra.s32 @!p1 s2, $0x2;
	(pc) =	sbr.rel @!p2 .LBB2_10-.Ltmp9, $4  }
0xb2: {  	s5 =	smov.u32 @p1 s10;
	s3 =	simm.s32 @p3 $0x0;
	s2 =	sadd.s32 @!p1 $0x7988, s2  }
0xb3: {  	s3 =	smin.u32 @!p1 s3, $0x7CF0  }
0xb4: {  	s6 =	sand.u32 @!p1 $0x7FF8, s3;
	s3 =	sand.u32 @!p1 $0x7, s3  }
0xb5: {  	s31 =	sadd.s32 $0x1, s31;
	s6 =	sadd.s32 @!p1 s1, s6  }
.LBB2_11:
0xb6: {  	[tilespmem:s2], [sflag:$0x2] =	stream.linear.gather @!p1 [hbm4b:s6+s3], $0x80, $0x38;
	[tilespmem:$0x1F6F8] =	vst v63  }
.Ltmp10:
0xb7: {  	s0 =	sshll.u32 s5, $0x7;
	(pc) =	sbr.rel .LBB2_12-.Ltmp10, $4  }
0xb8: {  	s31 =	simm.s32 $0x2;
	s0 =	sand.u32 $0x3FFFFF80, s0  }
0xb9: {  	_ =	swait.ge [sflag:s31], s0  }
0xba: {  	s0 =	ssub.s32 $0x0, s0;
	[sflag:s31] =	ssyncset.done $0x0  }
0xbb: {  	[sflag:s31] =	ssyncadd.s32 s0;
	s0 =	simm.s32 $0x0  }
.LBB2_13:
0xbc: {  	s2 =	sshra.s32 s2, $0x2;
	v1 =	vld [tilespmem:s26+$0xFFFFFFC0]  }
0xbd: {  	v2 =	vld [tilespmem:s2+$0x108];
	_ =	sdelay $0x4  }
0xbe: {  	v1 =	vmax.f32 v1, v2  }
0xbf: {  	v2 =	vld [tilespmem:s2+$0x118];
	[tilespmem:s2+$0x108] =	vst v1  }
0xc0: {  	v1 =	vld [tilespmem:s26+$0xFFFFFFD0];
	_ =	sdelay $0x4  }
0xc1: {  	v1 =	vmax.f32 v1, v2  }
0xc2: {  	v2 =	vld [tilespmem:s2+$0x128];
	[tilespmem:s2+$0x118] =	vst v1  }
0xc3: {  	v1 =	vld [tilespmem:s26+$0xFFFFFFE0];
	_ =	sdelay $0x4  }
0xc4: {  	v1 =	vmax.f32 v1, v2  }
0xc5: {  	v2 =	vld [tilespmem:s2+$0x138];
	[tilespmem:s2+$0x128] =	vst v1  }
0xc6: {  	v1 =	vld [tilespmem:s26+$0xFFFFFFF0];
	_ =	sdelay $0x4  }
0xc7: {  	v1 =	vmax.f32 v1, v2  }
0xc8: {  	v2 =	vld [tilespmem:s2+$0x148];
	[tilespmem:s2+$0x138] =	vst v1  }
0xc9: {  	v1 =	vld [tilespmem:s26+$0x0];
	_ =	sdelay $0x4  }
0xca: {  	v1 =	vmax.f32 v1, v2  }
0xcb: {  	v2 =	vld [tilespmem:s2+$0x158];
	[tilespmem:s2+$0x148] =	vst v1  }
0xcc: {  	v1 =	vld [tilespmem:s26+$0x10];
	_ =	sdelay $0x4  }
0xcd: {  	v1 =	vmax.f32 v1, v2  }
0xce: {  	v2 =	vld [tilespmem:s2+$0x168];
	[tilespmem:s2+$0x158] =	vst v1  }
0xcf: {  	v1 =	vld [tilespmem:s26+$0x20];
	_ =	sdelay $0x4  }
0xd0: {  	v1 =	vmax.f32 v1, v2  }
0xd1: {  	v2 =	vld [tilespmem:s2+$0x178];
	[tilespmem:s2+$0x168] =	vst v1  }
0xd2: {  	v1 =	vld [tilespmem:s26+$0x30];
	_ =	sdelay $0x4  }
0xd3: {  	v1 =	vmax.f32 v1, v2  }
0xd4: {  	[tilespmem:s2+$0x178] =	vst v1  }
.LBB2_17:
0xd5: {  	s28 =	sadd.s32 $0x1, s28  }
0xd6: {  	p1 =	seq.s32 s28, $0x0  }
.Ltmp11:
0xd7: {  	_ = 	snop;
	(pc) =	sbr.rel @p1 .LBB2_18-.Ltmp11, $2  }
0xd8: {  	_ =	sdelay $0x2  }
0xd9: {  	s24 =	sadd.s32 $0x1, s24;
	s26 =	sadd.s32 $0x80, s26;
	s30 =	smov.u32 s31  }
.LBB2_12:
0xda: {  	v1 =	vld.msk [tilespmem:s24+$0x0], $0x1;
	_ =	sdelay $0x4  }
0xdb: {  	(v2sf) =	vpush v1, $0x0;
	_ =	sdelay $0xe  }
0xdc: {  	s31 =	spop (v2sf)  }
0xdd: {  	p1 =	sne.s32 s30, s31  }
.Ltmp12:
0xde: {  	_ = 	snop;
	(pc) =	sbr.rel @!p1 .LBB2_13-.Ltmp12, $2  }
0xdf: {  	_ =	sdelay $0x2  }
0xe0: {  	s2 =	sshll.u32 s23, $0x9  }
0xe1: {  	p1 =	seq.s32 s30, s25  }
.Ltmp13:
0xe2: {  	_ = 	snop;
	(pc) =	sbr.rel @!p1 .LBB2_15-.Ltmp13, $1  }
0xe3: {  	_ =	sdelay $0x3  }
0xe4: {  	s2 =	sshra.s32 s2, $0x2  }
.Ltmp14:
0xe5: {  	s2 =	sadd.s32 $0x108, s2;
	(pc) =	sbr.rel .LBB2_16-.Ltmp14, $4  }
0xe6: {  	[spmem:s17] =	stream.linear.scatter [tilespmem:s2], [sflag:$0x1], $0x80, $0x38;
	[tilespmem:$0x1F6F8] =	vst v63  }
0xe7: {  	_ =	swait.ge [sflag:s13], $0x80  }
0xe8: {  	[sflag:s13] =	ssyncset.done $0x0  }
0xe9: {  	[sflag:s13] =	ssyncadd.s32 $0xFFFFFF80  }
.LBB2_15:
0xea: {  	s3 =	sshll.u32 s29, $0x9;
	s2 =	sshra.s32 s2, $0x2  }
0xeb: {  	s3 =	sshra.s32 s3, $0x2;
	v2 =	vld [tilespmem:s2+$0x108]  }
0xec: {  	v1 =	vld [tilespmem:s3+$0x7988];
	_ =	sdelay $0x4  }
0xed: {  	v1 =	vmax.f32 v1, v2  }
0xee: {  	v2 =	vld [tilespmem:s2+$0x118];
	[tilespmem:s2+$0x108] =	vst v1  }
0xef: {  	v1 =	vld [tilespmem:s3+$0x7998];
	_ =	sdelay $0x4  }
0xf0: {  	v1 =	vmax.f32 v1, v2  }
0xf1: {  	v2 =	vld [tilespmem:s2+$0x128];
	[tilespmem:s2+$0x118] =	vst v1  }
0xf2: {  	v1 =	vld [tilespmem:s3+$0x79A8];
	_ =	sdelay $0x4  }
0xf3: {  	v1 =	vmax.f32 v1, v2  }
0xf4: {  	v2 =	vld [tilespmem:s2+$0x138];
	[tilespmem:s2+$0x128] =	vst v1  }
0xf5: {  	v1 =	vld [tilespmem:s3+$0x79B8];
	_ =	sdelay $0x4  }
0xf6: {  	v1 =	vmax.f32 v1, v2  }
0xf7: {  	v2 =	vld [tilespmem:s2+$0x148];
	[tilespmem:s2+$0x138] =	vst v1  }
0xf8: {  	v1 =	vld [tilespmem:s3+$0x79C8];
	_ =	sdelay $0x4  }
0xf9: {  	v1 =	vmax.f32 v1, v2  }
0xfa: {  	v2 =	vld [tilespmem:s2+$0x158];
	[tilespmem:s2+$0x148] =	vst v1  }
0xfb: {  	v1 =	vld [tilespmem:s3+$0x79D8];
	_ =	sdelay $0x4  }
0xfc: {  	v1 =	vmax.f32 v1, v2  }
0xfd: {  	v2 =	vld [tilespmem:s2+$0x168];
	[tilespmem:s2+$0x158] =	vst v1  }
0xfe: {  	v1 =	vld [tilespmem:s3+$0x79E8];
	_ =	sdelay $0x4  }
0xff: {  	v1 =	vmax.f32 v1, v2  }
0x100: {  	v2 =	vld [tilespmem:s2+$0x178];
	[tilespmem:s2+$0x168] =	vst v1  }
0x101: {  	v1 =	vld [tilespmem:s3+$0x79F8];
	_ =	sdelay $0x3  }
0x102: {  	p1 =	sgt.u32 s30, $0x7CF0  }
0x103: {  	s3 =	sand.u32 @!p1 $0x7FF8, s30;
	v1 =	vmax.f32 v1, v2  }
0x104: {  	s4 =	sadd.s32 $0x108, s2;
	[tilespmem:s2+$0x178] =	vst v1;
	s2 =	sadd.s32 @!p1 s1, s3;
	s3 =	sand.u32 @!p1 $0x7, s30  }
0x105: {  	[hbm4b:s2+s3] =	stream.linear.scatter @!p1 [tilespmem:s4], [sflag:$0xC], $0x80, $0x38;
	[tilespmem:$0x1F6F8] =	vst v63  }
0x106: {  	s2 =	simm.s32 $0x0  }
0x107: {  	s2 =	simm.s32 @!p1 $0x200  }
0x108: {  	s0 =	sadd.s32 s2, s0  }
.LBB2_16:
0x109: {  	s2 =	sadd.s32 $0x1, s23  }
0x10a: {  	s3 =	smulhi.u32 $0x88888889, s2;
	_ =	sdelay $0x1  }
0x10b: {  	v1 =	vld [tilespmem:s26+$0xFFFFFFC0];
	s3 =	sshrl.u32 s3, $0x7  }
0x10c: {  	s3 =	smul.u32 $0xF0, s3;
	_ =	sdelay $0x1  }
0x10d: {  	s23 =	ssub.s32 s2, s3  }
0x10e: {  	s2 =	sshll.u32 s23, $0x7  }
0x10f: {  	[tilespmem:s2+$0x108] =	vst v1  }
0x110: {  	v1 =	vld [tilespmem:s26+$0xFFFFFFD0];
	_ =	sdelay $0x4  }
0x111: {  	[tilespmem:s2+$0x118] =	vst v1  }
0x112: {  	v1 =	vld [tilespmem:s26+$0xFFFFFFE0];
	_ =	sdelay $0x4  }
0x113: {  	[tilespmem:s2+$0x128] =	vst v1  }
0x114: {  	v1 =	vld [tilespmem:s26+$0xFFFFFFF0];
	_ =	sdelay $0x4  }
0x115: {  	[tilespmem:s2+$0x138] =	vst v1  }
0x116: {  	v1 =	vld [tilespmem:s26+$0x0];
	_ =	sdelay $0x4  }
0x117: {  	[tilespmem:s2+$0x148] =	vst v1  }
0x118: {  	v1 =	vld [tilespmem:s26+$0x10];
	_ =	sdelay $0x4  }
0x119: {  	[tilespmem:s2+$0x158] =	vst v1  }
0x11a: {  	v1 =	vld [tilespmem:s26+$0x20];
	_ =	sdelay $0x4  }
0x11b: {  	[tilespmem:s2+$0x168] =	vst v1  }
0x11c: {  	v1 =	vld [tilespmem:s26+$0x30]  }
.Ltmp15:
0x11d: {  	_ = 	snop;
	(pc) =	sbr.rel .LBB2_17-.Ltmp15, $2  }
0x11e: {  	_ =	sdelay $0x2  }
0x11f: {  	s29 =	sadd.s32 $0x1, s29;
	[tilespmem:s2+$0x178] =	vst v1  }
.LBB2_19:
.Ltmp16:
0x120: {  	(pc) =	sbr.rel .LBB2_20-.Ltmp16, $4  }
0x121: {  	_ = 	snop  }
0x122: {  	s0 =	simm.s32 $0x2  }
0x123: {  	_ =	swait.ge [sflag:s0], $0x0  }
0x124: {  	s31 =	smov.u32 s30;
	[sflag:s0] =	ssyncset.done $0x0;
	s0 =	simm.s32 $0x0  }
.LBB2_22:
0x125: {  	_ =	sfence.sel $0x180000  }
0x126: {  	s0 =	simm.s32 $0x9;
	[bflag:$0x0] =	sbarrier.arrive $0xFFFF  }
0x127: {  	s24 =	simm.s32 $0xA;
	[sflag:s0] =	ssyncpa.u1 $0x1  }
0x128: {  	s25 =	simm.s32 $0xB;
	[sflag:s24] =	ssyncpa.u1 $0x1  }
0x129: {  	s26 =	simm.s32 $0x2;
	[sflag:s25] =	ssyncpa.u1 $0x1  }
0x12a: {  	[sflag:s26] =	ssyncpa.u1 $0x1  }
0x12b: {  	v0 =	vld [tilespmem:$0xF208];
	_ =	sdelay $0x4  }
0x12c: {  	(v2sf) =	vpush v0, $0x0  }
0x12d: {  	(v2sf) =	vpush v0, $0x1;
	_ =	sdelay $0x2  }
0x12e: {  	(v2sf) =	vpush v0, $0x2;
	_ =	sdelay $0xa  }
0x12f: {  	s0 =	spop (v2sf)  }
0x130: {  	s2 =	spop (v2sf)  }
0x131: {  	s3 =	smov.u32 s0;
	p0 =	sne.s32 s0, s2  }
0x132: {  	s3 =	simm.s32 @!p0 $0xFFFFFFFF  }
0x133: {  	v2 =	vimm.s32 $0x1;
	v3 =	vlaneseq.u32;
	v1 =	vmov s3;
	s3 =	spop (v2sf)  }
0x134: {  	v0 =	vperm.xlane v0, v2;
	v1 =	vperm.xlane v1, v3;
	p0 =	seq.s32 s3, $0xFFFFFFFF  }
0x135: {  	vm0 =	vcmask $0x3F04;
	s5 =	simm.s32 $0xF208;
	p1 =	sne.s32 @!p0 s0, s2  }
0x136: {  	s6 =	rddreg [dreg:$0x6];
	s0 =	simm.s32 @!p0 $0x1;
	v0 =	vsel vm0, v1, v0;
	p1 =	por !p1, p0  }
0x137: {  	s4 =	sor.u32 $0x1000, s6;
	s2 =	sshll.u32 @!p0 s3, $0x9;
	[tilespmem:$0xF208] =	vst v0;
	s0 =	simm.s32 @p1 $0x0  }
0x138: {  	[spmem:s4] =	stream.linear.scatter [tilespmem:s5], [sflag:$0x1], $0x2, $0x38;
	[tilespmem:$0x1F6F8] =	vst v63  }
0x139: {  	s2 =	sshra.s32 @!p0 s2, $0x2;
	s0 =	sor.u32 @!p0 s0, s6  }
0x13a: {  	s2 =	sadd.s32 @!p0 $0x108, s2;
	s0 =	sshll.u32 @!p0 s0, $0x7  }
0x13b: {  	[spmem:s0] =	stream.linear.scatter @!p0 [tilespmem:s2], [sflag:$0x1], $0x80, $0x38;
	[tilespmem:$0x1F6F8] =	vst v63  }
0x13c: {  	s0 =	simm.s32 @!p0 $0x82  }
0x13d: {  	s28 =	simm.s32 $0x1;
	s0 =	simm.s32 @p0 $0x2  }
0x13e: {  	_ =	swait.ge [sflag:s28], s0  }
0x13f: {  	s15 =	stileid.u32;
	s0 =	ssub.s32 $0x0, s0;
	[sflag:s28] =	ssyncset.done $0x0  }
0x140: {  	p0 =	sne.s32 s15, $0x0;
	[sflag:s28] =	ssyncadd.s32 s0  }
.Ltmp17:
0x141: {  	_ =	sfence.stream.spmem;
	(pc) =	sbr.rel @p0 .LBB2_39-.Ltmp17, $4  }
0x142: {  	s29 =	simm.s32 $0x3;
	[bflag:$0x0] =	sbarrier.arrive $0xFFFF  }
0x143: {  	s30 =	simm.s32 $0x4;
	[sflag:s29] =	ssyncpa.u1 $0x1  }
0x144: {  	s31 =	simm.s32 $0x3C;
	[sflag:s30] =	ssyncpa.u1 $0x1  }
0x145: {  	s14 =	rddreg [dreg:$0x5];
	[sflag:s31] =	ssyncpa.u1 $0x1  }
0x146: {  	_ =	sfence.stream.spmem;
	s0 =	simm.s32 $0x5  }
0x147: {  	s2 =	simm.s32 $0x1000;
	s3 =	simm.s32 $0xF218;
	[sflag:s0] =	ssyncpa.u1 $0x0  }
0x148: {  	[tilespmem:s3], [sflag:$0x5] =	stream.linear.gather [spmem:s2], $0x20, $0x38;
	[tilespmem:$0x1F6F8] =	vst v63  }
0x149: {  	s26 =	simm.s32 $0x0;
	s28 =	simm.s32 $0xF238  }
0x14a: {  	[tilespmem:s28], [sflag:$0x5] =	stream.linear.gather [spmem:s26], $0x1000, $0x38;
	[tilespmem:$0x1F6F8] =	vst v63  }
0x14b: {  	_ =	swait.ge [sflag:s0], $0x1020  }
0x14c: {  	[sflag:s0] =	ssyncset.done $0x0  }
0x14d: {  	s29 =	simm.s32 $0x0;
	[sflag:s0] =	ssyncadd.s32 $0xFFFFEFE0  }
0x14e: {  	v0 =	vld.msk [tilespmem:s29+$0xF218], $0x1;
	_ =	sdelay $0x1  }
0x14f: {  	s30 =	simm.s32 $0x1  }
0x150: {  	v1 =	vld.msk [tilespmem:s30+$0xF218], $0x1;
	_ =	sdelay $0x1  }
0x151: {  	(v2sf) =	vpush v0, $0x0;
	_ =	sdelay $0x2  }
0x152: {  	(v2sf) =	vpush v1, $0x0;
	_ =	sdelay $0x2  }
0x153: {  	s31 =	simm.s32 $0x2  }
0x154: {  	v0 =	vld.msk [tilespmem:s31+$0xF218], $0x1;
	_ =	sdelay $0x2  }
0x155: {  	s4 =	simm.s32 $0xFFFFFFFF;
	s2 =	simm.s32 $0xFFFFFFFF;
	s0 =	simm.s32 $0xC  }
.LBB2_24:
0x156: {  	s3 =	smov.u32 s4;
	s5 =	smov.u32 s2  }
0x157: {  	s2 =	sshra.s32 s0, $0x2;
	p1 =	sne.s32 s0, $0x7C;
	s0 =	sadd.s32 $0x4, s0;
	(v2sf) =	vpush v0, $0x0  }
0x158: {  	v0 =	vld.msk [tilespmem:s2+$0xF218], $0x1  }
.Ltmp18:
0x159: {  	(pc) =	sbr.rel @p1 .LBB2_24-.Ltmp18, $4  }
0x15a: {  	s4 =	spop (v2sf)  }
0x15b: {  	p2 =	sne.s32 s5, $0xFFFFFFFF;
	s2 =	smov.u32 s4  }
0x15c: {  	p3 =	seq.s32 s4, $0xFFFFFFFF;
	s2 =	smov.u32 @p2 s5  }
0x15d: {  	s4 =	smov.u32 @p3 s3;
	s2 =	smov.u32 @p3 s5  }
0x15e: {  	(v2sf) =	vpush v0, $0x0;
	_ =	sdelay $0x8  }
0x15f: {  	s0 =	spop (v2sf)  }
0x160: {  	p1 =	sne.s32 s2, $0xFFFFFFFF;
	s3 =	smov.u32 s0  }
0x161: {  	s9 =	simm.s32 $0x6;
	p2 =	seq.s32 s0, $0xFFFFFFFF;
	s3 =	smov.u32 @p1 s2  }
0x162: {  	s6 =	simm.s32 $0x0;
	s3 =	smov.u32 @p2 s2;
	s2 =	spop (v2sf)  }
0x163: {  	s0 =	smov.u32 @p2 s4;
	p1 =	sne.s32 s3, $0xFFFFFFFF;
	s5 =	smov.u32 s2  }
.Ltmp19:
0x164: {  	p2 =	seq.s32 s2, $0xFFFFFFFF;
	s5 =	smov.u32 @p1 s3;
	(pc) =	sbr.rel .LBB2_26-.Ltmp19, $4  }
0x165: {  	s10 =	simm.s32 $0xF188;
	s5 =	smov.u32 @p2 s3;
	s7 =	spop (v2sf)  }
0x166: {  	s11 =	simm.s32 $0x0;
	p1 =	sne.s32 s5, $0xFFFFFFFF;
	s8 =	smov.u32 s7  }
0x167: {  	s2 =	smov.u32 @p2 s0;
	p2 =	seq.s32 s7, $0xFFFFFFFF;
	s8 =	smov.u32 @p1 s5  }
0x168: {  	[sflag:s9] =	ssyncpa.u1 $0x0;
	s7 =	smov.u32 @p2 s2;
	s8 =	smov.u32 @p2 s5  }
.LBB2_32:
0x169: {  	p1 =	sgt.u32 s0, $0x7CF0  }
0x16a: {  	p2 =	seq.s32 @!p1 s0, s8  }
0x16b: {  	p1 =	por p1, p2  }
0x16c: {  	p2 =	sne.s32 @!p1 s0, s7  }
0x16d: {  	p1 =	por p1, !p2  }
0x16e: {  	s0 =	sshll.u32 @p1 s11, $0x9  }
0x16f: {  	s2 =	sand.u32 @!p1 $0x7FF8, s0  }
0x170: {  	s0 =	sand.u32 @!p1 $0x7, s0;
	s2 =	sadd.s32 @!p1 s1, s2  }
0x171: {  	[tilespmem:s10], [sflag:$0x6] =	stream.linear.gather @!p1 [hbm4b:s2+s0], $0x80, $0x38;
	[tilespmem:$0x1F6F8] =	vst v63  }
0x172: {  	_ =	swait.ge @!p1 [sflag:s9], $0x80  }
0x173: {  	[sflag:s9] =	ssyncset.done @!p1 $0x0  }
0x174: {  	s0 =	sshll.u32 @!p1 s11, $0x9;
	[sflag:s9] =	ssyncadd.s32 @!p1 $0xFFFFFF80  }
0x175: {  	s2 =	sshrl.u32 @!p1 s0, $0x2;
	v1 =	vld @!p1 [tilespmem:$0xF188]  }
0x176: {  	v2 =	vld @!p1 [tilespmem:s2+$0xF238];
	_ =	sdelay $0x4  }
0x177: {  	v1 =	vmax.f32 @!p1 v1, v2  }
0x178: {  	v2 =	vld @!p1 [tilespmem:s2+$0xF248];
	[tilespmem:s2+$0xF238] =	vst @!p1 v1  }
0x179: {  	v1 =	vld @!p1 [tilespmem:$0xF198];
	_ =	sdelay $0x4  }
0x17a: {  	v1 =	vmax.f32 @!p1 v1, v2  }
0x17b: {  	v2 =	vld @!p1 [tilespmem:s2+$0xF258];
	[tilespmem:s2+$0xF248] =	vst @!p1 v1  }
0x17c: {  	v1 =	vld @!p1 [tilespmem:$0xF1A8];
	_ =	sdelay $0x4  }
0x17d: {  	v1 =	vmax.f32 @!p1 v1, v2  }
0x17e: {  	v2 =	vld @!p1 [tilespmem:s2+$0xF268];
	[tilespmem:s2+$0xF258] =	vst @!p1 v1  }
0x17f: {  	v1 =	vld @!p1 [tilespmem:$0xF1B8];
	_ =	sdelay $0x4  }
0x180: {  	v1 =	vmax.f32 @!p1 v1, v2  }
0x181: {  	v2 =	vld @!p1 [tilespmem:s2+$0xF278];
	[tilespmem:s2+$0xF268] =	vst @!p1 v1  }
0x182: {  	v1 =	vld @!p1 [tilespmem:$0xF1C8];
	_ =	sdelay $0x4  }
0x183: {  	v1 =	vmax.f32 @!p1 v1, v2  }
0x184: {  	v2 =	vld @!p1 [tilespmem:s2+$0xF288];
	[tilespmem:s2+$0xF278] =	vst @!p1 v1  }
0x185: {  	v1 =	vld @!p1 [tilespmem:$0xF1D8];
	_ =	sdelay $0x4  }
0x186: {  	v1 =	vmax.f32 @!p1 v1, v2  }
0x187: {  	v2 =	vld @!p1 [tilespmem:s2+$0xF298];
	[tilespmem:s2+$0xF288] =	vst @!p1 v1  }
0x188: {  	v1 =	vld @!p1 [tilespmem:$0xF1E8];
	_ =	sdelay $0x4  }
0x189: {  	v1 =	vmax.f32 @!p1 v1, v2  }
0x18a: {  	v2 =	vld @!p1 [tilespmem:s2+$0xF2A8];
	[tilespmem:s2+$0xF298] =	vst @!p1 v1  }
0x18b: {  	v1 =	vld @!p1 [tilespmem:$0xF1F8];
	_ =	sdelay $0x4  }
0x18c: {  	v1 =	vmax.f32 @!p1 v1, v2  }
0x18d: {  	[tilespmem:s2+$0xF2A8] =	vst @!p1 v1  }
0x18e: {  	s0 =	sshrl.u32 s0, $0x2;
	[tilespmem:s6+$0xF218] =	vst.msk $0x1, v0  }
0x18f: {  	v0 =	vld [tilespmem:s0+$0xF238];
	_ =	sdelay $0x2  }
0x190: {  	s31 =	sshll.u32 s6, $0x9  }
0x191: {  	s2 =	sshra.s32 s31, $0x2  }
0x192: {  	[tilespmem:s2+$0xF238] =	vst v0  }
0x193: {  	v0 =	vld [tilespmem:s0+$0xF248];
	_ =	sdelay $0x4  }
0x194: {  	[tilespmem:s2+$0xF248] =	vst v0  }
0x195: {  	v0 =	vld [tilespmem:s0+$0xF258];
	_ =	sdelay $0x4  }
0x196: {  	[tilespmem:s2+$0xF258] =	vst v0  }
0x197: {  	v0 =	vld [tilespmem:s0+$0xF268];
	_ =	sdelay $0x4  }
0x198: {  	[tilespmem:s2+$0xF268] =	vst v0  }
0x199: {  	v0 =	vld [tilespmem:s0+$0xF278];
	_ =	sdelay $0x4  }
0x19a: {  	[tilespmem:s2+$0xF278] =	vst v0  }
0x19b: {  	v0 =	vld [tilespmem:s0+$0xF288];
	_ =	sdelay $0x4  }
0x19c: {  	[tilespmem:s2+$0xF288] =	vst v0  }
0x19d: {  	v0 =	vld [tilespmem:s0+$0xF298];
	_ =	sdelay $0x4  }
0x19e: {  	[tilespmem:s2+$0xF298] =	vst v0  }
0x19f: {  	v0 =	vld [tilespmem:s0+$0xF2A8];
	_ =	sdelay $0x4  }
0x1a0: {  	s6 =	sadd.s32 $0x1, s6;
	[tilespmem:s2+$0xF2A8] =	vst v0  }
.LBB2_33:
0x1a1: {  	s11 =	sadd.s32 $0x1, s11  }
0x1a2: {  	p1 =	sne.s32 s11, $0x20  }
.Ltmp20:
0x1a3: {  	_ = 	snop;
	(pc) =	sbr.rel @!p1 .LBB2_34-.Ltmp20, $1  }
0x1a4: {  	_ =	sdelay $0x3  }
.LBB2_26:
0x1a5: {  	v0 =	vld.msk [tilespmem:s11+$0xF218], $0x1;
	_ =	sdelay $0x4  }
0x1a6: {  	(v2sf) =	vpush v0, $0x0;
	_ =	sdelay $0xe  }
0x1a7: {  	s0 =	spop (v2sf)  }
0x1a8: {  	p1 =	seq.s32 s0, $0xFFFFFFFF  }
.Ltmp21:
0x1a9: {  	_ = 	snop;
	(pc) =	sbr.rel @p1 .LBB2_33-.Ltmp21, $1  }
0x1aa: {  	_ =	sdelay $0x3  }
0x1ab: {  	p1 =	slt.s32 s6, $0x1  }
.Ltmp22:
0x1ac: {  	_ = 	snop;
	(pc) =	sbr.rel @p1 .LBB2_32-.Ltmp22, $1  }
0x1ad: {  	_ =	sdelay $0x3  }
0x1ae: {  	s12 =	simm.s32 $0xF218;
	p1 =	por $0x0, $0x0  }
0x1af: {  	v1 =	vld.msk @!p1 [tilespmem:s12+$0x0], $0x1;
	_ =	sdelay $0x4  }
0x1b0: {  	(v2sf) =	vpush @!p1 v1, $0x0;
	_ =	sdelay $0xd  }
0x1b1: {  	p3 =	sne.s32 s6, $0x1  }
.Ltmp23:
0x1b2: {  	s2 =	spop @!p1 (v2sf);
	(pc) =	sbr.rel @!p3 .LBB2_30-.Ltmp23, $4  }
0x1b3: {  	p2 =	seq.s32 @!p1 s0, s2  }
0x1b4: {  	s13 =	simm.s32 $0x0;
	p2 =	por !p2, p1  }
0x1b5: {  	s2 =	simm.s32 $0xFFFFFFFF;
	s13 =	simm.s32 @p2 $0xFFFFFFFF  }
0x1b6: {  	s4 =	simm.s32 $0x1;
	s13 =	smov.u32 @p1 s2  }
.LBB2_29:
0x1b7: {  	s2 =	smov.u32 s13;
	p1 =	sne.s32 s13, $0xFFFFFFFF  }
0x1b8: {  	s12 =	sadd.s32 $0x1, s12;
	s13 =	smov.u32 s4;
	s4 =	sadd.s32 $0x1, s4  }
0x1b9: {  	p2 =	sne.s32 s6, s4;
	v1 =	vld.msk @!p1 [tilespmem:s12+$0x0], $0x1;
	_ =	sdelay $0x4  }
0x1ba: {  	(v2sf) =	vpush @!p1 v1, $0x0;
	_ =	sdelay $0xe  }
.Ltmp24:
0x1bb: {  	s3 =	spop @!p1 (v2sf);
	(pc) =	sbr.rel @p2 .LBB2_29-.Ltmp24, $4  }
0x1bc: {  	p3 =	seq.s32 @!p1 s0, s3  }
0x1bd: {  	p3 =	por !p3, p1  }
0x1be: {  	s13 =	simm.s32 @p3 $0xFFFFFFFF  }
0x1bf: {  	s13 =	smov.u32 @p1 s2  }
.LBB2_30:
0x1c0: {  	p1 =	seq.s32 s13, $0xFFFFFFFF  }
.Ltmp25:
0x1c1: {  	_ = 	snop;
	(pc) =	sbr.rel @p1 .LBB2_32-.Ltmp25, $1  }
0x1c2: {  	_ =	sdelay $0x3  }
0x1c3: {  	s0 =	sshll.u32 s11, $0x7  }
0x1c4: {  	s2 =	sshll.u32 s13, $0x9;
	s0 =	sand.u32 $0x3FFFFF80, s0  }
0x1c5: {  	s2 =	sshra.s32 s2, $0x2;
	v0 =	vld [tilespmem:s0+$0xF238]  }
0x1c6: {  	v1 =	vld [tilespmem:s2+$0xF238];
	_ =	sdelay $0x4  }
0x1c7: {  	v0 =	vmax.f32 v0, v1  }
0x1c8: {  	v57 =	vld [tilespmem:s2+$0xF248];
	[tilespmem:s2+$0xF238] =	vst v0  }
0x1c9: {  	v0 =	vld [tilespmem:s0+$0xF248];
	_ =	sdelay $0x4  }
0x1ca: {  	v0 =	vmax.f32 v0, v57  }
0x1cb: {  	v58 =	vld [tilespmem:s2+$0xF258];
	[tilespmem:s2+$0xF248] =	vst v0  }
0x1cc: {  	v0 =	vld [tilespmem:s0+$0xF258];
	_ =	sdelay $0x4  }
0x1cd: {  	v0 =	vmax.f32 v0, v58  }
0x1ce: {  	v59 =	vld [tilespmem:s2+$0xF268];
	[tilespmem:s2+$0xF258] =	vst v0  }
0x1cf: {  	v0 =	vld [tilespmem:s0+$0xF268];
	_ =	sdelay $0x4  }
0x1d0: {  	v0 =	vmax.f32 v0, v59  }
0x1d1: {  	v60 =	vld [tilespmem:s2+$0xF278];
	[tilespmem:s2+$0xF268] =	vst v0  }
0x1d2: {  	v0 =	vld [tilespmem:s0+$0xF278];
	_ =	sdelay $0x4  }
0x1d3: {  	v0 =	vmax.f32 v0, v60  }
0x1d4: {  	v61 =	vld [tilespmem:s2+$0xF288];
	[tilespmem:s2+$0xF278] =	vst v0  }
0x1d5: {  	v0 =	vld [tilespmem:s0+$0xF288];
	_ =	sdelay $0x4  }
0x1d6: {  	v0 =	vmax.f32 v0, v61  }
0x1d7: {  	v62 =	vld [tilespmem:s2+$0xF298];
	[tilespmem:s2+$0xF288] =	vst v0  }
0x1d8: {  	v0 =	vld [tilespmem:s0+$0xF298];
	_ =	sdelay $0x4  }
0x1d9: {  	v0 =	vmax.f32 v0, v62  }
0x1da: {  	v63 =	vld [tilespmem:s2+$0xF2A8];
	[tilespmem:s2+$0xF298] =	vst v0  }
0x1db: {  	v0 =	vld [tilespmem:s0+$0xF2A8];
	_ =	sdelay $0x1  }
.Ltmp26:
0x1dc: {  	_ = 	snop;
	(pc) =	sbr.rel .LBB2_33-.Ltmp26, $3  }
0x1dd: {  	_ =	sdelay $0x1  }
0x1de: {  	v0 =	vmax.f32 v0, v63  }
0x1df: {  	[tilespmem:s2+$0xF2A8] =	vst v0  }
.LBB2_34:
0x1e0: {  	s0 =	simm.s32 $0x6;
	p1 =	seq.s32 s6, $0x0  }
0x1e1: {  	[sflag:s0] =	ssyncpa.u1 $0x1;
	v0 =	vimm.s32 @p1 $0xFFFFFFFF  }
0x1e2: {  	s0 =	sadd.s32 $0xFFFFFFFF, s6;
	[tilespmem:$0x10238] =	vst @p1 v0  }
0x1e3: {  	v0 =	vld.msk @!p1 [tilespmem:s0+$0xF218], $0x1;
	_ =	sdelay $0x1  }
0x1e4: {  	v1 =	vld.msk @!p1 [tilespmem:$0xF218], $0x1;
	_ =	sdelay $0x2  }
0x1e5: {  	p2 =	seq.s32 @!p1 s0, $0x0;
	v0 =	vbroadcast @!p1 v0, $0x0  }
0x1e6: {  	vm0 =	vmmov @!p1 $0x1;
	p2 =	por !p2, p1  }
0x1e7: {  	v1 =	vnsel @!p1 vm0, $0xFFFFFFFF, v1;
	vm0 =	vcmask @!p1 $0x308;
	v0 =	vpsel !p2, $0xFFFFFFFF, v0  }
0x1e8: {  	p2 =	sne.s32 @!p1 s8, s7;
	v0 =	vsel @!p1 vm0, v1, v0  }
0x1e9: {  	s2 =	simm.s32 @!p1 $0xF238;
	s3 =	simm.s32 @!p1 $0x0;
	p3 =	por !p2, p1;
	[tilespmem:$0x10238] =	vst @!p1 v0  }
0x1ea: {  	[spmem:s3] =	stream.linear.scatter @!p1 [tilespmem:s2], [sflag:$0x1], $0x80, $0x38;
	[tilespmem:$0x1F6F8] =	vst v63  }
0x1eb: {  	s2 =	sshll.u32 @!p3 s0, $0x9  }
0x1ec: {  	s2 =	sshra.s32 @!p3 s2, $0x2  }
0x1ed: {  	s3 =	simm.s32 @!p3 $0x80;
	s2 =	sadd.s32 @!p3 $0xF238, s2  }
0x1ee: {  	[spmem:s3] =	stream.linear.scatter @!p3 [tilespmem:s2], [sflag:$0x1], $0x80, $0x38;
	[tilespmem:$0x1F6F8] =	vst v63  }
0x1ef: {  	s2 =	simm.s32 @!p3 $0x1  }
0x1f0: {  	_ =	swait.ge @!p3 [sflag:s2], $0x100  }
0x1f1: {  	p1 =	por p2, p1;
	[sflag:s2] =	ssyncset.done @!p3 $0x0  }
0x1f2: {  	[sflag:s2] =	ssyncadd.s32 @!p3 $0xFFFFFF00;
	s2 =	simm.s32 @!p1 $0x1  }
0x1f3: {  	_ =	swait.ge @!p1 [sflag:s2], $0x80  }
0x1f4: {  	s29 =	simm.s32 $0x10238;
	[sflag:s2] =	ssyncset.done @!p1 $0x0  }
0x1f5: {  	s30 =	simm.s32 $0x1000;
	s31 =	simm.s32 $0x1;
	[sflag:s2] =	ssyncadd.s32 @!p1 $0xFFFFFF80  }
0x1f6: {  	[spmem:s30] =	stream.linear.scatter [tilespmem:s29], [sflag:$0x1], $0x10, $0x38;
	[tilespmem:$0x1F6F8] =	vst v63  }
0x1f7: {  	_ =	swait.ge [sflag:s31], $0x10  }
0x1f8: {  	[sflag:s31] =	ssyncset.done $0x0  }
0x1f9: {  	p1 =	seq.s32 s14, $0x0;
	s9 =	rddreg [dreg:$0x2];
	[sflag:s31] =	ssyncadd.s32 $0xFFFFFFF0  }
0x1fa: {  	s3 =	sshll.u32 @p1 s9, $0xE;
	s8 =	rddreg [dreg:$0x3]  }
0x1fb: {  	s2 =	sadd.s32 @p1 $0x15C3C, s3;
	s3 =	sshll.u32 @p1 s8, $0x11  }
0x1fc: {  	_ =	sfence.stream.spmem;
	s2 =	sor.u32 @p1 s3, s2  }
0x1fd: {  	[sflag:s2] =	ssyncadd.remote.s32 @p1 $0x1;
	s2 =	simm.s32 @p1 $0x4  }
0x1fe: {  	s4 =	simm.s32 @!p1 $0x3C;
	s3 =	sand.u32 $0xFFFFFFFE, s9;
	_ =	swait.ge @p1 [sflag:s2], $0x22  }
0x1ff: {  	s5 =	simm.s32 @!p1 $0x0;
	s3 =	sadd.s32 @!p1 $0x4, s3;
	[sflag:s2] =	ssyncset.done @p1 $0x0  }
0x200: {  	s7 =	simm.s32 @!p1 $0x100;
	[sflag:s2] =	ssyncadd.s32 @p1 $0xFFFFFFDE;
	s2 =	sshll.u32 @!p1 s3, $0x1A  }
0x201: {  	s3 =	sshll.u32 @!p1 s3, $0xD;
	s2 =	sor.u32 @!p1 s2, s8;
	_ =	swait.eq @!p1 [sflag:s4], $0x1  }
0x202: {  	s3 =	sor.u32 @!p1 $0x1C04, s3;
	s4 =	simm.s32 @!p1 $0x1C03;
	s2 =	sor.u32 @!p1 $0x80004000, s2  }
0x203: {  	[spmem:s7], [sflag:s3] =	dma.general @!p1 [spmem:s5], [sflag:s4], length:$0x20, [dreg:$0x0], stride_count:$0x0, ici_dest:s2, dma_misc:DstOpCode:WRITE  }
0x204: {  	p2 =	slt.s32 s0, $0x2;
	s5 =	simm.s32 @!p1 $0x200;
	s7 =	simm.s32 @!p1 $0x202  }
0x205: {  	[spmem:s7], [sflag:s3] =	dma.general @!p1 [spmem:s5], [sflag:s4], length:$0x2, [dreg:$0x0], stride_count:$0x0, ici_dest:s2, dma_misc:DstOpCode:WRITE  }
.Ltmp27:
0x206: {  	s2 =	simm.s32 @!p1 $0x3;
	(pc) =	sbr.rel @p2 .LBB2_38-.Ltmp27, $4  }
0x207: {  	s3 =	sshll.u32 @!p1 s9, $0xE;
	_ =	swait.ge @!p1 [sflag:s2], $0x22  }
0x208: {  	s4 =	sshll.u32 @!p1 s8, $0x11;
	s3 =	sadd.s32 @!p1 $0x11C3C, s3;
	[sflag:s2] =	ssyncset.done @!p1 $0x0  }
0x209: {  	[sflag:s2] =	ssyncadd.s32 @!p1 $0xFFFFFFDE;
	s2 =	sor.u32 @!p1 s4, s3  }
0x20a: {  	s0 =	simm.s32 $0x0;
	[sflag:s2] =	ssyncadd.remote.s32 @!p1 $0xFFFFFFFF  }
0x20b: {  	s0 =	simm.s32 $0xF219  }
0x20c: {  	v0 =	vld.msk [tilespmem:s0+$0x0], $0x1;
	_ =	sdelay $0x4  }
0x20d: {  	(v2sf) =	vpush v0, $0x0;
	_ =	sdelay $0xd  }
0x20e: {  	s3 =	sadd.s32 $0xFFFFFFFE, s6  }
0x20f: {  	s4 =	sadd.s32 $0xFFFFFFFF, s3;
	s2 =	spop (v2sf)  }
0x210: {  	p2 =	sne.s32 s4, $0x0;
	p1 =	sgt.u32 s2, $0x7CF0  }
.Ltmp28:
0x211: {  	s5 =	sand.u32 @!p1 $0x7FF8, s2;
	(pc) =	sbr.rel @!p2 .LBB2_37-.Ltmp28, $4  }
0x212: {  	s0 =	simm.s32 $0xF2B8;
	s2 =	sand.u32 @!p1 $0x7, s2;
	s3 =	sadd.s32 @!p1 s1, s5  }
0x213: {  	[hbm4b:s3+s2] =	stream.linear.scatter @!p1 [tilespmem:s0], [sflag:$0x5], $0x80, $0x38;
	[tilespmem:$0x1F6F8] =	vst v63  }
0x214: {  	s2 =	simm.s32 $0x0  }
0x215: {  	s6 =	simm.s32 $0xF21A;
	s5 =	simm.s32 $0x0;
	s2 =	simm.s32 @!p1 $0x200  }
.LBB2_36:
0x216: {  	v0 =	vld.msk [tilespmem:s6+$0x0], $0x1;
	s4 =	sadd.s32 $0xFFFFFFFF, s4;
	s5 =	sadd.s32 s5, s2  }
0x217: {  	p1 =	sne.s32 s4, $0x0;
	_ =	sdelay $0x3  }
0x218: {  	(v2sf) =	vpush v0, $0x0;
	_ =	sdelay $0xe  }
.Ltmp29:
0x219: {  	s3 =	spop (v2sf);
	(pc) =	sbr.rel @p1 .LBB2_36-.Ltmp29, $4  }
0x21a: {  	s2 =	simm.s32 $0x0;
	p2 =	sgt.u32 s3, $0x7CF0  }
0x21b: {  	s0 =	sadd.s32 $0x80, s0;
	s2 =	simm.s32 @!p2 $0x200;
	s7 =	sand.u32 @!p2 $0x7FF8, s3  }
0x21c: {  	s6 =	sadd.s32 $0x1, s6;
	s3 =	sand.u32 @!p2 $0x7, s3;
	s7 =	sadd.s32 @!p2 s1, s7  }
0x21d: {  	[hbm4b:s7+s3] =	stream.linear.scatter @!p2 [tilespmem:s0], [sflag:$0x5], $0x80, $0x38;
	[tilespmem:$0x1F6F8] =	vst v63  }
.LBB2_37:
0x21e: {  	s0 =	sadd.s32 s5, s2  }
0x21f: {  	s0 =	sshrl.u32 s0, $0x2  }
.LBB2_38:
0x220: {  	s2 =	simm.s32 $0x5  }
0x221: {  	_ =	swait.ge [sflag:s2], s0  }
0x222: {  	s31 =	ssub.s32 $0x0, s0;
	[sflag:s2] =	ssyncset.done $0x0  }
0x223: {  	[sflag:s2] =	ssyncadd.s32 s31  }
0x224: {  	[sflag:s2] =	ssyncpa.u1 $0x1  }
.LBB2_39:
0x225: {  	s0 =	sor.u32 s14, s15  }
0x226: {  	p1 =	sne.s32 s0, $0x0  }
.Ltmp30:
0x227: {  	_ = 	snop;
	(pc) =	sbr.rel @p1 .LBB2_54-.Ltmp30, $3  }
0x228: {  	_ =	sdelay $0x1  }
0x229: {  	[bflag:$0x0] =	sbarrier.arrive $0xFFFF  }
0x22a: {  	_ =	sfence  }
0x22b: {  	s0 =	simm.s32 $0x7  }
0x22c: {  	s2 =	simm.s32 $0x1000;
	s3 =	simm.s32 $0xF218;
	[sflag:s0] =	ssyncpa.u1 $0x0  }
0x22d: {  	[tilespmem:s3], [sflag:$0x7] =	stream.linear.gather [spmem:s2], $0x20, $0x38;
	[tilespmem:$0x1F6F8] =	vst v63  }
0x22e: {  	s30 =	simm.s32 $0xF238;
	s2 =	simm.s32 $0x0  }
0x22f: {  	[tilespmem:s30], [sflag:$0x7] =	stream.linear.gather [spmem:s2], $0x1000, $0x38;
	[tilespmem:$0x1F6F8] =	vst v63  }
.Ltmp31:
0x230: {  	_ = 	snop;
	(pc) =	sbr.rel .LBB2_41-.Ltmp31, $4  }
0x231: {  	_ =	swait.ge [sflag:s0], $0x1020  }
0x232: {  	[sflag:s0] =	ssyncset.done $0x0  }
0x233: {  	s31 =	simm.s32 $0x8;
	[sflag:s0] =	ssyncadd.s32 $0xFFFFEFE0  }
0x234: {  	s3 =	simm.s32 $0x0;
	[sflag:s31] =	ssyncpa.u1 $0x0  }
.LBB2_47:
0x235: {  	p1 =	slt.u32 s0, $0x7CF1  }
0x236: {  	s4 =	sand.u32 @p1 $0x7FF8, s0  }
0x237: {  	s0 =	sand.u32 @p1 $0x7, s0;
	s5 =	simm.s32 @p1 $0xF188;
	s4 =	sadd.s32 @p1 s1, s4  }
0x238: {  	[tilespmem:s5], [sflag:$0x8] =	stream.linear.gather @p1 [hbm4b:s4+s0], $0x80, $0x38;
	[tilespmem:$0x1F6F8] =	vst v63  }
0x239: {  	s0 =	simm.s32 @p1 $0x8  }
0x23a: {  	_ =	swait.ge @p1 [sflag:s0], $0x80  }
0x23b: {  	[sflag:s0] =	ssyncset.done @p1 $0x0  }
0x23c: {  	[sflag:s0] =	ssyncadd.s32 @p1 $0xFFFFFF80;
	s0 =	sshll.u32 @p1 s3, $0x9  }
0x23d: {  	s4 =	sshrl.u32 @p1 s0, $0x2;
	v1 =	vld @p1 [tilespmem:$0xF188]  }
0x23e: {  	v2 =	vld @p1 [tilespmem:s4+$0xF238];
	_ =	sdelay $0x4  }
0x23f: {  	v1 =	vmax.f32 @p1 v1, v2  }
0x240: {  	v2 =	vld @p1 [tilespmem:s4+$0xF248];
	[tilespmem:s4+$0xF238] =	vst @p1 v1  }
0x241: {  	v1 =	vld @p1 [tilespmem:$0xF198];
	_ =	sdelay $0x4  }
0x242: {  	v1 =	vmax.f32 @p1 v1, v2  }
0x243: {  	v2 =	vld @p1 [tilespmem:s4+$0xF258];
	[tilespmem:s4+$0xF248] =	vst @p1 v1  }
0x244: {  	v1 =	vld @p1 [tilespmem:$0xF1A8];
	_ =	sdelay $0x4  }
0x245: {  	v1 =	vmax.f32 @p1 v1, v2  }
0x246: {  	v2 =	vld @p1 [tilespmem:s4+$0xF268];
	[tilespmem:s4+$0xF258] =	vst @p1 v1  }
0x247: {  	v1 =	vld @p1 [tilespmem:$0xF1B8];
	_ =	sdelay $0x4  }
0x248: {  	v1 =	vmax.f32 @p1 v1, v2  }
0x249: {  	v2 =	vld @p1 [tilespmem:s4+$0xF278];
	[tilespmem:s4+$0xF268] =	vst @p1 v1  }
0x24a: {  	v1 =	vld @p1 [tilespmem:$0xF1C8];
	_ =	sdelay $0x4  }
0x24b: {  	v1 =	vmax.f32 @p1 v1, v2  }
0x24c: {  	v2 =	vld @p1 [tilespmem:s4+$0xF288];
	[tilespmem:s4+$0xF278] =	vst @p1 v1  }
0x24d: {  	v1 =	vld @p1 [tilespmem:$0xF1D8];
	_ =	sdelay $0x4  }
0x24e: {  	v1 =	vmax.f32 @p1 v1, v2  }
0x24f: {  	v2 =	vld @p1 [tilespmem:s4+$0xF298];
	[tilespmem:s4+$0xF288] =	vst @p1 v1  }
0x250: {  	v1 =	vld @p1 [tilespmem:$0xF1E8];
	_ =	sdelay $0x4  }
0x251: {  	v1 =	vmax.f32 @p1 v1, v2  }
0x252: {  	v2 =	vld @p1 [tilespmem:s4+$0xF2A8];
	[tilespmem:s4+$0xF298] =	vst @p1 v1  }
0x253: {  	v1 =	vld @p1 [tilespmem:$0xF1F8];
	_ =	sdelay $0x4  }
0x254: {  	s5 =	sshll.u32 @!p1 s3, $0x9;
	v1 =	vmax.f32 @p1 v1, v2  }
0x255: {  	s5 =	smov.u32 @p1 s0;
	[tilespmem:s4+$0xF2A8] =	vst @p1 v1  }
0x256: {  	s0 =	sshrl.u32 s5, $0x2;
	[tilespmem:s2+$0xF218] =	vst.msk $0x1, v0  }
0x257: {  	v0 =	vld [tilespmem:s0+$0xF238];
	_ =	sdelay $0x2  }
0x258: {  	s31 =	sshll.u32 s2, $0x9  }
0x259: {  	s4 =	sshra.s32 s31, $0x2  }
0x25a: {  	[tilespmem:s4+$0xF238] =	vst v0  }
0x25b: {  	v0 =	vld [tilespmem:s0+$0xF248];
	_ =	sdelay $0x4  }
0x25c: {  	[tilespmem:s4+$0xF248] =	vst v0  }
0x25d: {  	v0 =	vld [tilespmem:s0+$0xF258];
	_ =	sdelay $0x4  }
0x25e: {  	[tilespmem:s4+$0xF258] =	vst v0  }
0x25f: {  	v0 =	vld [tilespmem:s0+$0xF268];
	_ =	sdelay $0x4  }
0x260: {  	[tilespmem:s4+$0xF268] =	vst v0  }
0x261: {  	v0 =	vld [tilespmem:s0+$0xF278];
	_ =	sdelay $0x4  }
0x262: {  	[tilespmem:s4+$0xF278] =	vst v0  }
0x263: {  	v0 =	vld [tilespmem:s0+$0xF288];
	_ =	sdelay $0x4  }
0x264: {  	[tilespmem:s4+$0xF288] =	vst v0  }
0x265: {  	v0 =	vld [tilespmem:s0+$0xF298];
	_ =	sdelay $0x4  }
0x266: {  	[tilespmem:s4+$0xF298] =	vst v0  }
0x267: {  	v0 =	vld [tilespmem:s0+$0xF2A8];
	_ =	sdelay $0x4  }
0x268: {  	s2 =	sadd.s32 $0x1, s2;
	[tilespmem:s4+$0xF2A8] =	vst v0  }
.LBB2_48:
0x269: {  	s3 =	sadd.s32 $0x1, s3  }
0x26a: {  	p1 =	sne.s32 s3, $0x20  }
.Ltmp32:
0x26b: {  	_ = 	snop;
	(pc) =	sbr.rel @!p1 .LBB2_49-.Ltmp32, $1  }
0x26c: {  	_ =	sdelay $0x3  }
.LBB2_41:
0x26d: {  	v0 =	vld.msk [tilespmem:s3+$0xF218], $0x1;
	_ =	sdelay $0x4  }
0x26e: {  	(v2sf) =	vpush v0, $0x0;
	_ =	sdelay $0xe  }
0x26f: {  	s0 =	spop (v2sf)  }
0x270: {  	p1 =	seq.s32 s0, $0xFFFFFFFF  }
.Ltmp33:
0x271: {  	_ = 	snop;
	(pc) =	sbr.rel @p1 .LBB2_48-.Ltmp33, $1  }
0x272: {  	_ =	sdelay $0x3  }
0x273: {  	p1 =	slt.s32 s2, $0x1  }
.Ltmp34:
0x274: {  	_ = 	snop;
	(pc) =	sbr.rel @p1 .LBB2_47-.Ltmp34, $1  }
0x275: {  	_ =	sdelay $0x3  }
0x276: {  	s4 =	simm.s32 $0xF218;
	p1 =	por $0x0, $0x0  }
0x277: {  	v1 =	vld.msk @!p1 [tilespmem:s4+$0x0], $0x1;
	_ =	sdelay $0x4  }
0x278: {  	(v2sf) =	vpush @!p1 v1, $0x0;
	_ =	sdelay $0xd  }
0x279: {  	p3 =	sne.s32 s2, $0x1  }
.Ltmp35:
0x27a: {  	s5 =	spop @!p1 (v2sf);
	(pc) =	sbr.rel @!p3 .LBB2_45-.Ltmp35, $4  }
0x27b: {  	p2 =	seq.s32 @!p1 s0, s5  }
0x27c: {  	s5 =	simm.s32 $0x0;
	p2 =	por !p2, p1  }
0x27d: {  	s7 =	simm.s32 $0xFFFFFFFF;
	s5 =	simm.s32 @p2 $0xFFFFFFFF  }
0x27e: {  	s6 =	simm.s32 $0x1;
	s5 =	smov.u32 @p1 s7  }
.LBB2_44:
0x27f: {  	s7 =	smov.u32 s5;
	p1 =	sne.s32 s5, $0xFFFFFFFF  }
0x280: {  	s4 =	sadd.s32 $0x1, s4;
	s5 =	smov.u32 s6;
	s6 =	sadd.s32 $0x1, s6  }
0x281: {  	p2 =	sne.s32 s2, s6;
	v1 =	vld.msk @!p1 [tilespmem:s4+$0x0], $0x1;
	_ =	sdelay $0x4  }
0x282: {  	(v2sf) =	vpush @!p1 v1, $0x0;
	_ =	sdelay $0xe  }
.Ltmp36:
0x283: {  	s8 =	spop @!p1 (v2sf);
	(pc) =	sbr.rel @p2 .LBB2_44-.Ltmp36, $4  }
0x284: {  	p3 =	seq.s32 @!p1 s0, s8  }
0x285: {  	p3 =	por !p3, p1  }
0x286: {  	s5 =	simm.s32 @p3 $0xFFFFFFFF  }
0x287: {  	s5 =	smov.u32 @p1 s7  }
.LBB2_45:
0x288: {  	p1 =	seq.s32 s5, $0xFFFFFFFF  }
.Ltmp37:
0x289: {  	_ = 	snop;
	(pc) =	sbr.rel @p1 .LBB2_47-.Ltmp37, $1  }
0x28a: {  	_ =	sdelay $0x3  }
0x28b: {  	s0 =	sshll.u32 s3, $0x7  }
0x28c: {  	s4 =	sshll.u32 s5, $0x9;
	s0 =	sand.u32 $0x3FFFFF80, s0  }
0x28d: {  	s4 =	sshra.s32 s4, $0x2;
	v0 =	vld [tilespmem:s0+$0xF238]  }
0x28e: {  	v1 =	vld [tilespmem:s4+$0xF238];
	_ =	sdelay $0x4  }
0x28f: {  	v0 =	vmax.f32 v0, v1  }
0x290: {  	v57 =	vld [tilespmem:s4+$0xF248];
	[tilespmem:s4+$0xF238] =	vst v0  }
0x291: {  	v0 =	vld [tilespmem:s0+$0xF248];
	_ =	sdelay $0x4  }
0x292: {  	v0 =	vmax.f32 v0, v57  }
0x293: {  	v58 =	vld [tilespmem:s4+$0xF258];
	[tilespmem:s4+$0xF248] =	vst v0  }
0x294: {  	v0 =	vld [tilespmem:s0+$0xF258];
	_ =	sdelay $0x4  }
0x295: {  	v0 =	vmax.f32 v0, v58  }
0x296: {  	v59 =	vld [tilespmem:s4+$0xF268];
	[tilespmem:s4+$0xF258] =	vst v0  }
0x297: {  	v0 =	vld [tilespmem:s0+$0xF268];
	_ =	sdelay $0x4  }
0x298: {  	v0 =	vmax.f32 v0, v59  }
0x299: {  	v60 =	vld [tilespmem:s4+$0xF278];
	[tilespmem:s4+$0xF268] =	vst v0  }
0x29a: {  	v0 =	vld [tilespmem:s0+$0xF278];
	_ =	sdelay $0x4  }
0x29b: {  	v0 =	vmax.f32 v0, v60  }
0x29c: {  	v61 =	vld [tilespmem:s4+$0xF288];
	[tilespmem:s4+$0xF278] =	vst v0  }
0x29d: {  	v0 =	vld [tilespmem:s0+$0xF288];
	_ =	sdelay $0x4  }
0x29e: {  	v0 =	vmax.f32 v0, v61  }
0x29f: {  	v62 =	vld [tilespmem:s4+$0xF298];
	[tilespmem:s4+$0xF288] =	vst v0  }
0x2a0: {  	v0 =	vld [tilespmem:s0+$0xF298];
	_ =	sdelay $0x4  }
0x2a1: {  	v0 =	vmax.f32 v0, v62  }
0x2a2: {  	v63 =	vld [tilespmem:s4+$0xF2A8];
	[tilespmem:s4+$0xF298] =	vst v0  }
0x2a3: {  	v0 =	vld [tilespmem:s0+$0xF2A8];
	_ =	sdelay $0x1  }
.Ltmp38:
0x2a4: {  	_ = 	snop;
	(pc) =	sbr.rel .LBB2_48-.Ltmp38, $3  }
0x2a5: {  	_ =	sdelay $0x1  }
0x2a6: {  	v0 =	vmax.f32 v0, v63  }
0x2a7: {  	[tilespmem:s4+$0xF2A8] =	vst v0  }
.LBB2_49:
0x2a8: {  	p1 =	slt.s32 s2, $0x1  }
.Ltmp39:
0x2a9: {  	_ = 	snop;
	(pc) =	sbr.rel @p1 .LBB2_53-.Ltmp39, $3  }
0x2aa: {  	_ =	sdelay $0x1  }
0x2ab: {  	s0 =	simm.s32 $0x8  }
0x2ac: {  	[sflag:s0] =	ssyncpa.u1 $0x1;
	s0 =	simm.s32 $0x0  }
0x2ad: {  	s3 =	simm.s32 $0xF218  }
0x2ae: {  	v0 =	vld.msk [tilespmem:s3+$0x0], $0x1;
	_ =	sdelay $0x4  }
0x2af: {  	(v2sf) =	vpush v0, $0x0;
	_ =	sdelay $0xe  }
0x2b0: {  	s2 =	sadd.s32 $0xFFFFFFFF, s2;
	s4 =	spop (v2sf)  }
0x2b1: {  	p2 =	sne.s32 s2, $0x0;
	p1 =	sgt.u32 s4, $0x7CF0  }
.Ltmp40:
0x2b2: {  	s5 =	sand.u32 @!p1 $0x7FF8, s4;
	(pc) =	sbr.rel @!p2 .LBB2_52-.Ltmp40, $4  }
0x2b3: {  	s3 =	simm.s32 $0xF238;
	s4 =	sand.u32 @!p1 $0x7, s4;
	s5 =	sadd.s32 @!p1 s1, s5  }
0x2b4: {  	[hbm4b:s5+s4] =	stream.linear.scatter @!p1 [tilespmem:s3], [sflag:$0x7], $0x80, $0x38;
	[tilespmem:$0x1F6F8] =	vst v63  }
0x2b5: {  	s5 =	simm.s32 $0x0  }
0x2b6: {  	s4 =	simm.s32 $0xF219;
	s5 =	simm.s32 @!p1 $0x200  }
.LBB2_51:
0x2b7: {  	v0 =	vld.msk [tilespmem:s4+$0x0], $0x1;
	s2 =	sadd.s32 $0xFFFFFFFF, s2;
	s0 =	sadd.s32 s0, s5  }
0x2b8: {  	p1 =	sne.s32 s2, $0x0;
	_ =	sdelay $0x3  }
0x2b9: {  	(v2sf) =	vpush v0, $0x0;
	_ =	sdelay $0xe  }
.Ltmp41:
0x2ba: {  	s6 =	spop (v2sf);
	(pc) =	sbr.rel @p1 .LBB2_51-.Ltmp41, $4  }
0x2bb: {  	s5 =	simm.s32 $0x0;
	p2 =	sgt.u32 s6, $0x7CF0  }
0x2bc: {  	s3 =	sadd.s32 $0x80, s3;
	s5 =	simm.s32 @!p2 $0x200;
	s7 =	sand.u32 @!p2 $0x7FF8, s6  }
0x2bd: {  	s4 =	sadd.s32 $0x1, s4;
	s6 =	sand.u32 @!p2 $0x7, s6;
	s7 =	sadd.s32 @!p2 s1, s7  }
0x2be: {  	[hbm4b:s7+s6] =	stream.linear.scatter @!p2 [tilespmem:s3], [sflag:$0x7], $0x80, $0x38;
	[tilespmem:$0x1F6F8] =	vst v63  }
.LBB2_52:
0x2bf: {  	s0 =	sadd.s32 s0, s5  }
0x2c0: {  	s0 =	sshrl.u32 s0, $0x2  }
.LBB2_53:
0x2c1: {  	s1 =	simm.s32 $0x7  }
0x2c2: {  	_ =	swait.ge [sflag:s1], s0  }
0x2c3: {  	s31 =	ssub.s32 $0x0, s0;
	[sflag:s1] =	ssyncset.done $0x0  }
0x2c4: {  	[sflag:s1] =	ssyncadd.s32 s31  }
0x2c5: {  	[sflag:s1] =	ssyncpa.u1 $0x1  }
.LBB2_54:
0x2c6: {  	_ =	sfence;
	s0 =	simm.s32 $0x1  }
0x2c7: {  	[sflag:s0] =	ssyncpa.u1 $0x1  }
0x2c8: {  	_ =	strace $0x9000005C  }
0x2c9: {  	[bflag:$0x2] =	sbarrier.arrive $0xFFFF  }
0x2ca: {  	s0 =	rddreg [dreg:$0x4]  }
0x2cb: {  	s0 =	sadd.s32 @!p0 $0x100000, s0  }
0x2cc: {  	[sflag:s0] =	ssyncadd.tile.s32 @!p0 $0x1;
	_ =	shalt  }
.Lfunc_end2:
_tile_overlayer_lowered:
.L_overlay_start_2:
0x2cd: {  	(tag) =	ssettag $0x2  }
0x2ce: {  	s0 =	rddreg [dreg:$0x0];
	s2 =	stileid.u32  }
0x2cf: {  	s1 =	rddreg [dreg:$0x1];
	p0 =	sne.s32 s2, $0x0  }
0x2d0: {  	s3 =	rddreg [dreg:$0x2];
	[bflag:$0x3] =	sbarrier.arrive $0xFFFF;
	s2 =	simm.s32 @!p0 $0x1C01  }
0x2d1: {  	[timem:s3], [sflag:s2] =	dma.local @!p0 [hbm:s0], s1  }
0x2d2: {  	s0 =	simm.s32 @!p0 $0x1  }
0x2d3: {  	_ =	swait.ge @!p0 [sflag:s0], s1  }
0x2d4: {  	s1 =	ssub.s32 @!p0 $0x0, s1;
	[sflag:s0] =	ssyncset.done @!p0 $0x0  }
0x2d5: {  	[sflag:s0] =	ssyncadd.s32 @!p0 s1  }
0x2d6: {  	[bflag:$0x3] =	sbarrier.arrive $0xFFFF  }
0x2d7: {  	_ =	shalt  }

// kernel: scatter_offload_async_start
scs
__scs_entry_jumppad:
0x0: {  	(pc) =	sbr.rel $0x88, $3  }
0x1: {  	(tag) =	ssettag $0x0;
	lr =	simm.s32 $0x1  }
0x2: {  	[smem:$0x3F92] =	sst lr;
	_ =	strace $0xD0000000  }
0x3: {  	_ = 	snop  }
0x4: {  	_ = 	snop  }
0x5: {  	_ = 	snop  }
0x6: {  	_ = 	snop  }
0x7: {  	_ = 	snop  }
__scs_overlays_trampoline_lowered:
0x8: {  	[smem:$0x3FA1] =	sst s0  }
0x9: {  	[smem:$0x3FA2] =	sst s1  }
0xa: {  	[smem:$0x3FA3] =	sst s2  }
0xb: {  	[smem:$0x3FA4] =	sst s3  }
0xc: {  	[smem:$0x3FA5] =	sst s4  }
0xd: {  	[smem:$0x3FA6] =	sst s5  }
0xe: {  	[smem:$0x3FA7] =	sst s6  }
0xf: {  	[smem:$0x3FA8] =	sst s7  }
0x10: {  	[smem:$0x3FA9] =	sst s8  }
0x11: {  	[smem:$0x3FAA] =	sst s9;
	s0 =	simm.s32 @!p0 $0x0  }
0x12: {  	s1 =	sld [smem:$0x3F90];
	s0 =	simm.s32 @p0 $0x1  }
0x13: {  	[smem:$0x3FAB] =	sst s0;
	s0 =	simm.s32 @!p1 $0x0  }
0x14: {  	s2 =	sld [smem:$0x3F8F];
	s0 =	simm.s32 @p1 $0x1  }
0x15: {  	[smem:$0x3FAC] =	sst s0;
	s0 =	simm.s32 @!p2 $0x0  }
0x16: {  	s3 =	sld [smem:$0x3FDB];
	s0 =	simm.s32 @p2 $0x1  }
0x17: {  	s4 =	simm.s32 $0x1BF5;
	[smem:$0x3FAE] =	sst s0  }
0x18: {  	s0 =	sld [smem:$0x3F91];
	_ =	swait.ge [sflag:s4], $0x0  }
0x19: {  	s7 =	sld [smem:$0x3F92]  }
0x1a: {  	s8 =	sadd.s32 $0xFFFFE003, lr  }
0x1b: {  	s9 =	sadd.s32 $0xFFFFFEF7, lr;
	s5 =	simm.s32 $0xFFFFFFFF;
	p2 =	slt.u32 s8, $0xFFFFF086  }
0x1c: {  	p1 =	slt.u32 s9, $0xF7A;
	s5 =	simm.s32 @!p2 $0x0  }
0x1d: {  	s5 =	simm.s32 @p1 $0x1;
	p0 =	seq.s32 s7, s2  }
0x1e: {  	s7 =	smul.u32 @!p0 $0xF7A, s2;
	p2 =	seq.s32 @!p0 s5, $0x0  }
0x1f: {  	s9 =	smul.u32 $0xF7A, s1;
	s8 =	simm.s32 @!p0 $0x1BF5;
	p2 =	por !p2, p0  }
0x20: {  	[sflag:s8] =	ssyncset.s32 @!p0 $0xFFFFF086;
	s6 =	sadd.s32 @!p0 s3, s7;
	s7 =	simm.s32 @!p0 $0x108  }
0x21: {  	s3 =	sadd.s32 s3, s9;
	s6 =	sadd.s32 @!p0 $0x88, s6;
	s7 =	simm.s32 @p2 $0x1082  }
0x22: {  	[simem:s7], [sflag:s8] =	dma.local @!p0 [hbm:s6], $0xF7A  }
0x23: {  	s9 =	sor.u32 $0xD0000000, s2;
	s6 =	simm.s32 $0x108;
	_ =	swait.ge @!p0 [sflag:s8], $0x0  }
0x24: {  	s3 =	sadd.s32 $0x88, s3;
	s6 =	simm.s32 @!p1 $0x1082;
	[sflag:s4] =	ssyncset.s32 $0xFFFFF086  }
0x25: {  	[simem:s6], [sflag:s4] =	dma.local [hbm:s3], $0xF7A  }
0x26: {  	[smem:$0x3F92] =	sst s1;
	(tag) =	ssettag s2;
	_ =	strace s9  }
0x27: {  	s1 =	sld [smem:$0x3FA2]  }
0x28: {  	s2 =	sld [smem:$0x3FA3]  }
0x29: {  	s4 =	sld [smem:$0x3FA5]  }
0x2a: {  	p0 =	seq.s32 s5, $0x0;
	s5 =	sld [smem:$0x3FA6]  }
0x2b: {  	s6 =	sld [smem:$0x3FA7]  }
0x2c: {  	s7 =	sld [smem:$0x3FA8]  }
0x2d: {  	s3 =	simm.s32 $0x108;
	s8 =	sld [smem:$0x3FA9]  }
0x2e: {  	s3 =	simm.s32 @!p0 $0x1082;
	s9 =	sld [smem:$0x3FAA]  }
0x2f: {  	lr =	sadd.s32 s0, s3;
	s0 =	sld [smem:$0x3FA1]  }
0x30: {  	s3 =	sld [smem:$0x3FA4]  }
0x31: {  	[smem:$0x3FAD] =	sst s10  }
0x32: {  	s10 =	sld [smem:$0x3FAB];
	_ =	sdelay $0x3  }
0x33: {  	p0 =	seq.s32 s10, $0x1;
	s10 =	sld [smem:$0x3FAD];
	_ =	sdelay $0x3  }
0x34: {  	[smem:$0x3FAD] =	sst s10  }
0x35: {  	s10 =	sld [smem:$0x3FAC];
	_ =	sdelay $0x3  }
0x36: {  	p1 =	seq.s32 s10, $0x1;
	s10 =	sld [smem:$0x3FAD];
	_ =	sdelay $0x3  }
0x37: {  	[smem:$0x3FAD] =	sst s10  }
0x38: {  	s10 =	sld [smem:$0x3FAE]  }
0x39: {  	_ = 	snop;
	(pc) =	sbr.ind lr, $3  }
0x3a: {  	_ = 	snop  }
0x3b: {  	_ = 	snop  }
0x3c: {  	p2 =	seq.s32 s10, $0x1;
	s10 =	sld [smem:$0x3FAD]  }
0x3d: {  	_ =	shalt  }
0x3e: {  	_ =	shalt  }
0x3f: {  	_ =	shalt  }
0x40: {  	_ =	shalt  }
0x41: {  	_ =	shalt  }
0x42: {  	_ =	shalt  }
0x43: {  	_ =	shalt  }
0x44: {  	_ =	shalt  }
0x45: {  	_ =	shalt  }
0x46: {  	_ =	shalt  }
0x47: {  	_ =	shalt  }
0x48: {  	_ =	shalt  }
0x49: {  	_ =	shalt  }
0x4a: {  	_ =	shalt  }
0x4b: {  	_ =	shalt  }
0x4c: {  	_ =	shalt  }
0x4d: {  	_ =	shalt  }
0x4e: {  	_ =	shalt  }
0x4f: {  	_ =	shalt  }
0x50: {  	_ =	shalt  }
0x51: {  	_ =	shalt  }
0x52: {  	_ =	shalt  }
0x53: {  	_ =	shalt  }
0x54: {  	_ =	shalt  }
0x55: {  	_ =	shalt  }
0x56: {  	_ =	shalt  }
0x57: {  	_ =	shalt  }
0x58: {  	_ =	shalt  }
0x59: {  	_ =	shalt  }
0x5a: {  	_ =	shalt  }
0x5b: {  	_ =	shalt  }
0x5c: {  	_ =	shalt  }
0x5d: {  	_ =	shalt  }
0x5e: {  	_ =	shalt  }
0x5f: {  	_ =	shalt  }
0x60: {  	_ =	shalt  }
0x61: {  	_ =	shalt  }
0x62: {  	_ =	shalt  }
0x63: {  	_ =	shalt  }
0x64: {  	_ =	shalt  }
0x65: {  	_ =	shalt  }
0x66: {  	_ =	shalt  }
0x67: {  	_ =	shalt  }
0x68: {  	_ =	shalt  }
0x69: {  	_ =	shalt  }
0x6a: {  	_ =	shalt  }
0x6b: {  	_ =	shalt  }
0x6c: {  	_ =	shalt  }
0x6d: {  	_ =	shalt  }
0x6e: {  	_ =	shalt  }
0x6f: {  	_ =	shalt  }
0x70: {  	_ =	shalt  }
0x71: {  	_ =	shalt  }
0x72: {  	_ =	shalt  }
0x73: {  	_ =	shalt  }
0x74: {  	_ =	shalt  }
0x75: {  	_ =	shalt  }
0x76: {  	_ =	shalt  }
0x77: {  	_ =	shalt  }
0x78: {  	_ =	shalt  }
0x79: {  	_ =	shalt  }
0x7a: {  	_ =	shalt  }
0x7b: {  	_ =	shalt  }
0x7c: {  	_ =	shalt  }
0x7d: {  	_ =	shalt  }
0x7e: {  	_ =	shalt  }
0x7f: {  	_ =	shalt  }
0x80: {  	_ =	shalt  }
0x81: {  	_ =	shalt  }
0x82: {  	_ =	shalt  }
0x83: {  	_ =	shalt  }
0x84: {  	_ =	shalt  }
0x85: {  	_ =	shalt  }
0x86: {  	_ =	shalt  }
0x87: {  	_ =	shalt  }
.Lfunc_end0:
.L_simem_size_0:
called_computation_lowered:
.L_overlay_start_0:
0x88: {  	s0 =	sld [smem:$0x3FD9]  }
0x89: {  	s1 =	sld [smem:$0x3FFE];
	_ =	sdelay $0x3  }
0x8a: {  	s0 =	sadd.s32 s1, s0  }
0x8b: {  	[smem:$0x3FB9] =	sst s0  }
0x8c: {  	_ = 	snop  }
0x8d: {  	s0 =	sld [smem:$0x3FD0];
	_ =	sdelay $0x2  }
0x8e: {  	s13 =	simm.s32 $0xE;
	s2 =	simm.s32 $0x10  }
0x8f: {  	[smem:s2], [sflag:s13] =	dma.local [hbm:s0], $0x1  }
0x90: {  	_ =	swait.eq [sflag:s13], $0x1  }
0x91: {  	[sflag:s13] =	ssyncset.done $0x0  }
0x92: {  	[sflag:s13] =	ssyncadd.s32 $0xFFFFFFFF  }
0x93: {  	s14 =	sld [smem:$0x10];
	(tm) =	ssettm $0x1  }
0x94: {  	s15 =	sld [smem:$0x3FFB];
	_ =	sdelay $0x3  }
0x95: {  	_ =	strace s15  }
0x96: {  	s1 =	sld [smem:$0x3FFC];
	_ =	sdelay $0x3  }
0x97: {  	_ =	strace s1  }
0x98: {  	s1 =	sld [smem:$0x3FFD];
	_ =	sdelay $0x3  }
0x99: {  	_ =	strace s1  }
0x9a: {  	_ =	strace $0x8FFFFFFF  }
0x9b: {  	s16 =	sld [smem:$0x3FDB];
	_ =	sdelay $0x1  }
0x9c: {  	s17 =	simm.s32 $_scs_section_size  }
0x9d: {  	s3 =	simm.s32 $_size__tile_overlayer_lowered;
	s4 =	simm.s32 $_tile_overlayer_lowered  }
0x9e: {  	s20 =	simm.s32 $0x1BFF;
	s19 =	sshll.u32 s4, $0x1;
	s1 =	sadd.s32 s17, s16  }
0x9f: {  	s5 =	simm.s32 $0x0;
	s18 =	sshll.u32 s3, $0x1;
	s3 =	sadd.s32 s19, s1  }
0xa0: {  	[timem:s5], [sflag:s20] =	dma.local [hbm:s3], s18  }
0xa1: {  	_ =	swait.ge [sflag:s20], s18  }
0xa2: {  	s2 =	ssub.s32 $0x0, s18;
	[sflag:s20] =	ssyncset.done $0x0  }
0xa3: {  	[sflag:s20] =	ssyncadd.s32 s2;
	_ =	sdelay $0x1  }
0xa4: {  	s21 =	simm.s32 $0x1B8B  }
0xa5: {  	_ =	swait.ge [sflag:s21], $0x1  }
0xa6: {  	[sflag:s21] =	ssyncset.done $0x0  }
0xa7: {  	s23 =	simm.s32 $0x1B8E;
	s22 =	sld [smem:$0x3FFE];
	[sflag:s21] =	ssyncadd.s32 $0xFFFFFFFF  }
0xa8: {  	s24 =	simm.s32 $execute0_lowered;
	[smem:$0x3FD2] =	sst s23  }
0xa9: {  	s3 =	sshll.u32 s24, $0x1;
	_ =	strace $0x80000046;
	[dreg:$0x1] =	wrdreg $0xFFFFFFFF  }
0xaa: {  	s25 =	simm.s32 $_size_execute0_lowered;
	s1 =	sadd.s32 s1, s3;
	[dreg:$0x0] =	wrdreg $0x0  }
0xab: {  	s3 =	sshll.u32 s25, $0x1;
	[dreg:$0x2] =	wrdreg s1  }
0xac: {  	[dreg:$0x3] =	wrdreg s3  }
0xad: {  	[dreg:$0x4] =	wrdreg $0xC0  }
0xae: {  	_ =	task [dreg:s5], $0x5FFFF  }
0xaf: {  	[dreg:$0x1] =	wrdreg $0xFFFFFFFF  }
0xb0: {  	[dreg:$0x0] =	wrdreg $0x60  }
0xb1: {  	[dreg:$0x2] =	wrdreg s14  }
0xb2: {  	[dreg:$0x3] =	wrdreg s22  }
0xb3: {  	[dreg:$0x4] =	wrdreg $0xB  }
0xb4: {  	_ =	task.clear_ibuf [dreg:s5], $0x5FFFF;
	_ =	strace $0x90000046  }
0xb5: {  	s26 =	simm.s32 $0xB;
	_ =	strace $0x80000048  }
0xb6: {  	_ =	swait.ge [sflag:s26], $0x1  }
0xb7: {  	[sflag:s26] =	ssyncadd.s32 $0xFFFFFFFF  }
0xb8: {  	_ =	strace $0x90000048  }
0xb9: {  	_ =	sfence  }
0xba: {  	s28 =	sld [smem:$0x0];
	_ =	sdelay $0x1  }
0xbb: {  	s29 =	srdreg.scid  }
0xbc: {  	s30 =	sshll.u32 s29, $0xD;
	s31 =	sshrl.u32 s29, $0x2  }
0xbd: {  	s2 =	sand.u32 $0x4000, s30;
	s1 =	sand.u32 $0x1, s29;
	s0 =	sadd.s32 s31, s28  }
0xbe: {  	s1 =	sor.u32 s2, s1;
	s0 =	sshll.u32 s0, $0x11  }
0xbf: {  	s0 =	sor.u32 s0, s1  }
0xc0: {  	s0 =	sadd.s32 $0x8F2B, s0  }
0xc1: {  	[sflag:s0] =	ssyncadd.remote.s32 $0x1  }
0xc2: {  	_ =	sfence.sel $0xFFFF  }
0xc3: {  	[dreg:$0x0] =	wrdreg $0xFFFFFFFF;
	(pc) =	sbr.abs _section_cstart, $3  }
0xc4: {  	[dreg:$0x1] =	wrdreg $0xFFFFFFFF  }
0xc5: {  	_ =	task.clear_ibuf [dreg:s5], $0x2FFFF;
	_ =	strace $0x9FFFFFFF  }
0xc6: {  	(tm) =	ssettm $0x7FFFFFFF  }
0xc7: {  	_ =	shalt  }
tec
execute0_lowered:
.L_overlay_start_1:
0x0: {  	(tag) =	ssettag $0x1  }
0x1: {  	s1 =	rddreg [dreg:$0x0]  }
0x2: {  	s0 =	rddreg [dreg:$0x1];
	_ =	strace $0x80000047;
	s15 =	stileid.u32  }
0x3: {  	s2 =	simm.s32 $0x1;
	s4 =	smin.u32 s15, $0x8;
	s3 =	sshll.u32 s15, $0x1  }
0x4: {  	v1 =	vimm.s32 $0xFFFFFFFF;
	[sflag:s2] =	ssyncpa.u1 $0x0;
	s4 =	sadd.s32 s4, s3  }
0x5: {  	s5 =	simm.s32 $0x5DC0;
	p0 =	slt.u32 s15, $0x8;
	[tilespmem:$0x10] =	vst v1;
	s4 =	smul.u32 $0x1F40, s4  }
0x6: {  	v0 =	vimm.f32 $0.0e+00;
	[tilespmem:$0x20] =	vst v1;
	s5 =	simm.s32 @!p0 $0x3E80  }
0x7: {  	[tilespmem:$0x30] =	vst v0;
	s5 =	sadd.s32 s5, s4  }
0x8: {  	[tilespmem:$0x40] =	vst v0;
	s5 =	smin.u32 s5, $0x4E200  }
0x9: {  	s7 =	simm.s32 $0x2;
	[tilespmem:$0x50] =	vst v0;
	s9 =	ssub.s32 s5, s4  }
0xa: {  	s8 =	simm.s32 $0x8;
	s31 =	simm.s32 $0x9;
	[tilespmem:$0x60] =	vst v1;
	p0 =	sgt.s32 s9, $0x0  }
0xb: {  	s16 =	simm.s32 $0x0;
	s17 =	simm.s32 $0xF0;
	[tilespmem:$0x70] =	vst v1;
	s9 =	simm.s32 @!p0 $0x0  }
0xc: {  	s18 =	simm.s32 $0xFFFFFFFF;
	s19 =	simm.s32 $0xFFFFC280;
	[tilespmem:$0x80] =	vst v1;
	s6 =	smulhi.u32 $0x10624DD3, s9  }
0xd: {  	s20 =	simm.s32 $0xFFFFFFFE;
	s21 =	simm.s32 $0xF;
	s25 =	simm.s32 $0x0;
	v1 =	vimm.s32 $0x0;
	[tilespmem:$0xB0] =	vst v0  }
0xe: {  	s24 =	simm.s32 $0x0;
	s15 =	sshllo.u32 s15, $0x1;
	[tilespmem:$0x90] =	vst v1;
	s10 =	sshrl.u32 s6, $0x9  }
0xf: {  	[tilespmem:$0xA0] =	vst v1;
	[sflag:s7] =	ssyncpa.u1 $0x0;
	s7 =	simm.s32 $0x7;
	s11 =	smul.u32 $0x1F40, s10  }
.Ltmp0:
0x10: {  	s13 =	sor.u32 $0x80, s3;
	[sflag:s7] =	ssyncpa.u1 $0x0;
	(pc) =	sbr.rel .LBB2_1-.Ltmp0, $4  }
0x11: {  	s14 =	sor.u32 $0x81, s3;
	[sflag:s8] =	ssyncpa.u1 $0x0;
	p0 =	sne.s32 s9, s11  }
0x12: {  	s23 =	smov.u32 s4;
	[sflag:s31] =	ssyncpa.u1 $0x0;
	s2 =	simm.s32 @!p0 $0x0  }
0x13: {  	vm0 =	vmmov $0xffff;
	v2 =	vlaneseq.u32;
	s6 =	sadd.s32 $0x4F6C00, s0;
	s9 =	sadd.s32 $0x500A00, s0;
	s10 =	sadd.s32 s2, s10  }
0x14: {  	vm1 =	vmxor vm1, vm1;
	vm2 =	vmmov $0x1;
	vm3 =	vcmask $0x3F3C;
	p0 =	por $0x0, $0x0;
	s11 =	sadd.s32 $0x1, s10;
	s12 =	sadd.s32 $0x2, s10  }
.LBB2_9:
0x15: {  	p1 =	slt.u32 s24, $0x3  }
0x16: {  	s0 =	simm.s32 @!p1 $0x2  }
0x17: {  	_ =	swait.ge @!p1 [sflag:s0], $0x1F40  }
0x18: {  	[sflag:s0] =	ssyncset.done @!p1 $0x0  }
0x19: {  	[sflag:s0] =	ssyncadd.s32 @!p1 $0xFFFFE0C0;
	s0 =	simm.s32 @!p1 $0x9  }
0x1a: {  	_ =	swait.ge @!p1 [sflag:s0], $0x10  }
0x1b: {  	[sflag:s0] =	ssyncset.done @!p1 $0x0  }
0x1c: {  	[sflag:s0] =	ssyncadd.s32 @!p1 $0xFFFFFFF0;
	p1 =	sne.s32 s24, s12  }
.Ltmp1:
0x1d: {  	s2 =	sadd.s32 $0x1F40, s23;
	(pc) =	sbr.rel @!p1 .LBB2_10-.Ltmp1, $4  }
0x1e: {  	s22 =	smov.u32 s4;
	s31 =	sadd.s32 $0x1, s24;
	s17 =	sadd.s32 $0x1F40, s17  }
0x1f: {  	s18 =	sadd.s32 $0x1, s18;
	s25 =	smov.u32 s23;
	p2 =	slt.s32 s2, s5  }
0x20: {  	p0 =	por !p0, !p0;
	s19 =	sadd.s32 $0x1F40, s19;
	s22 =	smov.u32 @p2 s2  }
0x21: {  	s20 =	sadd.s32 $0x1, s20;
	s23 =	smov.u32 s22;
	s24 =	smov.u32 s31  }
.LBB2_1:
0x22: {  	p1 =	sge.u32 s24, s10  }
0x23: {  	s0 =	smulhi.u32 @!p1 $0xAAAAAAAB, s24;
	_ =	sdelay $0x1  }
0x24: {  	s0 =	sshrl.u32 @!p1 s0, $0x1  }
0x25: {  	s0 =	smul.u32 @!p1 $0x3, s0;
	_ =	sdelay $0x1  }
0x26: {  	s0 =	ssub.s32 @!p1 s24, s0  }
0x27: {  	s0 =	smul.u32 @!p1 $0x7D00, s0;
	_ =	sdelay $0x1  }
0x28: {  	s2 =	sshrl.u32 @!p1 s23, $0x3;
	s0 =	sshrl.u32 @!p1 s0, $0x2  }
0x29: {  	s22 =	sand.u32 @!p1 $0x7, s23;
	s2 =	sadd.s32 @!p1 s6, s2;
	s0 =	sadd.s32 @!p1 $0x100, s0  }
0x2a: {  	[tilespmem:s0], [sflag:$0x7] =	stream.linear.gather @!p1 [hbm4b:s2+s22], $0x1F40, $0x38;
	[tilespmem:$0x11A60] =	vst v63  }
0x2b: {  	s0 =	sadd.s32 $0xFFFFFFFF, s24  }
0x2c: {  	p1 =	sge.u32 s0, s10  }
.Ltmp2:
0x2d: {  	_ = 	snop;
	(pc) =	sbr.rel @p1 .LBB2_5-.Ltmp2, $1  }
0x2e: {  	_ =	sdelay $0x3  }
0x2f: {  	s2 =	smulhi.u32 $0xAAAAAAAB, s0;
	_ =	sdelay $0x1  }
0x30: {  	s2 =	sshrl.u32 s2, $0x1  }
0x31: {  	s2 =	smul.u32 $0x3, s2;
	_ =	sdelay $0x1  }
0x32: {  	s2 =	ssub.s32 s0, s2  }
0x33: {  	s2 =	smul.u32 $0x7D00, s2  }
0x34: {  	_ =	swait.ge [sflag:s7], $0x1F40  }
0x35: {  	[sflag:s7] =	ssyncset.done $0x0;
	s2 =	sshrl.u32 s2, $0x2  }
0x36: {  	[sflag:s7] =	ssyncadd.s32 $0xFFFFE0C0;
	(ifvalue) =	ssetifvalue $0xFFFFFFFF;
	v3 =	vld.msk [tilespmem:s2+$0x100 ss:$0x1], $0xffff;
	_ =	sdelay $0x2  }
0x37: {  	s30 =	smulhi.u32 $0xAAAAAAAB, s18;
	p1 =	sne.s32 s24, $0x1  }
0x38: {  	v4 =	vimm.s32 @!p1 $0x0  }
0x39: {  	s2 =	sshrl.u32 s30, $0x1;
	v4 =	vperm.xlane @!p1 v3, v4  }
0x3a: {  	s22 =	sshll.u32 s24, $0x4;
	s2 =	smul.u32 $0xFFFE8900, s2;
	vm4 =	vlt.u32 v3, $0x5000  }
0x3b: {  	s22 =	sand.u32 $0x10, s22;
	v3 =	vnsel vm4, $0xFFFFFFFE, v3;
	vm4 =	vlt.u32 @!p1 v4, $0x5000  }
0x3c: {  	s2 =	sshra.s32 s2, $0x2;
	[tilespmem:s22+$0x60] =	vst v3;
	v3 =	vnsel @!p1 vm4, $0xFFFFFFFE, v4  }
0x3d: {  	s28 =	sadd.s32 s2, s17;
	[tilespmem:$0x80] =	vst @!p1 v3  }
0x3e: {  	v3 =	vld.msk [tilespmem:s28+$0x0 ss:$0x1], $0xffff;
	_ =	sdelay $0x4  }
0x3f: {  	(xrf1) =	vunique.msk.u32 $0xffff, v3;
	_ =	sdelay $0xd  }
0x40: {  	v4 =	vimm.s32 $0xFFFFFFFF;
	v5, _, _ =	vpop (xrf1)  }
0x41: {  	vm5 =	vne.s32 v3, v4;
	vm4 =	veq.s32 v5, v2  }
0x42: {  	vm6 =	vlt.u32 v3, $0x5000;
	vm4 =	vmand vm5, vm4  }
0x43: {  	vm4 =	vmand vm6, vm4  }
0x44: {  	v4 =	vnsel vm4, $0xFFFFFFFF, v3  }
0x45: {  	s31 =	sand.u32 $0x1, s0  }
0x46: {  	s0 =	simm.s32 $0x1F40;
	p1 =	seq.s32 s31, $0x1  }
0x47: {  	s0 =	simm.s32 @!p1 $0x0  }
0x48: {  	s26 =	sadd.s32 $0x7DF0, s0;
	(ifvalue) =	ssetifvalue $0xFFFFFFFF  }
0x49: {  	v3 =	vperm.xlane v3, v1;
	[tilespmem:s26], [sflag:$0x8] =	stream.indirect_vreg.gather [hbm4b:s1+s16], $0x1, v4, vm0, $0x4038;
	v4 =	vnsel vm6, $0xFFFFFFFE, v4;
	[tilespmem:$0x11A60] =	vst v63  }
0x4a: {  	s2 =	simm.s32 $0x0;
	s22 =	sadd.s32 $0xFFFFFFF0, s28;
	[tilespmem:s28+$0x0] =	vst v4  }
.LBB2_3:
0x4b: {  	v4 =	vld.msk [tilespmem:s22+$0x0 ss:$0x1], $0xffff;
	s2 =	sadd.s32 $0x10, s2;
	v5 =	vmov v3;
	s28 =	smov.u32 s22  }
0x4c: {  	p1 =	slt.u32 s2, $0x1F30;
	_ =	sdelay $0x4  }
0x4d: {  	v3 =	vperm.xlane v4, v1;
	(xrf1) =	vunique.msk.u32 $0xffff, v4;
	_ =	sdelay $0xd  }
0x4e: {  	v6, _, _ =	vpop (xrf1)  }
0x4f: {  	vm5 =	vne.s32 v4, v5;
	vm4 =	veq.s32 v6, v2  }
0x50: {  	vm6 =	vlt.u32 v4, $0x5000;
	vm4 =	vmand vm5, vm4  }
0x51: {  	vm4 =	vmand vm6, vm4  }
0x52: {  	v4 =	vnsel vm4, $0xFFFFFFFF, v4  }
.Ltmp3:
0x53: {  	v5 =	vnsel vm6, $0xFFFFFFFE, v4;
	(pc) =	sbr.rel @p1 .LBB2_3-.Ltmp3, $3  }
0x54: {  	_ =	sdelay $0x1  }
0x55: {  	s22 =	sadd.s32 $0xFFFFFFF0, s22;
	s26 =	sadd.s32 $0xFFFFFFF0, s26;
	(ifvalue) =	ssetifvalue $0xFFFFFFFF  }
0x56: {  	[tilespmem:s26], [sflag:$0x8] =	stream.indirect_vreg.gather [hbm4b:s1+s16], $0x1, v4, vm0, $0x4038;
	[tilespmem:s28+$0x0] =	vst v5  }
0x57: {  	s2 =	sshrl.u32 s25, $0x3  }
0x58: {  	s0 =	sadd.s32 $0x9D40, s0;
	s2 =	sadd.s32 s9, s2  }
0x59: {  	[tilespmem:s0], [sflag:$0x8] =	stream.linear.gather [hbm:s2], $0x1F40, $0x38;
	[tilespmem:$0x11A60] =	vst v63  }
.LBB2_5:
0x5a: {  	p1 =	slt.u32 s24, $0x2  }
0x5b: {  	p2 =	sge.u32 @!p1 s24, s12  }
0x5c: {  	p1 =	por p1, p2  }
.Ltmp4:
0x5d: {  	_ = 	snop;
	(pc) =	sbr.rel @p1 .LBB2_9-.Ltmp4, $1  }
0x5e: {  	_ =	sdelay $0x3  }
0x5f: {  	s0 =	sadd.s32 $0xFFFFFFFE, s24  }
0x60: {  	s2 =	smulhi.u32 $0xAAAAAAAB, s0;
	_ =	sdelay $0x1  }
0x61: {  	s2 =	sshrl.u32 s2, $0x1  }
0x62: {  	s2 =	smul.u32 $0x3, s2;
	_ =	sdelay $0x1  }
0x63: {  	s0 =	ssub.s32 s0, s2  }
0x64: {  	_ =	swait.ge [sflag:s8], $0x3E80;
	s0 =	smul.u32 $0x1F40, s0  }
0x65: {  	p1 =	sne.s32 s24, s11;
	[sflag:s8] =	ssyncset.done $0x0  }
0x66: {  	[sflag:s8] =	ssyncadd.s32 $0xFFFFC180;
	s2 =	sadd.s32 @!p1 $0x203F, s0  }
0x67: {  	[spmem:s14] =	stream.linear.scatter @!p1 [tilespmem:s2], [sflag:$0x1], $0x1, $0x38;
	[tilespmem:$0x11A60] =	vst v63  }
0x68: {  	s2 =	simm.s32 @!p1 $0x1  }
0x69: {  	_ =	swait.ge @!p1 [sflag:s2], $0x1  }
0x6a: {  	s22 =	sshll.u32 s24, $0x4;
	[sflag:s2] =	ssyncset.done @!p1 $0x0  }
0x6b: {  	s25 =	sand.u32 $0x10, s22;
	[sflag:s2] =	ssyncadd.s32 @!p1 $0xFFFFFFFF  }
0x6c: {  	s2 =	sxor.u32 $0x10, s25;
	v4 =	vld [tilespmem:s25+$0x10]  }
0x6d: {  	v5 =	vld [tilespmem:s2+$0x60]  }
0x6e: {  	v3 =	vld [tilespmem:$0x80];
	_ =	sdelay $0x2  }
0x6f: {  	(v2sf) =	vpush v4, $0x0  }
0x70: {  	(v2sf) =	vpush v5, $0x0  }
0x71: {  	(v2sf) =	vpush v3, $0x0;
	_ =	sdelay $0xc  }
0x72: {  	s22 =	spop (v2sf)  }
0x73: {  	s26 =	spop (v2sf)  }
0x74: {  	s28 =	spop (v2sf)  }
0x75: {  	p2 =	seq.s32 s22, s26;
	p3 =	seq.s32 s28, s22  }
0x76: {  	p3 =	por p2, p3  }
0x77: {  	s26 =	sand.u32 $0x1, s24;
	v4 =	vpsel p3, $0xFFFFFFFF, v4  }
0x78: {  	s29 =	smul.u32 $0x1F40, s26;
	[tilespmem:s25+$0x10] =	vst.msk $0x1, v4  }
0x79: {  	v4 =	vld [tilespmem:$0x30]  }
0x7a: {  	v5 =	vld [tilespmem:s29+$0x9D40]  }
0x7b: {  	v6 =	vld [tilespmem:s25+$0x40];
	_ =	sdelay $0x3  }
0x7c: {  	vm4 =	vmmov vm1;
	v5 =	vadd.f32 v5, v4  }
0x7d: {  	vm5 =	vmmov vm2;
	vm4 =	vmmov @p2 vm2;
	s22 =	sshll.u32 s26, $0x4;
	v4 =	vadd.f32 v6, v4  }
0x7e: {  	s26 =	sor.u32 $0x11A40, s22;
	vm5 =	vmmov @p3 vm1;
	[tilespmem:s29+$0x9D40] =	vst.msk vm4, v5  }
0x7f: {  	[tilespmem:s26+$0x0] =	vst.msk vm5, v4  }
0x80: {  	v4 =	vld [tilespmem:s29+$0x7DF0];
	_ =	sdelay $0x3  }
0x81: {  	v5 =	vimm.f32 $0.0e+00  }
0x82: {  	v4 =	vshift.insert v4, v5, s21  }
0x83: {  	s22 =	sor.u32 $0x40, s2  }
0x84: {  	[tilespmem:s22+$0x0] =	vst.msk $0x1, v4  }
0x85: {  	[tilespmem:s29+$0x7DFF] =	vst.msk $0x1, v5  }
0x86: {  	v4 =	vld [tilespmem:s0+$0x2030];
	_ =	sdelay $0x1  }
0x87: {  	s22 =	smulhi.u32 $0xAAAAAAAB, s20;
	s0 =	simm.s32 $0x1  }
0x88: {  	s0 =	simm.s32 @!p0 $0x0  }
0x89: {  	s22 =	sshrl.u32 s22, $0x1;
	s0 =	smul.u32 $0x7D00, s0  }
0x8a: {  	s22 =	smul.u32 $0xFFFE8900, s22;
	v4 =	vshift.insert v4, v1, s21  }
0x8b: {  	s0 =	sshrl.u32 s0, $0x2  }
0x8c: {  	s22 =	sshra.s32 s22, $0x2;
	s30 =	sadd.s32 $0x9D40, s0;
	[tilespmem:s2+$0x10] =	vst.msk $0x1, v4  }
0x8d: {  	s22 =	sadd.s32 s22, s19;
	v6 =	vld [tilespmem:s30+$0x0]  }
0x8e: {  	v7 =	vld [tilespmem:s22+$0x0];
	_ =	sdelay $0x3  }
0x8f: {  	v5 =	vadd.f32 v6, v5  }
0x90: {  	vm4 =	vne.s32 v7, $0xFFFFFFFF  }
0x91: {  	(xrf2) =	vadd.seg.scan.f32 vm4, v5;
	_ =	sdelay $0x3  }
0x92: {  	s31 =	sadd.s32 $0x5EC0, s0;
	v5 =	vperm.xlane v4, v1  }
0x93: {  	v6 =	vld [tilespmem:s31+$0x0]  }
0x94: {  	vm5 =	veq.s32 v7, v3;
	vm6 =	veq.s32 v7, v5  }
0x95: {  	vm7 =	vgt.u32 v7, $0xFFFFFFFD;
	vm6 =	vmor vm6, vm5  }
0x96: {  	vm6 =	vmor vm6, vm7  }
0x97: {  	v9 =	vld [tilespmem:$0xA0];
	v7 =	vsel vm6, $0xFFFFFFFF, v7  }
0x98: {  	v10 =	vld [tilespmem:$0x90];
	v6 =	vsel vm5, $0x0, v6;
	v8, _, _ =	vpop (xrf2)  }
0x99: {  	v6 =	vadd.f32 v8, v6  }
0x9a: {  	s0 =	sadd.s32 $0xDBC0, s0  }
0x9b: {  	vm4 =	vmand vm4, vm3;
	[tilespmem:s0+$0x0] =	vst v6;
	(ifvalue) =	ssetifvalue $0xFFFFFFFF  }
0x9c: {  	vm6 =	veq.s32 v9, $0x1;
	[hbm4b:s1+s16] =	stream.indirect_vreg.scatter [tilespmem:s0], [sflag:$0x2], $0x1, v7, vm0, $0x4038;
	v7 =	vsel vm4, $0x0, v8;
	[tilespmem:$0x11A60] =	vst v63  }
0x9d: {  	s2 =	simm.s32 $0x0;
	s22 =	sadd.s32 $0x10, s22;
	vm4 =	vmor vm6, vm5;
	v6 =	vsel vm5, v8, v10;
	v7 =	vshift.insert v7, v0, s21  }
.LBB2_7:
0x9e: {  	v8 =	vld [tilespmem:s22+$0x0];
	s30 =	sadd.s32 $0x10, s30  }
0x9f: {  	s31 =	sadd.s32 $0x10, s31;
	v9 =	vld [tilespmem:s30+$0x0]  }
0xa0: {  	s2 =	sadd.s32 $0x10, s2;
	v10 =	vld [tilespmem:s31+$0x0]  }
0xa1: {  	p2 =	slt.u32 s2, $0x1F30;
	_ =	sdelay $0x2  }
0xa2: {  	v7 =	vadd.f32 v9, v7  }
0xa3: {  	vm5 =	vne.s32 v8, $0xFFFFFFFF  }
0xa4: {  	vm6 =	vmand vm5, vm3;
	(xrf2) =	vadd.seg.scan.f32 vm5, v7;
	_ =	sdelay $0x5  }
0xa5: {  	vm7 =	veq.s32 v8, v5;
	vm5 =	veq.s32 v8, v3  }
0xa6: {  	vm8 =	vgt.u32 v8, $0xFFFFFFFD;
	vm4 =	vmor vm4, vm5;
	vm7 =	vmor vm7, vm5  }
0xa7: {  	vm7 =	vmor vm7, vm8  }
0xa8: {  	v8 =	vsel vm7, $0xFFFFFFFF, v8  }
.Ltmp5:
0xa9: {  	v7 =	vsel vm5, $0x0, v10;
	v9, _, _ =	vpop (xrf2);
	(pc) =	sbr.rel @p2 .LBB2_7-.Ltmp5, $4  }
0xaa: {  	v6 =	vsel vm5, v9, v6;
	v10 =	vadd.f32 v9, v7;
	v7 =	vsel vm6, $0x0, v9  }
0xab: {  	s0 =	sadd.s32 $0x10, s0;
	v7 =	vshift.insert v7, v0, s21  }
0xac: {  	s22 =	sadd.s32 $0x10, s22;
	[tilespmem:s0+$0x0] =	vst v10;
	(ifvalue) =	ssetifvalue $0xFFFFFFFF  }
0xad: {  	[hbm4b:s1+s16] =	stream.indirect_vreg.scatter [tilespmem:s0], [sflag:$0x2], $0x1, v8, vm0, $0x4038;
	[tilespmem:$0x11A60] =	vst v63  }
0xae: {  	v3 =	vld [tilespmem:s29+$0xFAF0];
	_ =	sdelay $0x4  }
0xaf: {  	v3 =	vshift.insert v3, v0, s21  }
0xb0: {  	s0 =	simm.s32 $0x30  }
0xb1: {  	[tilespmem:s0+$0x0] =	vst.msk $0x1, v3  }
0xb2: {  	v3 =	vsel vm4, $0x1, v1;
	[tilespmem:$0x90] =	vst v6  }
0xb3: {  	s0 =	sadd.s32 @!p1 $0xFAFF, s29;
	[tilespmem:$0xA0] =	vst v3  }
0xb4: {  	[spmem:s15] =	stream.linear.scatter @!p1 [tilespmem:s0], [sflag:$0x1], $0x1, $0x38;
	[tilespmem:$0x11A60] =	vst v63  }
0xb5: {  	s0 =	simm.s32 @!p1 $0x1  }
0xb6: {  	v3 =	vmctz.xlane @!p1 vm4;
	_ =	swait.ge @!p1 [sflag:s0], $0x1  }
0xb7: {  	(v2sf) =	vpush @!p1 v4, $0x0  }
0xb8: {  	(v2sf) =	vpush @!p1 v3, $0x0;
	_ =	sdelay $0xd  }
0xb9: {  	s2 =	spop @!p1 (v2sf)  }
0xba: {  	s22 =	spop @!p1 (v2sf)  }
0xbb: {  	p2 =	sne.s32 @!p1 s28, s2;
	p3 =	slt.s32 @!p1 s22, $0xF  }
0xbc: {  	[sflag:s0] =	ssyncset.done @!p1 $0x0;
	p2 =	por p2, p1;
	p3 =	por !p3, p1  }
0xbd: {  	[sflag:s0] =	ssyncadd.s32 @!p1 $0xFFFFFFFF;
	v3 =	vimm.s32 @!p2 $0xFFFFFFFF;
	s22 =	simm.s32 @p3 $0xF  }
0xbe: {  	[tilespmem:$0x80] =	vst @!p2 v3;
	s2 =	sadd.s32 @!p1 $0x90, s22  }
0xbf: {  	[spmem:s3] =	stream.linear.scatter @!p1 [tilespmem:s2], [sflag:$0x1], $0x1, $0x38;
	[tilespmem:$0x11A60] =	vst v63  }
0xc0: {  	_ =	swait.ge @!p1 [sflag:s0], $0x1  }
0xc1: {  	[sflag:s0] =	ssyncset.done @!p1 $0x0  }
0xc2: {  	s2 =	simm.s32 @!p1 $0x80;
	[sflag:s0] =	ssyncadd.s32 @!p1 $0xFFFFFFFF  }
0xc3: {  	[spmem:s13] =	stream.linear.scatter @!p1 [tilespmem:s2], [sflag:$0x1], $0x1, $0x38;
	[tilespmem:$0x11A60] =	vst v63  }
0xc4: {  	_ =	swait.ge @!p1 [sflag:s0], $0x1  }
0xc5: {  	[sflag:s0] =	ssyncset.done @!p1 $0x0  }
0xc6: {  	[sflag:s0] =	ssyncadd.s32 @!p1 $0xFFFFFFFF;
	(ifvalue) =	ssetifvalue $0xFFFFFFFF;
	v3 =	vld [tilespmem:s25+$0x10];
	_ =	sdelay $0x3  }
.Ltmp6:
0xc7: {  	_ = 	snop;
	(pc) =	sbr.rel .LBB2_9-.Ltmp6, $3  }
0xc8: {  	_ =	sdelay $0x1  }
0xc9: {  	(ifvalue) =	ssetifvalue $0xFFFFFFFF  }
0xca: {  	[hbm4b:s1+s16] =	stream.indirect_vreg.scatter [tilespmem:s26], [sflag:$0x9], $0x1, v3, vm0, $0x4038;
	[tilespmem:$0x11A60] =	vst v63  }
.LBB2_10:
0xcb: {  	_ =	sfence.sel $0x180000  }
0xcc: {  	s0 =	simm.s32 $0x7;
	[bflag:$0x0] =	sbarrier.arrive $0xFFFF  }
0xcd: {  	s26 =	simm.s32 $0x8;
	[sflag:s0] =	ssyncpa.u1 $0x1  }
0xce: {  	s28 =	simm.s32 $0x9;
	[sflag:s26] =	ssyncpa.u1 $0x1  }
0xcf: {  	[sflag:s28] =	ssyncpa.u1 $0x1  }
0xd0: {  	_ =	sfence.stream.spmem  }
0xd1: {  	s29 =	simm.s32 $0x3;
	[bflag:$0x0] =	sbarrier.arrive $0xFFFF  }
0xd2: {  	s30 =	simm.s32 $0x4;
	[sflag:s29] =	ssyncpa.u1 $0x1  }
0xd3: {  	s31 =	simm.s32 $0x3C;
	s2 =	stileid.u32;
	[sflag:s30] =	ssyncpa.u1 $0x1  }
0xd4: {  	p0 =	sne.s32 s2, $0x0;
	[sflag:s31] =	ssyncpa.u1 $0x1  }
0xd5: {  	s0 =	simm.s32 @p0 $0x1;
	_ =	sfence @p0  }
0xd6: {  	[sflag:s0] =	ssyncpa.u1 @p0 $0x1;
	s0 =	simm.s32 @p0 $0x2  }
0xd7: {  	[sflag:s0] =	ssyncpa.u1 @p0 $0x1  }
0xd8: {  	_ =	strace @p0 $0x90000047  }
0xd9: {  	[bflag:$0x2] =	sbarrier.arrive @p0 $0xFFFF  }
0xda: {  	_ =	shalt @p0  }
.LBB2_11:
0xdb: {  	_ =	sfence.stream.spmem;
	s0 =	simm.s32 $0x5  }
0xdc: {  	s2 =	simm.s32 $0x80;
	s3 =	simm.s32 $0xC0;
	[sflag:s0] =	ssyncpa.u1 $0x0  }
0xdd: {  	[tilespmem:s3], [sflag:$0x5] =	stream.linear.gather [spmem:s2], $0x20, $0x38;
	[tilespmem:$0x11A60] =	vst v63  }
0xde: {  	s2 =	simm.s32 $0x0;
	s3 =	simm.s32 $0xE0  }
0xdf: {  	[tilespmem:s3], [sflag:$0x5] =	stream.linear.gather [spmem:s2], $0x20, $0x38;
	[tilespmem:$0x11A60] =	vst v63  }
.Ltmp7:
0xe0: {  	_ = 	snop;
	(pc) =	sbr.rel .LBB2_12-.Ltmp7, $4  }
0xe1: {  	_ =	swait.ge [sflag:s0], $0x40  }
0xe2: {  	[sflag:s0] =	ssyncset.done $0x0  }
0xe3: {  	s31 =	simm.s32 $0x6;
	[sflag:s0] =	ssyncadd.s32 $0xFFFFFFC0  }
0xe4: {  	s4 =	simm.s32 $0x0;
	[sflag:s31] =	ssyncpa.u1 $0x0  }
.LBB2_17:
0xe5: {  	p0 =	sgt.u32 s5, $0x4FFF  }
0xe6: {  	s0 =	sshrl.u32 @!p0 s5, $0x3  }
0xe7: {  	s5 =	sand.u32 @!p0 $0x7, s5;
	s6 =	simm.s32 @!p0 $0xB0;
	s0 =	sadd.s32 @!p0 s1, s0  }
0xe8: {  	[tilespmem:s6], [sflag:$0x6] =	stream.linear.gather @!p0 [hbm4b:s0+s5], $0x1, $0x38;
	[tilespmem:$0x11A60] =	vst v63  }
0xe9: {  	s0 =	simm.s32 @!p0 $0x6  }
0xea: {  	_ =	swait.ge @!p0 [sflag:s0], $0x1  }
0xeb: {  	[sflag:s0] =	ssyncset.done @!p0 $0x0  }
0xec: {  	[sflag:s0] =	ssyncadd.s32 @!p0 $0xFFFFFFFF  }
0xed: {  	v2 =	vmov @!p0 s4;
	v1 =	vld.msk @!p0 [tilespmem:$0xB0], $0x1;
	_ =	sdelay $0x3  }
0xee: {  	s0 =	simm.s32 @!p0 $0xE0  }
0xef: {  	[tilespmem:v2+s0+$0x0], v1 =	vst.idx.ret.add.f32.msk @!p0 $0x1, v1  }
0xf0: {  	[tilespmem:s2+$0xC0] =	vst.msk $0x1, v0  }
0xf1: {  	v0 =	vld.msk [tilespmem:s4+$0xE0], $0x1;
	_ =	sdelay $0x4  }
0xf2: {  	[tilespmem:s2+$0xE0] =	vst.msk $0x1, v0;
	s2 =	sadd.s32 $0x1, s2  }
.LBB2_19:
0xf3: {  	s4 =	sadd.s32 $0x1, s4  }
0xf4: {  	p0 =	sne.s32 s4, $0x20  }
.Ltmp8:
0xf5: {  	_ = 	snop;
	(pc) =	sbr.rel @!p0 .LBB2_20-.Ltmp8, $1  }
0xf6: {  	_ =	sdelay $0x3  }
.LBB2_12:
0xf7: {  	v0 =	vld.msk [tilespmem:s4+$0xC0], $0x1;
	_ =	sdelay $0x4  }
0xf8: {  	(v2sf) =	vpush v0, $0x0;
	_ =	sdelay $0xe  }
0xf9: {  	s5 =	spop (v2sf)  }
0xfa: {  	p0 =	seq.s32 s5, $0xFFFFFFFF  }
.Ltmp9:
0xfb: {  	_ = 	snop;
	(pc) =	sbr.rel @p0 .LBB2_19-.Ltmp9, $1  }
0xfc: {  	_ =	sdelay $0x3  }
0xfd: {  	p0 =	slt.s32 s2, $0x1  }
.Ltmp10:
0xfe: {  	_ = 	snop;
	(pc) =	sbr.rel @p0 .LBB2_17-.Ltmp10, $1  }
0xff: {  	_ =	sdelay $0x3  }
0x100: {  	s0 =	simm.s32 $0xC0;
	p0 =	por $0x0, $0x0  }
0x101: {  	v1 =	vld.msk @!p0 [tilespmem:s0+$0x0], $0x1;
	_ =	sdelay $0x4  }
0x102: {  	(v2sf) =	vpush @!p0 v1, $0x0;
	_ =	sdelay $0xd  }
0x103: {  	p2 =	sne.s32 s2, $0x1  }
.Ltmp11:
0x104: {  	s6 =	spop @!p0 (v2sf);
	(pc) =	sbr.rel @!p2 .LBB2_16-.Ltmp11, $4  }
0x105: {  	p1 =	seq.s32 @!p0 s5, s6  }
0x106: {  	s6 =	simm.s32 $0x0;
	p1 =	por !p1, p0  }
0x107: {  	s8 =	simm.s32 $0xFFFFFFFF;
	s6 =	simm.s32 @p1 $0xFFFFFFFF  }
0x108: {  	s7 =	simm.s32 $0x1;
	s6 =	smov.u32 @p0 s8  }
.LBB2_15:
0x109: {  	s8 =	smov.u32 s6;
	p0 =	sne.s32 s6, $0xFFFFFFFF  }
0x10a: {  	s0 =	sadd.s32 $0x1, s0;
	s6 =	smov.u32 s7;
	s7 =	sadd.s32 $0x1, s7  }
0x10b: {  	p1 =	sne.s32 s2, s7;
	v1 =	vld.msk @!p0 [tilespmem:s0+$0x0], $0x1;
	_ =	sdelay $0x4  }
0x10c: {  	(v2sf) =	vpush @!p0 v1, $0x0;
	_ =	sdelay $0xe  }
.Ltmp12:
0x10d: {  	s9 =	spop @!p0 (v2sf);
	(pc) =	sbr.rel @p1 .LBB2_15-.Ltmp12, $4  }
0x10e: {  	p2 =	seq.s32 @!p0 s5, s9  }
0x10f: {  	p2 =	por !p2, p0  }
0x110: {  	s6 =	simm.s32 @p2 $0xFFFFFFFF  }
0x111: {  	s6 =	smov.u32 @p0 s8  }
.LBB2_16:
0x112: {  	p0 =	sne.s32 s6, $0xFFFFFFFF  }
.Ltmp13:
0x113: {  	_ = 	snop;
	(pc) =	sbr.rel @!p0 .LBB2_17-.Ltmp13, $1  }
0x114: {  	_ =	sdelay $0x3  }
0x115: {  	v0 =	vld.msk [tilespmem:s4+$0xE0], $0x1;
	v1 =	vmov s6  }
.Ltmp14:
0x116: {  	_ = 	snop;
	(pc) =	sbr.rel .LBB2_19-.Ltmp14, $2  }
0x117: {  	_ =	sdelay $0x2  }
0x118: {  	[tilespmem:v1+s3+$0x0], v0 =	vst.idx.ret.add.f32.msk $0x1, v0  }
.LBB2_20:
0x119: {  	p0 =	slt.s32 s2, $0x1  }
.Ltmp15:
0x11a: {  	_ = 	snop;
	(pc) =	sbr.rel @p0 .LBB2_24-.Ltmp15, $3  }
0x11b: {  	_ =	sdelay $0x1  }
0x11c: {  	s0 =	simm.s32 $0x6  }
0x11d: {  	s3 =	simm.s32 $0x0;
	[sflag:s0] =	ssyncpa.u1 $0x1  }
0x11e: {  	s0 =	simm.s32 $0xC0  }
0x11f: {  	v0 =	vld.msk [tilespmem:s0+$0x0], $0x1;
	_ =	sdelay $0x4  }
0x120: {  	(v2sf) =	vpush v0, $0x0;
	_ =	sdelay $0xe  }
0x121: {  	s2 =	sadd.s32 $0xFFFFFFFF, s2;
	s4 =	spop (v2sf)  }
0x122: {  	p1 =	sne.s32 s2, $0x0;
	p0 =	sgt.u32 s4, $0x4FFF  }
.Ltmp16:
0x123: {  	s5 =	sshrl.u32 @!p0 s4, $0x3;
	(pc) =	sbr.rel @!p1 .LBB2_23-.Ltmp16, $4  }
0x124: {  	s0 =	simm.s32 $0xE0;
	s4 =	sand.u32 @!p0 $0x7, s4;
	s5 =	sadd.s32 @!p0 s1, s5  }
0x125: {  	[hbm4b:s5+s4] =	stream.linear.scatter @!p0 [tilespmem:s0], [sflag:$0x5], $0x1, $0x38;
	[tilespmem:$0x11A60] =	vst v63  }
0x126: {  	s5 =	simm.s32 $0x0  }
0x127: {  	s4 =	simm.s32 $0xC1;
	s5 =	simm.s32 @!p0 $0x4  }
.LBB2_22:
0x128: {  	v0 =	vld.msk [tilespmem:s4+$0x0], $0x1;
	s2 =	sadd.s32 $0xFFFFFFFF, s2;
	s3 =	sadd.s32 s3, s5  }
0x129: {  	p0 =	sne.s32 s2, $0x0;
	_ =	sdelay $0x3  }
0x12a: {  	(v2sf) =	vpush v0, $0x0;
	_ =	sdelay $0xe  }
.Ltmp17:
0x12b: {  	s6 =	spop (v2sf);
	(pc) =	sbr.rel @p0 .LBB2_22-.Ltmp17, $4  }
0x12c: {  	s5 =	simm.s32 $0x0;
	p1 =	sgt.u32 s6, $0x4FFF  }
0x12d: {  	s0 =	sadd.s32 $0x1, s0;
	s5 =	simm.s32 @!p1 $0x4;
	s7 =	sshrl.u32 @!p1 s6, $0x3  }
0x12e: {  	s4 =	sadd.s32 $0x1, s4;
	s6 =	sand.u32 @!p1 $0x7, s6;
	s7 =	sadd.s32 @!p1 s1, s7  }
0x12f: {  	[hbm4b:s7+s6] =	stream.linear.scatter @!p1 [tilespmem:s0], [sflag:$0x5], $0x1, $0x38;
	[tilespmem:$0x11A60] =	vst v63  }
.LBB2_23:
0x130: {  	s0 =	sadd.s32 s3, s5  }
0x131: {  	s3 =	sshrl.u32 s0, $0x2  }
.LBB2_24:
0x132: {  	s0 =	simm.s32 $0x5  }
0x133: {  	_ =	swait.ge [sflag:s0], s3  }
0x134: {  	s1 =	ssub.s32 $0x0, s3;
	[sflag:s0] =	ssyncset.done $0x0  }
0x135: {  	[sflag:s0] =	ssyncadd.s32 s1  }
0x136: {  	[sflag:s0] =	ssyncpa.u1 $0x1  }
0x137: {  	s29 =	simm.s32 $0x1;
	_ =	sfence  }
0x138: {  	s30 =	simm.s32 $0x2;
	[sflag:s29] =	ssyncpa.u1 $0x1  }
0x139: {  	[sflag:s30] =	ssyncpa.u1 $0x1  }
0x13a: {  	_ =	strace $0x90000047  }
0x13b: {  	[bflag:$0x2] =	sbarrier.arrive $0xFFFF  }
0x13c: {  	s31 =	rddreg [dreg:$0x2]  }
0x13d: {  	s0 =	sadd.s32 $0x100000, s31  }
0x13e: {  	[sflag:s0] =	ssyncadd.tile.s32 $0x1;
	_ =	shalt  }
.Lfunc_end2:
_tile_overlayer_lowered:
.L_overlay_start_2:
0x13f: {  	(tag) =	ssettag $0x2  }
0x140: {  	s0 =	rddreg [dreg:$0x0];
	s2 =	stileid.u32  }
0x141: {  	s1 =	rddreg [dreg:$0x1];
	p0 =	sne.s32 s2, $0x0  }
0x142: {  	s3 =	rddreg [dreg:$0x2];
	[bflag:$0x3] =	sbarrier.arrive $0xFFFF;
	s2 =	simm.s32 @!p0 $0x1C01  }
0x143: {  	[timem:s3], [sflag:s2] =	dma.local @!p0 [hbm:s0], s1  }
0x144: {  	s0 =	simm.s32 @!p0 $0x1  }
0x145: {  	_ =	swait.ge @!p0 [sflag:s0], s1  }
0x146: {  	s1 =	ssub.s32 @!p0 $0x0, s1;
	[sflag:s0] =	ssyncset.done @!p0 $0x0  }
0x147: {  	[sflag:s0] =	ssyncadd.s32 @!p0 s1  }
0x148: {  	[bflag:$0x3] =	sbarrier.arrive $0xFFFF  }
0x149: {  	_ =	shalt  }

</sc_bundles>
